<compile_context>
chip_gen: v7x
topology: tpu7x:2x2x1
jax: 0.10.2.dev20260603
libtpu: 0.0.44.dev20260713+nightly
codegen_flags: <defaults>
</compile_context>

<pallas_src>
import functools

import jax
import jax.numpy as jnp
from jax import lax
from jax.experimental import pallas as pl
from jax.experimental.pallas import tpu as pltpu
from jax.experimental.pallas import tpu_sc as plsc

B = 128
V = 100000
NV = V // 16
GRP = 10
NG = NV // GRP
NUM_LP = 20
NSEL = 50
NPOOL = 384
LN2 = 0.6931471805599453
NEG = -3.0e38
OFFS = (0.75, 1.25, 1.75, 2.25, 2.75)


def _vlog(x):
    bits = lax.bitcast_convert_type(x, jnp.int32)
    e = ((bits >> 23) & 0xFF) - 127
    mb = (bits & 0x7FFFFF) | 0x3F800000
    m = lax.bitcast_convert_type(mb, jnp.float32)
    big = m > 1.4142135623730951
    m = jnp.where(big, m * 0.5, m)
    e = jnp.where(big, e + 1, e)
    z = (m - 1.0) / (m + 1.0)
    z2 = z * z
    p = 2.0 / 9.0 + z2 * (2.0 / 11.0 + z2 * (2.0 / 13.0))
    p = 2.0 + z2 * (2.0 / 3.0 + z2 * (2.0 / 5.0 + z2 * (2.0 / 7.0 + z2 * p)))
    return e.astype(jnp.float32) * LN2 + z * p


_GDN = lax.GatherDimensionNumbers(offset_dims=(), collapsed_slice_dims=(0,),
                                  start_index_map=(0,))


def _perm(v, idx):
    return lax.gather(v, idx[:, None], dimension_numbers=_GDN,
                      slice_sizes=(1,),
                      mode=lax.GatherScatterMode.PROMISE_IN_BOUNDS)


def _bfly(v, op):
    lane = lax.iota(jnp.int32, 16)
    for k in (8, 4, 2, 1):
        v = op(v, _perm(v, lane ^ k))
    return v


def _make_kernel():
    mesh = plsc.VectorSubcoreMesh(core_axis_name="c", subcore_axis_name="s")
    f32 = jnp.float32
    i32 = jnp.int32
    out_type = (
        jax.ShapeDtypeStruct((B * 32,), f32),
        jax.ShapeDtypeStruct((B * 32,), i32),
        jax.ShapeDtypeStruct((B * 16,), i32),
        jax.ShapeDtypeStruct((B * 16,), f32),
    )
    scratch = [
        pltpu.VMEM((V,), f32),
        pltpu.VMEM((NPOOL * 16,), f32),
        pltpu.VMEM((NPOOL * 16,), f32),
        pltpu.VMEM((NPOOL * 16,), i32),
        pltpu.VMEM((512,), f32),
        pltpu.VMEM((64,), f32),
        pltpu.VMEM((64,), f32),
        pltpu.VMEM((64,), i32),
        pltpu.VMEM((64,), i32),
        pltpu.VMEM((64,), f32),
        pltpu.VMEM((16,), f32),
        pltpu.VMEM((16,), i32),
        pltpu.VMEM((32,), f32),
        pltpu.VMEM((32,), i32),
        pltpu.VMEM((16,), f32),
        pltpu.VMEM((16,), i32),
        pltpu.VMEM((16,), f32),
        pltpu.SemaphoreType.DMA,
    ]

    @functools.partial(pl.kernel, mesh=mesh, out_type=out_type,
                       scratch_types=scratch)
    def kern(lg_hbm, tp_hbm, un_hbm, k_hbm,
             o_lp, o_ix, o_sid, o_slp,
             row_v, pk_v, pv_v, pi_v, mc_v, sv_v, sl_v, si_v, gi_v, nz_v,
             tv_v, kv_v, lp_st, ix_st, slp_st, sid_st, scr_v, sem):
        wid = lax.axis_index("s") * 2 + lax.axis_index("c")
        lane = lax.iota(i32, 16)
        IBIG = jnp.int32(2139095039)
        negv = jnp.full((16,), NEG, f32)

        def _sx(v):
            scr_v[...] = v
            return scr_v[pl.ds(0, 16)][0]

        def smaxv(v):
            return _sx(_bfly(v, jnp.maximum))

        def sminv(v):
            return _sx(_bfly(v, jnp.minimum))

        def ssumv(v):
            return _sx(_bfly(v, lambda a, b: a + b))

        def simax(v):
            return smaxv(v.astype(f32)).astype(i32)

        def simin(v):
            return sminv(v.astype(f32)).astype(i32)

        pltpu.sync_copy(k_hbm, kv_v)
        kk = kv_v[pl.ds(0, 16)][0]

        def do_row(r, _carry):
            row = wid * 4 + r
            pltpu.sync_copy(lg_hbm.at[pl.ds(row * V, V)], row_v)
            pltpu.sync_copy(tp_hbm.at[pl.ds(row * 16, 16)], tv_v)

            def pa(i, c):
                a, b2 = c
                a = jnp.maximum(a, row_v[pl.ds(i * 32, 16)])
                b2 = jnp.maximum(b2, row_v[pl.ds(i * 32 + 16, 16)])
                return (a, b2)
            mxa, mxb = lax.fori_loop(0, NV // 2, pa, (negv, negv))
            m = smaxv(jnp.maximum(mxa, mxb))

            ts = [m - o for o in OFFS]

            def pb(i, c):
                x = row_v[pl.ds(i * 32, 16)]
                y = row_v[pl.ds(i * 32 + 16, 16)]
                s = c[0] + (jnp.exp(x - m) + jnp.exp(y - m))
                cs = tuple(cj + (jnp.where(x >= t, 1.0, 0.0)
                                 + jnp.where(y >= t, 1.0, 0.0))
                           for cj, t in zip(c[1:], ts))
                return (s,) + cs
            init = (jnp.zeros((16,), f32),) * 6
            res = lax.fori_loop(0, NV // 2, pb, init)
            ssum = ssumv(res[0])
            log_s = _sx(_vlog(jnp.broadcast_to(ssum, (16,))))
            cnts = [ssumv(cv) for cv in res[1:]]

            t = ts[-1]
            for j in range(len(OFFS) - 2, -1, -1):
                t = jnp.where(cnts[j] >= float(NSEL), ts[j], t)

            def z(i, _):
                mc_v[pl.ds(i * 16, 16)] = negv
                return 0
            lax.fori_loop(0, 32, z, 0)

            def wr_one(u_base, ptr):
                x = row_v[pl.ds(u_base * 16, 16)]
                msk = x >= t
                key = jnp.where(msk, (x - m) - log_s, jnp.float32(NEG))
                pk_v[pl.ds(ptr * 16, 16)] = key
                pv_v[pl.ds(ptr * 16, 16)] = x
                pi_v[pl.ds(ptr * 16, 16)] = u_base * 16 + lane
                kmax = smaxv(key)
                mw = (ptr // 16) * 16
                mvv = mc_v[pl.ds(mw, 16)]
                mc_v[pl.ds(mw, 16)] = jnp.where(lane == ptr % 16, kmax, mvv)
                return ptr + 1

            def pc(g, ptr):
                base = g * GRP
                xs = [row_v[pl.ds((base + u) * 16, 16)] for u in range(GRP)]
                gm = xs[0]
                for u in range(1, GRP):
                    gm = jnp.maximum(gm, xs[u])
                ghit = smaxv(gm) >= t

                def hit(p):
                    for u in range(GRP):
                        mxu = smaxv(xs[u])
                        p = lax.cond(
                            (mxu >= t) & (p < NPOOL),
                            lambda pp, ub=base + u: wr_one(ub, pp),
                            lambda pp: pp, p)
                    return p
                return lax.cond(ghit, hit, lambda p: p, ptr)
            lax.fori_loop(0, NG, pc, jnp.int32(0))

            def pf2(i, _):
                sv_v[pl.ds(i * 16, 16)] = negv
                sl_v[pl.ds(i * 16, 16)] = negv
                si_v[pl.ds(i * 16, 16)] = jnp.zeros((16,), i32)
                gi_v[pl.ds(i * 16, 16)] = jnp.full((16,), row * V, i32)
                return 0
            lax.fori_loop(0, 4, pf2, 0)

            def ex(j, thr):
                def e1(w, bm):
                    return jnp.maximum(bm, mc_v[pl.ds(w * 16, 16)])
                gm = smaxv(lax.fori_loop(0, 32, e1, negv))

                def e2(w, pm):
                    eq = mc_v[pl.ds(w * 16, 16)] == gm
                    cand = jnp.where(eq, w * 16 + lane, IBIG)
                    return jnp.minimum(pm, cand)
                wstar = simin(lax.fori_loop(0, 32, e2,
                                                jnp.full((16,), IBIG, i32)))

                pk = pk_v[pl.ds(wstar * 16, 16)]
                eq = pk == gm
                li = simin(jnp.where(eq, lane, jnp.int32(16)))
                pvv = pv_v[pl.ds(wstar * 16, 16)]
                piv = pi_v[pl.ds(wstar * 16, 16)]
                gmi = simax(jnp.where(lane == li, piv, jnp.int32(0)))
                gmv = smaxv(jnp.where(lane == li, pvv,
                                            jnp.float32(NEG)))
                pk2 = jnp.where(lane == li, jnp.float32(NEG), pk)
                pk_v[pl.ds(wstar * 16, 16)] = pk2
                nm = smaxv(pk2)
                mw = (wstar // 16) * 16
                mvv = mc_v[pl.ds(mw, 16)]
                mc_v[pl.ds(mw, 16)] = jnp.where(lane == wstar % 16, nm, mvv)

                sj = (j // 16) * 16
                lj = j % 16
                sv_v[pl.ds(sj, 16)] = jnp.where(lane == lj, gmv,
                                                sv_v[pl.ds(sj, 16)])
                sl_v[pl.ds(sj, 16)] = jnp.where(lane == lj, gm,
                                                sl_v[pl.ds(sj, 16)])
                si_v[pl.ds(sj, 16)] = jnp.where(lane == lj, gmi,
                                                si_v[pl.ds(sj, 16)])
                gi_v[pl.ds(sj, 16)] = jnp.where(lane == lj, row * V + gmi,
                                                gi_v[pl.ds(sj, 16)])
                return jnp.where(j == kk - 1, gmv, thr)
            thr = lax.fori_loop(0, NSEL, ex, jnp.float32(NEG))

            pltpu.async_copy(un_hbm.at[gi_v], nz_v, sem).wait()

            tvec = tv_v[...]
            te = jnp.where(tvec < 1e-5, jnp.float32(1.0), tvec)

            def sc_l(v, c):
                bsc, bix, bvl = c
                sv = sv_v[pl.ds(v * 16, 16)]
                si = si_v[pl.ds(v * 16, 16)]
                u = nz_v[pl.ds(v * 16, 16)]
                g = -_vlog(-_vlog(u + 1e-10) + 1e-10)
                s = sv / te + g
                s = jnp.where(sv >= thr, s, jnp.float32(NEG))
                mxs = smaxv(s)
                take = mxs > bsc
                cix = simin(jnp.where(s == mxs, si, IBIG))
                cvl = smaxv(jnp.where((s == mxs) & (si == cix), sv,
                                            jnp.float32(NEG)))
                tie = mxs == bsc
                bix2 = jnp.where(tie, jnp.minimum(bix, cix), bix)
                bvl2 = jnp.where(tie & (cix < bix), cvl, bvl)
                bsc = jnp.where(take, mxs, bsc)
                bix = jnp.where(take, cix, bix2)
                bvl = jnp.where(take, cvl, bvl2)
                return (bsc, bix, bvl)
            _, bix, bvl = lax.fori_loop(
                0, 4, sc_l, (jnp.float32(NEG), IBIG, jnp.float32(NEG)))

            lp_st[pl.ds(0, 16)] = sl_v[pl.ds(0, 16)]
            lp_st[pl.ds(16, 16)] = sl_v[pl.ds(16, 16)]
            ix_st[pl.ds(0, 16)] = si_v[pl.ds(0, 16)]
            ix_st[pl.ds(16, 16)] = si_v[pl.ds(16, 16)]
            slp = (bvl - m) - log_s
            slp_st[...] = jnp.broadcast_to(slp, (16,))
            sid_st[...] = jnp.broadcast_to(bix, (16,))
            pltpu.sync_copy(lp_st, o_lp.at[pl.ds(row * 32, 32)])
            pltpu.sync_copy(ix_st, o_ix.at[pl.ds(row * 32, 32)])
            pltpu.sync_copy(slp_st, o_slp.at[pl.ds(row * 16, 16)])
            pltpu.sync_copy(sid_st, o_sid.at[pl.ds(row * 16, 16)])
            return _carry

        lax.fori_loop(0, 4, do_row, 0)

    return kern


_KERNEL = _make_kernel()


def kernel(logits, temperature, uniform_noise, k):
    lg = logits.astype(jnp.float32).reshape(-1)
    un = uniform_noise.astype(jnp.float32).reshape(-1)
    tp = jnp.broadcast_to(temperature.astype(jnp.float32)[:, None],
                          (B, 16)).reshape(-1)
    kv = jnp.broadcast_to(jnp.asarray(k, jnp.int32), (16,))
    o_lp, o_ix, o_sid, o_slp = _KERNEL(lg, tp, un, kv)
    topk_logprobs = o_lp.reshape(B, 32)[:, :NUM_LP]
    topk_indices = o_ix.reshape(B, 32)[:, :NUM_LP].astype(jnp.int64)
    sampled_ids = o_sid.reshape(B, 16)[:, :1]
    sampled_logprob = o_slp.reshape(B, 16)[:, :1]
    return sampled_ids, topk_logprobs, topk_indices, sampled_logprob

# --- scband reference (transcript-rebuilt; emitter-appended) ---
"""Pipeline reference for scband-sampler-59691455480289 (READ-ONLY COPY).

The authoritative reference and input builder live on the scoring server;
editing this copy changes nothing except your own understanding.
"""

import jax, jax.numpy as jnp
import numpy as np

NUM_LOGPROBS = 20

def setup_inputs(seed: int = 0) -> dict:
    key = jax.random.key(seed)
    k1, k2, k3 = jax.random.split(key, 3)
    logits = jax.random.normal(k1, (128, 100000), dtype=jnp.float32)
    temperature = jax.random.uniform(k2, (128,), dtype=jnp.float32)
    uniform_noise = jax.random.uniform(k3, (128, 100000), dtype=jnp.float32)
    return {"logits": logits, "temperature": temperature, "uniform_noise": uniform_noise, "k": 50}

def reference(logits, temperature, uniform_noise, k):
    # Step 1: raw logprobs (logprobs_mode == 'raw_logprobs')
    logits = logits.astype(jnp.float32)
    raw_logprobs = jax.nn.log_softmax(logits, axis=-1)
    # Step: apply temperature (treat near-zero temperature as greedy -> temp 1.0 equivalent here)
    temp = jnp.where(temperature < 1e-5, jnp.float32(1.0), temperature)
    scaled = logits / temp[:, None]
    # Step: top-k masking (TOP_P_TOP_K sampler, top-k component)
    topk_vals = jax.lax.top_k(scaled, 50)[0]
    thresh_idx = jnp.broadcast_to(jnp.asarray(k - 1, dtype=jnp.int32), (scaled.shape[0], 1))
    thresh = jnp.take_along_axis(topk_vals, thresh_idx, axis=-1)
    masked = jnp.where(scaled < thresh, jnp.float32(-1e9), scaled)
    # Step: sample via gumbel-max trick (equivalent to sampling from softmax of masked logits)
    gumbel = -jnp.log(-jnp.log(uniform_noise + 1e-10) + 1e-10)
    sampled = jnp.argmax(masked + gumbel, axis=-1)
    # Step: gather top-NUM_LOGPROBS logprobs and the sampled token's logprob
    topk_logprobs, topk_indices = jax.lax.top_k(raw_logprobs, NUM_LOGPROBS)
    sampled_logprob = jnp.take_along_axis(raw_logprobs, sampled[:, None], axis=-1)
    sampled_token_ids = sampled.astype(jnp.int32)[:, None]
    return sampled_token_ids, topk_logprobs, topk_indices.astype(jnp.int64), sampled_logprob

if __name__ == "__main__":
    import jax
    _d = setup_inputs()
    print(jax.jit(kernel)(*tuple(_d.values())))

</pallas_src>

<mosaic_0001>
#map = affine_map<(d0, d1) -> (0)>
module attributes {stable_mosaic.version = 14 : i64} {
  func.func @kern(%arg0: i32, %arg1: i32, %arg2: memref<12800000xf32, #tpu.memory_space<hbm>>, %arg3: memref<2048xf32, #tpu.memory_space<hbm>>, %arg4: memref<12800000xf32, #tpu.memory_space<hbm>>, %arg5: memref<16xi32, #tpu.memory_space<hbm>>, %arg6: memref<4096xf32, #tpu.memory_space<hbm>>, %arg7: memref<4096xi32, #tpu.memory_space<hbm>>, %arg8: memref<2048xi32, #tpu.memory_space<hbm>>, %arg9: memref<2048xf32, #tpu.memory_space<hbm>>, %arg10: memref<100000xf32, #tpu.memory_space<vmem>>, %arg11: memref<6144xf32, #tpu.memory_space<vmem>>, %arg12: memref<6144xf32, #tpu.memory_space<vmem>>, %arg13: memref<6144xi32, #tpu.memory_space<vmem>>, %arg14: memref<512xf32, #tpu.memory_space<vmem>>, %arg15: memref<64xf32, #tpu.memory_space<vmem>>, %arg16: memref<64xf32, #tpu.memory_space<vmem>>, %arg17: memref<64xi32, #tpu.memory_space<vmem>>, %arg18: memref<64xi32, #tpu.memory_space<vmem>>, %arg19: memref<64xf32, #tpu.memory_space<vmem>>, %arg20: memref<16xf32, #tpu.memory_space<vmem>>, %arg21: memref<16xi32, #tpu.memory_space<vmem>>, %arg22: memref<32xf32, #tpu.memory_space<vmem>>, %arg23: memref<32xi32, #tpu.memory_space<vmem>>, %arg24: memref<16xf32, #tpu.memory_space<vmem>>, %arg25: memref<16xi32, #tpu.memory_space<vmem>>, %arg26: memref<16xf32, #tpu.memory_space<vmem>>, %arg27: memref<!tpu.dma_semaphore, #tpu.memory_space<semaphore_mem>>) attributes {dimension_semantics = [#tpu.dimension_semantics<core_parallel>, #tpu.dimension_semantics<subcore_parallel>], iteration_bounds = array<i64: 2, 16>, scalar_prefetch = 0 : i64, scratch_operands = 18 : i64, tpu.core_type = #tpu.core_type<sc_vector_subcore>, window_params = [{transform_indices = #map}, {transform_indices = #map}, {transform_indices = #map}, {transform_indices = #map}, {transform_indices = #map}, {transform_indices = #map}, {transform_indices = #map}, {transform_indices = #map}]} {
    %mul3A = arith.constant 2 : i32
    %mul3A_0 = arith.muli %arg1, %mul3A : i32
    %add3A = arith.addi %mul3A_0, %arg0 : i32
    %iota3A = tpu.iota {dimensions = array<i32: 0>} : vector<16xi32>
    %broadcast_in_dim3A = arith.constant -3.000000e+38 : f32
    %broadcast_in_dim3A_1 = vector.broadcast %broadcast_in_dim3A : f32 to vector<16xf32>
    "tpu.region"() ({
      %run_scoped3A = tpu.sem_alloc : memref<!tpu.dma_semaphore, #tpu.memory_space<semaphore_mem>>
      tpu.enqueue_dma source(%arg5 : memref<16xi32, #tpu.memory_space<hbm>>) target(%arg21 : memref<16xi32, #tpu.memory_space<vmem>>) target_semaphore(%run_scoped3A : memref<!tpu.dma_semaphore, #tpu.memory_space<semaphore_mem>>)
      tpu.wait_dma2 semaphore(%run_scoped3A : memref<!tpu.dma_semaphore, #tpu.memory_space<semaphore_mem>>) src(%arg5 : memref<16xi32, #tpu.memory_space<hbm>>) dst(%arg21 : memref<16xi32, #tpu.memory_space<vmem>>)
      tpu.yield
    }) : () -> ()
    %get3A = arith.constant 0 : index
    %get3A_2 = tpu.vector_load %arg21[%get3A] {strides = array<i32>} : memref<16xi32, #tpu.memory_space<vmem>>, vector<16xi32>,
    %get3A_3 = vector.shape_cast %get3A_2 : vector<16xi32> to vector<16xi32>
    %slice3A = vector.extract_strided_slice %get3A_3 {offsets = [0], sizes = [1], strides = [1]} : vector<16xi32> to vector<1xi32>
    %squeeze3A = vector.extract %slice3A[0] : i32 from vector<1xi32>
    %scan3A = arith.constant 0 : i32
    %scan3A_4 = arith.constant 2139095039 : i32
    %scan3A_5 = arith.constant 0 : i32
    %scan3A_6 = arith.constant 4 : i32
    %scan3A_7 = arith.addi %scan3A_5, %scan3A_6 : i32
    %scan3A_8 = arith.constant 1 : i32
    scf.for %scan3A_10 = %scan3A_5 to %scan3A_7 step %scan3A_8  : i32 {
      %mul3A_11 = arith.constant 4 : i32
      %mul3A_12 = arith.muli %add3A, %mul3A_11 : i32
      %add3A_13 = arith.addi %mul3A_12, %scan3A_10 : i32
      %mul3A_14 = arith.constant 100000 : i32
      %mul3A_15 = arith.muli %add3A_13, %mul3A_14 : i32
      "tpu.region"() ({
        %run_scoped3A = tpu.sem_alloc : memref<!tpu.dma_semaphore, #tpu.memory_space<semaphore_mem>>
        %dma_start3A_478 = tpu.memref_slice %arg2[%mul3A_15] : memref<12800000xf32, #tpu.memory_space<hbm>> -> memref<100000xf32, #tpu.memory_space<hbm>>
        %dma_start3A_479 = tpu.memref_slice %arg2[%mul3A_15] : memref<12800000xf32, #tpu.memory_space<hbm>> -> memref<100000xf32, #tpu.memory_space<hbm>>
        tpu.enqueue_dma source(%dma_start3A_479 : memref<100000xf32, #tpu.memory_space<hbm>>) target(%arg10 : memref<100000xf32, #tpu.memory_space<vmem>>) target_semaphore(%run_scoped3A : memref<!tpu.dma_semaphore, #tpu.memory_space<semaphore_mem>>)
        %dma_wait3A_480 = tpu.memref_slice %arg2[%mul3A_15] : memref<12800000xf32, #tpu.memory_space<hbm>> -> memref<100000xf32, #tpu.memory_space<hbm>>
        %dma_wait3A_481 = tpu.memref_slice %arg2[%mul3A_15] : memref<12800000xf32, #tpu.memory_space<hbm>> -> memref<100000xf32, #tpu.memory_space<hbm>>
        tpu.wait_dma2 semaphore(%run_scoped3A : memref<!tpu.dma_semaphore, #tpu.memory_space<semaphore_mem>>) src(%dma_wait3A_481 : memref<100000xf32, #tpu.memory_space<hbm>>) dst(%arg10 : memref<100000xf32, #tpu.memory_space<vmem>>)
        tpu.yield
      }) : () -> ()
      %mul3A_16 = arith.constant 16 : i32
      %mul3A_17 = arith.muli %add3A_13, %mul3A_16 : i32
      "tpu.region"() ({
        %run_scoped3A = tpu.sem_alloc : memref<!tpu.dma_semaphore, #tpu.memory_space<semaphore_mem>>
        %dma_start3A_478 = tpu.memref_slice %arg3[%mul3A_17] : memref<2048xf32, #tpu.memory_space<hbm>> -> memref<16xf32, #tpu.memory_space<hbm>>
        %dma_start3A_479 = tpu.memref_slice %arg3[%mul3A_17] : memref<2048xf32, #tpu.memory_space<hbm>> -> memref<16xf32, #tpu.memory_space<hbm>>
        tpu.enqueue_dma source(%dma_start3A_479 : memref<16xf32, #tpu.memory_space<hbm>>) target(%arg20 : memref<16xf32, #tpu.memory_space<vmem>>) target_semaphore(%run_scoped3A : memref<!tpu.dma_semaphore, #tpu.memory_space<semaphore_mem>>)
        %dma_wait3A_480 = tpu.memref_slice %arg3[%mul3A_17] : memref<2048xf32, #tpu.memory_space<hbm>> -> memref<16xf32, #tpu.memory_space<hbm>>
        %dma_wait3A_481 = tpu.memref_slice %arg3[%mul3A_17] : memref<2048xf32, #tpu.memory_space<hbm>> -> memref<16xf32, #tpu.memory_space<hbm>>
        tpu.wait_dma2 semaphore(%run_scoped3A : memref<!tpu.dma_semaphore, #tpu.memory_space<semaphore_mem>>) src(%dma_wait3A_481 : memref<16xf32, #tpu.memory_space<hbm>>) dst(%arg20 : memref<16xf32, #tpu.memory_space<vmem>>)
        tpu.yield
      }) : () -> ()
      %scan3A_18 = arith.constant 0 : i32
      %scan3A_19 = arith.constant 3125 : i32
      %scan3A_20 = arith.addi %scan3A_18, %scan3A_19 : i32
      %scan3A_21 = arith.constant 1 : i32
      %scan3A_22:2 = scf.for %scan3A_478 = %scan3A_18 to %scan3A_20 step %scan3A_21 iter_args(%scan3A_479 = %broadcast_in_dim3A_1, %scan3A_480 = %broadcast_in_dim3A_1) -> (vector<16xf32>, vector<16xf32>)  : i32 {
        %mul3A_481 = arith.constant 32 : i32
        %mul3A_482 = arith.muli %scan3A_478, %mul3A_481 : i32
        %get3A_483 = arith.index_cast %mul3A_482 : i32 to index
        %get3A_484 = tpu.vector_load %arg10[%get3A_483] {strides = array<i32>} : memref<100000xf32, #tpu.memory_space<vmem>>, vector<16xf32>,
        %get3A_485 = vector.shape_cast %get3A_484 : vector<16xf32> to vector<16xf32>
        %max3A_486 = arith.maximumf %scan3A_479, %get3A_485 : vector<16xf32>
        %mul3A_487 = arith.constant 32 : i32
        %mul3A_488 = arith.muli %scan3A_478, %mul3A_487 : i32
        %add3A_489 = arith.constant 16 : i32
        %add3A_490 = arith.addi %mul3A_488, %add3A_489 : i32
        %get3A_491 = arith.index_cast %add3A_490 : i32 to index
        %get3A_492 = tpu.vector_load %arg10[%get3A_491] {strides = array<i32>} : memref<100000xf32, #tpu.memory_space<vmem>>, vector<16xf32>,
        %get3A_493 = vector.shape_cast %get3A_492 : vector<16xf32> to vector<16xf32>
        %max3A_494 = arith.maximumf %scan3A_480, %get3A_493 : vector<16xf32>
        scf.yield %max3A_486, %max3A_494 : vector<16xf32>, vector<16xf32>
      }
      %scan3A_23 = arith.constant 3125 : i32
      %max3A = arith.maximumf %scan3A_22#0, %scan3A_22#1 : vector<16xf32>
      %iota3A_24 = tpu.iota {dimensions = array<i32: 0>} : vector<16xi32>
      %xor3A = arith.constant 8 : i32
      %xor3A_25 = vector.broadcast %xor3A : i32 to vector<16xi32>
      %xor3A_26 = arith.xori %iota3A_24, %xor3A_25 : vector<16xi32>
      %broadcast_in_dim3A_27 = vector.shape_cast %xor3A_26 : vector<16xi32> to vector<16x1xi32>
      %gather3A = vector.shape_cast %broadcast_in_dim3A_27 : vector<16x1xi32> to vector<16xi32>
      %gather3A_28 = tpu.dynamic_gather %max3A[%gather3A] in [0] : vector<16xf32>, vector<16xi32> -> vector<16xf32>
      %max3A_29 = arith.maximumf %max3A, %gather3A_28 : vector<16xf32>
      %xor3A_30 = arith.constant 4 : i32
      %xor3A_31 = vector.broadcast %xor3A_30 : i32 to vector<16xi32>
      %xor3A_32 = arith.xori %iota3A_24, %xor3A_31 : vector<16xi32>
      %broadcast_in_dim3A_33 = vector.shape_cast %xor3A_32 : vector<16xi32> to vector<16x1xi32>
      %gather3A_34 = vector.shape_cast %broadcast_in_dim3A_33 : vector<16x1xi32> to vector<16xi32>
      %gather3A_35 = tpu.dynamic_gather %max3A_29[%gather3A_34] in [0] : vector<16xf32>, vector<16xi32> -> vector<16xf32>
      %max3A_36 = arith.maximumf %max3A_29, %gather3A_35 : vector<16xf32>
      %xor3A_37 = arith.constant 2 : i32
      %xor3A_38 = vector.broadcast %xor3A_37 : i32 to vector<16xi32>
      %xor3A_39 = arith.xori %iota3A_24, %xor3A_38 : vector<16xi32>
      %broadcast_in_dim3A_40 = vector.shape_cast %xor3A_39 : vector<16xi32> to vector<16x1xi32>
      %gather3A_41 = vector.shape_cast %broadcast_in_dim3A_40 : vector<16x1xi32> to vector<16xi32>
      %gather3A_42 = tpu.dynamic_gather %max3A_36[%gather3A_41] in [0] : vector<16xf32>, vector<16xi32> -> vector<16xf32>
      %max3A_43 = arith.maximumf %max3A_36, %gather3A_42 : vector<16xf32>
      %xor3A_44 = arith.constant 1 : i32
      %xor3A_45 = vector.broadcast %xor3A_44 : i32 to vector<16xi32>
      %xor3A_46 = arith.xori %iota3A_24, %xor3A_45 : vector<16xi32>
      %broadcast_in_dim3A_47 = vector.shape_cast %xor3A_46 : vector<16xi32> to vector<16x1xi32>
      %gather3A_48 = vector.shape_cast %broadcast_in_dim3A_47 : vector<16x1xi32> to vector<16xi32>
      %gather3A_49 = tpu.dynamic_gather %max3A_43[%gather3A_48] in [0] : vector<16xf32>, vector<16xi32> -> vector<16xf32>
      %max3A_50 = arith.maximumf %max3A_43, %gather3A_49 : vector<16xf32>
      %swap3A = arith.constant 0 : index
      %swap3A_51 = tpu.vector_load %arg26[%swap3A] {strides = array<i32>} : memref<16xf32, #tpu.memory_space<vmem>>, vector<16xf32>,
      %swap3A_52 = vector.shape_cast %swap3A_51 : vector<16xf32> to vector<16xf32>
      %swap3A_53 = vector.shape_cast %max3A_50 : vector<16xf32> to vector<16xf32>
      tpu.vector_store %arg26[%swap3A], %swap3A_53 {strides = array<i32>} : memref<16xf32, #tpu.memory_space<vmem>>, vector<16xf32>,
      %get3A_54 = arith.constant 0 : index
      %get3A_55 = tpu.vector_load %arg26[%get3A_54] {strides = array<i32>} : memref<16xf32, #tpu.memory_space<vmem>>, vector<16xf32>,
      %get3A_56 = vector.shape_cast %get3A_55 : vector<16xf32> to vector<16xf32>
      %slice3A_57 = vector.extract_strided_slice %get3A_56 {offsets = [0], sizes = [1], strides = [1]} : vector<16xf32> to vector<1xf32>
      %squeeze3A_58 = vector.extract %slice3A_57[0] : f32 from vector<1xf32>
      %sub3A = arith.constant 7.500000e-01 : f32
      %sub3A_59 = arith.subf %squeeze3A_58, %sub3A : f32
      %sub3A_60 = arith.constant 1.250000e+00 : f32
      %sub3A_61 = arith.subf %squeeze3A_58, %sub3A_60 : f32
      %sub3A_62 = arith.constant 1.750000e+00 : f32
      %sub3A_63 = arith.subf %squeeze3A_58, %sub3A_62 : f32
      %sub3A_64 = arith.constant 2.250000e+00 : f32
      %sub3A_65 = arith.subf %squeeze3A_58, %sub3A_64 : f32
      %sub3A_66 = arith.constant 2.750000e+00 : f32
      %sub3A_67 = arith.subf %squeeze3A_58, %sub3A_66 : f32
      %broadcast_in_dim3A_68 = arith.constant 0.000000e+00 : f32
      %broadcast_in_dim3A_69 = vector.broadcast %broadcast_in_dim3A_68 : f32 to vector<16xf32>
      %scan3A_70 = arith.constant 0 : i32
      %scan3A_71 = arith.constant 3125 : i32
      %scan3A_72 = arith.addi %scan3A_70, %scan3A_71 : i32
      %scan3A_73 = arith.constant 1 : i32
      %scan3A_74:6 = scf.for %scan3A_478 = %scan3A_70 to %scan3A_72 step %scan3A_73 iter_args(%scan3A_479 = %broadcast_in_dim3A_69, %scan3A_480 = %broadcast_in_dim3A_69, %scan3A_481 = %broadcast_in_dim3A_69, %scan3A_482 = %broadcast_in_dim3A_69, %scan3A_483 = %broadcast_in_dim3A_69, %scan3A_484 = %broadcast_in_dim3A_69) -> (vector<16xf32>, vector<16xf32>, vector<16xf32>, vector<16xf32>, vector<16xf32>, vector<16xf32>)  : i32 {
        %mul3A_485 = arith.constant 32 : i32
        %mul3A_486 = arith.muli %scan3A_478, %mul3A_485 : i32
        %get3A_487 = arith.index_cast %mul3A_486 : i32 to index
        %get3A_488 = tpu.vector_load %arg10[%get3A_487] {strides = array<i32>} : memref<100000xf32, #tpu.memory_space<vmem>>, vector<16xf32>,
        %get3A_489 = vector.shape_cast %get3A_488 : vector<16xf32> to vector<16xf32>
        %mul3A_490 = arith.constant 32 : i32
        %mul3A_491 = arith.muli %scan3A_478, %mul3A_490 : i32
        %add3A_492 = arith.constant 16 : i32
        %add3A_493 = arith.addi %mul3A_491, %add3A_492 : i32
        %get3A_494 = arith.index_cast %add3A_493 : i32 to index
        %get3A_495 = tpu.vector_load %arg10[%get3A_494] {strides = array<i32>} : memref<100000xf32, #tpu.memory_space<vmem>>, vector<16xf32>,
        %get3A_496 = vector.shape_cast %get3A_495 : vector<16xf32> to vector<16xf32>
        %sub3A_497 = vector.broadcast %squeeze3A_58 : f32 to vector<16xf32>
        %sub3A_498 = arith.subf %get3A_489, %sub3A_497 : vector<16xf32>
        %exp3A = math.exp %sub3A_498 : vector<16xf32>
        %sub3A_499 = vector.broadcast %squeeze3A_58 : f32 to vector<16xf32>
        %sub3A_500 = arith.subf %get3A_496, %sub3A_499 : vector<16xf32>
        %exp3A_501 = math.exp %sub3A_500 : vector<16xf32>
        %add3A_502 = arith.addf %exp3A, %exp3A_501 : vector<16xf32>
        %add3A_503 = arith.addf %scan3A_479, %add3A_502 : vector<16xf32>
        %ge3A_504 = vector.broadcast %sub3A_59 : f32 to vector<16xf32>
        %ge3A_505 = arith.cmpf oge, %get3A_489, %ge3A_504 : vector<16xf32>
        %jit3A_506 = arith.constant 1.000000e+00 : f32
        %jit3A_507 = arith.constant 0.000000e+00 : f32
        %broadcast_in_dim3A_508 = vector.broadcast %jit3A_506 : f32 to vector<16xf32>
        %broadcast_in_dim3A_509 = vector.broadcast %jit3A_507 : f32 to vector<16xf32>
        %select_n3A_510 = arith.select %ge3A_505, %broadcast_in_dim3A_508, %broadcast_in_dim3A_509 : vector<16xi1>, vector<16xf32>
        %ge3A_511 = vector.broadcast %sub3A_59 : f32 to vector<16xf32>
        %ge3A_512 = arith.cmpf oge, %get3A_496, %ge3A_511 : vector<16xf32>
        %jit3A_513 = arith.constant 1.000000e+00 : f32
        %jit3A_514 = arith.constant 0.000000e+00 : f32
        %broadcast_in_dim3A_515 = vector.broadcast %jit3A_513 : f32 to vector<16xf32>
        %broadcast_in_dim3A_516 = vector.broadcast %jit3A_514 : f32 to vector<16xf32>
        %select_n3A_517 = arith.select %ge3A_512, %broadcast_in_dim3A_515, %broadcast_in_dim3A_516 : vector<16xi1>, vector<16xf32>
        %add3A_518 = arith.addf %select_n3A_510, %select_n3A_517 : vector<16xf32>
        %add3A_519 = arith.addf %scan3A_480, %add3A_518 : vector<16xf32>
        %ge3A_520 = vector.broadcast %sub3A_61 : f32 to vector<16xf32>
        %ge3A_521 = arith.cmpf oge, %get3A_489, %ge3A_520 : vector<16xf32>
        %jit3A_522 = arith.constant 1.000000e+00 : f32
        %jit3A_523 = arith.constant 0.000000e+00 : f32
        %broadcast_in_dim3A_524 = vector.broadcast %jit3A_522 : f32 to vector<16xf32>
        %broadcast_in_dim3A_525 = vector.broadcast %jit3A_523 : f32 to vector<16xf32>
        %select_n3A_526 = arith.select %ge3A_521, %broadcast_in_dim3A_524, %broadcast_in_dim3A_525 : vector<16xi1>, vector<16xf32>
        %ge3A_527 = vector.broadcast %sub3A_61 : f32 to vector<16xf32>
        %ge3A_528 = arith.cmpf oge, %get3A_496, %ge3A_527 : vector<16xf32>
        %jit3A_529 = arith.constant 1.000000e+00 : f32
        %jit3A_530 = arith.constant 0.000000e+00 : f32
        %broadcast_in_dim3A_531 = vector.broadcast %jit3A_529 : f32 to vector<16xf32>
        %broadcast_in_dim3A_532 = vector.broadcast %jit3A_530 : f32 to vector<16xf32>
        %select_n3A_533 = arith.select %ge3A_528, %broadcast_in_dim3A_531, %broadcast_in_dim3A_532 : vector<16xi1>, vector<16xf32>
        %add3A_534 = arith.addf %select_n3A_526, %select_n3A_533 : vector<16xf32>
        %add3A_535 = arith.addf %scan3A_481, %add3A_534 : vector<16xf32>
        %ge3A_536 = vector.broadcast %sub3A_63 : f32 to vector<16xf32>
        %ge3A_537 = arith.cmpf oge, %get3A_489, %ge3A_536 : vector<16xf32>
        %jit3A_538 = arith.constant 1.000000e+00 : f32
        %jit3A_539 = arith.constant 0.000000e+00 : f32
        %broadcast_in_dim3A_540 = vector.broadcast %jit3A_538 : f32 to vector<16xf32>
        %broadcast_in_dim3A_541 = vector.broadcast %jit3A_539 : f32 to vector<16xf32>
        %select_n3A_542 = arith.select %ge3A_537, %broadcast_in_dim3A_540, %broadcast_in_dim3A_541 : vector<16xi1>, vector<16xf32>
        %ge3A_543 = vector.broadcast %sub3A_63 : f32 to vector<16xf32>
        %ge3A_544 = arith.cmpf oge, %get3A_496, %ge3A_543 : vector<16xf32>
        %jit3A_545 = arith.constant 1.000000e+00 : f32
        %jit3A_546 = arith.constant 0.000000e+00 : f32
        %broadcast_in_dim3A_547 = vector.broadcast %jit3A_545 : f32 to vector<16xf32>
        %broadcast_in_dim3A_548 = vector.broadcast %jit3A_546 : f32 to vector<16xf32>
        %select_n3A_549 = arith.select %ge3A_544, %broadcast_in_dim3A_547, %broadcast_in_dim3A_548 : vector<16xi1>, vector<16xf32>
        %add3A_550 = arith.addf %select_n3A_542, %select_n3A_549 : vector<16xf32>
        %add3A_551 = arith.addf %scan3A_482, %add3A_550 : vector<16xf32>
        %ge3A_552 = vector.broadcast %sub3A_65 : f32 to vector<16xf32>
        %ge3A_553 = arith.cmpf oge, %get3A_489, %ge3A_552 : vector<16xf32>
        %jit3A_554 = arith.constant 1.000000e+00 : f32
        %jit3A_555 = arith.constant 0.000000e+00 : f32
        %broadcast_in_dim3A_556 = vector.broadcast %jit3A_554 : f32 to vector<16xf32>
        %broadcast_in_dim3A_557 = vector.broadcast %jit3A_555 : f32 to vector<16xf32>
        %select_n3A_558 = arith.select %ge3A_553, %broadcast_in_dim3A_556, %broadcast_in_dim3A_557 : vector<16xi1>, vector<16xf32>
        %ge3A_559 = vector.broadcast %sub3A_65 : f32 to vector<16xf32>
        %ge3A_560 = arith.cmpf oge, %get3A_496, %ge3A_559 : vector<16xf32>
        %jit3A_561 = arith.constant 1.000000e+00 : f32
        %jit3A_562 = arith.constant 0.000000e+00 : f32
        %broadcast_in_dim3A_563 = vector.broadcast %jit3A_561 : f32 to vector<16xf32>
        %broadcast_in_dim3A_564 = vector.broadcast %jit3A_562 : f32 to vector<16xf32>
        %select_n3A_565 = arith.select %ge3A_560, %broadcast_in_dim3A_563, %broadcast_in_dim3A_564 : vector<16xi1>, vector<16xf32>
        %add3A_566 = arith.addf %select_n3A_558, %select_n3A_565 : vector<16xf32>
        %add3A_567 = arith.addf %scan3A_483, %add3A_566 : vector<16xf32>
        %ge3A_568 = vector.broadcast %sub3A_67 : f32 to vector<16xf32>
        %ge3A_569 = arith.cmpf oge, %get3A_489, %ge3A_568 : vector<16xf32>
        %jit3A_570 = arith.constant 1.000000e+00 : f32
        %jit3A_571 = arith.constant 0.000000e+00 : f32
        %broadcast_in_dim3A_572 = vector.broadcast %jit3A_570 : f32 to vector<16xf32>
        %broadcast_in_dim3A_573 = vector.broadcast %jit3A_571 : f32 to vector<16xf32>
        %select_n3A_574 = arith.select %ge3A_569, %broadcast_in_dim3A_572, %broadcast_in_dim3A_573 : vector<16xi1>, vector<16xf32>
        %ge3A_575 = vector.broadcast %sub3A_67 : f32 to vector<16xf32>
        %ge3A_576 = arith.cmpf oge, %get3A_496, %ge3A_575 : vector<16xf32>
        %jit3A_577 = arith.constant 1.000000e+00 : f32
        %jit3A_578 = arith.constant 0.000000e+00 : f32
        %broadcast_in_dim3A_579 = vector.broadcast %jit3A_577 : f32 to vector<16xf32>
        %broadcast_in_dim3A_580 = vector.broadcast %jit3A_578 : f32 to vector<16xf32>
        %select_n3A_581 = arith.select %ge3A_576, %broadcast_in_dim3A_579, %broadcast_in_dim3A_580 : vector<16xi1>, vector<16xf32>
        %add3A_582 = arith.addf %select_n3A_574, %select_n3A_581 : vector<16xf32>
        %add3A_583 = arith.addf %scan3A_484, %add3A_582 : vector<16xf32>
        scf.yield %add3A_503, %add3A_519, %add3A_535, %add3A_551, %add3A_567, %add3A_583 : vector<16xf32>, vector<16xf32>, vector<16xf32>, vector<16xf32>, vector<16xf32>, vector<16xf32>
      }
      %scan3A_75 = arith.constant 3125 : i32
      %iota3A_76 = tpu.iota {dimensions = array<i32: 0>} : vector<16xi32>
      %xor3A_77 = arith.constant 8 : i32
      %xor3A_78 = vector.broadcast %xor3A_77 : i32 to vector<16xi32>
      %xor3A_79 = arith.xori %iota3A_76, %xor3A_78 : vector<16xi32>
      %broadcast_in_dim3A_80 = vector.shape_cast %xor3A_79 : vector<16xi32> to vector<16x1xi32>
      %gather3A_81 = vector.shape_cast %broadcast_in_dim3A_80 : vector<16x1xi32> to vector<16xi32>
      %gather3A_82 = tpu.dynamic_gather %scan3A_74#0[%gather3A_81] in [0] : vector<16xf32>, vector<16xi32> -> vector<16xf32>
      %add3A_83 = arith.addf %scan3A_74#0, %gather3A_82 : vector<16xf32>
      %xor3A_84 = arith.constant 4 : i32
      %xor3A_85 = vector.broadcast %xor3A_84 : i32 to vector<16xi32>
      %xor3A_86 = arith.xori %iota3A_76, %xor3A_85 : vector<16xi32>
      %broadcast_in_dim3A_87 = vector.shape_cast %xor3A_86 : vector<16xi32> to vector<16x1xi32>
      %gather3A_88 = vector.shape_cast %broadcast_in_dim3A_87 : vector<16x1xi32> to vector<16xi32>
      %gather3A_89 = tpu.dynamic_gather %add3A_83[%gather3A_88] in [0] : vector<16xf32>, vector<16xi32> -> vector<16xf32>
      %add3A_90 = arith.addf %add3A_83, %gather3A_89 : vector<16xf32>
      %xor3A_91 = arith.constant 2 : i32
      %xor3A_92 = vector.broadcast %xor3A_91 : i32 to vector<16xi32>
      %xor3A_93 = arith.xori %iota3A_76, %xor3A_92 : vector<16xi32>
      %broadcast_in_dim3A_94 = vector.shape_cast %xor3A_93 : vector<16xi32> to vector<16x1xi32>
      %gather3A_95 = vector.shape_cast %broadcast_in_dim3A_94 : vector<16x1xi32> to vector<16xi32>
      %gather3A_96 = tpu.dynamic_gather %add3A_90[%gather3A_95] in [0] : vector<16xf32>, vector<16xi32> -> vector<16xf32>
      %add3A_97 = arith.addf %add3A_90, %gather3A_96 : vector<16xf32>
      %xor3A_98 = arith.constant 1 : i32
      %xor3A_99 = vector.broadcast %xor3A_98 : i32 to vector<16xi32>
      %xor3A_100 = arith.xori %iota3A_76, %xor3A_99 : vector<16xi32>
      %broadcast_in_dim3A_101 = vector.shape_cast %xor3A_100 : vector<16xi32> to vector<16x1xi32>
      %gather3A_102 = vector.shape_cast %broadcast_in_dim3A_101 : vector<16x1xi32> to vector<16xi32>
      %gather3A_103 = tpu.dynamic_gather %add3A_97[%gather3A_102] in [0] : vector<16xf32>, vector<16xi32> -> vector<16xf32>
      %add3A_104 = arith.addf %add3A_97, %gather3A_103 : vector<16xf32>
      %swap3A_105 = arith.constant 0 : index
      %swap3A_106 = tpu.vector_load %arg26[%swap3A_105] {strides = array<i32>} : memref<16xf32, #tpu.memory_space<vmem>>, vector<16xf32>,
      %swap3A_107 = vector.shape_cast %swap3A_106 : vector<16xf32> to vector<16xf32>
      %swap3A_108 = vector.shape_cast %add3A_104 : vector<16xf32> to vector<16xf32>
      tpu.vector_store %arg26[%swap3A_105], %swap3A_108 {strides = array<i32>} : memref<16xf32, #tpu.memory_space<vmem>>, vector<16xf32>,
      %get3A_109 = arith.constant 0 : index
      %get3A_110 = tpu.vector_load %arg26[%get3A_109] {strides = array<i32>} : memref<16xf32, #tpu.memory_space<vmem>>, vector<16xf32>,
      %get3A_111 = vector.shape_cast %get3A_110 : vector<16xf32> to vector<16xf32>
      %slice3A_112 = vector.extract_strided_slice %get3A_111 {offsets = [0], sizes = [1], strides = [1]} : vector<16xf32> to vector<1xf32>
      %squeeze3A_113 = vector.extract %slice3A_112[0] : f32 from vector<1xf32>
      %broadcast_in_dim3A_114 = vector.broadcast %squeeze3A_113 : f32 to vector<16xf32>
      %bitcast_convert_type3A = tpu.bitcast %broadcast_in_dim3A_114 : vector<16xf32> -> vector<16xi32>
      %shift_right_arithmetic3A = arith.constant 23 : i32
      %shift_right_arithmetic3A_115 = vector.broadcast %shift_right_arithmetic3A : i32 to vector<16xi32>
      %shift_right_arithmetic3A_116 = arith.shrsi %bitcast_convert_type3A, %shift_right_arithmetic3A_115 : vector<16xi32>
      %and3A = arith.constant 255 : i32
      %and3A_117 = vector.broadcast %and3A : i32 to vector<16xi32>
      %and3A_118 = arith.andi %shift_right_arithmetic3A_116, %and3A_117 : vector<16xi32>
      %sub3A_119 = arith.constant 127 : i32
      %sub3A_120 = vector.broadcast %sub3A_119 : i32 to vector<16xi32>
      %sub3A_121 = arith.subi %and3A_118, %sub3A_120 : vector<16xi32>
      %and3A_122 = arith.constant 8388607 : i32
      %and3A_123 = vector.broadcast %and3A_122 : i32 to vector<16xi32>
      %and3A_124 = arith.andi %bitcast_convert_type3A, %and3A_123 : vector<16xi32>
      %or3A = arith.constant 1065353216 : i32
      %or3A_125 = vector.broadcast %or3A : i32 to vector<16xi32>
      %or3A_126 = arith.ori %and3A_124, %or3A_125 : vector<16xi32>
      %bitcast_convert_type3A_127 = tpu.bitcast %or3A_126 : vector<16xi32> -> vector<16xf32>
      %gt3A = arith.constant 1.41421354 : f32
      %gt3A_128 = vector.broadcast %gt3A : f32 to vector<16xf32>
      %gt3A_129 = arith.cmpf ogt, %bitcast_convert_type3A_127, %gt3A_128 : vector<16xf32>
      %mul3A_130 = arith.constant 5.000000e-01 : f32
      %mul3A_131 = vector.broadcast %mul3A_130 : f32 to vector<16xf32>
      %mul3A_132 = arith.mulf %bitcast_convert_type3A_127, %mul3A_131 : vector<16xf32>
      %select_n3A = arith.select %gt3A_129, %mul3A_132, %bitcast_convert_type3A_127 : vector<16xi1>, vector<16xf32>
      %add3A_133 = arith.constant 1 : i32
      %add3A_134 = vector.broadcast %add3A_133 : i32 to vector<16xi32>
      %add3A_135 = arith.addi %sub3A_121, %add3A_134 : vector<16xi32>
      %select_n3A_136 = arith.select %gt3A_129, %add3A_135, %sub3A_121 : vector<16xi1>, vector<16xi32>
      %sub3A_137 = arith.constant 1.000000e+00 : f32
      %sub3A_138 = vector.broadcast %sub3A_137 : f32 to vector<16xf32>
      %sub3A_139 = arith.subf %select_n3A, %sub3A_138 : vector<16xf32>
      %add3A_140 = arith.constant 1.000000e+00 : f32
      %add3A_141 = vector.broadcast %add3A_140 : f32 to vector<16xf32>
      %add3A_142 = arith.addf %select_n3A, %add3A_141 : vector<16xf32>
      %div3A = arith.divf %sub3A_139, %add3A_142 : vector<16xf32>
      %mul3A_143 = arith.mulf %div3A, %div3A : vector<16xf32>
      %mul3A_144 = arith.constant 0.15384616 : f32
      %mul3A_145 = vector.broadcast %mul3A_144 : f32 to vector<16xf32>
      %mul3A_146 = arith.mulf %mul3A_143, %mul3A_145 : vector<16xf32>
      %add3A_147 = arith.constant 0.181818187 : f32
      %add3A_148 = vector.broadcast %add3A_147 : f32 to vector<16xf32>
      %add3A_149 = arith.addf %add3A_148, %mul3A_146 : vector<16xf32>
      %mul3A_150 = arith.mulf %mul3A_143, %add3A_149 : vector<16xf32>
      %add3A_151 = arith.constant 0.222222224 : f32
      %add3A_152 = vector.broadcast %add3A_151 : f32 to vector<16xf32>
      %add3A_153 = arith.addf %add3A_152, %mul3A_150 : vector<16xf32>
      %mul3A_154 = arith.mulf %mul3A_143, %add3A_153 : vector<16xf32>
      %add3A_155 = arith.constant 0.285714298 : f32
      %add3A_156 = vector.broadcast %add3A_155 : f32 to vector<16xf32>
      %add3A_157 = arith.addf %add3A_156, %mul3A_154 : vector<16xf32>
      %mul3A_158 = arith.mulf %mul3A_143, %add3A_157 : vector<16xf32>
      %add3A_159 = arith.constant 4.000000e-01 : f32
      %add3A_160 = vector.broadcast %add3A_159 : f32 to vector<16xf32>
      %add3A_161 = arith.addf %add3A_160, %mul3A_158 : vector<16xf32>
      %mul3A_162 = arith.mulf %mul3A_143, %add3A_161 : vector<16xf32>
      %add3A_163 = arith.constant 0.666666686 : f32
      %add3A_164 = vector.broadcast %add3A_163 : f32 to vector<16xf32>
      %add3A_165 = arith.addf %add3A_164, %mul3A_162 : vector<16xf32>
      %mul3A_166 = arith.mulf %mul3A_143, %add3A_165 : vector<16xf32>
      %add3A_167 = arith.constant 2.000000e+00 : f32
      %add3A_168 = vector.broadcast %add3A_167 : f32 to vector<16xf32>
      %add3A_169 = arith.addf %add3A_168, %mul3A_166 : vector<16xf32>
      %convert_element_type3A = arith.sitofp %select_n3A_136 : vector<16xi32> to vector<16xf32>
      %mul3A_170 = arith.constant 0.693147182 : f32
      %mul3A_171 = vector.broadcast %mul3A_170 : f32 to vector<16xf32>
      %mul3A_172 = arith.mulf %convert_element_type3A, %mul3A_171 : vector<16xf32>
      %mul3A_173 = arith.mulf %div3A, %add3A_169 : vector<16xf32>
      %add3A_174 = arith.addf %mul3A_172, %mul3A_173 : vector<16xf32>
      %swap3A_175 = arith.constant 0 : index
      %swap3A_176 = tpu.vector_load %arg26[%swap3A_175] {strides = array<i32>} : memref<16xf32, #tpu.memory_space<vmem>>, vector<16xf32>,
      %swap3A_177 = vector.shape_cast %swap3A_176 : vector<16xf32> to vector<16xf32>
      %swap3A_178 = vector.shape_cast %add3A_174 : vector<16xf32> to vector<16xf32>
      tpu.vector_store %arg26[%swap3A_175], %swap3A_178 {strides = array<i32>} : memref<16xf32, #tpu.memory_space<vmem>>, vector<16xf32>,
      %get3A_179 = arith.constant 0 : index
      %get3A_180 = tpu.vector_load %arg26[%get3A_179] {strides = array<i32>} : memref<16xf32, #tpu.memory_space<vmem>>, vector<16xf32>,
      %get3A_181 = vector.shape_cast %get3A_180 : vector<16xf32> to vector<16xf32>
      %slice3A_182 = vector.extract_strided_slice %get3A_181 {offsets = [0], sizes = [1], strides = [1]} : vector<16xf32> to vector<1xf32>
      %squeeze3A_183 = vector.extract %slice3A_182[0] : f32 from vector<1xf32>
      %iota3A_184 = tpu.iota {dimensions = array<i32: 0>} : vector<16xi32>
      %xor3A_185 = arith.constant 8 : i32
      %xor3A_186 = vector.broadcast %xor3A_185 : i32 to vector<16xi32>
      %xor3A_187 = arith.xori %iota3A_184, %xor3A_186 : vector<16xi32>
      %broadcast_in_dim3A_188 = vector.shape_cast %xor3A_187 : vector<16xi32> to vector<16x1xi32>
      %gather3A_189 = vector.shape_cast %broadcast_in_dim3A_188 : vector<16x1xi32> to vector<16xi32>
      %gather3A_190 = tpu.dynamic_gather %scan3A_74#1[%gather3A_189] in [0] : vector<16xf32>, vector<16xi32> -> vector<16xf32>
      %add3A_191 = arith.addf %scan3A_74#1, %gather3A_190 : vector<16xf32>
      %xor3A_192 = arith.constant 4 : i32
      %xor3A_193 = vector.broadcast %xor3A_192 : i32 to vector<16xi32>
      %xor3A_194 = arith.xori %iota3A_184, %xor3A_193 : vector<16xi32>
      %broadcast_in_dim3A_195 = vector.shape_cast %xor3A_194 : vector<16xi32> to vector<16x1xi32>
      %gather3A_196 = vector.shape_cast %broadcast_in_dim3A_195 : vector<16x1xi32> to vector<16xi32>
      %gather3A_197 = tpu.dynamic_gather %add3A_191[%gather3A_196] in [0] : vector<16xf32>, vector<16xi32> -> vector<16xf32>
      %add3A_198 = arith.addf %add3A_191, %gather3A_197 : vector<16xf32>
      %xor3A_199 = arith.constant 2 : i32
      %xor3A_200 = vector.broadcast %xor3A_199 : i32 to vector<16xi32>
      %xor3A_201 = arith.xori %iota3A_184, %xor3A_200 : vector<16xi32>
      %broadcast_in_dim3A_202 = vector.shape_cast %xor3A_201 : vector<16xi32> to vector<16x1xi32>
      %gather3A_203 = vector.shape_cast %broadcast_in_dim3A_202 : vector<16x1xi32> to vector<16xi32>
      %gather3A_204 = tpu.dynamic_gather %add3A_198[%gather3A_203] in [0] : vector<16xf32>, vector<16xi32> -> vector<16xf32>
      %add3A_205 = arith.addf %add3A_198, %gather3A_204 : vector<16xf32>
      %xor3A_206 = arith.constant 1 : i32
      %xor3A_207 = vector.broadcast %xor3A_206 : i32 to vector<16xi32>
      %xor3A_208 = arith.xori %iota3A_184, %xor3A_207 : vector<16xi32>
      %broadcast_in_dim3A_209 = vector.shape_cast %xor3A_208 : vector<16xi32> to vector<16x1xi32>
      %gather3A_210 = vector.shape_cast %broadcast_in_dim3A_209 : vector<16x1xi32> to vector<16xi32>
      %gather3A_211 = tpu.dynamic_gather %add3A_205[%gather3A_210] in [0] : vector<16xf32>, vector<16xi32> -> vector<16xf32>
      %add3A_212 = arith.addf %add3A_205, %gather3A_211 : vector<16xf32>
      %swap3A_213 = arith.constant 0 : index
      %swap3A_214 = tpu.vector_load %arg26[%swap3A_213] {strides = array<i32>} : memref<16xf32, #tpu.memory_space<vmem>>, vector<16xf32>,
      %swap3A_215 = vector.shape_cast %swap3A_214 : vector<16xf32> to vector<16xf32>
      %swap3A_216 = vector.shape_cast %add3A_212 : vector<16xf32> to vector<16xf32>
      tpu.vector_store %arg26[%swap3A_213], %swap3A_216 {strides = array<i32>} : memref<16xf32, #tpu.memory_space<vmem>>, vector<16xf32>,
      %get3A_217 = arith.constant 0 : index
      %get3A_218 = tpu.vector_load %arg26[%get3A_217] {strides = array<i32>} : memref<16xf32, #tpu.memory_space<vmem>>, vector<16xf32>,
      %get3A_219 = vector.shape_cast %get3A_218 : vector<16xf32> to vector<16xf32>
      %slice3A_220 = vector.extract_strided_slice %get3A_219 {offsets = [0], sizes = [1], strides = [1]} : vector<16xf32> to vector<1xf32>
      %squeeze3A_221 = vector.extract %slice3A_220[0] : f32 from vector<1xf32>
      %iota3A_222 = tpu.iota {dimensions = array<i32: 0>} : vector<16xi32>
      %xor3A_223 = arith.constant 8 : i32
      %xor3A_224 = vector.broadcast %xor3A_223 : i32 to vector<16xi32>
      %xor3A_225 = arith.xori %iota3A_222, %xor3A_224 : vector<16xi32>
      %broadcast_in_dim3A_226 = vector.shape_cast %xor3A_225 : vector<16xi32> to vector<16x1xi32>
      %gather3A_227 = vector.shape_cast %broadcast_in_dim3A_226 : vector<16x1xi32> to vector<16xi32>
      %gather3A_228 = tpu.dynamic_gather %scan3A_74#2[%gather3A_227] in [0] : vector<16xf32>, vector<16xi32> -> vector<16xf32>
      %add3A_229 = arith.addf %scan3A_74#2, %gather3A_228 : vector<16xf32>
      %xor3A_230 = arith.constant 4 : i32
      %xor3A_231 = vector.broadcast %xor3A_230 : i32 to vector<16xi32>
      %xor3A_232 = arith.xori %iota3A_222, %xor3A_231 : vector<16xi32>
      %broadcast_in_dim3A_233 = vector.shape_cast %xor3A_232 : vector<16xi32> to vector<16x1xi32>
      %gather3A_234 = vector.shape_cast %broadcast_in_dim3A_233 : vector<16x1xi32> to vector<16xi32>
      %gather3A_235 = tpu.dynamic_gather %add3A_229[%gather3A_234] in [0] : vector<16xf32>, vector<16xi32> -> vector<16xf32>
      %add3A_236 = arith.addf %add3A_229, %gather3A_235 : vector<16xf32>
      %xor3A_237 = arith.constant 2 : i32
      %xor3A_238 = vector.broadcast %xor3A_237 : i32 to vector<16xi32>
      %xor3A_239 = arith.xori %iota3A_222, %xor3A_238 : vector<16xi32>
      %broadcast_in_dim3A_240 = vector.shape_cast %xor3A_239 : vector<16xi32> to vector<16x1xi32>
      %gather3A_241 = vector.shape_cast %broadcast_in_dim3A_240 : vector<16x1xi32> to vector<16xi32>
      %gather3A_242 = tpu.dynamic_gather %add3A_236[%gather3A_241] in [0] : vector<16xf32>, vector<16xi32> -> vector<16xf32>
      %add3A_243 = arith.addf %add3A_236, %gather3A_242 : vector<16xf32>
      %xor3A_244 = arith.constant 1 : i32
      %xor3A_245 = vector.broadcast %xor3A_244 : i32 to vector<16xi32>
      %xor3A_246 = arith.xori %iota3A_222, %xor3A_245 : vector<16xi32>
      %broadcast_in_dim3A_247 = vector.shape_cast %xor3A_246 : vector<16xi32> to vector<16x1xi32>
      %gather3A_248 = vector.shape_cast %broadcast_in_dim3A_247 : vector<16x1xi32> to vector<16xi32>
      %gather3A_249 = tpu.dynamic_gather %add3A_243[%gather3A_248] in [0] : vector<16xf32>, vector<16xi32> -> vector<16xf32>
      %add3A_250 = arith.addf %add3A_243, %gather3A_249 : vector<16xf32>
      %swap3A_251 = arith.constant 0 : index
      %swap3A_252 = tpu.vector_load %arg26[%swap3A_251] {strides = array<i32>} : memref<16xf32, #tpu.memory_space<vmem>>, vector<16xf32>,
      %swap3A_253 = vector.shape_cast %swap3A_252 : vector<16xf32> to vector<16xf32>
      %swap3A_254 = vector.shape_cast %add3A_250 : vector<16xf32> to vector<16xf32>
      tpu.vector_store %arg26[%swap3A_251], %swap3A_254 {strides = array<i32>} : memref<16xf32, #tpu.memory_space<vmem>>, vector<16xf32>,
      %get3A_255 = arith.constant 0 : index
      %get3A_256 = tpu.vector_load %arg26[%get3A_255] {strides = array<i32>} : memref<16xf32, #tpu.memory_space<vmem>>, vector<16xf32>,
      %get3A_257 = vector.shape_cast %get3A_256 : vector<16xf32> to vector<16xf32>
      %slice3A_258 = vector.extract_strided_slice %get3A_257 {offsets = [0], sizes = [1], strides = [1]} : vector<16xf32> to vector<1xf32>
      %squeeze3A_259 = vector.extract %slice3A_258[0] : f32 from vector<1xf32>
      %iota3A_260 = tpu.iota {dimensions = array<i32: 0>} : vector<16xi32>
      %xor3A_261 = arith.constant 8 : i32
      %xor3A_262 = vector.broadcast %xor3A_261 : i32 to vector<16xi32>
      %xor3A_263 = arith.xori %iota3A_260, %xor3A_262 : vector<16xi32>
      %broadcast_in_dim3A_264 = vector.shape_cast %xor3A_263 : vector<16xi32> to vector<16x1xi32>
      %gather3A_265 = vector.shape_cast %broadcast_in_dim3A_264 : vector<16x1xi32> to vector<16xi32>
      %gather3A_266 = tpu.dynamic_gather %scan3A_74#3[%gather3A_265] in [0] : vector<16xf32>, vector<16xi32> -> vector<16xf32>
      %add3A_267 = arith.addf %scan3A_74#3, %gather3A_266 : vector<16xf32>
      %xor3A_268 = arith.constant 4 : i32
      %xor3A_269 = vector.broadcast %xor3A_268 : i32 to vector<16xi32>
      %xor3A_270 = arith.xori %iota3A_260, %xor3A_269 : vector<16xi32>
      %broadcast_in_dim3A_271 = vector.shape_cast %xor3A_270 : vector<16xi32> to vector<16x1xi32>
      %gather3A_272 = vector.shape_cast %broadcast_in_dim3A_271 : vector<16x1xi32> to vector<16xi32>
      %gather3A_273 = tpu.dynamic_gather %add3A_267[%gather3A_272] in [0] : vector<16xf32>, vector<16xi32> -> vector<16xf32>
      %add3A_274 = arith.addf %add3A_267, %gather3A_273 : vector<16xf32>
      %xor3A_275 = arith.constant 2 : i32
      %xor3A_276 = vector.broadcast %xor3A_275 : i32 to vector<16xi32>
      %xor3A_277 = arith.xori %iota3A_260, %xor3A_276 : vector<16xi32>
      %broadcast_in_dim3A_278 = vector.shape_cast %xor3A_277 : vector<16xi32> to vector<16x1xi32>
      %gather3A_279 = vector.shape_cast %broadcast_in_dim3A_278 : vector<16x1xi32> to vector<16xi32>
      %gather3A_280 = tpu.dynamic_gather %add3A_274[%gather3A_279] in [0] : vector<16xf32>, vector<16xi32> -> vector<16xf32>
      %add3A_281 = arith.addf %add3A_274, %gather3A_280 : vector<16xf32>
      %xor3A_282 = arith.constant 1 : i32
      %xor3A_283 = vector.broadcast %xor3A_282 : i32 to vector<16xi32>
      %xor3A_284 = arith.xori %iota3A_260, %xor3A_283 : vector<16xi32>
      %broadcast_in_dim3A_285 = vector.shape_cast %xor3A_284 : vector<16xi32> to vector<16x1xi32>
      %gather3A_286 = vector.shape_cast %broadcast_in_dim3A_285 : vector<16x1xi32> to vector<16xi32>
      %gather3A_287 = tpu.dynamic_gather %add3A_281[%gather3A_286] in [0] : vector<16xf32>, vector<16xi32> -> vector<16xf32>
      %add3A_288 = arith.addf %add3A_281, %gather3A_287 : vector<16xf32>
      %swap3A_289 = arith.constant 0 : index
      %swap3A_290 = tpu.vector_load %arg26[%swap3A_289] {strides = array<i32>} : memref<16xf32, #tpu.memory_space<vmem>>, vector<16xf32>,
      %swap3A_291 = vector.shape_cast %swap3A_290 : vector<16xf32> to vector<16xf32>
      %swap3A_292 = vector.shape_cast %add3A_288 : vector<16xf32> to vector<16xf32>
      tpu.vector_store %arg26[%swap3A_289], %swap3A_292 {strides = array<i32>} : memref<16xf32, #tpu.memory_space<vmem>>, vector<16xf32>,
      %get3A_293 = arith.constant 0 : index
      %get3A_294 = tpu.vector_load %arg26[%get3A_293] {strides = array<i32>} : memref<16xf32, #tpu.memory_space<vmem>>, vector<16xf32>,
      %get3A_295 = vector.shape_cast %get3A_294 : vector<16xf32> to vector<16xf32>
      %slice3A_296 = vector.extract_strided_slice %get3A_295 {offsets = [0], sizes = [1], strides = [1]} : vector<16xf32> to vector<1xf32>
      %squeeze3A_297 = vector.extract %slice3A_296[0] : f32 from vector<1xf32>
      %iota3A_298 = tpu.iota {dimensions = array<i32: 0>} : vector<16xi32>
      %xor3A_299 = arith.constant 8 : i32
      %xor3A_300 = vector.broadcast %xor3A_299 : i32 to vector<16xi32>
      %xor3A_301 = arith.xori %iota3A_298, %xor3A_300 : vector<16xi32>
      %broadcast_in_dim3A_302 = vector.shape_cast %xor3A_301 : vector<16xi32> to vector<16x1xi32>
      %gather3A_303 = vector.shape_cast %broadcast_in_dim3A_302 : vector<16x1xi32> to vector<16xi32>
      %gather3A_304 = tpu.dynamic_gather %scan3A_74#4[%gather3A_303] in [0] : vector<16xf32>, vector<16xi32> -> vector<16xf32>
      %add3A_305 = arith.addf %scan3A_74#4, %gather3A_304 : vector<16xf32>
      %xor3A_306 = arith.constant 4 : i32
      %xor3A_307 = vector.broadcast %xor3A_306 : i32 to vector<16xi32>
      %xor3A_308 = arith.xori %iota3A_298, %xor3A_307 : vector<16xi32>
      %broadcast_in_dim3A_309 = vector.shape_cast %xor3A_308 : vector<16xi32> to vector<16x1xi32>
      %gather3A_310 = vector.shape_cast %broadcast_in_dim3A_309 : vector<16x1xi32> to vector<16xi32>
      %gather3A_311 = tpu.dynamic_gather %add3A_305[%gather3A_310] in [0] : vector<16xf32>, vector<16xi32> -> vector<16xf32>
      %add3A_312 = arith.addf %add3A_305, %gather3A_311 : vector<16xf32>
      %xor3A_313 = arith.constant 2 : i32
      %xor3A_314 = vector.broadcast %xor3A_313 : i32 to vector<16xi32>
      %xor3A_315 = arith.xori %iota3A_298, %xor3A_314 : vector<16xi32>
      %broadcast_in_dim3A_316 = vector.shape_cast %xor3A_315 : vector<16xi32> to vector<16x1xi32>
      %gather3A_317 = vector.shape_cast %broadcast_in_dim3A_316 : vector<16x1xi32> to vector<16xi32>
      %gather3A_318 = tpu.dynamic_gather %add3A_312[%gather3A_317] in [0] : vector<16xf32>, vector<16xi32> -> vector<16xf32>
      %add3A_319 = arith.addf %add3A_312, %gather3A_318 : vector<16xf32>
      %xor3A_320 = arith.constant 1 : i32
      %xor3A_321 = vector.broadcast %xor3A_320 : i32 to vector<16xi32>
      %xor3A_322 = arith.xori %iota3A_298, %xor3A_321 : vector<16xi32>
      %broadcast_in_dim3A_323 = vector.shape_cast %xor3A_322 : vector<16xi32> to vector<16x1xi32>
      %gather3A_324 = vector.shape_cast %broadcast_in_dim3A_323 : vector<16x1xi32> to vector<16xi32>
      %gather3A_325 = tpu.dynamic_gather %add3A_319[%gather3A_324] in [0] : vector<16xf32>, vector<16xi32> -> vector<16xf32>
      %add3A_326 = arith.addf %add3A_319, %gather3A_325 : vector<16xf32>
      %swap3A_327 = arith.constant 0 : index
      %swap3A_328 = tpu.vector_load %arg26[%swap3A_327] {strides = array<i32>} : memref<16xf32, #tpu.memory_space<vmem>>, vector<16xf32>,
      %swap3A_329 = vector.shape_cast %swap3A_328 : vector<16xf32> to vector<16xf32>
      %swap3A_330 = vector.shape_cast %add3A_326 : vector<16xf32> to vector<16xf32>
      tpu.vector_store %arg26[%swap3A_327], %swap3A_330 {strides = array<i32>} : memref<16xf32, #tpu.memory_space<vmem>>, vector<16xf32>,
      %get3A_331 = arith.constant 0 : index
      %get3A_332 = tpu.vector_load %arg26[%get3A_331] {strides = array<i32>} : memref<16xf32, #tpu.memory_space<vmem>>, vector<16xf32>,
      %get3A_333 = vector.shape_cast %get3A_332 : vector<16xf32> to vector<16xf32>
      %slice3A_334 = vector.extract_strided_slice %get3A_333 {offsets = [0], sizes = [1], strides = [1]} : vector<16xf32> to vector<1xf32>
      %squeeze3A_335 = vector.extract %slice3A_334[0] : f32 from vector<1xf32>
      %iota3A_336 = tpu.iota {dimensions = array<i32: 0>} : vector<16xi32>
      %xor3A_337 = arith.constant 8 : i32
      %xor3A_338 = vector.broadcast %xor3A_337 : i32 to vector<16xi32>
      %xor3A_339 = arith.xori %iota3A_336, %xor3A_338 : vector<16xi32>
      %broadcast_in_dim3A_340 = vector.shape_cast %xor3A_339 : vector<16xi32> to vector<16x1xi32>
      %gather3A_341 = vector.shape_cast %broadcast_in_dim3A_340 : vector<16x1xi32> to vector<16xi32>
      %gather3A_342 = tpu.dynamic_gather %scan3A_74#5[%gather3A_341] in [0] : vector<16xf32>, vector<16xi32> -> vector<16xf32>
      %add3A_343 = arith.addf %scan3A_74#5, %gather3A_342 : vector<16xf32>
      %xor3A_344 = arith.constant 4 : i32
      %xor3A_345 = vector.broadcast %xor3A_344 : i32 to vector<16xi32>
      %xor3A_346 = arith.xori %iota3A_336, %xor3A_345 : vector<16xi32>
      %broadcast_in_dim3A_347 = vector.shape_cast %xor3A_346 : vector<16xi32> to vector<16x1xi32>
      %gather3A_348 = vector.shape_cast %broadcast_in_dim3A_347 : vector<16x1xi32> to vector<16xi32>
      %gather3A_349 = tpu.dynamic_gather %add3A_343[%gather3A_348] in [0] : vector<16xf32>, vector<16xi32> -> vector<16xf32>
      %add3A_350 = arith.addf %add3A_343, %gather3A_349 : vector<16xf32>
      %xor3A_351 = arith.constant 2 : i32
      %xor3A_352 = vector.broadcast %xor3A_351 : i32 to vector<16xi32>
      %xor3A_353 = arith.xori %iota3A_336, %xor3A_352 : vector<16xi32>
      %broadcast_in_dim3A_354 = vector.shape_cast %xor3A_353 : vector<16xi32> to vector<16x1xi32>
      %gather3A_355 = vector.shape_cast %broadcast_in_dim3A_354 : vector<16x1xi32> to vector<16xi32>
      %gather3A_356 = tpu.dynamic_gather %add3A_350[%gather3A_355] in [0] : vector<16xf32>, vector<16xi32> -> vector<16xf32>
      %add3A_357 = arith.addf %add3A_350, %gather3A_356 : vector<16xf32>
      %xor3A_358 = arith.constant 1 : i32
      %xor3A_359 = vector.broadcast %xor3A_358 : i32 to vector<16xi32>
      %xor3A_360 = arith.xori %iota3A_336, %xor3A_359 : vector<16xi32>
      %broadcast_in_dim3A_361 = vector.shape_cast %xor3A_360 : vector<16xi32> to vector<16x1xi32>
      %gather3A_362 = vector.shape_cast %broadcast_in_dim3A_361 : vector<16x1xi32> to vector<16xi32>
      %gather3A_363 = tpu.dynamic_gather %add3A_357[%gather3A_362] in [0] : vector<16xf32>, vector<16xi32> -> vector<16xf32>
      %add3A_364 = arith.addf %add3A_357, %gather3A_363 : vector<16xf32>
      %swap3A_365 = arith.constant 0 : index
      %swap3A_366 = tpu.vector_load %arg26[%swap3A_365] {strides = array<i32>} : memref<16xf32, #tpu.memory_space<vmem>>, vector<16xf32>,
      %swap3A_367 = vector.shape_cast %swap3A_366 : vector<16xf32> to vector<16xf32>
      %swap3A_368 = vector.shape_cast %add3A_364 : vector<16xf32> to vector<16xf32>
      tpu.vector_store %arg26[%swap3A_365], %swap3A_368 {strides = array<i32>} : memref<16xf32, #tpu.memory_space<vmem>>, vector<16xf32>,
      %get3A_369 = arith.constant 0 : index
      %get3A_370 = tpu.vector_load %arg26[%get3A_369] {strides = array<i32>} : memref<16xf32, #tpu.memory_space<vmem>>, vector<16xf32>,
      %get3A_371 = vector.shape_cast %get3A_370 : vector<16xf32> to vector<16xf32>
      %slice3A_372 = vector.extract_strided_slice %get3A_371 {offsets = [0], sizes = [1], strides = [1]} : vector<16xf32> to vector<1xf32>
      %squeeze3A_373 = vector.extract %slice3A_372[0] : f32 from vector<1xf32>
      %ge3A = arith.constant 5.000000e+01 : f32
      %ge3A_374 = arith.cmpf oge, %squeeze3A_335, %ge3A : f32
      %select_n3A_375 = arith.select %ge3A_374, %sub3A_65, %sub3A_67 : f32
      %ge3A_376 = arith.constant 5.000000e+01 : f32
      %ge3A_377 = arith.cmpf oge, %squeeze3A_297, %ge3A_376 : f32
      %select_n3A_378 = arith.select %ge3A_377, %sub3A_63, %select_n3A_375 : f32
      %ge3A_379 = arith.constant 5.000000e+01 : f32
      %ge3A_380 = arith.cmpf oge, %squeeze3A_259, %ge3A_379 : f32
      %select_n3A_381 = arith.select %ge3A_380, %sub3A_61, %select_n3A_378 : f32
      %ge3A_382 = arith.constant 5.000000e+01 : f32
      %ge3A_383 = arith.cmpf oge, %squeeze3A_221, %ge3A_382 : f32
      %select_n3A_384 = arith.select %ge3A_383, %sub3A_59, %select_n3A_381 : f32
      %scan3A_385 = arith.constant 0 : i32
      %scan3A_386 = arith.constant 0 : i32
      %scan3A_387 = arith.constant 32 : i32
      %scan3A_388 = arith.addi %scan3A_386, %scan3A_387 : i32
      %scan3A_389 = arith.constant 1 : i32
      %scan3A_390 = scf.for %scan3A_478 = %scan3A_386 to %scan3A_388 step %scan3A_389 iter_args(%scan3A_479 = %scan3A_385) -> (i32)  : i32 {
        %mul3A_480 = arith.constant 16 : i32
        %mul3A_481 = arith.muli %scan3A_478, %mul3A_480 : i32
        %swap3A_482 = arith.index_cast %mul3A_481 : i32 to index
        %swap3A_483 = tpu.vector_load %arg14[%swap3A_482] {strides = array<i32>} : memref<512xf32, #tpu.memory_space<vmem>>, vector<16xf32>,
        %swap3A_484 = vector.shape_cast %swap3A_483 : vector<16xf32> to vector<16xf32>
        %swap3A_485 = vector.shape_cast %broadcast_in_dim3A_1 : vector<16xf32> to vector<16xf32>
        tpu.vector_store %arg14[%swap3A_482], %swap3A_485 {strides = array<i32>} : memref<512xf32, #tpu.memory_space<vmem>>, vector<16xf32>,
        %scan3A_486 = arith.constant 0 : i32
        scf.yield %scan3A_486 : i32
      }
      %scan3A_391 = arith.constant 32 : i32
      %scan3A_392 = arith.constant 0 : i32
      %scan3A_393 = arith.constant 0 : i32
      %scan3A_394 = arith.constant 625 : i32
      %scan3A_395 = arith.addi %scan3A_393, %scan3A_394 : i32
      %scan3A_396 = arith.constant 1 : i32
      %scan3A_397 = scf.for %scan3A_478 = %scan3A_393 to %scan3A_395 step %scan3A_396 iter_args(%scan3A_479 = %scan3A_392) -> (i32)  : i32 {
        %mul3A_480 = arith.constant 10 : i32
        %mul3A_481 = arith.muli %scan3A_478, %mul3A_480 : i32
        %add3A_482 = arith.constant 0 : i32
        %add3A_483 = arith.addi %mul3A_481, %add3A_482 : i32
        %mul3A_484 = arith.constant 16 : i32
        %mul3A_485 = arith.muli %add3A_483, %mul3A_484 : i32
        %get3A_486 = arith.index_cast %mul3A_485 : i32 to index
        %get3A_487 = tpu.vector_load %arg10[%get3A_486] {strides = array<i32>} : memref<100000xf32, #tpu.memory_space<vmem>>, vector<16xf32>,
        %get3A_488 = vector.shape_cast %get3A_487 : vector<16xf32> to vector<16xf32>
        %add3A_489 = arith.constant 1 : i32
        %add3A_490 = arith.addi %mul3A_481, %add3A_489 : i32
        %mul3A_491 = arith.constant 16 : i32
        %mul3A_492 = arith.muli %add3A_490, %mul3A_491 : i32
        %get3A_493 = arith.index_cast %mul3A_492 : i32 to index
        %get3A_494 = tpu.vector_load %arg10[%get3A_493] {strides = array<i32>} : memref<100000xf32, #tpu.memory_space<vmem>>, vector<16xf32>,
        %get3A_495 = vector.shape_cast %get3A_494 : vector<16xf32> to vector<16xf32>
        %add3A_496 = arith.constant 2 : i32
        %add3A_497 = arith.addi %mul3A_481, %add3A_496 : i32
        %mul3A_498 = arith.constant 16 : i32
        %mul3A_499 = arith.muli %add3A_497, %mul3A_498 : i32
        %get3A_500 = arith.index_cast %mul3A_499 : i32 to index
        %get3A_501 = tpu.vector_load %arg10[%get3A_500] {strides = array<i32>} : memref<100000xf32, #tpu.memory_space<vmem>>, vector<16xf32>,
        %get3A_502 = vector.shape_cast %get3A_501 : vector<16xf32> to vector<16xf32>
        %add3A_503 = arith.constant 3 : i32
        %add3A_504 = arith.addi %mul3A_481, %add3A_503 : i32
        %mul3A_505 = arith.constant 16 : i32
        %mul3A_506 = arith.muli %add3A_504, %mul3A_505 : i32
        %get3A_507 = arith.index_cast %mul3A_506 : i32 to index
        %get3A_508 = tpu.vector_load %arg10[%get3A_507] {strides = array<i32>} : memref<100000xf32, #tpu.memory_space<vmem>>, vector<16xf32>,
        %get3A_509 = vector.shape_cast %get3A_508 : vector<16xf32> to vector<16xf32>
        %add3A_510 = arith.constant 4 : i32
        %add3A_511 = arith.addi %mul3A_481, %add3A_510 : i32
        %mul3A_512 = arith.constant 16 : i32
        %mul3A_513 = arith.muli %add3A_511, %mul3A_512 : i32
        %get3A_514 = arith.index_cast %mul3A_513 : i32 to index
        %get3A_515 = tpu.vector_load %arg10[%get3A_514] {strides = array<i32>} : memref<100000xf32, #tpu.memory_space<vmem>>, vector<16xf32>,
        %get3A_516 = vector.shape_cast %get3A_515 : vector<16xf32> to vector<16xf32>
        %add3A_517 = arith.constant 5 : i32
        %add3A_518 = arith.addi %mul3A_481, %add3A_517 : i32
        %mul3A_519 = arith.constant 16 : i32
        %mul3A_520 = arith.muli %add3A_518, %mul3A_519 : i32
        %get3A_521 = arith.index_cast %mul3A_520 : i32 to index
        %get3A_522 = tpu.vector_load %arg10[%get3A_521] {strides = array<i32>} : memref<100000xf32, #tpu.memory_space<vmem>>, vector<16xf32>,
        %get3A_523 = vector.shape_cast %get3A_522 : vector<16xf32> to vector<16xf32>
        %add3A_524 = arith.constant 6 : i32
        %add3A_525 = arith.addi %mul3A_481, %add3A_524 : i32
        %mul3A_526 = arith.constant 16 : i32
        %mul3A_527 = arith.muli %add3A_525, %mul3A_526 : i32
        %get3A_528 = arith.index_cast %mul3A_527 : i32 to index
        %get3A_529 = tpu.vector_load %arg10[%get3A_528] {strides = array<i32>} : memref<100000xf32, #tpu.memory_space<vmem>>, vector<16xf32>,
        %get3A_530 = vector.shape_cast %get3A_529 : vector<16xf32> to vector<16xf32>
        %add3A_531 = arith.constant 7 : i32
        %add3A_532 = arith.addi %mul3A_481, %add3A_531 : i32
        %mul3A_533 = arith.constant 16 : i32
        %mul3A_534 = arith.muli %add3A_532, %mul3A_533 : i32
        %get3A_535 = arith.index_cast %mul3A_534 : i32 to index
        %get3A_536 = tpu.vector_load %arg10[%get3A_535] {strides = array<i32>} : memref<100000xf32, #tpu.memory_space<vmem>>, vector<16xf32>,
        %get3A_537 = vector.shape_cast %get3A_536 : vector<16xf32> to vector<16xf32>
        %add3A_538 = arith.constant 8 : i32
        %add3A_539 = arith.addi %mul3A_481, %add3A_538 : i32
        %mul3A_540 = arith.constant 16 : i32
        %mul3A_541 = arith.muli %add3A_539, %mul3A_540 : i32
        %get3A_542 = arith.index_cast %mul3A_541 : i32 to index
        %get3A_543 = tpu.vector_load %arg10[%get3A_542] {strides = array<i32>} : memref<100000xf32, #tpu.memory_space<vmem>>, vector<16xf32>,
        %get3A_544 = vector.shape_cast %get3A_543 : vector<16xf32> to vector<16xf32>
        %add3A_545 = arith.constant 9 : i32
        %add3A_546 = arith.addi %mul3A_481, %add3A_545 : i32
        %mul3A_547 = arith.constant 16 : i32
        %mul3A_548 = arith.muli %add3A_546, %mul3A_547 : i32
        %get3A_549 = arith.index_cast %mul3A_548 : i32 to index
        %get3A_550 = tpu.vector_load %arg10[%get3A_549] {strides = array<i32>} : memref<100000xf32, #tpu.memory_space<vmem>>, vector<16xf32>,
        %get3A_551 = vector.shape_cast %get3A_550 : vector<16xf32> to vector<16xf32>
        %max3A_552 = arith.maximumf %get3A_488, %get3A_495 : vector<16xf32>
        %max3A_553 = arith.maximumf %max3A_552, %get3A_502 : vector<16xf32>
        %max3A_554 = arith.maximumf %max3A_553, %get3A_509 : vector<16xf32>
        %max3A_555 = arith.maximumf %max3A_554, %get3A_516 : vector<16xf32>
        %max3A_556 = arith.maximumf %max3A_555, %get3A_523 : vector<16xf32>
        %max3A_557 = arith.maximumf %max3A_556, %get3A_530 : vector<16xf32>
        %max3A_558 = arith.maximumf %max3A_557, %get3A_537 : vector<16xf32>
        %max3A_559 = arith.maximumf %max3A_558, %get3A_544 : vector<16xf32>
        %max3A_560 = arith.maximumf %max3A_559, %get3A_551 : vector<16xf32>
        %iota3A_561 = tpu.iota {dimensions = array<i32: 0>} : vector<16xi32>
        %xor3A_562 = arith.constant 8 : i32
        %xor3A_563 = vector.broadcast %xor3A_562 : i32 to vector<16xi32>
        %xor3A_564 = arith.xori %iota3A_561, %xor3A_563 : vector<16xi32>
        %broadcast_in_dim3A_565 = vector.shape_cast %xor3A_564 : vector<16xi32> to vector<16x1xi32>
        %gather3A_566 = vector.shape_cast %broadcast_in_dim3A_565 : vector<16x1xi32> to vector<16xi32>
        %gather3A_567 = tpu.dynamic_gather %max3A_560[%gather3A_566] in [0] : vector<16xf32>, vector<16xi32> -> vector<16xf32>
        %max3A_568 = arith.maximumf %max3A_560, %gather3A_567 : vector<16xf32>
        %xor3A_569 = arith.constant 4 : i32
        %xor3A_570 = vector.broadcast %xor3A_569 : i32 to vector<16xi32>
        %xor3A_571 = arith.xori %iota3A_561, %xor3A_570 : vector<16xi32>
        %broadcast_in_dim3A_572 = vector.shape_cast %xor3A_571 : vector<16xi32> to vector<16x1xi32>
        %gather3A_573 = vector.shape_cast %broadcast_in_dim3A_572 : vector<16x1xi32> to vector<16xi32>
        %gather3A_574 = tpu.dynamic_gather %max3A_568[%gather3A_573] in [0] : vector<16xf32>, vector<16xi32> -> vector<16xf32>
        %max3A_575 = arith.maximumf %max3A_568, %gather3A_574 : vector<16xf32>
        %xor3A_576 = arith.constant 2 : i32
        %xor3A_577 = vector.broadcast %xor3A_576 : i32 to vector<16xi32>
        %xor3A_578 = arith.xori %iota3A_561, %xor3A_577 : vector<16xi32>
        %broadcast_in_dim3A_579 = vector.shape_cast %xor3A_578 : vector<16xi32> to vector<16x1xi32>
        %gather3A_580 = vector.shape_cast %broadcast_in_dim3A_579 : vector<16x1xi32> to vector<16xi32>
        %gather3A_581 = tpu.dynamic_gather %max3A_575[%gather3A_580] in [0] : vector<16xf32>, vector<16xi32> -> vector<16xf32>
        %max3A_582 = arith.maximumf %max3A_575, %gather3A_581 : vector<16xf32>
        %xor3A_583 = arith.constant 1 : i32
        %xor3A_584 = vector.broadcast %xor3A_583 : i32 to vector<16xi32>
        %xor3A_585 = arith.xori %iota3A_561, %xor3A_584 : vector<16xi32>
        %broadcast_in_dim3A_586 = vector.shape_cast %xor3A_585 : vector<16xi32> to vector<16x1xi32>
        %gather3A_587 = vector.shape_cast %broadcast_in_dim3A_586 : vector<16x1xi32> to vector<16xi32>
        %gather3A_588 = tpu.dynamic_gather %max3A_582[%gather3A_587] in [0] : vector<16xf32>, vector<16xi32> -> vector<16xf32>
        %max3A_589 = arith.maximumf %max3A_582, %gather3A_588 : vector<16xf32>
        %swap3A_590 = arith.constant 0 : index
        %swap3A_591 = tpu.vector_load %arg26[%swap3A_590] {strides = array<i32>} : memref<16xf32, #tpu.memory_space<vmem>>, vector<16xf32>,
        %swap3A_592 = vector.shape_cast %swap3A_591 : vector<16xf32> to vector<16xf32>
        %swap3A_593 = vector.shape_cast %max3A_589 : vector<16xf32> to vector<16xf32>
        tpu.vector_store %arg26[%swap3A_590], %swap3A_593 {strides = array<i32>} : memref<16xf32, #tpu.memory_space<vmem>>, vector<16xf32>,
        %get3A_594 = arith.constant 0 : index
        %get3A_595 = tpu.vector_load %arg26[%get3A_594] {strides = array<i32>} : memref<16xf32, #tpu.memory_space<vmem>>, vector<16xf32>,
        %get3A_596 = vector.shape_cast %get3A_595 : vector<16xf32> to vector<16xf32>
        %slice3A_597 = vector.extract_strided_slice %get3A_596 {offsets = [0], sizes = [1], strides = [1]} : vector<16xf32> to vector<1xf32>
        %squeeze3A_598 = vector.extract %slice3A_597[0] : f32 from vector<1xf32>
        %ge3A_599 = arith.cmpf oge, %squeeze3A_598, %select_n3A_384 : f32
        %convert_element_type3A_600 = arith.extui %ge3A_599 : i1 to i32
        %cond3A = arith.constant 0 : i32
        %cond3A_601 = arith.cmpi ne, %convert_element_type3A_600, %cond3A : i32
        %cond3A_602 = scf.if %cond3A_601 -> (i32) {
          %iota3A_603 = tpu.iota {dimensions = array<i32: 0>} : vector<16xi32>
          %xor3A_604 = arith.constant 8 : i32
          %xor3A_605 = vector.broadcast %xor3A_604 : i32 to vector<16xi32>
          %xor3A_606 = arith.xori %iota3A_603, %xor3A_605 : vector<16xi32>
          %broadcast_in_dim3A_607 = vector.shape_cast %xor3A_606 : vector<16xi32> to vector<16x1xi32>
          %gather3A_608 = vector.shape_cast %broadcast_in_dim3A_607 : vector<16x1xi32> to vector<16xi32>
          %gather3A_609 = tpu.dynamic_gather %get3A_488[%gather3A_608] in [0] : vector<16xf32>, vector<16xi32> -> vector<16xf32>
          %max3A_610 = arith.maximumf %get3A_488, %gather3A_609 : vector<16xf32>
          %xor3A_611 = arith.constant 4 : i32
          %xor3A_612 = vector.broadcast %xor3A_611 : i32 to vector<16xi32>
          %xor3A_613 = arith.xori %iota3A_603, %xor3A_612 : vector<16xi32>
          %broadcast_in_dim3A_614 = vector.shape_cast %xor3A_613 : vector<16xi32> to vector<16x1xi32>
          %gather3A_615 = vector.shape_cast %broadcast_in_dim3A_614 : vector<16x1xi32> to vector<16xi32>
          %gather3A_616 = tpu.dynamic_gather %max3A_610[%gather3A_615] in [0] : vector<16xf32>, vector<16xi32> -> vector<16xf32>
          %max3A_617 = arith.maximumf %max3A_610, %gather3A_616 : vector<16xf32>
          %xor3A_618 = arith.constant 2 : i32
          %xor3A_619 = vector.broadcast %xor3A_618 : i32 to vector<16xi32>
          %xor3A_620 = arith.xori %iota3A_603, %xor3A_619 : vector<16xi32>
          %broadcast_in_dim3A_621 = vector.shape_cast %xor3A_620 : vector<16xi32> to vector<16x1xi32>
          %gather3A_622 = vector.shape_cast %broadcast_in_dim3A_621 : vector<16x1xi32> to vector<16xi32>
          %gather3A_623 = tpu.dynamic_gather %max3A_617[%gather3A_622] in [0] : vector<16xf32>, vector<16xi32> -> vector<16xf32>
          %max3A_624 = arith.maximumf %max3A_617, %gather3A_623 : vector<16xf32>
          %xor3A_625 = arith.constant 1 : i32
          %xor3A_626 = vector.broadcast %xor3A_625 : i32 to vector<16xi32>
          %xor3A_627 = arith.xori %iota3A_603, %xor3A_626 : vector<16xi32>
          %broadcast_in_dim3A_628 = vector.shape_cast %xor3A_627 : vector<16xi32> to vector<16x1xi32>
          %gather3A_629 = vector.shape_cast %broadcast_in_dim3A_628 : vector<16x1xi32> to vector<16xi32>
          %gather3A_630 = tpu.dynamic_gather %max3A_624[%gather3A_629] in [0] : vector<16xf32>, vector<16xi32> -> vector<16xf32>
          %max3A_631 = arith.maximumf %max3A_624, %gather3A_630 : vector<16xf32>
          %swap3A_632 = arith.constant 0 : index
          %swap3A_633 = tpu.vector_load %arg26[%swap3A_632] {strides = array<i32>} : memref<16xf32, #tpu.memory_space<vmem>>, vector<16xf32>,
          %swap3A_634 = vector.shape_cast %swap3A_633 : vector<16xf32> to vector<16xf32>
          %swap3A_635 = vector.shape_cast %max3A_631 : vector<16xf32> to vector<16xf32>
          tpu.vector_store %arg26[%swap3A_632], %swap3A_635 {strides = array<i32>} : memref<16xf32, #tpu.memory_space<vmem>>, vector<16xf32>,
          %get3A_636 = arith.constant 0 : index
          %get3A_637 = tpu.vector_load %arg26[%get3A_636] {strides = array<i32>} : memref<16xf32, #tpu.memory_space<vmem>>, vector<16xf32>,
          %get3A_638 = vector.shape_cast %get3A_637 : vector<16xf32> to vector<16xf32>
          %slice3A_639 = vector.extract_strided_slice %get3A_638 {offsets = [0], sizes = [1], strides = [1]} : vector<16xf32> to vector<1xf32>
          %squeeze3A_640 = vector.extract %slice3A_639[0] : f32 from vector<1xf32>
          %ge3A_641 = arith.cmpf oge, %squeeze3A_640, %select_n3A_384 : f32
          %lt3A_642 = arith.constant 384 : i32
          %lt3A_643 = arith.cmpi slt, %scan3A_479, %lt3A_642 : i32
          %and3A_644 = arith.andi %ge3A_641, %lt3A_643 : i1
          %add3A_645 = arith.constant 0 : i32
          %add3A_646 = arith.addi %mul3A_481, %add3A_645 : i32
          %convert_element_type3A_647 = arith.extui %and3A_644 : i1 to i32
          %cond3A_648 = arith.constant 0 : i32
          %cond3A_649 = arith.cmpi ne, %convert_element_type3A_647, %cond3A_648 : i32
          %cond3A_650 = scf.if %cond3A_649 -> (i32) {
            %mul3A_1083 = arith.constant 16 : i32
            %mul3A_1084 = arith.muli %add3A_646, %mul3A_1083 : i32
            %get3A_1085 = arith.index_cast %mul3A_1084 : i32 to index
            %get3A_1086 = tpu.vector_load %arg10[%get3A_1085] {strides = array<i32>} : memref<100000xf32, #tpu.memory_space<vmem>>, vector<16xf32>,
            %get3A_1087 = vector.shape_cast %get3A_1086 : vector<16xf32> to vector<16xf32>
            %ge3A_1088 = vector.broadcast %select_n3A_384 : f32 to vector<16xf32>
            %ge3A_1089 = arith.cmpf oge, %get3A_1087, %ge3A_1088 : vector<16xf32>
            %sub3A_1090 = vector.broadcast %squeeze3A_58 : f32 to vector<16xf32>
            %sub3A_1091 = arith.subf %get3A_1087, %sub3A_1090 : vector<16xf32>
            %sub3A_1092 = vector.broadcast %squeeze3A_183 : f32 to vector<16xf32>
            %sub3A_1093 = arith.subf %sub3A_1091, %sub3A_1092 : vector<16xf32>
            %jit3A_1094 = arith.constant -3.000000e+38 : f32
            %broadcast_in_dim3A_1095 = vector.broadcast %jit3A_1094 : f32 to vector<16xf32>
            %select_n3A_1096 = arith.select %ge3A_1089, %sub3A_1093, %broadcast_in_dim3A_1095 : vector<16xi1>, vector<16xf32>
            %mul3A_1097 = arith.constant 16 : i32
            %mul3A_1098 = arith.muli %scan3A_479, %mul3A_1097 : i32
            %swap3A_1099 = arith.index_cast %mul3A_1098 : i32 to index
            %swap3A_1100 = tpu.vector_load %arg11[%swap3A_1099] {strides = array<i32>} : memref<6144xf32, #tpu.memory_space<vmem>>, vector<16xf32>,
            %swap3A_1101 = vector.shape_cast %swap3A_1100 : vector<16xf32> to vector<16xf32>
            %swap3A_1102 = vector.shape_cast %select_n3A_1096 : vector<16xf32> to vector<16xf32>
            tpu.vector_store %arg11[%swap3A_1099], %swap3A_1102 {strides = array<i32>} : memref<6144xf32, #tpu.memory_space<vmem>>, vector<16xf32>,
            %mul3A_1103 = arith.constant 16 : i32
            %mul3A_1104 = arith.muli %scan3A_479, %mul3A_1103 : i32
            %swap3A_1105 = arith.index_cast %mul3A_1104 : i32 to index
            %swap3A_1106 = tpu.vector_load %arg12[%swap3A_1105] {strides = array<i32>} : memref<6144xf32, #tpu.memory_space<vmem>>, vector<16xf32>,
            %swap3A_1107 = vector.shape_cast %swap3A_1106 : vector<16xf32> to vector<16xf32>
            %swap3A_1108 = vector.shape_cast %get3A_1087 : vector<16xf32> to vector<16xf32>
            tpu.vector_store %arg12[%swap3A_1105], %swap3A_1108 {strides = array<i32>} : memref<6144xf32, #tpu.memory_space<vmem>>, vector<16xf32>,
            %mul3A_1109 = arith.constant 16 : i32
            %mul3A_1110 = arith.muli %add3A_646, %mul3A_1109 : i32
            %add3A_1111 = vector.broadcast %mul3A_1110 : i32 to vector<16xi32>
            %add3A_1112 = arith.addi %add3A_1111, %iota3A : vector<16xi32>
            %mul3A_1113 = arith.constant 16 : i32
            %mul3A_1114 = arith.muli %scan3A_479, %mul3A_1113 : i32
            %swap3A_1115 = arith.index_cast %mul3A_1114 : i32 to index
            %swap3A_1116 = tpu.vector_load %arg13[%swap3A_1115] {strides = array<i32>} : memref<6144xi32, #tpu.memory_space<vmem>>, vector<16xi32>,
            %swap3A_1117 = vector.shape_cast %swap3A_1116 : vector<16xi32> to vector<16xi32>
            %swap3A_1118 = vector.shape_cast %add3A_1112 : vector<16xi32> to vector<16xi32>
            tpu.vector_store %arg13[%swap3A_1115], %swap3A_1118 {strides = array<i32>} : memref<6144xi32, #tpu.memory_space<vmem>>, vector<16xi32>,
            %iota3A_1119 = tpu.iota {dimensions = array<i32: 0>} : vector<16xi32>
            %xor3A_1120 = arith.constant 8 : i32
            %xor3A_1121 = vector.broadcast %xor3A_1120 : i32 to vector<16xi32>
            %xor3A_1122 = arith.xori %iota3A_1119, %xor3A_1121 : vector<16xi32>
            %broadcast_in_dim3A_1123 = vector.shape_cast %xor3A_1122 : vector<16xi32> to vector<16x1xi32>
            %gather3A_1124 = vector.shape_cast %broadcast_in_dim3A_1123 : vector<16x1xi32> to vector<16xi32>
            %gather3A_1125 = tpu.dynamic_gather %select_n3A_1096[%gather3A_1124] in [0] : vector<16xf32>, vector<16xi32> -> vector<16xf32>
            %max3A_1126 = arith.maximumf %select_n3A_1096, %gather3A_1125 : vector<16xf32>
            %xor3A_1127 = arith.constant 4 : i32
            %xor3A_1128 = vector.broadcast %xor3A_1127 : i32 to vector<16xi32>
            %xor3A_1129 = arith.xori %iota3A_1119, %xor3A_1128 : vector<16xi32>
            %broadcast_in_dim3A_1130 = vector.shape_cast %xor3A_1129 : vector<16xi32> to vector<16x1xi32>
            %gather3A_1131 = vector.shape_cast %broadcast_in_dim3A_1130 : vector<16x1xi32> to vector<16xi32>
            %gather3A_1132 = tpu.dynamic_gather %max3A_1126[%gather3A_1131] in [0] : vector<16xf32>, vector<16xi32> -> vector<16xf32>
            %max3A_1133 = arith.maximumf %max3A_1126, %gather3A_1132 : vector<16xf32>
            %xor3A_1134 = arith.constant 2 : i32
            %xor3A_1135 = vector.broadcast %xor3A_1134 : i32 to vector<16xi32>
            %xor3A_1136 = arith.xori %iota3A_1119, %xor3A_1135 : vector<16xi32>
            %broadcast_in_dim3A_1137 = vector.shape_cast %xor3A_1136 : vector<16xi32> to vector<16x1xi32>
            %gather3A_1138 = vector.shape_cast %broadcast_in_dim3A_1137 : vector<16x1xi32> to vector<16xi32>
            %gather3A_1139 = tpu.dynamic_gather %max3A_1133[%gather3A_1138] in [0] : vector<16xf32>, vector<16xi32> -> vector<16xf32>
            %max3A_1140 = arith.maximumf %max3A_1133, %gather3A_1139 : vector<16xf32>
            %xor3A_1141 = arith.constant 1 : i32
            %xor3A_1142 = vector.broadcast %xor3A_1141 : i32 to vector<16xi32>
            %xor3A_1143 = arith.xori %iota3A_1119, %xor3A_1142 : vector<16xi32>
            %broadcast_in_dim3A_1144 = vector.shape_cast %xor3A_1143 : vector<16xi32> to vector<16x1xi32>
            %gather3A_1145 = vector.shape_cast %broadcast_in_dim3A_1144 : vector<16x1xi32> to vector<16xi32>
            %gather3A_1146 = tpu.dynamic_gather %max3A_1140[%gather3A_1145] in [0] : vector<16xf32>, vector<16xi32> -> vector<16xf32>
            %max3A_1147 = arith.maximumf %max3A_1140, %gather3A_1146 : vector<16xf32>
            %swap3A_1148 = arith.constant 0 : index
            %swap3A_1149 = tpu.vector_load %arg26[%swap3A_1148] {strides = array<i32>} : memref<16xf32, #tpu.memory_space<vmem>>, vector<16xf32>,
            %swap3A_1150 = vector.shape_cast %swap3A_1149 : vector<16xf32> to vector<16xf32>
            %swap3A_1151 = vector.shape_cast %max3A_1147 : vector<16xf32> to vector<16xf32>
            tpu.vector_store %arg26[%swap3A_1148], %swap3A_1151 {strides = array<i32>} : memref<16xf32, #tpu.memory_space<vmem>>, vector<16xf32>,
            %get3A_1152 = arith.constant 0 : index
            %get3A_1153 = tpu.vector_load %arg26[%get3A_1152] {strides = array<i32>} : memref<16xf32, #tpu.memory_space<vmem>>, vector<16xf32>,
            %get3A_1154 = vector.shape_cast %get3A_1153 : vector<16xf32> to vector<16xf32>
            %slice3A_1155 = vector.extract_strided_slice %get3A_1154 {offsets = [0], sizes = [1], strides = [1]} : vector<16xf32> to vector<1xf32>
            %squeeze3A_1156 = vector.extract %slice3A_1155[0] : f32 from vector<1xf32>
            %jit3A_1157 = arith.constant 16 : i32
            %div3A_1158 = arith.divsi %scan3A_479, %jit3A_1157 : i32
            %sign3A = arith.constant 0 : i32
            %sign3A_1159 = arith.cmpi sgt, %scan3A_479, %sign3A : i32
            %sign3A_1160 = arith.extui %sign3A_1159 : i1 to i32
            %sign3A_1161 = arith.constant 0 : i32
            %sign3A_1162 = arith.cmpi slt, %scan3A_479, %sign3A_1161 : i32
            %sign3A_1163 = arith.extui %sign3A_1162 : i1 to i32
            %sign3A_1164 = arith.subi %sign3A_1160, %sign3A_1163 : i32
            %sign3A_1165 = arith.constant 0 : i32
            %sign3A_1166 = arith.cmpi sgt, %jit3A_1157, %sign3A_1165 : i32
            %sign3A_1167 = arith.extui %sign3A_1166 : i1 to i32
            %sign3A_1168 = arith.constant 0 : i32
            %sign3A_1169 = arith.cmpi slt, %jit3A_1157, %sign3A_1168 : i32
            %sign3A_1170 = arith.extui %sign3A_1169 : i1 to i32
            %sign3A_1171 = arith.subi %sign3A_1167, %sign3A_1170 : i32
            %ne3A = arith.cmpi ne, %sign3A_1164, %sign3A_1171 : i32
            %rem3A = arith.remsi %scan3A_479, %jit3A_1157 : i32
            %ne3A_1172 = arith.constant 0 : i32
            %ne3A_1173 = arith.cmpi ne, %rem3A, %ne3A_1172 : i32
            %and3A_1174 = arith.andi %ne3A, %ne3A_1173 : i1
            %sub3A_1175 = arith.constant 1 : i32
            %sub3A_1176 = arith.subi %div3A_1158, %sub3A_1175 : i32
            %select_n3A_1177 = arith.select %and3A_1174, %sub3A_1176, %div3A_1158 : i32
            %mul3A_1178 = arith.constant 16 : i32
            %mul3A_1179 = arith.muli %select_n3A_1177, %mul3A_1178 : i32
            %get3A_1180 = arith.index_cast %mul3A_1179 : i32 to index
            %get3A_1181 = tpu.vector_load %arg14[%get3A_1180] {strides = array<i32>} : memref<512xf32, #tpu.memory_space<vmem>>, vector<16xf32>,
            %get3A_1182 = vector.shape_cast %get3A_1181 : vector<16xf32> to vector<16xf32>
            %jit3A_1183 = arith.constant 16 : i32
            %eq3A = arith.constant 0 : i32
            %eq3A_1184 = arith.cmpi eq, %jit3A_1183, %eq3A : i32
            %jit3A_1185 = arith.constant 1 : i32
            %select_n3A_1186 = arith.select %eq3A_1184, %jit3A_1185, %jit3A_1183 : i32
            %rem3A_1187 = arith.remsi %scan3A_479, %select_n3A_1186 : i32
            %ne3A_1188 = arith.constant 0 : i32
            %ne3A_1189 = arith.cmpi ne, %rem3A_1187, %ne3A_1188 : i32
            %lt3A_1190 = arith.constant 0 : i32
            %lt3A_1191 = arith.cmpi slt, %rem3A_1187, %lt3A_1190 : i32
            %lt3A_1192 = arith.constant 0 : i32
            %lt3A_1193 = arith.cmpi slt, %select_n3A_1186, %lt3A_1192 : i32
            %ne3A_1194 = arith.xori %lt3A_1191, %lt3A_1193 : i1
            %and3A_1195 = arith.andi %ne3A_1194, %ne3A_1189 : i1
            %add3A_1196 = arith.addi %rem3A_1187, %select_n3A_1186 : i32
            %select_n3A_1197 = arith.select %and3A_1195, %add3A_1196, %rem3A_1187 : i32
            %eq3A_1198 = vector.broadcast %select_n3A_1197 : i32 to vector<16xi32>
            %eq3A_1199 = arith.cmpi eq, %iota3A, %eq3A_1198 : vector<16xi32>
            %broadcast_in_dim3A_1200 = vector.broadcast %squeeze3A_1156 : f32 to vector<16xf32>
            %select_n3A_1201 = arith.select %eq3A_1199, %broadcast_in_dim3A_1200, %get3A_1182 : vector<16xi1>, vector<16xf32>
            %swap3A_1202 = arith.index_cast %mul3A_1179 : i32 to index
            %swap3A_1203 = tpu.vector_load %arg14[%swap3A_1202] {strides = array<i32>} : memref<512xf32, #tpu.memory_space<vmem>>, vector<16xf32>,
            %swap3A_1204 = vector.shape_cast %swap3A_1203 : vector<16xf32> to vector<16xf32>
            %swap3A_1205 = vector.shape_cast %select_n3A_1201 : vector<16xf32> to vector<16xf32>
            tpu.vector_store %arg14[%swap3A_1202], %swap3A_1205 {strides = array<i32>} : memref<512xf32, #tpu.memory_space<vmem>>, vector<16xf32>,
            %add3A_1206 = arith.constant 1 : i32
            %add3A_1207 = arith.addi %scan3A_479, %add3A_1206 : i32
            scf.yield %add3A_1207 : i32
          } else {
            scf.yield %scan3A_479 : i32
          }
          %iota3A_651 = tpu.iota {dimensions = array<i32: 0>} : vector<16xi32>
          %xor3A_652 = arith.constant 8 : i32
          %xor3A_653 = vector.broadcast %xor3A_652 : i32 to vector<16xi32>
          %xor3A_654 = arith.xori %iota3A_651, %xor3A_653 : vector<16xi32>
          %broadcast_in_dim3A_655 = vector.shape_cast %xor3A_654 : vector<16xi32> to vector<16x1xi32>
          %gather3A_656 = vector.shape_cast %broadcast_in_dim3A_655 : vector<16x1xi32> to vector<16xi32>
          %gather3A_657 = tpu.dynamic_gather %get3A_495[%gather3A_656] in [0] : vector<16xf32>, vector<16xi32> -> vector<16xf32>
          %max3A_658 = arith.maximumf %get3A_495, %gather3A_657 : vector<16xf32>
          %xor3A_659 = arith.constant 4 : i32
          %xor3A_660 = vector.broadcast %xor3A_659 : i32 to vector<16xi32>
          %xor3A_661 = arith.xori %iota3A_651, %xor3A_660 : vector<16xi32>
          %broadcast_in_dim3A_662 = vector.shape_cast %xor3A_661 : vector<16xi32> to vector<16x1xi32>
          %gather3A_663 = vector.shape_cast %broadcast_in_dim3A_662 : vector<16x1xi32> to vector<16xi32>
          %gather3A_664 = tpu.dynamic_gather %max3A_658[%gather3A_663] in [0] : vector<16xf32>, vector<16xi32> -> vector<16xf32>
          %max3A_665 = arith.maximumf %max3A_658, %gather3A_664 : vector<16xf32>
          %xor3A_666 = arith.constant 2 : i32
          %xor3A_667 = vector.broadcast %xor3A_666 : i32 to vector<16xi32>
          %xor3A_668 = arith.xori %iota3A_651, %xor3A_667 : vector<16xi32>
          %broadcast_in_dim3A_669 = vector.shape_cast %xor3A_668 : vector<16xi32> to vector<16x1xi32>
          %gather3A_670 = vector.shape_cast %broadcast_in_dim3A_669 : vector<16x1xi32> to vector<16xi32>
          %gather3A_671 = tpu.dynamic_gather %max3A_665[%gather3A_670] in [0] : vector<16xf32>, vector<16xi32> -> vector<16xf32>
          %max3A_672 = arith.maximumf %max3A_665, %gather3A_671 : vector<16xf32>
          %xor3A_673 = arith.constant 1 : i32
          %xor3A_674 = vector.broadcast %xor3A_673 : i32 to vector<16xi32>
          %xor3A_675 = arith.xori %iota3A_651, %xor3A_674 : vector<16xi32>
          %broadcast_in_dim3A_676 = vector.shape_cast %xor3A_675 : vector<16xi32> to vector<16x1xi32>
          %gather3A_677 = vector.shape_cast %broadcast_in_dim3A_676 : vector<16x1xi32> to vector<16xi32>
          %gather3A_678 = tpu.dynamic_gather %max3A_672[%gather3A_677] in [0] : vector<16xf32>, vector<16xi32> -> vector<16xf32>
          %max3A_679 = arith.maximumf %max3A_672, %gather3A_678 : vector<16xf32>
          %swap3A_680 = arith.constant 0 : index
          %swap3A_681 = tpu.vector_load %arg26[%swap3A_680] {strides = array<i32>} : memref<16xf32, #tpu.memory_space<vmem>>, vector<16xf32>,
          %swap3A_682 = vector.shape_cast %swap3A_681 : vector<16xf32> to vector<16xf32>
          %swap3A_683 = vector.shape_cast %max3A_679 : vector<16xf32> to vector<16xf32>
          tpu.vector_store %arg26[%swap3A_680], %swap3A_683 {strides = array<i32>} : memref<16xf32, #tpu.memory_space<vmem>>, vector<16xf32>,
          %get3A_684 = arith.constant 0 : index
          %get3A_685 = tpu.vector_load %arg26[%get3A_684] {strides = array<i32>} : memref<16xf32, #tpu.memory_space<vmem>>, vector<16xf32>,
          %get3A_686 = vector.shape_cast %get3A_685 : vector<16xf32> to vector<16xf32>
          %slice3A_687 = vector.extract_strided_slice %get3A_686 {offsets = [0], sizes = [1], strides = [1]} : vector<16xf32> to vector<1xf32>
          %squeeze3A_688 = vector.extract %slice3A_687[0] : f32 from vector<1xf32>
          %ge3A_689 = arith.cmpf oge, %squeeze3A_688, %select_n3A_384 : f32
          %lt3A_690 = arith.constant 384 : i32
          %lt3A_691 = arith.cmpi slt, %cond3A_650, %lt3A_690 : i32
          %and3A_692 = arith.andi %ge3A_689, %lt3A_691 : i1
          %add3A_693 = arith.constant 1 : i32
          %add3A_694 = arith.addi %mul3A_481, %add3A_693 : i32
          %convert_element_type3A_695 = arith.extui %and3A_692 : i1 to i32
          %cond3A_696 = arith.constant 0 : i32
          %cond3A_697 = arith.cmpi ne, %convert_element_type3A_695, %cond3A_696 : i32
          %cond3A_698 = scf.if %cond3A_697 -> (i32) {
            %mul3A_1083 = arith.constant 16 : i32
            %mul3A_1084 = arith.muli %add3A_694, %mul3A_1083 : i32
            %get3A_1085 = arith.index_cast %mul3A_1084 : i32 to index
            %get3A_1086 = tpu.vector_load %arg10[%get3A_1085] {strides = array<i32>} : memref<100000xf32, #tpu.memory_space<vmem>>, vector<16xf32>,
            %get3A_1087 = vector.shape_cast %get3A_1086 : vector<16xf32> to vector<16xf32>
            %ge3A_1088 = vector.broadcast %select_n3A_384 : f32 to vector<16xf32>
            %ge3A_1089 = arith.cmpf oge, %get3A_1087, %ge3A_1088 : vector<16xf32>
            %sub3A_1090 = vector.broadcast %squeeze3A_58 : f32 to vector<16xf32>
            %sub3A_1091 = arith.subf %get3A_1087, %sub3A_1090 : vector<16xf32>
            %sub3A_1092 = vector.broadcast %squeeze3A_183 : f32 to vector<16xf32>
            %sub3A_1093 = arith.subf %sub3A_1091, %sub3A_1092 : vector<16xf32>
            %jit3A_1094 = arith.constant -3.000000e+38 : f32
            %broadcast_in_dim3A_1095 = vector.broadcast %jit3A_1094 : f32 to vector<16xf32>
            %select_n3A_1096 = arith.select %ge3A_1089, %sub3A_1093, %broadcast_in_dim3A_1095 : vector<16xi1>, vector<16xf32>
            %mul3A_1097 = arith.constant 16 : i32
            %mul3A_1098 = arith.muli %cond3A_650, %mul3A_1097 : i32
            %swap3A_1099 = arith.index_cast %mul3A_1098 : i32 to index
            %swap3A_1100 = tpu.vector_load %arg11[%swap3A_1099] {strides = array<i32>} : memref<6144xf32, #tpu.memory_space<vmem>>, vector<16xf32>,
            %swap3A_1101 = vector.shape_cast %swap3A_1100 : vector<16xf32> to vector<16xf32>
            %swap3A_1102 = vector.shape_cast %select_n3A_1096 : vector<16xf32> to vector<16xf32>
            tpu.vector_store %arg11[%swap3A_1099], %swap3A_1102 {strides = array<i32>} : memref<6144xf32, #tpu.memory_space<vmem>>, vector<16xf32>,
            %mul3A_1103 = arith.constant 16 : i32
            %mul3A_1104 = arith.muli %cond3A_650, %mul3A_1103 : i32
            %swap3A_1105 = arith.index_cast %mul3A_1104 : i32 to index
            %swap3A_1106 = tpu.vector_load %arg12[%swap3A_1105] {strides = array<i32>} : memref<6144xf32, #tpu.memory_space<vmem>>, vector<16xf32>,
            %swap3A_1107 = vector.shape_cast %swap3A_1106 : vector<16xf32> to vector<16xf32>
            %swap3A_1108 = vector.shape_cast %get3A_1087 : vector<16xf32> to vector<16xf32>
            tpu.vector_store %arg12[%swap3A_1105], %swap3A_1108 {strides = array<i32>} : memref<6144xf32, #tpu.memory_space<vmem>>, vector<16xf32>,
            %mul3A_1109 = arith.constant 16 : i32
            %mul3A_1110 = arith.muli %add3A_694, %mul3A_1109 : i32
            %add3A_1111 = vector.broadcast %mul3A_1110 : i32 to vector<16xi32>
            %add3A_1112 = arith.addi %add3A_1111, %iota3A : vector<16xi32>
            %mul3A_1113 = arith.constant 16 : i32
            %mul3A_1114 = arith.muli %cond3A_650, %mul3A_1113 : i32
            %swap3A_1115 = arith.index_cast %mul3A_1114 : i32 to index
            %swap3A_1116 = tpu.vector_load %arg13[%swap3A_1115] {strides = array<i32>} : memref<6144xi32, #tpu.memory_space<vmem>>, vector<16xi32>,
            %swap3A_1117 = vector.shape_cast %swap3A_1116 : vector<16xi32> to vector<16xi32>
            %swap3A_1118 = vector.shape_cast %add3A_1112 : vector<16xi32> to vector<16xi32>
            tpu.vector_store %arg13[%swap3A_1115], %swap3A_1118 {strides = array<i32>} : memref<6144xi32, #tpu.memory_space<vmem>>, vector<16xi32>,
            %iota3A_1119 = tpu.iota {dimensions = array<i32: 0>} : vector<16xi32>
            %xor3A_1120 = arith.constant 8 : i32
            %xor3A_1121 = vector.broadcast %xor3A_1120 : i32 to vector<16xi32>
            %xor3A_1122 = arith.xori %iota3A_1119, %xor3A_1121 : vector<16xi32>
            %broadcast_in_dim3A_1123 = vector.shape_cast %xor3A_1122 : vector<16xi32> to vector<16x1xi32>
            %gather3A_1124 = vector.shape_cast %broadcast_in_dim3A_1123 : vector<16x1xi32> to vector<16xi32>
            %gather3A_1125 = tpu.dynamic_gather %select_n3A_1096[%gather3A_1124] in [0] : vector<16xf32>, vector<16xi32> -> vector<16xf32>
            %max3A_1126 = arith.maximumf %select_n3A_1096, %gather3A_1125 : vector<16xf32>
            %xor3A_1127 = arith.constant 4 : i32
            %xor3A_1128 = vector.broadcast %xor3A_1127 : i32 to vector<16xi32>
            %xor3A_1129 = arith.xori %iota3A_1119, %xor3A_1128 : vector<16xi32>
            %broadcast_in_dim3A_1130 = vector.shape_cast %xor3A_1129 : vector<16xi32> to vector<16x1xi32>
            %gather3A_1131 = vector.shape_cast %broadcast_in_dim3A_1130 : vector<16x1xi32> to vector<16xi32>
            %gather3A_1132 = tpu.dynamic_gather %max3A_1126[%gather3A_1131] in [0] : vector<16xf32>, vector<16xi32> -> vector<16xf32>
            %max3A_1133 = arith.maximumf %max3A_1126, %gather3A_1132 : vector<16xf32>
            %xor3A_1134 = arith.constant 2 : i32
            %xor3A_1135 = vector.broadcast %xor3A_1134 : i32 to vector<16xi32>
            %xor3A_1136 = arith.xori %iota3A_1119, %xor3A_1135 : vector<16xi32>
            %broadcast_in_dim3A_1137 = vector.shape_cast %xor3A_1136 : vector<16xi32> to vector<16x1xi32>
            %gather3A_1138 = vector.shape_cast %broadcast_in_dim3A_1137 : vector<16x1xi32> to vector<16xi32>
            %gather3A_1139 = tpu.dynamic_gather %max3A_1133[%gather3A_1138] in [0] : vector<16xf32>, vector<16xi32> -> vector<16xf32>
            %max3A_1140 = arith.maximumf %max3A_1133, %gather3A_1139 : vector<16xf32>
            %xor3A_1141 = arith.constant 1 : i32
            %xor3A_1142 = vector.broadcast %xor3A_1141 : i32 to vector<16xi32>
            %xor3A_1143 = arith.xori %iota3A_1119, %xor3A_1142 : vector<16xi32>
            %broadcast_in_dim3A_1144 = vector.shape_cast %xor3A_1143 : vector<16xi32> to vector<16x1xi32>
            %gather3A_1145 = vector.shape_cast %broadcast_in_dim3A_1144 : vector<16x1xi32> to vector<16xi32>
            %gather3A_1146 = tpu.dynamic_gather %max3A_1140[%gather3A_1145] in [0] : vector<16xf32>, vector<16xi32> -> vector<16xf32>
            %max3A_1147 = arith.maximumf %max3A_1140, %gather3A_1146 : vector<16xf32>
            %swap3A_1148 = arith.constant 0 : index
            %swap3A_1149 = tpu.vector_load %arg26[%swap3A_1148] {strides = array<i32>} : memref<16xf32, #tpu.memory_space<vmem>>, vector<16xf32>,
            %swap3A_1150 = vector.shape_cast %swap3A_1149 : vector<16xf32> to vector<16xf32>
            %swap3A_1151 = vector.shape_cast %max3A_1147 : vector<16xf32> to vector<16xf32>
            tpu.vector_store %arg26[%swap3A_1148], %swap3A_1151 {strides = array<i32>} : memref<16xf32, #tpu.memory_space<vmem>>, vector<16xf32>,
            %get3A_1152 = arith.constant 0 : index
            %get3A_1153 = tpu.vector_load %arg26[%get3A_1152] {strides = array<i32>} : memref<16xf32, #tpu.memory_space<vmem>>, vector<16xf32>,
            %get3A_1154 = vector.shape_cast %get3A_1153 : vector<16xf32> to vector<16xf32>
            %slice3A_1155 = vector.extract_strided_slice %get3A_1154 {offsets = [0], sizes = [1], strides = [1]} : vector<16xf32> to vector<1xf32>
            %squeeze3A_1156 = vector.extract %slice3A_1155[0] : f32 from vector<1xf32>
            %jit3A_1157 = arith.constant 16 : i32
            %div3A_1158 = arith.divsi %cond3A_650, %jit3A_1157 : i32
            %sign3A = arith.constant 0 : i32
            %sign3A_1159 = arith.cmpi sgt, %cond3A_650, %sign3A : i32
            %sign3A_1160 = arith.extui %sign3A_1159 : i1 to i32
            %sign3A_1161 = arith.constant 0 : i32
            %sign3A_1162 = arith.cmpi slt, %cond3A_650, %sign3A_1161 : i32
            %sign3A_1163 = arith.extui %sign3A_1162 : i1 to i32
            %sign3A_1164 = arith.subi %sign3A_1160, %sign3A_1163 : i32
            %sign3A_1165 = arith.constant 0 : i32
            %sign3A_1166 = arith.cmpi sgt, %jit3A_1157, %sign3A_1165 : i32
            %sign3A_1167 = arith.extui %sign3A_1166 : i1 to i32
            %sign3A_1168 = arith.constant 0 : i32
            %sign3A_1169 = arith.cmpi slt, %jit3A_1157, %sign3A_1168 : i32
            %sign3A_1170 = arith.extui %sign3A_1169 : i1 to i32
            %sign3A_1171 = arith.subi %sign3A_1167, %sign3A_1170 : i32
            %ne3A = arith.cmpi ne, %sign3A_1164, %sign3A_1171 : i32
            %rem3A = arith.remsi %cond3A_650, %jit3A_1157 : i32
            %ne3A_1172 = arith.constant 0 : i32
            %ne3A_1173 = arith.cmpi ne, %rem3A, %ne3A_1172 : i32
            %and3A_1174 = arith.andi %ne3A, %ne3A_1173 : i1
            %sub3A_1175 = arith.constant 1 : i32
            %sub3A_1176 = arith.subi %div3A_1158, %sub3A_1175 : i32
            %select_n3A_1177 = arith.select %and3A_1174, %sub3A_1176, %div3A_1158 : i32
            %mul3A_1178 = arith.constant 16 : i32
            %mul3A_1179 = arith.muli %select_n3A_1177, %mul3A_1178 : i32
            %get3A_1180 = arith.index_cast %mul3A_1179 : i32 to index
            %get3A_1181 = tpu.vector_load %arg14[%get3A_1180] {strides = array<i32>} : memref<512xf32, #tpu.memory_space<vmem>>, vector<16xf32>,
            %get3A_1182 = vector.shape_cast %get3A_1181 : vector<16xf32> to vector<16xf32>
            %jit3A_1183 = arith.constant 16 : i32
            %eq3A = arith.constant 0 : i32
            %eq3A_1184 = arith.cmpi eq, %jit3A_1183, %eq3A : i32
            %jit3A_1185 = arith.constant 1 : i32
            %select_n3A_1186 = arith.select %eq3A_1184, %jit3A_1185, %jit3A_1183 : i32
            %rem3A_1187 = arith.remsi %cond3A_650, %select_n3A_1186 : i32
            %ne3A_1188 = arith.constant 0 : i32
            %ne3A_1189 = arith.cmpi ne, %rem3A_1187, %ne3A_1188 : i32
            %lt3A_1190 = arith.constant 0 : i32
            %lt3A_1191 = arith.cmpi slt, %rem3A_1187, %lt3A_1190 : i32
            %lt3A_1192 = arith.constant 0 : i32
            %lt3A_1193 = arith.cmpi slt, %select_n3A_1186, %lt3A_1192 : i32
            %ne3A_1194 = arith.xori %lt3A_1191, %lt3A_1193 : i1
            %and3A_1195 = arith.andi %ne3A_1194, %ne3A_1189 : i1
            %add3A_1196 = arith.addi %rem3A_1187, %select_n3A_1186 : i32
            %select_n3A_1197 = arith.select %and3A_1195, %add3A_1196, %rem3A_1187 : i32
            %eq3A_1198 = vector.broadcast %select_n3A_1197 : i32 to vector<16xi32>
            %eq3A_1199 = arith.cmpi eq, %iota3A, %eq3A_1198 : vector<16xi32>
            %broadcast_in_dim3A_1200 = vector.broadcast %squeeze3A_1156 : f32 to vector<16xf32>
            %select_n3A_1201 = arith.select %eq3A_1199, %broadcast_in_dim3A_1200, %get3A_1182 : vector<16xi1>, vector<16xf32>
            %swap3A_1202 = arith.index_cast %mul3A_1179 : i32 to index
            %swap3A_1203 = tpu.vector_load %arg14[%swap3A_1202] {strides = array<i32>} : memref<512xf32, #tpu.memory_space<vmem>>, vector<16xf32>,
            %swap3A_1204 = vector.shape_cast %swap3A_1203 : vector<16xf32> to vector<16xf32>
            %swap3A_1205 = vector.shape_cast %select_n3A_1201 : vector<16xf32> to vector<16xf32>
            tpu.vector_store %arg14[%swap3A_1202], %swap3A_1205 {strides = array<i32>} : memref<512xf32, #tpu.memory_space<vmem>>, vector<16xf32>,
            %add3A_1206 = arith.constant 1 : i32
            %add3A_1207 = arith.addi %cond3A_650, %add3A_1206 : i32
            scf.yield %add3A_1207 : i32
          } else {
            scf.yield %cond3A_650 : i32
          }
          %iota3A_699 = tpu.iota {dimensions = array<i32: 0>} : vector<16xi32>
          %xor3A_700 = arith.constant 8 : i32
          %xor3A_701 = vector.broadcast %xor3A_700 : i32 to vector<16xi32>
          %xor3A_702 = arith.xori %iota3A_699, %xor3A_701 : vector<16xi32>
          %broadcast_in_dim3A_703 = vector.shape_cast %xor3A_702 : vector<16xi32> to vector<16x1xi32>
          %gather3A_704 = vector.shape_cast %broadcast_in_dim3A_703 : vector<16x1xi32> to vector<16xi32>
          %gather3A_705 = tpu.dynamic_gather %get3A_502[%gather3A_704] in [0] : vector<16xf32>, vector<16xi32> -> vector<16xf32>
          %max3A_706 = arith.maximumf %get3A_502, %gather3A_705 : vector<16xf32>
          %xor3A_707 = arith.constant 4 : i32
          %xor3A_708 = vector.broadcast %xor3A_707 : i32 to vector<16xi32>
          %xor3A_709 = arith.xori %iota3A_699, %xor3A_708 : vector<16xi32>
          %broadcast_in_dim3A_710 = vector.shape_cast %xor3A_709 : vector<16xi32> to vector<16x1xi32>
          %gather3A_711 = vector.shape_cast %broadcast_in_dim3A_710 : vector<16x1xi32> to vector<16xi32>
          %gather3A_712 = tpu.dynamic_gather %max3A_706[%gather3A_711] in [0] : vector<16xf32>, vector<16xi32> -> vector<16xf32>
          %max3A_713 = arith.maximumf %max3A_706, %gather3A_712 : vector<16xf32>
          %xor3A_714 = arith.constant 2 : i32
          %xor3A_715 = vector.broadcast %xor3A_714 : i32 to vector<16xi32>
          %xor3A_716 = arith.xori %iota3A_699, %xor3A_715 : vector<16xi32>
          %broadcast_in_dim3A_717 = vector.shape_cast %xor3A_716 : vector<16xi32> to vector<16x1xi32>
          %gather3A_718 = vector.shape_cast %broadcast_in_dim3A_717 : vector<16x1xi32> to vector<16xi32>
          %gather3A_719 = tpu.dynamic_gather %max3A_713[%gather3A_718] in [0] : vector<16xf32>, vector<16xi32> -> vector<16xf32>
          %max3A_720 = arith.maximumf %max3A_713, %gather3A_719 : vector<16xf32>
          %xor3A_721 = arith.constant 1 : i32
          %xor3A_722 = vector.broadcast %xor3A_721 : i32 to vector<16xi32>
          %xor3A_723 = arith.xori %iota3A_699, %xor3A_722 : vector<16xi32>
          %broadcast_in_dim3A_724 = vector.shape_cast %xor3A_723 : vector<16xi32> to vector<16x1xi32>
          %gather3A_725 = vector.shape_cast %broadcast_in_dim3A_724 : vector<16x1xi32> to vector<16xi32>
          %gather3A_726 = tpu.dynamic_gather %max3A_720[%gather3A_725] in [0] : vector<16xf32>, vector<16xi32> -> vector<16xf32>
          %max3A_727 = arith.maximumf %max3A_720, %gather3A_726 : vector<16xf32>
          %swap3A_728 = arith.constant 0 : index
          %swap3A_729 = tpu.vector_load %arg26[%swap3A_728] {strides = array<i32>} : memref<16xf32, #tpu.memory_space<vmem>>, vector<16xf32>,
          %swap3A_730 = vector.shape_cast %swap3A_729 : vector<16xf32> to vector<16xf32>
          %swap3A_731 = vector.shape_cast %max3A_727 : vector<16xf32> to vector<16xf32>
          tpu.vector_store %arg26[%swap3A_728], %swap3A_731 {strides = array<i32>} : memref<16xf32, #tpu.memory_space<vmem>>, vector<16xf32>,
          %get3A_732 = arith.constant 0 : index
          %get3A_733 = tpu.vector_load %arg26[%get3A_732] {strides = array<i32>} : memref<16xf32, #tpu.memory_space<vmem>>, vector<16xf32>,
          %get3A_734 = vector.shape_cast %get3A_733 : vector<16xf32> to vector<16xf32>
          %slice3A_735 = vector.extract_strided_slice %get3A_734 {offsets = [0], sizes = [1], strides = [1]} : vector<16xf32> to vector<1xf32>
          %squeeze3A_736 = vector.extract %slice3A_735[0] : f32 from vector<1xf32>
          %ge3A_737 = arith.cmpf oge, %squeeze3A_736, %select_n3A_384 : f32
          %lt3A_738 = arith.constant 384 : i32
          %lt3A_739 = arith.cmpi slt, %cond3A_698, %lt3A_738 : i32
          %and3A_740 = arith.andi %ge3A_737, %lt3A_739 : i1
          %add3A_741 = arith.constant 2 : i32
          %add3A_742 = arith.addi %mul3A_481, %add3A_741 : i32
          %convert_element_type3A_743 = arith.extui %and3A_740 : i1 to i32
          %cond3A_744 = arith.constant 0 : i32
          %cond3A_745 = arith.cmpi ne, %convert_element_type3A_743, %cond3A_744 : i32
          %cond3A_746 = scf.if %cond3A_745 -> (i32) {
            %mul3A_1083 = arith.constant 16 : i32
            %mul3A_1084 = arith.muli %add3A_742, %mul3A_1083 : i32
            %get3A_1085 = arith.index_cast %mul3A_1084 : i32 to index
            %get3A_1086 = tpu.vector_load %arg10[%get3A_1085] {strides = array<i32>} : memref<100000xf32, #tpu.memory_space<vmem>>, vector<16xf32>,
            %get3A_1087 = vector.shape_cast %get3A_1086 : vector<16xf32> to vector<16xf32>
            %ge3A_1088 = vector.broadcast %select_n3A_384 : f32 to vector<16xf32>
            %ge3A_1089 = arith.cmpf oge, %get3A_1087, %ge3A_1088 : vector<16xf32>
            %sub3A_1090 = vector.broadcast %squeeze3A_58 : f32 to vector<16xf32>
            %sub3A_1091 = arith.subf %get3A_1087, %sub3A_1090 : vector<16xf32>
            %sub3A_1092 = vector.broadcast %squeeze3A_183 : f32 to vector<16xf32>
            %sub3A_1093 = arith.subf %sub3A_1091, %sub3A_1092 : vector<16xf32>
            %jit3A_1094 = arith.constant -3.000000e+38 : f32
            %broadcast_in_dim3A_1095 = vector.broadcast %jit3A_1094 : f32 to vector<16xf32>
            %select_n3A_1096 = arith.select %ge3A_1089, %sub3A_1093, %broadcast_in_dim3A_1095 : vector<16xi1>, vector<16xf32>
            %mul3A_1097 = arith.constant 16 : i32
            %mul3A_1098 = arith.muli %cond3A_698, %mul3A_1097 : i32
            %swap3A_1099 = arith.index_cast %mul3A_1098 : i32 to index
            %swap3A_1100 = tpu.vector_load %arg11[%swap3A_1099] {strides = array<i32>} : memref<6144xf32, #tpu.memory_space<vmem>>, vector<16xf32>,
            %swap3A_1101 = vector.shape_cast %swap3A_1100 : vector<16xf32> to vector<16xf32>
            %swap3A_1102 = vector.shape_cast %select_n3A_1096 : vector<16xf32> to vector<16xf32>
            tpu.vector_store %arg11[%swap3A_1099], %swap3A_1102 {strides = array<i32>} : memref<6144xf32, #tpu.memory_space<vmem>>, vector<16xf32>,
            %mul3A_1103 = arith.constant 16 : i32
            %mul3A_1104 = arith.muli %cond3A_698, %mul3A_1103 : i32
            %swap3A_1105 = arith.index_cast %mul3A_1104 : i32 to index
            %swap3A_1106 = tpu.vector_load %arg12[%swap3A_1105] {strides = array<i32>} : memref<6144xf32, #tpu.memory_space<vmem>>, vector<16xf32>,
            %swap3A_1107 = vector.shape_cast %swap3A_1106 : vector<16xf32> to vector<16xf32>
            %swap3A_1108 = vector.shape_cast %get3A_1087 : vector<16xf32> to vector<16xf32>
            tpu.vector_store %arg12[%swap3A_1105], %swap3A_1108 {strides = array<i32>} : memref<6144xf32, #tpu.memory_space<vmem>>, vector<16xf32>,
            %mul3A_1109 = arith.constant 16 : i32
            %mul3A_1110 = arith.muli %add3A_742, %mul3A_1109 : i32
            %add3A_1111 = vector.broadcast %mul3A_1110 : i32 to vector<16xi32>
            %add3A_1112 = arith.addi %add3A_1111, %iota3A : vector<16xi32>
            %mul3A_1113 = arith.constant 16 : i32
            %mul3A_1114 = arith.muli %cond3A_698, %mul3A_1113 : i32
            %swap3A_1115 = arith.index_cast %mul3A_1114 : i32 to index
            %swap3A_1116 = tpu.vector_load %arg13[%swap3A_1115] {strides = array<i32>} : memref<6144xi32, #tpu.memory_space<vmem>>, vector<16xi32>,
            %swap3A_1117 = vector.shape_cast %swap3A_1116 : vector<16xi32> to vector<16xi32>
            %swap3A_1118 = vector.shape_cast %add3A_1112 : vector<16xi32> to vector<16xi32>
            tpu.vector_store %arg13[%swap3A_1115], %swap3A_1118 {strides = array<i32>} : memref<6144xi32, #tpu.memory_space<vmem>>, vector<16xi32>,
            %iota3A_1119 = tpu.iota {dimensions = array<i32: 0>} : vector<16xi32>
            %xor3A_1120 = arith.constant 8 : i32
            %xor3A_1121 = vector.broadcast %xor3A_1120 : i32 to vector<16xi32>
            %xor3A_1122 = arith.xori %iota3A_1119, %xor3A_1121 : vector<16xi32>
            %broadcast_in_dim3A_1123 = vector.shape_cast %xor3A_1122 : vector<16xi32> to vector<16x1xi32>
            %gather3A_1124 = vector.shape_cast %broadcast_in_dim3A_1123 : vector<16x1xi32> to vector<16xi32>
            %gather3A_1125 = tpu.dynamic_gather %select_n3A_1096[%gather3A_1124] in [0] : vector<16xf32>, vector<16xi32> -> vector<16xf32>
            %max3A_1126 = arith.maximumf %select_n3A_1096, %gather3A_1125 : vector<16xf32>
            %xor3A_1127 = arith.constant 4 : i32
            %xor3A_1128 = vector.broadcast %xor3A_1127 : i32 to vector<16xi32>
            %xor3A_1129 = arith.xori %iota3A_1119, %xor3A_1128 : vector<16xi32>
            %broadcast_in_dim3A_1130 = vector.shape_cast %xor3A_1129 : vector<16xi32> to vector<16x1xi32>
            %gather3A_1131 = vector.shape_cast %broadcast_in_dim3A_1130 : vector<16x1xi32> to vector<16xi32>
            %gather3A_1132 = tpu.dynamic_gather %max3A_1126[%gather3A_1131] in [0] : vector<16xf32>, vector<16xi32> -> vector<16xf32>
            %max3A_1133 = arith.maximumf %max3A_1126, %gather3A_1132 : vector<16xf32>
            %xor3A_1134 = arith.constant 2 : i32
            %xor3A_1135 = vector.broadcast %xor3A_1134 : i32 to vector<16xi32>
            %xor3A_1136 = arith.xori %iota3A_1119, %xor3A_1135 : vector<16xi32>
            %broadcast_in_dim3A_1137 = vector.shape_cast %xor3A_1136 : vector<16xi32> to vector<16x1xi32>
            %gather3A_1138 = vector.shape_cast %broadcast_in_dim3A_1137 : vector<16x1xi32> to vector<16xi32>
            %gather3A_1139 = tpu.dynamic_gather %max3A_1133[%gather3A_1138] in [0] : vector<16xf32>, vector<16xi32> -> vector<16xf32>
            %max3A_1140 = arith.maximumf %max3A_1133, %gather3A_1139 : vector<16xf32>
            %xor3A_1141 = arith.constant 1 : i32
            %xor3A_1142 = vector.broadcast %xor3A_1141 : i32 to vector<16xi32>
            %xor3A_1143 = arith.xori %iota3A_1119, %xor3A_1142 : vector<16xi32>
            %broadcast_in_dim3A_1144 = vector.shape_cast %xor3A_1143 : vector<16xi32> to vector<16x1xi32>
            %gather3A_1145 = vector.shape_cast %broadcast_in_dim3A_1144 : vector<16x1xi32> to vector<16xi32>
            %gather3A_1146 = tpu.dynamic_gather %max3A_1140[%gather3A_1145] in [0] : vector<16xf32>, vector<16xi32> -> vector<16xf32>
            %max3A_1147 = arith.maximumf %max3A_1140, %gather3A_1146 : vector<16xf32>
            %swap3A_1148 = arith.constant 0 : index
            %swap3A_1149 = tpu.vector_load %arg26[%swap3A_1148] {strides = array<i32>} : memref<16xf32, #tpu.memory_space<vmem>>, vector<16xf32>,
            %swap3A_1150 = vector.shape_cast %swap3A_1149 : vector<16xf32> to vector<16xf32>
            %swap3A_1151 = vector.shape_cast %max3A_1147 : vector<16xf32> to vector<16xf32>
            tpu.vector_store %arg26[%swap3A_1148], %swap3A_1151 {strides = array<i32>} : memref<16xf32, #tpu.memory_space<vmem>>, vector<16xf32>,
            %get3A_1152 = arith.constant 0 : index
            %get3A_1153 = tpu.vector_load %arg26[%get3A_1152] {strides = array<i32>} : memref<16xf32, #tpu.memory_space<vmem>>, vector<16xf32>,
            %get3A_1154 = vector.shape_cast %get3A_1153 : vector<16xf32> to vector<16xf32>
            %slice3A_1155 = vector.extract_strided_slice %get3A_1154 {offsets = [0], sizes = [1], strides = [1]} : vector<16xf32> to vector<1xf32>
            %squeeze3A_1156 = vector.extract %slice3A_1155[0] : f32 from vector<1xf32>
            %jit3A_1157 = arith.constant 16 : i32
            %div3A_1158 = arith.divsi %cond3A_698, %jit3A_1157 : i32
            %sign3A = arith.constant 0 : i32
            %sign3A_1159 = arith.cmpi sgt, %cond3A_698, %sign3A : i32
            %sign3A_1160 = arith.extui %sign3A_1159 : i1 to i32
            %sign3A_1161 = arith.constant 0 : i32
            %sign3A_1162 = arith.cmpi slt, %cond3A_698, %sign3A_1161 : i32
            %sign3A_1163 = arith.extui %sign3A_1162 : i1 to i32
            %sign3A_1164 = arith.subi %sign3A_1160, %sign3A_1163 : i32
            %sign3A_1165 = arith.constant 0 : i32
            %sign3A_1166 = arith.cmpi sgt, %jit3A_1157, %sign3A_1165 : i32
            %sign3A_1167 = arith.extui %sign3A_1166 : i1 to i32
            %sign3A_1168 = arith.constant 0 : i32
            %sign3A_1169 = arith.cmpi slt, %jit3A_1157, %sign3A_1168 : i32
            %sign3A_1170 = arith.extui %sign3A_1169 : i1 to i32
            %sign3A_1171 = arith.subi %sign3A_1167, %sign3A_1170 : i32
            %ne3A = arith.cmpi ne, %sign3A_1164, %sign3A_1171 : i32
            %rem3A = arith.remsi %cond3A_698, %jit3A_1157 : i32
            %ne3A_1172 = arith.constant 0 : i32
            %ne3A_1173 = arith.cmpi ne, %rem3A, %ne3A_1172 : i32
            %and3A_1174 = arith.andi %ne3A, %ne3A_1173 : i1
            %sub3A_1175 = arith.constant 1 : i32
            %sub3A_1176 = arith.subi %div3A_1158, %sub3A_1175 : i32
            %select_n3A_1177 = arith.select %and3A_1174, %sub3A_1176, %div3A_1158 : i32
            %mul3A_1178 = arith.constant 16 : i32
            %mul3A_1179 = arith.muli %select_n3A_1177, %mul3A_1178 : i32
            %get3A_1180 = arith.index_cast %mul3A_1179 : i32 to index
            %get3A_1181 = tpu.vector_load %arg14[%get3A_1180] {strides = array<i32>} : memref<512xf32, #tpu.memory_space<vmem>>, vector<16xf32>,
            %get3A_1182 = vector.shape_cast %get3A_1181 : vector<16xf32> to vector<16xf32>
            %jit3A_1183 = arith.constant 16 : i32
            %eq3A = arith.constant 0 : i32
            %eq3A_1184 = arith.cmpi eq, %jit3A_1183, %eq3A : i32
            %jit3A_1185 = arith.constant 1 : i32
            %select_n3A_1186 = arith.select %eq3A_1184, %jit3A_1185, %jit3A_1183 : i32
            %rem3A_1187 = arith.remsi %cond3A_698, %select_n3A_1186 : i32
            %ne3A_1188 = arith.constant 0 : i32
            %ne3A_1189 = arith.cmpi ne, %rem3A_1187, %ne3A_1188 : i32
            %lt3A_1190 = arith.constant 0 : i32
            %lt3A_1191 = arith.cmpi slt, %rem3A_1187, %lt3A_1190 : i32
            %lt3A_1192 = arith.constant 0 : i32
            %lt3A_1193 = arith.cmpi slt, %select_n3A_1186, %lt3A_1192 : i32
            %ne3A_1194 = arith.xori %lt3A_1191, %lt3A_1193 : i1
            %and3A_1195 = arith.andi %ne3A_1194, %ne3A_1189 : i1
            %add3A_1196 = arith.addi %rem3A_1187, %select_n3A_1186 : i32
            %select_n3A_1197 = arith.select %and3A_1195, %add3A_1196, %rem3A_1187 : i32
            %eq3A_1198 = vector.broadcast %select_n3A_1197 : i32 to vector<16xi32>
            %eq3A_1199 = arith.cmpi eq, %iota3A, %eq3A_1198 : vector<16xi32>
            %broadcast_in_dim3A_1200 = vector.broadcast %squeeze3A_1156 : f32 to vector<16xf32>
            %select_n3A_1201 = arith.select %eq3A_1199, %broadcast_in_dim3A_1200, %get3A_1182 : vector<16xi1>, vector<16xf32>
            %swap3A_1202 = arith.index_cast %mul3A_1179 : i32 to index
            %swap3A_1203 = tpu.vector_load %arg14[%swap3A_1202] {strides = array<i32>} : memref<512xf32, #tpu.memory_space<vmem>>, vector<16xf32>,
            %swap3A_1204 = vector.shape_cast %swap3A_1203 : vector<16xf32> to vector<16xf32>
            %swap3A_1205 = vector.shape_cast %select_n3A_1201 : vector<16xf32> to vector<16xf32>
            tpu.vector_store %arg14[%swap3A_1202], %swap3A_1205 {strides = array<i32>} : memref<512xf32, #tpu.memory_space<vmem>>, vector<16xf32>,
            %add3A_1206 = arith.constant 1 : i32
            %add3A_1207 = arith.addi %cond3A_698, %add3A_1206 : i32
            scf.yield %add3A_1207 : i32
          } else {
            scf.yield %cond3A_698 : i32
          }
          %iota3A_747 = tpu.iota {dimensions = array<i32: 0>} : vector<16xi32>
          %xor3A_748 = arith.constant 8 : i32
          %xor3A_749 = vector.broadcast %xor3A_748 : i32 to vector<16xi32>
          %xor3A_750 = arith.xori %iota3A_747, %xor3A_749 : vector<16xi32>
          %broadcast_in_dim3A_751 = vector.shape_cast %xor3A_750 : vector<16xi32> to vector<16x1xi32>
          %gather3A_752 = vector.shape_cast %broadcast_in_dim3A_751 : vector<16x1xi32> to vector<16xi32>
          %gather3A_753 = tpu.dynamic_gather %get3A_509[%gather3A_752] in [0] : vector<16xf32>, vector<16xi32> -> vector<16xf32>
          %max3A_754 = arith.maximumf %get3A_509, %gather3A_753 : vector<16xf32>
          %xor3A_755 = arith.constant 4 : i32
          %xor3A_756 = vector.broadcast %xor3A_755 : i32 to vector<16xi32>
          %xor3A_757 = arith.xori %iota3A_747, %xor3A_756 : vector<16xi32>
          %broadcast_in_dim3A_758 = vector.shape_cast %xor3A_757 : vector<16xi32> to vector<16x1xi32>
          %gather3A_759 = vector.shape_cast %broadcast_in_dim3A_758 : vector<16x1xi32> to vector<16xi32>
          %gather3A_760 = tpu.dynamic_gather %max3A_754[%gather3A_759] in [0] : vector<16xf32>, vector<16xi32> -> vector<16xf32>
          %max3A_761 = arith.maximumf %max3A_754, %gather3A_760 : vector<16xf32>
          %xor3A_762 = arith.constant 2 : i32
          %xor3A_763 = vector.broadcast %xor3A_762 : i32 to vector<16xi32>
          %xor3A_764 = arith.xori %iota3A_747, %xor3A_763 : vector<16xi32>
          %broadcast_in_dim3A_765 = vector.shape_cast %xor3A_764 : vector<16xi32> to vector<16x1xi32>
          %gather3A_766 = vector.shape_cast %broadcast_in_dim3A_765 : vector<16x1xi32> to vector<16xi32>
          %gather3A_767 = tpu.dynamic_gather %max3A_761[%gather3A_766] in [0] : vector<16xf32>, vector<16xi32> -> vector<16xf32>
          %max3A_768 = arith.maximumf %max3A_761, %gather3A_767 : vector<16xf32>
          %xor3A_769 = arith.constant 1 : i32
          %xor3A_770 = vector.broadcast %xor3A_769 : i32 to vector<16xi32>
          %xor3A_771 = arith.xori %iota3A_747, %xor3A_770 : vector<16xi32>
          %broadcast_in_dim3A_772 = vector.shape_cast %xor3A_771 : vector<16xi32> to vector<16x1xi32>
          %gather3A_773 = vector.shape_cast %broadcast_in_dim3A_772 : vector<16x1xi32> to vector<16xi32>
          %gather3A_774 = tpu.dynamic_gather %max3A_768[%gather3A_773] in [0] : vector<16xf32>, vector<16xi32> -> vector<16xf32>
          %max3A_775 = arith.maximumf %max3A_768, %gather3A_774 : vector<16xf32>
          %swap3A_776 = arith.constant 0 : index
          %swap3A_777 = tpu.vector_load %arg26[%swap3A_776] {strides = array<i32>} : memref<16xf32, #tpu.memory_space<vmem>>, vector<16xf32>,
          %swap3A_778 = vector.shape_cast %swap3A_777 : vector<16xf32> to vector<16xf32>
          %swap3A_779 = vector.shape_cast %max3A_775 : vector<16xf32> to vector<16xf32>
          tpu.vector_store %arg26[%swap3A_776], %swap3A_779 {strides = array<i32>} : memref<16xf32, #tpu.memory_space<vmem>>, vector<16xf32>,
          %get3A_780 = arith.constant 0 : index
          %get3A_781 = tpu.vector_load %arg26[%get3A_780] {strides = array<i32>} : memref<16xf32, #tpu.memory_space<vmem>>, vector<16xf32>,
          %get3A_782 = vector.shape_cast %get3A_781 : vector<16xf32> to vector<16xf32>
          %slice3A_783 = vector.extract_strided_slice %get3A_782 {offsets = [0], sizes = [1], strides = [1]} : vector<16xf32> to vector<1xf32>
          %squeeze3A_784 = vector.extract %slice3A_783[0] : f32 from vector<1xf32>
          %ge3A_785 = arith.cmpf oge, %squeeze3A_784, %select_n3A_384 : f32
          %lt3A_786 = arith.constant 384 : i32
          %lt3A_787 = arith.cmpi slt, %cond3A_746, %lt3A_786 : i32
          %and3A_788 = arith.andi %ge3A_785, %lt3A_787 : i1
          %add3A_789 = arith.constant 3 : i32
          %add3A_790 = arith.addi %mul3A_481, %add3A_789 : i32
          %convert_element_type3A_791 = arith.extui %and3A_788 : i1 to i32
          %cond3A_792 = arith.constant 0 : i32
          %cond3A_793 = arith.cmpi ne, %convert_element_type3A_791, %cond3A_792 : i32
          %cond3A_794 = scf.if %cond3A_793 -> (i32) {
            %mul3A_1083 = arith.constant 16 : i32
            %mul3A_1084 = arith.muli %add3A_790, %mul3A_1083 : i32
            %get3A_1085 = arith.index_cast %mul3A_1084 : i32 to index
            %get3A_1086 = tpu.vector_load %arg10[%get3A_1085] {strides = array<i32>} : memref<100000xf32, #tpu.memory_space<vmem>>, vector<16xf32>,
            %get3A_1087 = vector.shape_cast %get3A_1086 : vector<16xf32> to vector<16xf32>
            %ge3A_1088 = vector.broadcast %select_n3A_384 : f32 to vector<16xf32>
            %ge3A_1089 = arith.cmpf oge, %get3A_1087, %ge3A_1088 : vector<16xf32>
            %sub3A_1090 = vector.broadcast %squeeze3A_58 : f32 to vector<16xf32>
            %sub3A_1091 = arith.subf %get3A_1087, %sub3A_1090 : vector<16xf32>
            %sub3A_1092 = vector.broadcast %squeeze3A_183 : f32 to vector<16xf32>
            %sub3A_1093 = arith.subf %sub3A_1091, %sub3A_1092 : vector<16xf32>
            %jit3A_1094 = arith.constant -3.000000e+38 : f32
            %broadcast_in_dim3A_1095 = vector.broadcast %jit3A_1094 : f32 to vector<16xf32>
            %select_n3A_1096 = arith.select %ge3A_1089, %sub3A_1093, %broadcast_in_dim3A_1095 : vector<16xi1>, vector<16xf32>
            %mul3A_1097 = arith.constant 16 : i32
            %mul3A_1098 = arith.muli %cond3A_746, %mul3A_1097 : i32
            %swap3A_1099 = arith.index_cast %mul3A_1098 : i32 to index
            %swap3A_1100 = tpu.vector_load %arg11[%swap3A_1099] {strides = array<i32>} : memref<6144xf32, #tpu.memory_space<vmem>>, vector<16xf32>,
            %swap3A_1101 = vector.shape_cast %swap3A_1100 : vector<16xf32> to vector<16xf32>
            %swap3A_1102 = vector.shape_cast %select_n3A_1096 : vector<16xf32> to vector<16xf32>
            tpu.vector_store %arg11[%swap3A_1099], %swap3A_1102 {strides = array<i32>} : memref<6144xf32, #tpu.memory_space<vmem>>, vector<16xf32>,
            %mul3A_1103 = arith.constant 16 : i32
            %mul3A_1104 = arith.muli %cond3A_746, %mul3A_1103 : i32
            %swap3A_1105 = arith.index_cast %mul3A_1104 : i32 to index
            %swap3A_1106 = tpu.vector_load %arg12[%swap3A_1105] {strides = array<i32>} : memref<6144xf32, #tpu.memory_space<vmem>>, vector<16xf32>,
            %swap3A_1107 = vector.shape_cast %swap3A_1106 : vector<16xf32> to vector<16xf32>
            %swap3A_1108 = vector.shape_cast %get3A_1087 : vector<16xf32> to vector<16xf32>
            tpu.vector_store %arg12[%swap3A_1105], %swap3A_1108 {strides = array<i32>} : memref<6144xf32, #tpu.memory_space<vmem>>, vector<16xf32>,
            %mul3A_1109 = arith.constant 16 : i32
            %mul3A_1110 = arith.muli %add3A_790, %mul3A_1109 : i32
            %add3A_1111 = vector.broadcast %mul3A_1110 : i32 to vector<16xi32>
            %add3A_1112 = arith.addi %add3A_1111, %iota3A : vector<16xi32>
            %mul3A_1113 = arith.constant 16 : i32
            %mul3A_1114 = arith.muli %cond3A_746, %mul3A_1113 : i32
            %swap3A_1115 = arith.index_cast %mul3A_1114 : i32 to index
            %swap3A_1116 = tpu.vector_load %arg13[%swap3A_1115] {strides = array<i32>} : memref<6144xi32, #tpu.memory_space<vmem>>, vector<16xi32>,
            %swap3A_1117 = vector.shape_cast %swap3A_1116 : vector<16xi32> to vector<16xi32>
            %swap3A_1118 = vector.shape_cast %add3A_1112 : vector<16xi32> to vector<16xi32>
            tpu.vector_store %arg13[%swap3A_1115], %swap3A_1118 {strides = array<i32>} : memref<6144xi32, #tpu.memory_space<vmem>>, vector<16xi32>,
            %iota3A_1119 = tpu.iota {dimensions = array<i32: 0>} : vector<16xi32>
            %xor3A_1120 = arith.constant 8 : i32
            %xor3A_1121 = vector.broadcast %xor3A_1120 : i32 to vector<16xi32>
            %xor3A_1122 = arith.xori %iota3A_1119, %xor3A_1121 : vector<16xi32>
            %broadcast_in_dim3A_1123 = vector.shape_cast %xor3A_1122 : vector<16xi32> to vector<16x1xi32>
            %gather3A_1124 = vector.shape_cast %broadcast_in_dim3A_1123 : vector<16x1xi32> to vector<16xi32>
            %gather3A_1125 = tpu.dynamic_gather %select_n3A_1096[%gather3A_1124] in [0] : vector<16xf32>, vector<16xi32> -> vector<16xf32>
            %max3A_1126 = arith.maximumf %select_n3A_1096, %gather3A_1125 : vector<16xf32>
            %xor3A_1127 = arith.constant 4 : i32
            %xor3A_1128 = vector.broadcast %xor3A_1127 : i32 to vector<16xi32>
            %xor3A_1129 = arith.xori %iota3A_1119, %xor3A_1128 : vector<16xi32>
            %broadcast_in_dim3A_1130 = vector.shape_cast %xor3A_1129 : vector<16xi32> to vector<16x1xi32>
            %gather3A_1131 = vector.shape_cast %broadcast_in_dim3A_1130 : vector<16x1xi32> to vector<16xi32>
            %gather3A_1132 = tpu.dynamic_gather %max3A_1126[%gather3A_1131] in [0] : vector<16xf32>, vector<16xi32> -> vector<16xf32>
            %max3A_1133 = arith.maximumf %max3A_1126, %gather3A_1132 : vector<16xf32>
            %xor3A_1134 = arith.constant 2 : i32
            %xor3A_1135 = vector.broadcast %xor3A_1134 : i32 to vector<16xi32>
            %xor3A_1136 = arith.xori %iota3A_1119, %xor3A_1135 : vector<16xi32>
            %broadcast_in_dim3A_1137 = vector.shape_cast %xor3A_1136 : vector<16xi32> to vector<16x1xi32>
            %gather3A_1138 = vector.shape_cast %broadcast_in_dim3A_1137 : vector<16x1xi32> to vector<16xi32>
            %gather3A_1139 = tpu.dynamic_gather %max3A_1133[%gather3A_1138] in [0] : vector<16xf32>, vector<16xi32> -> vector<16xf32>
            %max3A_1140 = arith.maximumf %max3A_1133, %gather3A_1139 : vector<16xf32>
            %xor3A_1141 = arith.constant 1 : i32
            %xor3A_1142 = vector.broadcast %xor3A_1141 : i32 to vector<16xi32>
            %xor3A_1143 = arith.xori %iota3A_1119, %xor3A_1142 : vector<16xi32>
            %broadcast_in_dim3A_1144 = vector.shape_cast %xor3A_1143 : vector<16xi32> to vector<16x1xi32>
            %gather3A_1145 = vector.shape_cast %broadcast_in_dim3A_1144 : vector<16x1xi32> to vector<16xi32>
            %gather3A_1146 = tpu.dynamic_gather %max3A_1140[%gather3A_1145] in [0] : vector<16xf32>, vector<16xi32> -> vector<16xf32>
            %max3A_1147 = arith.maximumf %max3A_1140, %gather3A_1146 : vector<16xf32>
            %swap3A_1148 = arith.constant 0 : index
            %swap3A_1149 = tpu.vector_load %arg26[%swap3A_1148] {strides = array<i32>} : memref<16xf32, #tpu.memory_space<vmem>>, vector<16xf32>,
            %swap3A_1150 = vector.shape_cast %swap3A_1149 : vector<16xf32> to vector<16xf32>
            %swap3A_1151 = vector.shape_cast %max3A_1147 : vector<16xf32> to vector<16xf32>
            tpu.vector_store %arg26[%swap3A_1148], %swap3A_1151 {strides = array<i32>} : memref<16xf32, #tpu.memory_space<vmem>>, vector<16xf32>,
            %get3A_1152 = arith.constant 0 : index
            %get3A_1153 = tpu.vector_load %arg26[%get3A_1152] {strides = array<i32>} : memref<16xf32, #tpu.memory_space<vmem>>, vector<16xf32>,
            %get3A_1154 = vector.shape_cast %get3A_1153 : vector<16xf32> to vector<16xf32>
            %slice3A_1155 = vector.extract_strided_slice %get3A_1154 {offsets = [0], sizes = [1], strides = [1]} : vector<16xf32> to vector<1xf32>
            %squeeze3A_1156 = vector.extract %slice3A_1155[0] : f32 from vector<1xf32>
            %jit3A_1157 = arith.constant 16 : i32
            %div3A_1158 = arith.divsi %cond3A_746, %jit3A_1157 : i32
            %sign3A = arith.constant 0 : i32
            %sign3A_1159 = arith.cmpi sgt, %cond3A_746, %sign3A : i32
            %sign3A_1160 = arith.extui %sign3A_1159 : i1 to i32
            %sign3A_1161 = arith.constant 0 : i32
            %sign3A_1162 = arith.cmpi slt, %cond3A_746, %sign3A_1161 : i32
            %sign3A_1163 = arith.extui %sign3A_1162 : i1 to i32
            %sign3A_1164 = arith.subi %sign3A_1160, %sign3A_1163 : i32
            %sign3A_1165 = arith.constant 0 : i32
            %sign3A_1166 = arith.cmpi sgt, %jit3A_1157, %sign3A_1165 : i32
            %sign3A_1167 = arith.extui %sign3A_1166 : i1 to i32
            %sign3A_1168 = arith.constant 0 : i32
            %sign3A_1169 = arith.cmpi slt, %jit3A_1157, %sign3A_1168 : i32
            %sign3A_1170 = arith.extui %sign3A_1169 : i1 to i32
            %sign3A_1171 = arith.subi %sign3A_1167, %sign3A_1170 : i32
            %ne3A = arith.cmpi ne, %sign3A_1164, %sign3A_1171 : i32
            %rem3A = arith.remsi %cond3A_746, %jit3A_1157 : i32
            %ne3A_1172 = arith.constant 0 : i32
            %ne3A_1173 = arith.cmpi ne, %rem3A, %ne3A_1172 : i32
            %and3A_1174 = arith.andi %ne3A, %ne3A_1173 : i1
            %sub3A_1175 = arith.constant 1 : i32
            %sub3A_1176 = arith.subi %div3A_1158, %sub3A_1175 : i32
            %select_n3A_1177 = arith.select %and3A_1174, %sub3A_1176, %div3A_1158 : i32
            %mul3A_1178 = arith.constant 16 : i32
            %mul3A_1179 = arith.muli %select_n3A_1177, %mul3A_1178 : i32
            %get3A_1180 = arith.index_cast %mul3A_1179 : i32 to index
            %get3A_1181 = tpu.vector_load %arg14[%get3A_1180] {strides = array<i32>} : memref<512xf32, #tpu.memory_space<vmem>>, vector<16xf32>,
            %get3A_1182 = vector.shape_cast %get3A_1181 : vector<16xf32> to vector<16xf32>
            %jit3A_1183 = arith.constant 16 : i32
            %eq3A = arith.constant 0 : i32
            %eq3A_1184 = arith.cmpi eq, %jit3A_1183, %eq3A : i32
            %jit3A_1185 = arith.constant 1 : i32
            %select_n3A_1186 = arith.select %eq3A_1184, %jit3A_1185, %jit3A_1183 : i32
            %rem3A_1187 = arith.remsi %cond3A_746, %select_n3A_1186 : i32
            %ne3A_1188 = arith.constant 0 : i32
            %ne3A_1189 = arith.cmpi ne, %rem3A_1187, %ne3A_1188 : i32
            %lt3A_1190 = arith.constant 0 : i32
            %lt3A_1191 = arith.cmpi slt, %rem3A_1187, %lt3A_1190 : i32
            %lt3A_1192 = arith.constant 0 : i32
            %lt3A_1193 = arith.cmpi slt, %select_n3A_1186, %lt3A_1192 : i32
            %ne3A_1194 = arith.xori %lt3A_1191, %lt3A_1193 : i1
            %and3A_1195 = arith.andi %ne3A_1194, %ne3A_1189 : i1
            %add3A_1196 = arith.addi %rem3A_1187, %select_n3A_1186 : i32
            %select_n3A_1197 = arith.select %and3A_1195, %add3A_1196, %rem3A_1187 : i32
            %eq3A_1198 = vector.broadcast %select_n3A_1197 : i32 to vector<16xi32>
            %eq3A_1199 = arith.cmpi eq, %iota3A, %eq3A_1198 : vector<16xi32>
            %broadcast_in_dim3A_1200 = vector.broadcast %squeeze3A_1156 : f32 to vector<16xf32>
            %select_n3A_1201 = arith.select %eq3A_1199, %broadcast_in_dim3A_1200, %get3A_1182 : vector<16xi1>, vector<16xf32>
            %swap3A_1202 = arith.index_cast %mul3A_1179 : i32 to index
            %swap3A_1203 = tpu.vector_load %arg14[%swap3A_1202] {strides = array<i32>} : memref<512xf32, #tpu.memory_space<vmem>>, vector<16xf32>,
            %swap3A_1204 = vector.shape_cast %swap3A_1203 : vector<16xf32> to vector<16xf32>
            %swap3A_1205 = vector.shape_cast %select_n3A_1201 : vector<16xf32> to vector<16xf32>
            tpu.vector_store %arg14[%swap3A_1202], %swap3A_1205 {strides = array<i32>} : memref<512xf32, #tpu.memory_space<vmem>>, vector<16xf32>,
            %add3A_1206 = arith.constant 1 : i32
            %add3A_1207 = arith.addi %cond3A_746, %add3A_1206 : i32
            scf.yield %add3A_1207 : i32
          } else {
            scf.yield %cond3A_746 : i32
          }
          %iota3A_795 = tpu.iota {dimensions = array<i32: 0>} : vector<16xi32>
          %xor3A_796 = arith.constant 8 : i32
          %xor3A_797 = vector.broadcast %xor3A_796 : i32 to vector<16xi32>
          %xor3A_798 = arith.xori %iota3A_795, %xor3A_797 : vector<16xi32>
          %broadcast_in_dim3A_799 = vector.shape_cast %xor3A_798 : vector<16xi32> to vector<16x1xi32>
          %gather3A_800 = vector.shape_cast %broadcast_in_dim3A_799 : vector<16x1xi32> to vector<16xi32>
          %gather3A_801 = tpu.dynamic_gather %get3A_516[%gather3A_800] in [0] : vector<16xf32>, vector<16xi32> -> vector<16xf32>
          %max3A_802 = arith.maximumf %get3A_516, %gather3A_801 : vector<16xf32>
          %xor3A_803 = arith.constant 4 : i32
          %xor3A_804 = vector.broadcast %xor3A_803 : i32 to vector<16xi32>
          %xor3A_805 = arith.xori %iota3A_795, %xor3A_804 : vector<16xi32>
          %broadcast_in_dim3A_806 = vector.shape_cast %xor3A_805 : vector<16xi32> to vector<16x1xi32>
          %gather3A_807 = vector.shape_cast %broadcast_in_dim3A_806 : vector<16x1xi32> to vector<16xi32>
          %gather3A_808 = tpu.dynamic_gather %max3A_802[%gather3A_807] in [0] : vector<16xf32>, vector<16xi32> -> vector<16xf32>
          %max3A_809 = arith.maximumf %max3A_802, %gather3A_808 : vector<16xf32>
          %xor3A_810 = arith.constant 2 : i32
          %xor3A_811 = vector.broadcast %xor3A_810 : i32 to vector<16xi32>
          %xor3A_812 = arith.xori %iota3A_795, %xor3A_811 : vector<16xi32>
          %broadcast_in_dim3A_813 = vector.shape_cast %xor3A_812 : vector<16xi32> to vector<16x1xi32>
          %gather3A_814 = vector.shape_cast %broadcast_in_dim3A_813 : vector<16x1xi32> to vector<16xi32>
          %gather3A_815 = tpu.dynamic_gather %max3A_809[%gather3A_814] in [0] : vector<16xf32>, vector<16xi32> -> vector<16xf32>
          %max3A_816 = arith.maximumf %max3A_809, %gather3A_815 : vector<16xf32>
          %xor3A_817 = arith.constant 1 : i32
          %xor3A_818 = vector.broadcast %xor3A_817 : i32 to vector<16xi32>
          %xor3A_819 = arith.xori %iota3A_795, %xor3A_818 : vector<16xi32>
          %broadcast_in_dim3A_820 = vector.shape_cast %xor3A_819 : vector<16xi32> to vector<16x1xi32>
          %gather3A_821 = vector.shape_cast %broadcast_in_dim3A_820 : vector<16x1xi32> to vector<16xi32>
          %gather3A_822 = tpu.dynamic_gather %max3A_816[%gather3A_821] in [0] : vector<16xf32>, vector<16xi32> -> vector<16xf32>
          %max3A_823 = arith.maximumf %max3A_816, %gather3A_822 : vector<16xf32>
          %swap3A_824 = arith.constant 0 : index
          %swap3A_825 = tpu.vector_load %arg26[%swap3A_824] {strides = array<i32>} : memref<16xf32, #tpu.memory_space<vmem>>, vector<16xf32>,
          %swap3A_826 = vector.shape_cast %swap3A_825 : vector<16xf32> to vector<16xf32>
          %swap3A_827 = vector.shape_cast %max3A_823 : vector<16xf32> to vector<16xf32>
          tpu.vector_store %arg26[%swap3A_824], %swap3A_827 {strides = array<i32>} : memref<16xf32, #tpu.memory_space<vmem>>, vector<16xf32>,
          %get3A_828 = arith.constant 0 : index
          %get3A_829 = tpu.vector_load %arg26[%get3A_828] {strides = array<i32>} : memref<16xf32, #tpu.memory_space<vmem>>, vector<16xf32>,
          %get3A_830 = vector.shape_cast %get3A_829 : vector<16xf32> to vector<16xf32>
          %slice3A_831 = vector.extract_strided_slice %get3A_830 {offsets = [0], sizes = [1], strides = [1]} : vector<16xf32> to vector<1xf32>
          %squeeze3A_832 = vector.extract %slice3A_831[0] : f32 from vector<1xf32>
          %ge3A_833 = arith.cmpf oge, %squeeze3A_832, %select_n3A_384 : f32
          %lt3A_834 = arith.constant 384 : i32
          %lt3A_835 = arith.cmpi slt, %cond3A_794, %lt3A_834 : i32
          %and3A_836 = arith.andi %ge3A_833, %lt3A_835 : i1
          %add3A_837 = arith.constant 4 : i32
          %add3A_838 = arith.addi %mul3A_481, %add3A_837 : i32
          %convert_element_type3A_839 = arith.extui %and3A_836 : i1 to i32
          %cond3A_840 = arith.constant 0 : i32
          %cond3A_841 = arith.cmpi ne, %convert_element_type3A_839, %cond3A_840 : i32
          %cond3A_842 = scf.if %cond3A_841 -> (i32) {
            %mul3A_1083 = arith.constant 16 : i32
            %mul3A_1084 = arith.muli %add3A_838, %mul3A_1083 : i32
            %get3A_1085 = arith.index_cast %mul3A_1084 : i32 to index
            %get3A_1086 = tpu.vector_load %arg10[%get3A_1085] {strides = array<i32>} : memref<100000xf32, #tpu.memory_space<vmem>>, vector<16xf32>,
            %get3A_1087 = vector.shape_cast %get3A_1086 : vector<16xf32> to vector<16xf32>
            %ge3A_1088 = vector.broadcast %select_n3A_384 : f32 to vector<16xf32>
            %ge3A_1089 = arith.cmpf oge, %get3A_1087, %ge3A_1088 : vector<16xf32>
            %sub3A_1090 = vector.broadcast %squeeze3A_58 : f32 to vector<16xf32>
            %sub3A_1091 = arith.subf %get3A_1087, %sub3A_1090 : vector<16xf32>
            %sub3A_1092 = vector.broadcast %squeeze3A_183 : f32 to vector<16xf32>
            %sub3A_1093 = arith.subf %sub3A_1091, %sub3A_1092 : vector<16xf32>
            %jit3A_1094 = arith.constant -3.000000e+38 : f32
            %broadcast_in_dim3A_1095 = vector.broadcast %jit3A_1094 : f32 to vector<16xf32>
            %select_n3A_1096 = arith.select %ge3A_1089, %sub3A_1093, %broadcast_in_dim3A_1095 : vector<16xi1>, vector<16xf32>
            %mul3A_1097 = arith.constant 16 : i32
            %mul3A_1098 = arith.muli %cond3A_794, %mul3A_1097 : i32
            %swap3A_1099 = arith.index_cast %mul3A_1098 : i32 to index
            %swap3A_1100 = tpu.vector_load %arg11[%swap3A_1099] {strides = array<i32>} : memref<6144xf32, #tpu.memory_space<vmem>>, vector<16xf32>,
            %swap3A_1101 = vector.shape_cast %swap3A_1100 : vector<16xf32> to vector<16xf32>
            %swap3A_1102 = vector.shape_cast %select_n3A_1096 : vector<16xf32> to vector<16xf32>
            tpu.vector_store %arg11[%swap3A_1099], %swap3A_1102 {strides = array<i32>} : memref<6144xf32, #tpu.memory_space<vmem>>, vector<16xf32>,
            %mul3A_1103 = arith.constant 16 : i32
            %mul3A_1104 = arith.muli %cond3A_794, %mul3A_1103 : i32
            %swap3A_1105 = arith.index_cast %mul3A_1104 : i32 to index
            %swap3A_1106 = tpu.vector_load %arg12[%swap3A_1105] {strides = array<i32>} : memref<6144xf32, #tpu.memory_space<vmem>>, vector<16xf32>,
            %swap3A_1107 = vector.shape_cast %swap3A_1106 : vector<16xf32> to vector<16xf32>
            %swap3A_1108 = vector.shape_cast %get3A_1087 : vector<16xf32> to vector<16xf32>
            tpu.vector_store %arg12[%swap3A_1105], %swap3A_1108 {strides = array<i32>} : memref<6144xf32, #tpu.memory_space<vmem>>, vector<16xf32>,
            %mul3A_1109 = arith.constant 16 : i32
            %mul3A_1110 = arith.muli %add3A_838, %mul3A_1109 : i32
            %add3A_1111 = vector.broadcast %mul3A_1110 : i32 to vector<16xi32>
            %add3A_1112 = arith.addi %add3A_1111, %iota3A : vector<16xi32>
            %mul3A_1113 = arith.constant 16 : i32
            %mul3A_1114 = arith.muli %cond3A_794, %mul3A_1113 : i32
            %swap3A_1115 = arith.index_cast %mul3A_1114 : i32 to index
            %swap3A_1116 = tpu.vector_load %arg13[%swap3A_1115] {strides = array<i32>} : memref<6144xi32, #tpu.memory_space<vmem>>, vector<16xi32>,
            %swap3A_1117 = vector.shape_cast %swap3A_1116 : vector<16xi32> to vector<16xi32>
            %swap3A_1118 = vector.shape_cast %add3A_1112 : vector<16xi32> to vector<16xi32>
            tpu.vector_store %arg13[%swap3A_1115], %swap3A_1118 {strides = array<i32>} : memref<6144xi32, #tpu.memory_space<vmem>>, vector<16xi32>,
            %iota3A_1119 = tpu.iota {dimensions = array<i32: 0>} : vector<16xi32>
            %xor3A_1120 = arith.constant 8 : i32
            %xor3A_1121 = vector.broadcast %xor3A_1120 : i32 to vector<16xi32>
            %xor3A_1122 = arith.xori %iota3A_1119, %xor3A_1121 : vector<16xi32>
            %broadcast_in_dim3A_1123 = vector.shape_cast %xor3A_1122 : vector<16xi32> to vector<16x1xi32>
            %gather3A_1124 = vector.shape_cast %broadcast_in_dim3A_1123 : vector<16x1xi32> to vector<16xi32>
            %gather3A_1125 = tpu.dynamic_gather %select_n3A_1096[%gather3A_1124] in [0] : vector<16xf32>, vector<16xi32> -> vector<16xf32>
            %max3A_1126 = arith.maximumf %select_n3A_1096, %gather3A_1125 : vector<16xf32>
            %xor3A_1127 = arith.constant 4 : i32
            %xor3A_1128 = vector.broadcast %xor3A_1127 : i32 to vector<16xi32>
            %xor3A_1129 = arith.xori %iota3A_1119, %xor3A_1128 : vector<16xi32>
            %broadcast_in_dim3A_1130 = vector.shape_cast %xor3A_1129 : vector<16xi32> to vector<16x1xi32>
            %gather3A_1131 = vector.shape_cast %broadcast_in_dim3A_1130 : vector<16x1xi32> to vector<16xi32>
            %gather3A_1132 = tpu.dynamic_gather %max3A_1126[%gather3A_1131] in [0] : vector<16xf32>, vector<16xi32> -> vector<16xf32>
            %max3A_1133 = arith.maximumf %max3A_1126, %gather3A_1132 : vector<16xf32>
            %xor3A_1134 = arith.constant 2 : i32
            %xor3A_1135 = vector.broadcast %xor3A_1134 : i32 to vector<16xi32>
            %xor3A_1136 = arith.xori %iota3A_1119, %xor3A_1135 : vector<16xi32>
            %broadcast_in_dim3A_1137 = vector.shape_cast %xor3A_1136 : vector<16xi32> to vector<16x1xi32>
            %gather3A_1138 = vector.shape_cast %broadcast_in_dim3A_1137 : vector<16x1xi32> to vector<16xi32>
            %gather3A_1139 = tpu.dynamic_gather %max3A_1133[%gather3A_1138] in [0] : vector<16xf32>, vector<16xi32> -> vector<16xf32>
            %max3A_1140 = arith.maximumf %max3A_1133, %gather3A_1139 : vector<16xf32>
            %xor3A_1141 = arith.constant 1 : i32
            %xor3A_1142 = vector.broadcast %xor3A_1141 : i32 to vector<16xi32>
            %xor3A_1143 = arith.xori %iota3A_1119, %xor3A_1142 : vector<16xi32>
            %broadcast_in_dim3A_1144 = vector.shape_cast %xor3A_1143 : vector<16xi32> to vector<16x1xi32>
            %gather3A_1145 = vector.shape_cast %broadcast_in_dim3A_1144 : vector<16x1xi32> to vector<16xi32>
            %gather3A_1146 = tpu.dynamic_gather %max3A_1140[%gather3A_1145] in [0] : vector<16xf32>, vector<16xi32> -> vector<16xf32>
            %max3A_1147 = arith.maximumf %max3A_1140, %gather3A_1146 : vector<16xf32>
            %swap3A_1148 = arith.constant 0 : index
            %swap3A_1149 = tpu.vector_load %arg26[%swap3A_1148] {strides = array<i32>} : memref<16xf32, #tpu.memory_space<vmem>>, vector<16xf32>,
            %swap3A_1150 = vector.shape_cast %swap3A_1149 : vector<16xf32> to vector<16xf32>
            %swap3A_1151 = vector.shape_cast %max3A_1147 : vector<16xf32> to vector<16xf32>
            tpu.vector_store %arg26[%swap3A_1148], %swap3A_1151 {strides = array<i32>} : memref<16xf32, #tpu.memory_space<vmem>>, vector<16xf32>,
            %get3A_1152 = arith.constant 0 : index
            %get3A_1153 = tpu.vector_load %arg26[%get3A_1152] {strides = array<i32>} : memref<16xf32, #tpu.memory_space<vmem>>, vector<16xf32>,
            %get3A_1154 = vector.shape_cast %get3A_1153 : vector<16xf32> to vector<16xf32>
            %slice3A_1155 = vector.extract_strided_slice %get3A_1154 {offsets = [0], sizes = [1], strides = [1]} : vector<16xf32> to vector<1xf32>
            %squeeze3A_1156 = vector.extract %slice3A_1155[0] : f32 from vector<1xf32>
            %jit3A_1157 = arith.constant 16 : i32
            %div3A_1158 = arith.divsi %cond3A_794, %jit3A_1157 : i32
            %sign3A = arith.constant 0 : i32
            %sign3A_1159 = arith.cmpi sgt, %cond3A_794, %sign3A : i32
            %sign3A_1160 = arith.extui %sign3A_1159 : i1 to i32
            %sign3A_1161 = arith.constant 0 : i32
            %sign3A_1162 = arith.cmpi slt, %cond3A_794, %sign3A_1161 : i32
            %sign3A_1163 = arith.extui %sign3A_1162 : i1 to i32
            %sign3A_1164 = arith.subi %sign3A_1160, %sign3A_1163 : i32
            %sign3A_1165 = arith.constant 0 : i32
            %sign3A_1166 = arith.cmpi sgt, %jit3A_1157, %sign3A_1165 : i32
            %sign3A_1167 = arith.extui %sign3A_1166 : i1 to i32
            %sign3A_1168 = arith.constant 0 : i32
            %sign3A_1169 = arith.cmpi slt, %jit3A_1157, %sign3A_1168 : i32
            %sign3A_1170 = arith.extui %sign3A_1169 : i1 to i32
            %sign3A_1171 = arith.subi %sign3A_1167, %sign3A_1170 : i32
            %ne3A = arith.cmpi ne, %sign3A_1164, %sign3A_1171 : i32
            %rem3A = arith.remsi %cond3A_794, %jit3A_1157 : i32
            %ne3A_1172 = arith.constant 0 : i32
            %ne3A_1173 = arith.cmpi ne, %rem3A, %ne3A_1172 : i32
            %and3A_1174 = arith.andi %ne3A, %ne3A_1173 : i1
            %sub3A_1175 = arith.constant 1 : i32
            %sub3A_1176 = arith.subi %div3A_1158, %sub3A_1175 : i32
            %select_n3A_1177 = arith.select %and3A_1174, %sub3A_1176, %div3A_1158 : i32
            %mul3A_1178 = arith.constant 16 : i32
            %mul3A_1179 = arith.muli %select_n3A_1177, %mul3A_1178 : i32
            %get3A_1180 = arith.index_cast %mul3A_1179 : i32 to index
            %get3A_1181 = tpu.vector_load %arg14[%get3A_1180] {strides = array<i32>} : memref<512xf32, #tpu.memory_space<vmem>>, vector<16xf32>,
            %get3A_1182 = vector.shape_cast %get3A_1181 : vector<16xf32> to vector<16xf32>
            %jit3A_1183 = arith.constant 16 : i32
            %eq3A = arith.constant 0 : i32
            %eq3A_1184 = arith.cmpi eq, %jit3A_1183, %eq3A : i32
            %jit3A_1185 = arith.constant 1 : i32
            %select_n3A_1186 = arith.select %eq3A_1184, %jit3A_1185, %jit3A_1183 : i32
            %rem3A_1187 = arith.remsi %cond3A_794, %select_n3A_1186 : i32
            %ne3A_1188 = arith.constant 0 : i32
            %ne3A_1189 = arith.cmpi ne, %rem3A_1187, %ne3A_1188 : i32
            %lt3A_1190 = arith.constant 0 : i32
            %lt3A_1191 = arith.cmpi slt, %rem3A_1187, %lt3A_1190 : i32
            %lt3A_1192 = arith.constant 0 : i32
            %lt3A_1193 = arith.cmpi slt, %select_n3A_1186, %lt3A_1192 : i32
            %ne3A_1194 = arith.xori %lt3A_1191, %lt3A_1193 : i1
            %and3A_1195 = arith.andi %ne3A_1194, %ne3A_1189 : i1
            %add3A_1196 = arith.addi %rem3A_1187, %select_n3A_1186 : i32
            %select_n3A_1197 = arith.select %and3A_1195, %add3A_1196, %rem3A_1187 : i32
            %eq3A_1198 = vector.broadcast %select_n3A_1197 : i32 to vector<16xi32>
            %eq3A_1199 = arith.cmpi eq, %iota3A, %eq3A_1198 : vector<16xi32>
            %broadcast_in_dim3A_1200 = vector.broadcast %squeeze3A_1156 : f32 to vector<16xf32>
            %select_n3A_1201 = arith.select %eq3A_1199, %broadcast_in_dim3A_1200, %get3A_1182 : vector<16xi1>, vector<16xf32>
            %swap3A_1202 = arith.index_cast %mul3A_1179 : i32 to index
            %swap3A_1203 = tpu.vector_load %arg14[%swap3A_1202] {strides = array<i32>} : memref<512xf32, #tpu.memory_space<vmem>>, vector<16xf32>,
            %swap3A_1204 = vector.shape_cast %swap3A_1203 : vector<16xf32> to vector<16xf32>
            %swap3A_1205 = vector.shape_cast %select_n3A_1201 : vector<16xf32> to vector<16xf32>
            tpu.vector_store %arg14[%swap3A_1202], %swap3A_1205 {strides = array<i32>} : memref<512xf32, #tpu.memory_space<vmem>>, vector<16xf32>,
            %add3A_1206 = arith.constant 1 : i32
            %add3A_1207 = arith.addi %cond3A_794, %add3A_1206 : i32
            scf.yield %add3A_1207 : i32
          } else {
            scf.yield %cond3A_794 : i32
          }
          %iota3A_843 = tpu.iota {dimensions = array<i32: 0>} : vector<16xi32>
          %xor3A_844 = arith.constant 8 : i32
          %xor3A_845 = vector.broadcast %xor3A_844 : i32 to vector<16xi32>
          %xor3A_846 = arith.xori %iota3A_843, %xor3A_845 : vector<16xi32>
          %broadcast_in_dim3A_847 = vector.shape_cast %xor3A_846 : vector<16xi32> to vector<16x1xi32>
          %gather3A_848 = vector.shape_cast %broadcast_in_dim3A_847 : vector<16x1xi32> to vector<16xi32>
          %gather3A_849 = tpu.dynamic_gather %get3A_523[%gather3A_848] in [0] : vector<16xf32>, vector<16xi32> -> vector<16xf32>
          %max3A_850 = arith.maximumf %get3A_523, %gather3A_849 : vector<16xf32>
          %xor3A_851 = arith.constant 4 : i32
          %xor3A_852 = vector.broadcast %xor3A_851 : i32 to vector<16xi32>
          %xor3A_853 = arith.xori %iota3A_843, %xor3A_852 : vector<16xi32>
          %broadcast_in_dim3A_854 = vector.shape_cast %xor3A_853 : vector<16xi32> to vector<16x1xi32>
          %gather3A_855 = vector.shape_cast %broadcast_in_dim3A_854 : vector<16x1xi32> to vector<16xi32>
          %gather3A_856 = tpu.dynamic_gather %max3A_850[%gather3A_855] in [0] : vector<16xf32>, vector<16xi32> -> vector<16xf32>
          %max3A_857 = arith.maximumf %max3A_850, %gather3A_856 : vector<16xf32>
          %xor3A_858 = arith.constant 2 : i32
          %xor3A_859 = vector.broadcast %xor3A_858 : i32 to vector<16xi32>
          %xor3A_860 = arith.xori %iota3A_843, %xor3A_859 : vector<16xi32>
          %broadcast_in_dim3A_861 = vector.shape_cast %xor3A_860 : vector<16xi32> to vector<16x1xi32>
          %gather3A_862 = vector.shape_cast %broadcast_in_dim3A_861 : vector<16x1xi32> to vector<16xi32>
          %gather3A_863 = tpu.dynamic_gather %max3A_857[%gather3A_862] in [0] : vector<16xf32>, vector<16xi32> -> vector<16xf32>
          %max3A_864 = arith.maximumf %max3A_857, %gather3A_863 : vector<16xf32>
          %xor3A_865 = arith.constant 1 : i32
          %xor3A_866 = vector.broadcast %xor3A_865 : i32 to vector<16xi32>
          %xor3A_867 = arith.xori %iota3A_843, %xor3A_866 : vector<16xi32>
          %broadcast_in_dim3A_868 = vector.shape_cast %xor3A_867 : vector<16xi32> to vector<16x1xi32>
          %gather3A_869 = vector.shape_cast %broadcast_in_dim3A_868 : vector<16x1xi32> to vector<16xi32>
          %gather3A_870 = tpu.dynamic_gather %max3A_864[%gather3A_869] in [0] : vector<16xf32>, vector<16xi32> -> vector<16xf32>
          %max3A_871 = arith.maximumf %max3A_864, %gather3A_870 : vector<16xf32>
          %swap3A_872 = arith.constant 0 : index
          %swap3A_873 = tpu.vector_load %arg26[%swap3A_872] {strides = array<i32>} : memref<16xf32, #tpu.memory_space<vmem>>, vector<16xf32>,
          %swap3A_874 = vector.shape_cast %swap3A_873 : vector<16xf32> to vector<16xf32>
          %swap3A_875 = vector.shape_cast %max3A_871 : vector<16xf32> to vector<16xf32>
          tpu.vector_store %arg26[%swap3A_872], %swap3A_875 {strides = array<i32>} : memref<16xf32, #tpu.memory_space<vmem>>, vector<16xf32>,
          %get3A_876 = arith.constant 0 : index
          %get3A_877 = tpu.vector_load %arg26[%get3A_876] {strides = array<i32>} : memref<16xf32, #tpu.memory_space<vmem>>, vector<16xf32>,
          %get3A_878 = vector.shape_cast %get3A_877 : vector<16xf32> to vector<16xf32>
          %slice3A_879 = vector.extract_strided_slice %get3A_878 {offsets = [0], sizes = [1], strides = [1]} : vector<16xf32> to vector<1xf32>
          %squeeze3A_880 = vector.extract %slice3A_879[0] : f32 from vector<1xf32>
          %ge3A_881 = arith.cmpf oge, %squeeze3A_880, %select_n3A_384 : f32
          %lt3A_882 = arith.constant 384 : i32
          %lt3A_883 = arith.cmpi slt, %cond3A_842, %lt3A_882 : i32
          %and3A_884 = arith.andi %ge3A_881, %lt3A_883 : i1
          %add3A_885 = arith.constant 5 : i32
          %add3A_886 = arith.addi %mul3A_481, %add3A_885 : i32
          %convert_element_type3A_887 = arith.extui %and3A_884 : i1 to i32
          %cond3A_888 = arith.constant 0 : i32
          %cond3A_889 = arith.cmpi ne, %convert_element_type3A_887, %cond3A_888 : i32
          %cond3A_890 = scf.if %cond3A_889 -> (i32) {
            %mul3A_1083 = arith.constant 16 : i32
            %mul3A_1084 = arith.muli %add3A_886, %mul3A_1083 : i32
            %get3A_1085 = arith.index_cast %mul3A_1084 : i32 to index
            %get3A_1086 = tpu.vector_load %arg10[%get3A_1085] {strides = array<i32>} : memref<100000xf32, #tpu.memory_space<vmem>>, vector<16xf32>,
            %get3A_1087 = vector.shape_cast %get3A_1086 : vector<16xf32> to vector<16xf32>
            %ge3A_1088 = vector.broadcast %select_n3A_384 : f32 to vector<16xf32>
            %ge3A_1089 = arith.cmpf oge, %get3A_1087, %ge3A_1088 : vector<16xf32>
            %sub3A_1090 = vector.broadcast %squeeze3A_58 : f32 to vector<16xf32>
            %sub3A_1091 = arith.subf %get3A_1087, %sub3A_1090 : vector<16xf32>
            %sub3A_1092 = vector.broadcast %squeeze3A_183 : f32 to vector<16xf32>
            %sub3A_1093 = arith.subf %sub3A_1091, %sub3A_1092 : vector<16xf32>
            %jit3A_1094 = arith.constant -3.000000e+38 : f32
            %broadcast_in_dim3A_1095 = vector.broadcast %jit3A_1094 : f32 to vector<16xf32>
            %select_n3A_1096 = arith.select %ge3A_1089, %sub3A_1093, %broadcast_in_dim3A_1095 : vector<16xi1>, vector<16xf32>
            %mul3A_1097 = arith.constant 16 : i32
            %mul3A_1098 = arith.muli %cond3A_842, %mul3A_1097 : i32
            %swap3A_1099 = arith.index_cast %mul3A_1098 : i32 to index
            %swap3A_1100 = tpu.vector_load %arg11[%swap3A_1099] {strides = array<i32>} : memref<6144xf32, #tpu.memory_space<vmem>>, vector<16xf32>,
            %swap3A_1101 = vector.shape_cast %swap3A_1100 : vector<16xf32> to vector<16xf32>
            %swap3A_1102 = vector.shape_cast %select_n3A_1096 : vector<16xf32> to vector<16xf32>
            tpu.vector_store %arg11[%swap3A_1099], %swap3A_1102 {strides = array<i32>} : memref<6144xf32, #tpu.memory_space<vmem>>, vector<16xf32>,
            %mul3A_1103 = arith.constant 16 : i32
            %mul3A_1104 = arith.muli %cond3A_842, %mul3A_1103 : i32
            %swap3A_1105 = arith.index_cast %mul3A_1104 : i32 to index
            %swap3A_1106 = tpu.vector_load %arg12[%swap3A_1105] {strides = array<i32>} : memref<6144xf32, #tpu.memory_space<vmem>>, vector<16xf32>,
            %swap3A_1107 = vector.shape_cast %swap3A_1106 : vector<16xf32> to vector<16xf32>
            %swap3A_1108 = vector.shape_cast %get3A_1087 : vector<16xf32> to vector<16xf32>
            tpu.vector_store %arg12[%swap3A_1105], %swap3A_1108 {strides = array<i32>} : memref<6144xf32, #tpu.memory_space<vmem>>, vector<16xf32>,
            %mul3A_1109 = arith.constant 16 : i32
            %mul3A_1110 = arith.muli %add3A_886, %mul3A_1109 : i32
            %add3A_1111 = vector.broadcast %mul3A_1110 : i32 to vector<16xi32>
            %add3A_1112 = arith.addi %add3A_1111, %iota3A : vector<16xi32>
            %mul3A_1113 = arith.constant 16 : i32
            %mul3A_1114 = arith.muli %cond3A_842, %mul3A_1113 : i32
            %swap3A_1115 = arith.index_cast %mul3A_1114 : i32 to index
            %swap3A_1116 = tpu.vector_load %arg13[%swap3A_1115] {strides = array<i32>} : memref<6144xi32, #tpu.memory_space<vmem>>, vector<16xi32>,
            %swap3A_1117 = vector.shape_cast %swap3A_1116 : vector<16xi32> to vector<16xi32>
            %swap3A_1118 = vector.shape_cast %add3A_1112 : vector<16xi32> to vector<16xi32>
            tpu.vector_store %arg13[%swap3A_1115], %swap3A_1118 {strides = array<i32>} : memref<6144xi32, #tpu.memory_space<vmem>>, vector<16xi32>,
            %iota3A_1119 = tpu.iota {dimensions = array<i32: 0>} : vector<16xi32>
            %xor3A_1120 = arith.constant 8 : i32
            %xor3A_1121 = vector.broadcast %xor3A_1120 : i32 to vector<16xi32>
            %xor3A_1122 = arith.xori %iota3A_1119, %xor3A_1121 : vector<16xi32>
            %broadcast_in_dim3A_1123 = vector.shape_cast %xor3A_1122 : vector<16xi32> to vector<16x1xi32>
            %gather3A_1124 = vector.shape_cast %broadcast_in_dim3A_1123 : vector<16x1xi32> to vector<16xi32>
            %gather3A_1125 = tpu.dynamic_gather %select_n3A_1096[%gather3A_1124] in [0] : vector<16xf32>, vector<16xi32> -> vector<16xf32>
            %max3A_1126 = arith.maximumf %select_n3A_1096, %gather3A_1125 : vector<16xf32>
            %xor3A_1127 = arith.constant 4 : i32
            %xor3A_1128 = vector.broadcast %xor3A_1127 : i32 to vector<16xi32>
            %xor3A_1129 = arith.xori %iota3A_1119, %xor3A_1128 : vector<16xi32>
            %broadcast_in_dim3A_1130 = vector.shape_cast %xor3A_1129 : vector<16xi32> to vector<16x1xi32>
            %gather3A_1131 = vector.shape_cast %broadcast_in_dim3A_1130 : vector<16x1xi32> to vector<16xi32>
            %gather3A_1132 = tpu.dynamic_gather %max3A_1126[%gather3A_1131] in [0] : vector<16xf32>, vector<16xi32> -> vector<16xf32>
            %max3A_1133 = arith.maximumf %max3A_1126, %gather3A_1132 : vector<16xf32>
            %xor3A_1134 = arith.constant 2 : i32
            %xor3A_1135 = vector.broadcast %xor3A_1134 : i32 to vector<16xi32>
            %xor3A_1136 = arith.xori %iota3A_1119, %xor3A_1135 : vector<16xi32>
            %broadcast_in_dim3A_1137 = vector.shape_cast %xor3A_1136 : vector<16xi32> to vector<16x1xi32>
            %gather3A_1138 = vector.shape_cast %broadcast_in_dim3A_1137 : vector<16x1xi32> to vector<16xi32>
            %gather3A_1139 = tpu.dynamic_gather %max3A_1133[%gather3A_1138] in [0] : vector<16xf32>, vector<16xi32> -> vector<16xf32>
            %max3A_1140 = arith.maximumf %max3A_1133, %gather3A_1139 : vector<16xf32>
            %xor3A_1141 = arith.constant 1 : i32
            %xor3A_1142 = vector.broadcast %xor3A_1141 : i32 to vector<16xi32>
            %xor3A_1143 = arith.xori %iota3A_1119, %xor3A_1142 : vector<16xi32>
            %broadcast_in_dim3A_1144 = vector.shape_cast %xor3A_1143 : vector<16xi32> to vector<16x1xi32>
            %gather3A_1145 = vector.shape_cast %broadcast_in_dim3A_1144 : vector<16x1xi32> to vector<16xi32>
            %gather3A_1146 = tpu.dynamic_gather %max3A_1140[%gather3A_1145] in [0] : vector<16xf32>, vector<16xi32> -> vector<16xf32>
            %max3A_1147 = arith.maximumf %max3A_1140, %gather3A_1146 : vector<16xf32>
            %swap3A_1148 = arith.constant 0 : index
            %swap3A_1149 = tpu.vector_load %arg26[%swap3A_1148] {strides = array<i32>} : memref<16xf32, #tpu.memory_space<vmem>>, vector<16xf32>,
            %swap3A_1150 = vector.shape_cast %swap3A_1149 : vector<16xf32> to vector<16xf32>
            %swap3A_1151 = vector.shape_cast %max3A_1147 : vector<16xf32> to vector<16xf32>
            tpu.vector_store %arg26[%swap3A_1148], %swap3A_1151 {strides = array<i32>} : memref<16xf32, #tpu.memory_space<vmem>>, vector<16xf32>,
            %get3A_1152 = arith.constant 0 : index
            %get3A_1153 = tpu.vector_load %arg26[%get3A_1152] {strides = array<i32>} : memref<16xf32, #tpu.memory_space<vmem>>, vector<16xf32>,
            %get3A_1154 = vector.shape_cast %get3A_1153 : vector<16xf32> to vector<16xf32>
            %slice3A_1155 = vector.extract_strided_slice %get3A_1154 {offsets = [0], sizes = [1], strides = [1]} : vector<16xf32> to vector<1xf32>
            %squeeze3A_1156 = vector.extract %slice3A_1155[0] : f32 from vector<1xf32>
            %jit3A_1157 = arith.constant 16 : i32
            %div3A_1158 = arith.divsi %cond3A_842, %jit3A_1157 : i32
            %sign3A = arith.constant 0 : i32
            %sign3A_1159 = arith.cmpi sgt, %cond3A_842, %sign3A : i32
            %sign3A_1160 = arith.extui %sign3A_1159 : i1 to i32
            %sign3A_1161 = arith.constant 0 : i32
            %sign3A_1162 = arith.cmpi slt, %cond3A_842, %sign3A_1161 : i32
            %sign3A_1163 = arith.extui %sign3A_1162 : i1 to i32
            %sign3A_1164 = arith.subi %sign3A_1160, %sign3A_1163 : i32
            %sign3A_1165 = arith.constant 0 : i32
            %sign3A_1166 = arith.cmpi sgt, %jit3A_1157, %sign3A_1165 : i32
            %sign3A_1167 = arith.extui %sign3A_1166 : i1 to i32
            %sign3A_1168 = arith.constant 0 : i32
            %sign3A_1169 = arith.cmpi slt, %jit3A_1157, %sign3A_1168 : i32
            %sign3A_1170 = arith.extui %sign3A_1169 : i1 to i32
            %sign3A_1171 = arith.subi %sign3A_1167, %sign3A_1170 : i32
            %ne3A = arith.cmpi ne, %sign3A_1164, %sign3A_1171 : i32
            %rem3A = arith.remsi %cond3A_842, %jit3A_1157 : i32
            %ne3A_1172 = arith.constant 0 : i32
            %ne3A_1173 = arith.cmpi ne, %rem3A, %ne3A_1172 : i32
            %and3A_1174 = arith.andi %ne3A, %ne3A_1173 : i1
            %sub3A_1175 = arith.constant 1 : i32
            %sub3A_1176 = arith.subi %div3A_1158, %sub3A_1175 : i32
            %select_n3A_1177 = arith.select %and3A_1174, %sub3A_1176, %div3A_1158 : i32
            %mul3A_1178 = arith.constant 16 : i32
            %mul3A_1179 = arith.muli %select_n3A_1177, %mul3A_1178 : i32
            %get3A_1180 = arith.index_cast %mul3A_1179 : i32 to index
            %get3A_1181 = tpu.vector_load %arg14[%get3A_1180] {strides = array<i32>} : memref<512xf32, #tpu.memory_space<vmem>>, vector<16xf32>,
            %get3A_1182 = vector.shape_cast %get3A_1181 : vector<16xf32> to vector<16xf32>
            %jit3A_1183 = arith.constant 16 : i32
            %eq3A = arith.constant 0 : i32
            %eq3A_1184 = arith.cmpi eq, %jit3A_1183, %eq3A : i32
            %jit3A_1185 = arith.constant 1 : i32
            %select_n3A_1186 = arith.select %eq3A_1184, %jit3A_1185, %jit3A_1183 : i32
            %rem3A_1187 = arith.remsi %cond3A_842, %select_n3A_1186 : i32
            %ne3A_1188 = arith.constant 0 : i32
            %ne3A_1189 = arith.cmpi ne, %rem3A_1187, %ne3A_1188 : i32
            %lt3A_1190 = arith.constant 0 : i32
            %lt3A_1191 = arith.cmpi slt, %rem3A_1187, %lt3A_1190 : i32
            %lt3A_1192 = arith.constant 0 : i32
            %lt3A_1193 = arith.cmpi slt, %select_n3A_1186, %lt3A_1192 : i32
            %ne3A_1194 = arith.xori %lt3A_1191, %lt3A_1193 : i1
            %and3A_1195 = arith.andi %ne3A_1194, %ne3A_1189 : i1
            %add3A_1196 = arith.addi %rem3A_1187, %select_n3A_1186 : i32
            %select_n3A_1197 = arith.select %and3A_1195, %add3A_1196, %rem3A_1187 : i32
            %eq3A_1198 = vector.broadcast %select_n3A_1197 : i32 to vector<16xi32>
            %eq3A_1199 = arith.cmpi eq, %iota3A, %eq3A_1198 : vector<16xi32>
            %broadcast_in_dim3A_1200 = vector.broadcast %squeeze3A_1156 : f32 to vector<16xf32>
            %select_n3A_1201 = arith.select %eq3A_1199, %broadcast_in_dim3A_1200, %get3A_1182 : vector<16xi1>, vector<16xf32>
            %swap3A_1202 = arith.index_cast %mul3A_1179 : i32 to index
            %swap3A_1203 = tpu.vector_load %arg14[%swap3A_1202] {strides = array<i32>} : memref<512xf32, #tpu.memory_space<vmem>>, vector<16xf32>,
            %swap3A_1204 = vector.shape_cast %swap3A_1203 : vector<16xf32> to vector<16xf32>
            %swap3A_1205 = vector.shape_cast %select_n3A_1201 : vector<16xf32> to vector<16xf32>
            tpu.vector_store %arg14[%swap3A_1202], %swap3A_1205 {strides = array<i32>} : memref<512xf32, #tpu.memory_space<vmem>>, vector<16xf32>,
            %add3A_1206 = arith.constant 1 : i32
            %add3A_1207 = arith.addi %cond3A_842, %add3A_1206 : i32
            scf.yield %add3A_1207 : i32
          } else {
            scf.yield %cond3A_842 : i32
          }
          %iota3A_891 = tpu.iota {dimensions = array<i32: 0>} : vector<16xi32>
          %xor3A_892 = arith.constant 8 : i32
          %xor3A_893 = vector.broadcast %xor3A_892 : i32 to vector<16xi32>
          %xor3A_894 = arith.xori %iota3A_891, %xor3A_893 : vector<16xi32>
          %broadcast_in_dim3A_895 = vector.shape_cast %xor3A_894 : vector<16xi32> to vector<16x1xi32>
          %gather3A_896 = vector.shape_cast %broadcast_in_dim3A_895 : vector<16x1xi32> to vector<16xi32>
          %gather3A_897 = tpu.dynamic_gather %get3A_530[%gather3A_896] in [0] : vector<16xf32>, vector<16xi32> -> vector<16xf32>
          %max3A_898 = arith.maximumf %get3A_530, %gather3A_897 : vector<16xf32>
          %xor3A_899 = arith.constant 4 : i32
          %xor3A_900 = vector.broadcast %xor3A_899 : i32 to vector<16xi32>
          %xor3A_901 = arith.xori %iota3A_891, %xor3A_900 : vector<16xi32>
          %broadcast_in_dim3A_902 = vector.shape_cast %xor3A_901 : vector<16xi32> to vector<16x1xi32>
          %gather3A_903 = vector.shape_cast %broadcast_in_dim3A_902 : vector<16x1xi32> to vector<16xi32>
          %gather3A_904 = tpu.dynamic_gather %max3A_898[%gather3A_903] in [0] : vector<16xf32>, vector<16xi32> -> vector<16xf32>
          %max3A_905 = arith.maximumf %max3A_898, %gather3A_904 : vector<16xf32>
          %xor3A_906 = arith.constant 2 : i32
          %xor3A_907 = vector.broadcast %xor3A_906 : i32 to vector<16xi32>
          %xor3A_908 = arith.xori %iota3A_891, %xor3A_907 : vector<16xi32>
          %broadcast_in_dim3A_909 = vector.shape_cast %xor3A_908 : vector<16xi32> to vector<16x1xi32>
          %gather3A_910 = vector.shape_cast %broadcast_in_dim3A_909 : vector<16x1xi32> to vector<16xi32>
          %gather3A_911 = tpu.dynamic_gather %max3A_905[%gather3A_910] in [0] : vector<16xf32>, vector<16xi32> -> vector<16xf32>
          %max3A_912 = arith.maximumf %max3A_905, %gather3A_911 : vector<16xf32>
          %xor3A_913 = arith.constant 1 : i32
          %xor3A_914 = vector.broadcast %xor3A_913 : i32 to vector<16xi32>
          %xor3A_915 = arith.xori %iota3A_891, %xor3A_914 : vector<16xi32>
          %broadcast_in_dim3A_916 = vector.shape_cast %xor3A_915 : vector<16xi32> to vector<16x1xi32>
          %gather3A_917 = vector.shape_cast %broadcast_in_dim3A_916 : vector<16x1xi32> to vector<16xi32>
          %gather3A_918 = tpu.dynamic_gather %max3A_912[%gather3A_917] in [0] : vector<16xf32>, vector<16xi32> -> vector<16xf32>
          %max3A_919 = arith.maximumf %max3A_912, %gather3A_918 : vector<16xf32>
          %swap3A_920 = arith.constant 0 : index
          %swap3A_921 = tpu.vector_load %arg26[%swap3A_920] {strides = array<i32>} : memref<16xf32, #tpu.memory_space<vmem>>, vector<16xf32>,
          %swap3A_922 = vector.shape_cast %swap3A_921 : vector<16xf32> to vector<16xf32>
          %swap3A_923 = vector.shape_cast %max3A_919 : vector<16xf32> to vector<16xf32>
          tpu.vector_store %arg26[%swap3A_920], %swap3A_923 {strides = array<i32>} : memref<16xf32, #tpu.memory_space<vmem>>, vector<16xf32>,
          %get3A_924 = arith.constant 0 : index
          %get3A_925 = tpu.vector_load %arg26[%get3A_924] {strides = array<i32>} : memref<16xf32, #tpu.memory_space<vmem>>, vector<16xf32>,
          %get3A_926 = vector.shape_cast %get3A_925 : vector<16xf32> to vector<16xf32>
          %slice3A_927 = vector.extract_strided_slice %get3A_926 {offsets = [0], sizes = [1], strides = [1]} : vector<16xf32> to vector<1xf32>
          %squeeze3A_928 = vector.extract %slice3A_927[0] : f32 from vector<1xf32>
          %ge3A_929 = arith.cmpf oge, %squeeze3A_928, %select_n3A_384 : f32
          %lt3A_930 = arith.constant 384 : i32
          %lt3A_931 = arith.cmpi slt, %cond3A_890, %lt3A_930 : i32
          %and3A_932 = arith.andi %ge3A_929, %lt3A_931 : i1
          %add3A_933 = arith.constant 6 : i32
          %add3A_934 = arith.addi %mul3A_481, %add3A_933 : i32
          %convert_element_type3A_935 = arith.extui %and3A_932 : i1 to i32
          %cond3A_936 = arith.constant 0 : i32
          %cond3A_937 = arith.cmpi ne, %convert_element_type3A_935, %cond3A_936 : i32
          %cond3A_938 = scf.if %cond3A_937 -> (i32) {
            %mul3A_1083 = arith.constant 16 : i32
            %mul3A_1084 = arith.muli %add3A_934, %mul3A_1083 : i32
            %get3A_1085 = arith.index_cast %mul3A_1084 : i32 to index
            %get3A_1086 = tpu.vector_load %arg10[%get3A_1085] {strides = array<i32>} : memref<100000xf32, #tpu.memory_space<vmem>>, vector<16xf32>,
            %get3A_1087 = vector.shape_cast %get3A_1086 : vector<16xf32> to vector<16xf32>
            %ge3A_1088 = vector.broadcast %select_n3A_384 : f32 to vector<16xf32>
            %ge3A_1089 = arith.cmpf oge, %get3A_1087, %ge3A_1088 : vector<16xf32>
            %sub3A_1090 = vector.broadcast %squeeze3A_58 : f32 to vector<16xf32>
            %sub3A_1091 = arith.subf %get3A_1087, %sub3A_1090 : vector<16xf32>
            %sub3A_1092 = vector.broadcast %squeeze3A_183 : f32 to vector<16xf32>
            %sub3A_1093 = arith.subf %sub3A_1091, %sub3A_1092 : vector<16xf32>
            %jit3A_1094 = arith.constant -3.000000e+38 : f32
            %broadcast_in_dim3A_1095 = vector.broadcast %jit3A_1094 : f32 to vector<16xf32>
            %select_n3A_1096 = arith.select %ge3A_1089, %sub3A_1093, %broadcast_in_dim3A_1095 : vector<16xi1>, vector<16xf32>
            %mul3A_1097 = arith.constant 16 : i32
            %mul3A_1098 = arith.muli %cond3A_890, %mul3A_1097 : i32
            %swap3A_1099 = arith.index_cast %mul3A_1098 : i32 to index
            %swap3A_1100 = tpu.vector_load %arg11[%swap3A_1099] {strides = array<i32>} : memref<6144xf32, #tpu.memory_space<vmem>>, vector<16xf32>,
            %swap3A_1101 = vector.shape_cast %swap3A_1100 : vector<16xf32> to vector<16xf32>
            %swap3A_1102 = vector.shape_cast %select_n3A_1096 : vector<16xf32> to vector<16xf32>
            tpu.vector_store %arg11[%swap3A_1099], %swap3A_1102 {strides = array<i32>} : memref<6144xf32, #tpu.memory_space<vmem>>, vector<16xf32>,
            %mul3A_1103 = arith.constant 16 : i32
            %mul3A_1104 = arith.muli %cond3A_890, %mul3A_1103 : i32
            %swap3A_1105 = arith.index_cast %mul3A_1104 : i32 to index
            %swap3A_1106 = tpu.vector_load %arg12[%swap3A_1105] {strides = array<i32>} : memref<6144xf32, #tpu.memory_space<vmem>>, vector<16xf32>,
            %swap3A_1107 = vector.shape_cast %swap3A_1106 : vector<16xf32> to vector<16xf32>
            %swap3A_1108 = vector.shape_cast %get3A_1087 : vector<16xf32> to vector<16xf32>
            tpu.vector_store %arg12[%swap3A_1105], %swap3A_1108 {strides = array<i32>} : memref<6144xf32, #tpu.memory_space<vmem>>, vector<16xf32>,
            %mul3A_1109 = arith.constant 16 : i32
            %mul3A_1110 = arith.muli %add3A_934, %mul3A_1109 : i32
            %add3A_1111 = vector.broadcast %mul3A_1110 : i32 to vector<16xi32>
            %add3A_1112 = arith.addi %add3A_1111, %iota3A : vector<16xi32>
            %mul3A_1113 = arith.constant 16 : i32
            %mul3A_1114 = arith.muli %cond3A_890, %mul3A_1113 : i32
            %swap3A_1115 = arith.index_cast %mul3A_1114 : i32 to index
            %swap3A_1116 = tpu.vector_load %arg13[%swap3A_1115] {strides = array<i32>} : memref<6144xi32, #tpu.memory_space<vmem>>, vector<16xi32>,
            %swap3A_1117 = vector.shape_cast %swap3A_1116 : vector<16xi32> to vector<16xi32>
            %swap3A_1118 = vector.shape_cast %add3A_1112 : vector<16xi32> to vector<16xi32>
            tpu.vector_store %arg13[%swap3A_1115], %swap3A_1118 {strides = array<i32>} : memref<6144xi32, #tpu.memory_space<vmem>>, vector<16xi32>,
            %iota3A_1119 = tpu.iota {dimensions = array<i32: 0>} : vector<16xi32>
            %xor3A_1120 = arith.constant 8 : i32
            %xor3A_1121 = vector.broadcast %xor3A_1120 : i32 to vector<16xi32>
            %xor3A_1122 = arith.xori %iota3A_1119, %xor3A_1121 : vector<16xi32>
            %broadcast_in_dim3A_1123 = vector.shape_cast %xor3A_1122 : vector<16xi32> to vector<16x1xi32>
            %gather3A_1124 = vector.shape_cast %broadcast_in_dim3A_1123 : vector<16x1xi32> to vector<16xi32>
            %gather3A_1125 = tpu.dynamic_gather %select_n3A_1096[%gather3A_1124] in [0] : vector<16xf32>, vector<16xi32> -> vector<16xf32>
            %max3A_1126 = arith.maximumf %select_n3A_1096, %gather3A_1125 : vector<16xf32>
            %xor3A_1127 = arith.constant 4 : i32
            %xor3A_1128 = vector.broadcast %xor3A_1127 : i32 to vector<16xi32>
            %xor3A_1129 = arith.xori %iota3A_1119, %xor3A_1128 : vector<16xi32>
            %broadcast_in_dim3A_1130 = vector.shape_cast %xor3A_1129 : vector<16xi32> to vector<16x1xi32>
            %gather3A_1131 = vector.shape_cast %broadcast_in_dim3A_1130 : vector<16x1xi32> to vector<16xi32>
            %gather3A_1132 = tpu.dynamic_gather %max3A_1126[%gather3A_1131] in [0] : vector<16xf32>, vector<16xi32> -> vector<16xf32>
            %max3A_1133 = arith.maximumf %max3A_1126, %gather3A_1132 : vector<16xf32>
            %xor3A_1134 = arith.constant 2 : i32
            %xor3A_1135 = vector.broadcast %xor3A_1134 : i32 to vector<16xi32>
            %xor3A_1136 = arith.xori %iota3A_1119, %xor3A_1135 : vector<16xi32>
            %broadcast_in_dim3A_1137 = vector.shape_cast %xor3A_1136 : vector<16xi32> to vector<16x1xi32>
            %gather3A_1138 = vector.shape_cast %broadcast_in_dim3A_1137 : vector<16x1xi32> to vector<16xi32>
            %gather3A_1139 = tpu.dynamic_gather %max3A_1133[%gather3A_1138] in [0] : vector<16xf32>, vector<16xi32> -> vector<16xf32>
            %max3A_1140 = arith.maximumf %max3A_1133, %gather3A_1139 : vector<16xf32>
            %xor3A_1141 = arith.constant 1 : i32
            %xor3A_1142 = vector.broadcast %xor3A_1141 : i32 to vector<16xi32>
            %xor3A_1143 = arith.xori %iota3A_1119, %xor3A_1142 : vector<16xi32>
            %broadcast_in_dim3A_1144 = vector.shape_cast %xor3A_1143 : vector<16xi32> to vector<16x1xi32>
            %gather3A_1145 = vector.shape_cast %broadcast_in_dim3A_1144 : vector<16x1xi32> to vector<16xi32>
            %gather3A_1146 = tpu.dynamic_gather %max3A_1140[%gather3A_1145] in [0] : vector<16xf32>, vector<16xi32> -> vector<16xf32>
            %max3A_1147 = arith.maximumf %max3A_1140, %gather3A_1146 : vector<16xf32>
            %swap3A_1148 = arith.constant 0 : index
            %swap3A_1149 = tpu.vector_load %arg26[%swap3A_1148] {strides = array<i32>} : memref<16xf32, #tpu.memory_space<vmem>>, vector<16xf32>,
            %swap3A_1150 = vector.shape_cast %swap3A_1149 : vector<16xf32> to vector<16xf32>
            %swap3A_1151 = vector.shape_cast %max3A_1147 : vector<16xf32> to vector<16xf32>
            tpu.vector_store %arg26[%swap3A_1148], %swap3A_1151 {strides = array<i32>} : memref<16xf32, #tpu.memory_space<vmem>>, vector<16xf32>,
            %get3A_1152 = arith.constant 0 : index
            %get3A_1153 = tpu.vector_load %arg26[%get3A_1152] {strides = array<i32>} : memref<16xf32, #tpu.memory_space<vmem>>, vector<16xf32>,
            %get3A_1154 = vector.shape_cast %get3A_1153 : vector<16xf32> to vector<16xf32>
            %slice3A_1155 = vector.extract_strided_slice %get3A_1154 {offsets = [0], sizes = [1], strides = [1]} : vector<16xf32> to vector<1xf32>
            %squeeze3A_1156 = vector.extract %slice3A_1155[0] : f32 from vector<1xf32>
            %jit3A_1157 = arith.constant 16 : i32
            %div3A_1158 = arith.divsi %cond3A_890, %jit3A_1157 : i32
            %sign3A = arith.constant 0 : i32
            %sign3A_1159 = arith.cmpi sgt, %cond3A_890, %sign3A : i32
            %sign3A_1160 = arith.extui %sign3A_1159 : i1 to i32
            %sign3A_1161 = arith.constant 0 : i32
            %sign3A_1162 = arith.cmpi slt, %cond3A_890, %sign3A_1161 : i32
            %sign3A_1163 = arith.extui %sign3A_1162 : i1 to i32
            %sign3A_1164 = arith.subi %sign3A_1160, %sign3A_1163 : i32
            %sign3A_1165 = arith.constant 0 : i32
            %sign3A_1166 = arith.cmpi sgt, %jit3A_1157, %sign3A_1165 : i32
            %sign3A_1167 = arith.extui %sign3A_1166 : i1 to i32
            %sign3A_1168 = arith.constant 0 : i32
            %sign3A_1169 = arith.cmpi slt, %jit3A_1157, %sign3A_1168 : i32
            %sign3A_1170 = arith.extui %sign3A_1169 : i1 to i32
            %sign3A_1171 = arith.subi %sign3A_1167, %sign3A_1170 : i32
            %ne3A = arith.cmpi ne, %sign3A_1164, %sign3A_1171 : i32
            %rem3A = arith.remsi %cond3A_890, %jit3A_1157 : i32
            %ne3A_1172 = arith.constant 0 : i32
            %ne3A_1173 = arith.cmpi ne, %rem3A, %ne3A_1172 : i32
            %and3A_1174 = arith.andi %ne3A, %ne3A_1173 : i1
            %sub3A_1175 = arith.constant 1 : i32
            %sub3A_1176 = arith.subi %div3A_1158, %sub3A_1175 : i32
            %select_n3A_1177 = arith.select %and3A_1174, %sub3A_1176, %div3A_1158 : i32
            %mul3A_1178 = arith.constant 16 : i32
            %mul3A_1179 = arith.muli %select_n3A_1177, %mul3A_1178 : i32
            %get3A_1180 = arith.index_cast %mul3A_1179 : i32 to index
            %get3A_1181 = tpu.vector_load %arg14[%get3A_1180] {strides = array<i32>} : memref<512xf32, #tpu.memory_space<vmem>>, vector<16xf32>,
            %get3A_1182 = vector.shape_cast %get3A_1181 : vector<16xf32> to vector<16xf32>
            %jit3A_1183 = arith.constant 16 : i32
            %eq3A = arith.constant 0 : i32
            %eq3A_1184 = arith.cmpi eq, %jit3A_1183, %eq3A : i32
            %jit3A_1185 = arith.constant 1 : i32
            %select_n3A_1186 = arith.select %eq3A_1184, %jit3A_1185, %jit3A_1183 : i32
            %rem3A_1187 = arith.remsi %cond3A_890, %select_n3A_1186 : i32
            %ne3A_1188 = arith.constant 0 : i32
            %ne3A_1189 = arith.cmpi ne, %rem3A_1187, %ne3A_1188 : i32
            %lt3A_1190 = arith.constant 0 : i32
            %lt3A_1191 = arith.cmpi slt, %rem3A_1187, %lt3A_1190 : i32
            %lt3A_1192 = arith.constant 0 : i32
            %lt3A_1193 = arith.cmpi slt, %select_n3A_1186, %lt3A_1192 : i32
            %ne3A_1194 = arith.xori %lt3A_1191, %lt3A_1193 : i1
            %and3A_1195 = arith.andi %ne3A_1194, %ne3A_1189 : i1
            %add3A_1196 = arith.addi %rem3A_1187, %select_n3A_1186 : i32
            %select_n3A_1197 = arith.select %and3A_1195, %add3A_1196, %rem3A_1187 : i32
            %eq3A_1198 = vector.broadcast %select_n3A_1197 : i32 to vector<16xi32>
            %eq3A_1199 = arith.cmpi eq, %iota3A, %eq3A_1198 : vector<16xi32>
            %broadcast_in_dim3A_1200 = vector.broadcast %squeeze3A_1156 : f32 to vector<16xf32>
            %select_n3A_1201 = arith.select %eq3A_1199, %broadcast_in_dim3A_1200, %get3A_1182 : vector<16xi1>, vector<16xf32>
            %swap3A_1202 = arith.index_cast %mul3A_1179 : i32 to index
            %swap3A_1203 = tpu.vector_load %arg14[%swap3A_1202] {strides = array<i32>} : memref<512xf32, #tpu.memory_space<vmem>>, vector<16xf32>,
            %swap3A_1204 = vector.shape_cast %swap3A_1203 : vector<16xf32> to vector<16xf32>
            %swap3A_1205 = vector.shape_cast %select_n3A_1201 : vector<16xf32> to vector<16xf32>
            tpu.vector_store %arg14[%swap3A_1202], %swap3A_1205 {strides = array<i32>} : memref<512xf32, #tpu.memory_space<vmem>>, vector<16xf32>,
            %add3A_1206 = arith.constant 1 : i32
            %add3A_1207 = arith.addi %cond3A_890, %add3A_1206 : i32
            scf.yield %add3A_1207 : i32
          } else {
            scf.yield %cond3A_890 : i32
          }
          %iota3A_939 = tpu.iota {dimensions = array<i32: 0>} : vector<16xi32>
          %xor3A_940 = arith.constant 8 : i32
          %xor3A_941 = vector.broadcast %xor3A_940 : i32 to vector<16xi32>
          %xor3A_942 = arith.xori %iota3A_939, %xor3A_941 : vector<16xi32>
          %broadcast_in_dim3A_943 = vector.shape_cast %xor3A_942 : vector<16xi32> to vector<16x1xi32>
          %gather3A_944 = vector.shape_cast %broadcast_in_dim3A_943 : vector<16x1xi32> to vector<16xi32>
          %gather3A_945 = tpu.dynamic_gather %get3A_537[%gather3A_944] in [0] : vector<16xf32>, vector<16xi32> -> vector<16xf32>
          %max3A_946 = arith.maximumf %get3A_537, %gather3A_945 : vector<16xf32>
          %xor3A_947 = arith.constant 4 : i32
          %xor3A_948 = vector.broadcast %xor3A_947 : i32 to vector<16xi32>
          %xor3A_949 = arith.xori %iota3A_939, %xor3A_948 : vector<16xi32>
          %broadcast_in_dim3A_950 = vector.shape_cast %xor3A_949 : vector<16xi32> to vector<16x1xi32>
          %gather3A_951 = vector.shape_cast %broadcast_in_dim3A_950 : vector<16x1xi32> to vector<16xi32>
          %gather3A_952 = tpu.dynamic_gather %max3A_946[%gather3A_951] in [0] : vector<16xf32>, vector<16xi32> -> vector<16xf32>
          %max3A_953 = arith.maximumf %max3A_946, %gather3A_952 : vector<16xf32>
          %xor3A_954 = arith.constant 2 : i32
          %xor3A_955 = vector.broadcast %xor3A_954 : i32 to vector<16xi32>
          %xor3A_956 = arith.xori %iota3A_939, %xor3A_955 : vector<16xi32>
          %broadcast_in_dim3A_957 = vector.shape_cast %xor3A_956 : vector<16xi32> to vector<16x1xi32>
          %gather3A_958 = vector.shape_cast %broadcast_in_dim3A_957 : vector<16x1xi32> to vector<16xi32>
          %gather3A_959 = tpu.dynamic_gather %max3A_953[%gather3A_958] in [0] : vector<16xf32>, vector<16xi32> -> vector<16xf32>
          %max3A_960 = arith.maximumf %max3A_953, %gather3A_959 : vector<16xf32>
          %xor3A_961 = arith.constant 1 : i32
          %xor3A_962 = vector.broadcast %xor3A_961 : i32 to vector<16xi32>
          %xor3A_963 = arith.xori %iota3A_939, %xor3A_962 : vector<16xi32>
          %broadcast_in_dim3A_964 = vector.shape_cast %xor3A_963 : vector<16xi32> to vector<16x1xi32>
          %gather3A_965 = vector.shape_cast %broadcast_in_dim3A_964 : vector<16x1xi32> to vector<16xi32>
          %gather3A_966 = tpu.dynamic_gather %max3A_960[%gather3A_965] in [0] : vector<16xf32>, vector<16xi32> -> vector<16xf32>
          %max3A_967 = arith.maximumf %max3A_960, %gather3A_966 : vector<16xf32>
          %swap3A_968 = arith.constant 0 : index
          %swap3A_969 = tpu.vector_load %arg26[%swap3A_968] {strides = array<i32>} : memref<16xf32, #tpu.memory_space<vmem>>, vector<16xf32>,
          %swap3A_970 = vector.shape_cast %swap3A_969 : vector<16xf32> to vector<16xf32>
          %swap3A_971 = vector.shape_cast %max3A_967 : vector<16xf32> to vector<16xf32>
          tpu.vector_store %arg26[%swap3A_968], %swap3A_971 {strides = array<i32>} : memref<16xf32, #tpu.memory_space<vmem>>, vector<16xf32>,
          %get3A_972 = arith.constant 0 : index
          %get3A_973 = tpu.vector_load %arg26[%get3A_972] {strides = array<i32>} : memref<16xf32, #tpu.memory_space<vmem>>, vector<16xf32>,
          %get3A_974 = vector.shape_cast %get3A_973 : vector<16xf32> to vector<16xf32>
          %slice3A_975 = vector.extract_strided_slice %get3A_974 {offsets = [0], sizes = [1], strides = [1]} : vector<16xf32> to vector<1xf32>
          %squeeze3A_976 = vector.extract %slice3A_975[0] : f32 from vector<1xf32>
          %ge3A_977 = arith.cmpf oge, %squeeze3A_976, %select_n3A_384 : f32
          %lt3A_978 = arith.constant 384 : i32
          %lt3A_979 = arith.cmpi slt, %cond3A_938, %lt3A_978 : i32
          %and3A_980 = arith.andi %ge3A_977, %lt3A_979 : i1
          %add3A_981 = arith.constant 7 : i32
          %add3A_982 = arith.addi %mul3A_481, %add3A_981 : i32
          %convert_element_type3A_983 = arith.extui %and3A_980 : i1 to i32
          %cond3A_984 = arith.constant 0 : i32
          %cond3A_985 = arith.cmpi ne, %convert_element_type3A_983, %cond3A_984 : i32
          %cond3A_986 = scf.if %cond3A_985 -> (i32) {
            %mul3A_1083 = arith.constant 16 : i32
            %mul3A_1084 = arith.muli %add3A_982, %mul3A_1083 : i32
            %get3A_1085 = arith.index_cast %mul3A_1084 : i32 to index
            %get3A_1086 = tpu.vector_load %arg10[%get3A_1085] {strides = array<i32>} : memref<100000xf32, #tpu.memory_space<vmem>>, vector<16xf32>,
            %get3A_1087 = vector.shape_cast %get3A_1086 : vector<16xf32> to vector<16xf32>
            %ge3A_1088 = vector.broadcast %select_n3A_384 : f32 to vector<16xf32>
            %ge3A_1089 = arith.cmpf oge, %get3A_1087, %ge3A_1088 : vector<16xf32>
            %sub3A_1090 = vector.broadcast %squeeze3A_58 : f32 to vector<16xf32>
            %sub3A_1091 = arith.subf %get3A_1087, %sub3A_1090 : vector<16xf32>
            %sub3A_1092 = vector.broadcast %squeeze3A_183 : f32 to vector<16xf32>
            %sub3A_1093 = arith.subf %sub3A_1091, %sub3A_1092 : vector<16xf32>
            %jit3A_1094 = arith.constant -3.000000e+38 : f32
            %broadcast_in_dim3A_1095 = vector.broadcast %jit3A_1094 : f32 to vector<16xf32>
            %select_n3A_1096 = arith.select %ge3A_1089, %sub3A_1093, %broadcast_in_dim3A_1095 : vector<16xi1>, vector<16xf32>
            %mul3A_1097 = arith.constant 16 : i32
            %mul3A_1098 = arith.muli %cond3A_938, %mul3A_1097 : i32
            %swap3A_1099 = arith.index_cast %mul3A_1098 : i32 to index
            %swap3A_1100 = tpu.vector_load %arg11[%swap3A_1099] {strides = array<i32>} : memref<6144xf32, #tpu.memory_space<vmem>>, vector<16xf32>,
            %swap3A_1101 = vector.shape_cast %swap3A_1100 : vector<16xf32> to vector<16xf32>
            %swap3A_1102 = vector.shape_cast %select_n3A_1096 : vector<16xf32> to vector<16xf32>
            tpu.vector_store %arg11[%swap3A_1099], %swap3A_1102 {strides = array<i32>} : memref<6144xf32, #tpu.memory_space<vmem>>, vector<16xf32>,
            %mul3A_1103 = arith.constant 16 : i32
            %mul3A_1104 = arith.muli %cond3A_938, %mul3A_1103 : i32
            %swap3A_1105 = arith.index_cast %mul3A_1104 : i32 to index
            %swap3A_1106 = tpu.vector_load %arg12[%swap3A_1105] {strides = array<i32>} : memref<6144xf32, #tpu.memory_space<vmem>>, vector<16xf32>,
            %swap3A_1107 = vector.shape_cast %swap3A_1106 : vector<16xf32> to vector<16xf32>
            %swap3A_1108 = vector.shape_cast %get3A_1087 : vector<16xf32> to vector<16xf32>
            tpu.vector_store %arg12[%swap3A_1105], %swap3A_1108 {strides = array<i32>} : memref<6144xf32, #tpu.memory_space<vmem>>, vector<16xf32>,
            %mul3A_1109 = arith.constant 16 : i32
            %mul3A_1110 = arith.muli %add3A_982, %mul3A_1109 : i32
            %add3A_1111 = vector.broadcast %mul3A_1110 : i32 to vector<16xi32>
            %add3A_1112 = arith.addi %add3A_1111, %iota3A : vector<16xi32>
            %mul3A_1113 = arith.constant 16 : i32
            %mul3A_1114 = arith.muli %cond3A_938, %mul3A_1113 : i32
            %swap3A_1115 = arith.index_cast %mul3A_1114 : i32 to index
            %swap3A_1116 = tpu.vector_load %arg13[%swap3A_1115] {strides = array<i32>} : memref<6144xi32, #tpu.memory_space<vmem>>, vector<16xi32>,
            %swap3A_1117 = vector.shape_cast %swap3A_1116 : vector<16xi32> to vector<16xi32>
            %swap3A_1118 = vector.shape_cast %add3A_1112 : vector<16xi32> to vector<16xi32>
            tpu.vector_store %arg13[%swap3A_1115], %swap3A_1118 {strides = array<i32>} : memref<6144xi32, #tpu.memory_space<vmem>>, vector<16xi32>,
            %iota3A_1119 = tpu.iota {dimensions = array<i32: 0>} : vector<16xi32>
            %xor3A_1120 = arith.constant 8 : i32
            %xor3A_1121 = vector.broadcast %xor3A_1120 : i32 to vector<16xi32>
            %xor3A_1122 = arith.xori %iota3A_1119, %xor3A_1121 : vector<16xi32>
            %broadcast_in_dim3A_1123 = vector.shape_cast %xor3A_1122 : vector<16xi32> to vector<16x1xi32>
            %gather3A_1124 = vector.shape_cast %broadcast_in_dim3A_1123 : vector<16x1xi32> to vector<16xi32>
            %gather3A_1125 = tpu.dynamic_gather %select_n3A_1096[%gather3A_1124] in [0] : vector<16xf32>, vector<16xi32> -> vector<16xf32>
            %max3A_1126 = arith.maximumf %select_n3A_1096, %gather3A_1125 : vector<16xf32>
            %xor3A_1127 = arith.constant 4 : i32
            %xor3A_1128 = vector.broadcast %xor3A_1127 : i32 to vector<16xi32>
            %xor3A_1129 = arith.xori %iota3A_1119, %xor3A_1128 : vector<16xi32>
            %broadcast_in_dim3A_1130 = vector.shape_cast %xor3A_1129 : vector<16xi32> to vector<16x1xi32>
            %gather3A_1131 = vector.shape_cast %broadcast_in_dim3A_1130 : vector<16x1xi32> to vector<16xi32>
            %gather3A_1132 = tpu.dynamic_gather %max3A_1126[%gather3A_1131] in [0] : vector<16xf32>, vector<16xi32> -> vector<16xf32>
            %max3A_1133 = arith.maximumf %max3A_1126, %gather3A_1132 : vector<16xf32>
            %xor3A_1134 = arith.constant 2 : i32
            %xor3A_1135 = vector.broadcast %xor3A_1134 : i32 to vector<16xi32>
            %xor3A_1136 = arith.xori %iota3A_1119, %xor3A_1135 : vector<16xi32>
            %broadcast_in_dim3A_1137 = vector.shape_cast %xor3A_1136 : vector<16xi32> to vector<16x1xi32>
            %gather3A_1138 = vector.shape_cast %broadcast_in_dim3A_1137 : vector<16x1xi32> to vector<16xi32>
            %gather3A_1139 = tpu.dynamic_gather %max3A_1133[%gather3A_1138] in [0] : vector<16xf32>, vector<16xi32> -> vector<16xf32>
            %max3A_1140 = arith.maximumf %max3A_1133, %gather3A_1139 : vector<16xf32>
            %xor3A_1141 = arith.constant 1 : i32
            %xor3A_1142 = vector.broadcast %xor3A_1141 : i32 to vector<16xi32>
            %xor3A_1143 = arith.xori %iota3A_1119, %xor3A_1142 : vector<16xi32>
            %broadcast_in_dim3A_1144 = vector.shape_cast %xor3A_1143 : vector<16xi32> to vector<16x1xi32>
            %gather3A_1145 = vector.shape_cast %broadcast_in_dim3A_1144 : vector<16x1xi32> to vector<16xi32>
            %gather3A_1146 = tpu.dynamic_gather %max3A_1140[%gather3A_1145] in [0] : vector<16xf32>, vector<16xi32> -> vector<16xf32>
            %max3A_1147 = arith.maximumf %max3A_1140, %gather3A_1146 : vector<16xf32>
            %swap3A_1148 = arith.constant 0 : index
            %swap3A_1149 = tpu.vector_load %arg26[%swap3A_1148] {strides = array<i32>} : memref<16xf32, #tpu.memory_space<vmem>>, vector<16xf32>,
            %swap3A_1150 = vector.shape_cast %swap3A_1149 : vector<16xf32> to vector<16xf32>
            %swap3A_1151 = vector.shape_cast %max3A_1147 : vector<16xf32> to vector<16xf32>
            tpu.vector_store %arg26[%swap3A_1148], %swap3A_1151 {strides = array<i32>} : memref<16xf32, #tpu.memory_space<vmem>>, vector<16xf32>,
            %get3A_1152 = arith.constant 0 : index
            %get3A_1153 = tpu.vector_load %arg26[%get3A_1152] {strides = array<i32>} : memref<16xf32, #tpu.memory_space<vmem>>, vector<16xf32>,
            %get3A_1154 = vector.shape_cast %get3A_1153 : vector<16xf32> to vector<16xf32>
            %slice3A_1155 = vector.extract_strided_slice %get3A_1154 {offsets = [0], sizes = [1], strides = [1]} : vector<16xf32> to vector<1xf32>
            %squeeze3A_1156 = vector.extract %slice3A_1155[0] : f32 from vector<1xf32>
            %jit3A_1157 = arith.constant 16 : i32
            %div3A_1158 = arith.divsi %cond3A_938, %jit3A_1157 : i32
            %sign3A = arith.constant 0 : i32
            %sign3A_1159 = arith.cmpi sgt, %cond3A_938, %sign3A : i32
            %sign3A_1160 = arith.extui %sign3A_1159 : i1 to i32
            %sign3A_1161 = arith.constant 0 : i32
            %sign3A_1162 = arith.cmpi slt, %cond3A_938, %sign3A_1161 : i32
            %sign3A_1163 = arith.extui %sign3A_1162 : i1 to i32
            %sign3A_1164 = arith.subi %sign3A_1160, %sign3A_1163 : i32
            %sign3A_1165 = arith.constant 0 : i32
            %sign3A_1166 = arith.cmpi sgt, %jit3A_1157, %sign3A_1165 : i32
            %sign3A_1167 = arith.extui %sign3A_1166 : i1 to i32
            %sign3A_1168 = arith.constant 0 : i32
            %sign3A_1169 = arith.cmpi slt, %jit3A_1157, %sign3A_1168 : i32
            %sign3A_1170 = arith.extui %sign3A_1169 : i1 to i32
            %sign3A_1171 = arith.subi %sign3A_1167, %sign3A_1170 : i32
            %ne3A = arith.cmpi ne, %sign3A_1164, %sign3A_1171 : i32
            %rem3A = arith.remsi %cond3A_938, %jit3A_1157 : i32
            %ne3A_1172 = arith.constant 0 : i32
            %ne3A_1173 = arith.cmpi ne, %rem3A, %ne3A_1172 : i32
            %and3A_1174 = arith.andi %ne3A, %ne3A_1173 : i1
            %sub3A_1175 = arith.constant 1 : i32
            %sub3A_1176 = arith.subi %div3A_1158, %sub3A_1175 : i32
            %select_n3A_1177 = arith.select %and3A_1174, %sub3A_1176, %div3A_1158 : i32
            %mul3A_1178 = arith.constant 16 : i32
            %mul3A_1179 = arith.muli %select_n3A_1177, %mul3A_1178 : i32
            %get3A_1180 = arith.index_cast %mul3A_1179 : i32 to index
            %get3A_1181 = tpu.vector_load %arg14[%get3A_1180] {strides = array<i32>} : memref<512xf32, #tpu.memory_space<vmem>>, vector<16xf32>,
            %get3A_1182 = vector.shape_cast %get3A_1181 : vector<16xf32> to vector<16xf32>
            %jit3A_1183 = arith.constant 16 : i32
            %eq3A = arith.constant 0 : i32
            %eq3A_1184 = arith.cmpi eq, %jit3A_1183, %eq3A : i32
            %jit3A_1185 = arith.constant 1 : i32
            %select_n3A_1186 = arith.select %eq3A_1184, %jit3A_1185, %jit3A_1183 : i32
            %rem3A_1187 = arith.remsi %cond3A_938, %select_n3A_1186 : i32
            %ne3A_1188 = arith.constant 0 : i32
            %ne3A_1189 = arith.cmpi ne, %rem3A_1187, %ne3A_1188 : i32
            %lt3A_1190 = arith.constant 0 : i32
            %lt3A_1191 = arith.cmpi slt, %rem3A_1187, %lt3A_1190 : i32
            %lt3A_1192 = arith.constant 0 : i32
            %lt3A_1193 = arith.cmpi slt, %select_n3A_1186, %lt3A_1192 : i32
            %ne3A_1194 = arith.xori %lt3A_1191, %lt3A_1193 : i1
            %and3A_1195 = arith.andi %ne3A_1194, %ne3A_1189 : i1
            %add3A_1196 = arith.addi %rem3A_1187, %select_n3A_1186 : i32
            %select_n3A_1197 = arith.select %and3A_1195, %add3A_1196, %rem3A_1187 : i32
            %eq3A_1198 = vector.broadcast %select_n3A_1197 : i32 to vector<16xi32>
            %eq3A_1199 = arith.cmpi eq, %iota3A, %eq3A_1198 : vector<16xi32>
            %broadcast_in_dim3A_1200 = vector.broadcast %squeeze3A_1156 : f32 to vector<16xf32>
            %select_n3A_1201 = arith.select %eq3A_1199, %broadcast_in_dim3A_1200, %get3A_1182 : vector<16xi1>, vector<16xf32>
            %swap3A_1202 = arith.index_cast %mul3A_1179 : i32 to index
            %swap3A_1203 = tpu.vector_load %arg14[%swap3A_1202] {strides = array<i32>} : memref<512xf32, #tpu.memory_space<vmem>>, vector<16xf32>,
            %swap3A_1204 = vector.shape_cast %swap3A_1203 : vector<16xf32> to vector<16xf32>
            %swap3A_1205 = vector.shape_cast %select_n3A_1201 : vector<16xf32> to vector<16xf32>
            tpu.vector_store %arg14[%swap3A_1202], %swap3A_1205 {strides = array<i32>} : memref<512xf32, #tpu.memory_space<vmem>>, vector<16xf32>,
            %add3A_1206 = arith.constant 1 : i32
            %add3A_1207 = arith.addi %cond3A_938, %add3A_1206 : i32
            scf.yield %add3A_1207 : i32
          } else {
            scf.yield %cond3A_938 : i32
          }
          %iota3A_987 = tpu.iota {dimensions = array<i32: 0>} : vector<16xi32>
          %xor3A_988 = arith.constant 8 : i32
          %xor3A_989 = vector.broadcast %xor3A_988 : i32 to vector<16xi32>
          %xor3A_990 = arith.xori %iota3A_987, %xor3A_989 : vector<16xi32>
          %broadcast_in_dim3A_991 = vector.shape_cast %xor3A_990 : vector<16xi32> to vector<16x1xi32>
          %gather3A_992 = vector.shape_cast %broadcast_in_dim3A_991 : vector<16x1xi32> to vector<16xi32>
          %gather3A_993 = tpu.dynamic_gather %get3A_544[%gather3A_992] in [0] : vector<16xf32>, vector<16xi32> -> vector<16xf32>
          %max3A_994 = arith.maximumf %get3A_544, %gather3A_993 : vector<16xf32>
          %xor3A_995 = arith.constant 4 : i32
          %xor3A_996 = vector.broadcast %xor3A_995 : i32 to vector<16xi32>
          %xor3A_997 = arith.xori %iota3A_987, %xor3A_996 : vector<16xi32>
          %broadcast_in_dim3A_998 = vector.shape_cast %xor3A_997 : vector<16xi32> to vector<16x1xi32>
          %gather3A_999 = vector.shape_cast %broadcast_in_dim3A_998 : vector<16x1xi32> to vector<16xi32>
          %gather3A_1000 = tpu.dynamic_gather %max3A_994[%gather3A_999] in [0] : vector<16xf32>, vector<16xi32> -> vector<16xf32>
          %max3A_1001 = arith.maximumf %max3A_994, %gather3A_1000 : vector<16xf32>
          %xor3A_1002 = arith.constant 2 : i32
          %xor3A_1003 = vector.broadcast %xor3A_1002 : i32 to vector<16xi32>
          %xor3A_1004 = arith.xori %iota3A_987, %xor3A_1003 : vector<16xi32>
          %broadcast_in_dim3A_1005 = vector.shape_cast %xor3A_1004 : vector<16xi32> to vector<16x1xi32>
          %gather3A_1006 = vector.shape_cast %broadcast_in_dim3A_1005 : vector<16x1xi32> to vector<16xi32>
          %gather3A_1007 = tpu.dynamic_gather %max3A_1001[%gather3A_1006] in [0] : vector<16xf32>, vector<16xi32> -> vector<16xf32>
          %max3A_1008 = arith.maximumf %max3A_1001, %gather3A_1007 : vector<16xf32>
          %xor3A_1009 = arith.constant 1 : i32
          %xor3A_1010 = vector.broadcast %xor3A_1009 : i32 to vector<16xi32>
          %xor3A_1011 = arith.xori %iota3A_987, %xor3A_1010 : vector<16xi32>
          %broadcast_in_dim3A_1012 = vector.shape_cast %xor3A_1011 : vector<16xi32> to vector<16x1xi32>
          %gather3A_1013 = vector.shape_cast %broadcast_in_dim3A_1012 : vector<16x1xi32> to vector<16xi32>
          %gather3A_1014 = tpu.dynamic_gather %max3A_1008[%gather3A_1013] in [0] : vector<16xf32>, vector<16xi32> -> vector<16xf32>
          %max3A_1015 = arith.maximumf %max3A_1008, %gather3A_1014 : vector<16xf32>
          %swap3A_1016 = arith.constant 0 : index
          %swap3A_1017 = tpu.vector_load %arg26[%swap3A_1016] {strides = array<i32>} : memref<16xf32, #tpu.memory_space<vmem>>, vector<16xf32>,
          %swap3A_1018 = vector.shape_cast %swap3A_1017 : vector<16xf32> to vector<16xf32>
          %swap3A_1019 = vector.shape_cast %max3A_1015 : vector<16xf32> to vector<16xf32>
          tpu.vector_store %arg26[%swap3A_1016], %swap3A_1019 {strides = array<i32>} : memref<16xf32, #tpu.memory_space<vmem>>, vector<16xf32>,
          %get3A_1020 = arith.constant 0 : index
          %get3A_1021 = tpu.vector_load %arg26[%get3A_1020] {strides = array<i32>} : memref<16xf32, #tpu.memory_space<vmem>>, vector<16xf32>,
          %get3A_1022 = vector.shape_cast %get3A_1021 : vector<16xf32> to vector<16xf32>
          %slice3A_1023 = vector.extract_strided_slice %get3A_1022 {offsets = [0], sizes = [1], strides = [1]} : vector<16xf32> to vector<1xf32>
          %squeeze3A_1024 = vector.extract %slice3A_1023[0] : f32 from vector<1xf32>
          %ge3A_1025 = arith.cmpf oge, %squeeze3A_1024, %select_n3A_384 : f32
          %lt3A_1026 = arith.constant 384 : i32
          %lt3A_1027 = arith.cmpi slt, %cond3A_986, %lt3A_1026 : i32
          %and3A_1028 = arith.andi %ge3A_1025, %lt3A_1027 : i1
          %add3A_1029 = arith.constant 8 : i32
          %add3A_1030 = arith.addi %mul3A_481, %add3A_1029 : i32
          %convert_element_type3A_1031 = arith.extui %and3A_1028 : i1 to i32
          %cond3A_1032 = arith.constant 0 : i32
          %cond3A_1033 = arith.cmpi ne, %convert_element_type3A_1031, %cond3A_1032 : i32
          %cond3A_1034 = scf.if %cond3A_1033 -> (i32) {
            %mul3A_1083 = arith.constant 16 : i32
            %mul3A_1084 = arith.muli %add3A_1030, %mul3A_1083 : i32
            %get3A_1085 = arith.index_cast %mul3A_1084 : i32 to index
            %get3A_1086 = tpu.vector_load %arg10[%get3A_1085] {strides = array<i32>} : memref<100000xf32, #tpu.memory_space<vmem>>, vector<16xf32>,
            %get3A_1087 = vector.shape_cast %get3A_1086 : vector<16xf32> to vector<16xf32>
            %ge3A_1088 = vector.broadcast %select_n3A_384 : f32 to vector<16xf32>
            %ge3A_1089 = arith.cmpf oge, %get3A_1087, %ge3A_1088 : vector<16xf32>
            %sub3A_1090 = vector.broadcast %squeeze3A_58 : f32 to vector<16xf32>
            %sub3A_1091 = arith.subf %get3A_1087, %sub3A_1090 : vector<16xf32>
            %sub3A_1092 = vector.broadcast %squeeze3A_183 : f32 to vector<16xf32>
            %sub3A_1093 = arith.subf %sub3A_1091, %sub3A_1092 : vector<16xf32>
            %jit3A_1094 = arith.constant -3.000000e+38 : f32
            %broadcast_in_dim3A_1095 = vector.broadcast %jit3A_1094 : f32 to vector<16xf32>
            %select_n3A_1096 = arith.select %ge3A_1089, %sub3A_1093, %broadcast_in_dim3A_1095 : vector<16xi1>, vector<16xf32>
            %mul3A_1097 = arith.constant 16 : i32
            %mul3A_1098 = arith.muli %cond3A_986, %mul3A_1097 : i32
            %swap3A_1099 = arith.index_cast %mul3A_1098 : i32 to index
            %swap3A_1100 = tpu.vector_load %arg11[%swap3A_1099] {strides = array<i32>} : memref<6144xf32, #tpu.memory_space<vmem>>, vector<16xf32>,
            %swap3A_1101 = vector.shape_cast %swap3A_1100 : vector<16xf32> to vector<16xf32>
            %swap3A_1102 = vector.shape_cast %select_n3A_1096 : vector<16xf32> to vector<16xf32>
            tpu.vector_store %arg11[%swap3A_1099], %swap3A_1102 {strides = array<i32>} : memref<6144xf32, #tpu.memory_space<vmem>>, vector<16xf32>,
            %mul3A_1103 = arith.constant 16 : i32
            %mul3A_1104 = arith.muli %cond3A_986, %mul3A_1103 : i32
            %swap3A_1105 = arith.index_cast %mul3A_1104 : i32 to index
            %swap3A_1106 = tpu.vector_load %arg12[%swap3A_1105] {strides = array<i32>} : memref<6144xf32, #tpu.memory_space<vmem>>, vector<16xf32>,
            %swap3A_1107 = vector.shape_cast %swap3A_1106 : vector<16xf32> to vector<16xf32>
            %swap3A_1108 = vector.shape_cast %get3A_1087 : vector<16xf32> to vector<16xf32>
            tpu.vector_store %arg12[%swap3A_1105], %swap3A_1108 {strides = array<i32>} : memref<6144xf32, #tpu.memory_space<vmem>>, vector<16xf32>,
            %mul3A_1109 = arith.constant 16 : i32
            %mul3A_1110 = arith.muli %add3A_1030, %mul3A_1109 : i32
            %add3A_1111 = vector.broadcast %mul3A_1110 : i32 to vector<16xi32>
            %add3A_1112 = arith.addi %add3A_1111, %iota3A : vector<16xi32>
            %mul3A_1113 = arith.constant 16 : i32
            %mul3A_1114 = arith.muli %cond3A_986, %mul3A_1113 : i32
            %swap3A_1115 = arith.index_cast %mul3A_1114 : i32 to index
            %swap3A_1116 = tpu.vector_load %arg13[%swap3A_1115] {strides = array<i32>} : memref<6144xi32, #tpu.memory_space<vmem>>, vector<16xi32>,
            %swap3A_1117 = vector.shape_cast %swap3A_1116 : vector<16xi32> to vector<16xi32>
            %swap3A_1118 = vector.shape_cast %add3A_1112 : vector<16xi32> to vector<16xi32>
            tpu.vector_store %arg13[%swap3A_1115], %swap3A_1118 {strides = array<i32>} : memref<6144xi32, #tpu.memory_space<vmem>>, vector<16xi32>,
            %iota3A_1119 = tpu.iota {dimensions = array<i32: 0>} : vector<16xi32>
            %xor3A_1120 = arith.constant 8 : i32
            %xor3A_1121 = vector.broadcast %xor3A_1120 : i32 to vector<16xi32>
            %xor3A_1122 = arith.xori %iota3A_1119, %xor3A_1121 : vector<16xi32>
            %broadcast_in_dim3A_1123 = vector.shape_cast %xor3A_1122 : vector<16xi32> to vector<16x1xi32>
            %gather3A_1124 = vector.shape_cast %broadcast_in_dim3A_1123 : vector<16x1xi32> to vector<16xi32>
            %gather3A_1125 = tpu.dynamic_gather %select_n3A_1096[%gather3A_1124] in [0] : vector<16xf32>, vector<16xi32> -> vector<16xf32>
            %max3A_1126 = arith.maximumf %select_n3A_1096, %gather3A_1125 : vector<16xf32>
            %xor3A_1127 = arith.constant 4 : i32
            %xor3A_1128 = vector.broadcast %xor3A_1127 : i32 to vector<16xi32>
            %xor3A_1129 = arith.xori %iota3A_1119, %xor3A_1128 : vector<16xi32>
            %broadcast_in_dim3A_1130 = vector.shape_cast %xor3A_1129 : vector<16xi32> to vector<16x1xi32>
            %gather3A_1131 = vector.shape_cast %broadcast_in_dim3A_1130 : vector<16x1xi32> to vector<16xi32>
            %gather3A_1132 = tpu.dynamic_gather %max3A_1126[%gather3A_1131] in [0] : vector<16xf32>, vector<16xi32> -> vector<16xf32>
            %max3A_1133 = arith.maximumf %max3A_1126, %gather3A_1132 : vector<16xf32>
            %xor3A_1134 = arith.constant 2 : i32
            %xor3A_1135 = vector.broadcast %xor3A_1134 : i32 to vector<16xi32>
            %xor3A_1136 = arith.xori %iota3A_1119, %xor3A_1135 : vector<16xi32>
            %broadcast_in_dim3A_1137 = vector.shape_cast %xor3A_1136 : vector<16xi32> to vector<16x1xi32>
            %gather3A_1138 = vector.shape_cast %broadcast_in_dim3A_1137 : vector<16x1xi32> to vector<16xi32>
            %gather3A_1139 = tpu.dynamic_gather %max3A_1133[%gather3A_1138] in [0] : vector<16xf32>, vector<16xi32> -> vector<16xf32>
            %max3A_1140 = arith.maximumf %max3A_1133, %gather3A_1139 : vector<16xf32>
            %xor3A_1141 = arith.constant 1 : i32
            %xor3A_1142 = vector.broadcast %xor3A_1141 : i32 to vector<16xi32>
            %xor3A_1143 = arith.xori %iota3A_1119, %xor3A_1142 : vector<16xi32>
            %broadcast_in_dim3A_1144 = vector.shape_cast %xor3A_1143 : vector<16xi32> to vector<16x1xi32>
            %gather3A_1145 = vector.shape_cast %broadcast_in_dim3A_1144 : vector<16x1xi32> to vector<16xi32>
            %gather3A_1146 = tpu.dynamic_gather %max3A_1140[%gather3A_1145] in [0] : vector<16xf32>, vector<16xi32> -> vector<16xf32>
            %max3A_1147 = arith.maximumf %max3A_1140, %gather3A_1146 : vector<16xf32>
            %swap3A_1148 = arith.constant 0 : index
            %swap3A_1149 = tpu.vector_load %arg26[%swap3A_1148] {strides = array<i32>} : memref<16xf32, #tpu.memory_space<vmem>>, vector<16xf32>,
            %swap3A_1150 = vector.shape_cast %swap3A_1149 : vector<16xf32> to vector<16xf32>
            %swap3A_1151 = vector.shape_cast %max3A_1147 : vector<16xf32> to vector<16xf32>
            tpu.vector_store %arg26[%swap3A_1148], %swap3A_1151 {strides = array<i32>} : memref<16xf32, #tpu.memory_space<vmem>>, vector<16xf32>,
            %get3A_1152 = arith.constant 0 : index
            %get3A_1153 = tpu.vector_load %arg26[%get3A_1152] {strides = array<i32>} : memref<16xf32, #tpu.memory_space<vmem>>, vector<16xf32>,
            %get3A_1154 = vector.shape_cast %get3A_1153 : vector<16xf32> to vector<16xf32>
            %slice3A_1155 = vector.extract_strided_slice %get3A_1154 {offsets = [0], sizes = [1], strides = [1]} : vector<16xf32> to vector<1xf32>
            %squeeze3A_1156 = vector.extract %slice3A_1155[0] : f32 from vector<1xf32>
            %jit3A_1157 = arith.constant 16 : i32
            %div3A_1158 = arith.divsi %cond3A_986, %jit3A_1157 : i32
            %sign3A = arith.constant 0 : i32
            %sign3A_1159 = arith.cmpi sgt, %cond3A_986, %sign3A : i32
            %sign3A_1160 = arith.extui %sign3A_1159 : i1 to i32
            %sign3A_1161 = arith.constant 0 : i32
            %sign3A_1162 = arith.cmpi slt, %cond3A_986, %sign3A_1161 : i32
            %sign3A_1163 = arith.extui %sign3A_1162 : i1 to i32
            %sign3A_1164 = arith.subi %sign3A_1160, %sign3A_1163 : i32
            %sign3A_1165 = arith.constant 0 : i32
            %sign3A_1166 = arith.cmpi sgt, %jit3A_1157, %sign3A_1165 : i32
            %sign3A_1167 = arith.extui %sign3A_1166 : i1 to i32
            %sign3A_1168 = arith.constant 0 : i32
            %sign3A_1169 = arith.cmpi slt, %jit3A_1157, %sign3A_1168 : i32
            %sign3A_1170 = arith.extui %sign3A_1169 : i1 to i32
            %sign3A_1171 = arith.subi %sign3A_1167, %sign3A_1170 : i32
            %ne3A = arith.cmpi ne, %sign3A_1164, %sign3A_1171 : i32
            %rem3A = arith.remsi %cond3A_986, %jit3A_1157 : i32
            %ne3A_1172 = arith.constant 0 : i32
            %ne3A_1173 = arith.cmpi ne, %rem3A, %ne3A_1172 : i32
            %and3A_1174 = arith.andi %ne3A, %ne3A_1173 : i1
            %sub3A_1175 = arith.constant 1 : i32
            %sub3A_1176 = arith.subi %div3A_1158, %sub3A_1175 : i32
            %select_n3A_1177 = arith.select %and3A_1174, %sub3A_1176, %div3A_1158 : i32
            %mul3A_1178 = arith.constant 16 : i32
            %mul3A_1179 = arith.muli %select_n3A_1177, %mul3A_1178 : i32
            %get3A_1180 = arith.index_cast %mul3A_1179 : i32 to index
            %get3A_1181 = tpu.vector_load %arg14[%get3A_1180] {strides = array<i32>} : memref<512xf32, #tpu.memory_space<vmem>>, vector<16xf32>,
            %get3A_1182 = vector.shape_cast %get3A_1181 : vector<16xf32> to vector<16xf32>
            %jit3A_1183 = arith.constant 16 : i32
            %eq3A = arith.constant 0 : i32
            %eq3A_1184 = arith.cmpi eq, %jit3A_1183, %eq3A : i32
            %jit3A_1185 = arith.constant 1 : i32
            %select_n3A_1186 = arith.select %eq3A_1184, %jit3A_1185, %jit3A_1183 : i32
            %rem3A_1187 = arith.remsi %cond3A_986, %select_n3A_1186 : i32
            %ne3A_1188 = arith.constant 0 : i32
            %ne3A_1189 = arith.cmpi ne, %rem3A_1187, %ne3A_1188 : i32
            %lt3A_1190 = arith.constant 0 : i32
            %lt3A_1191 = arith.cmpi slt, %rem3A_1187, %lt3A_1190 : i32
            %lt3A_1192 = arith.constant 0 : i32
            %lt3A_1193 = arith.cmpi slt, %select_n3A_1186, %lt3A_1192 : i32
            %ne3A_1194 = arith.xori %lt3A_1191, %lt3A_1193 : i1
            %and3A_1195 = arith.andi %ne3A_1194, %ne3A_1189 : i1
            %add3A_1196 = arith.addi %rem3A_1187, %select_n3A_1186 : i32
            %select_n3A_1197 = arith.select %and3A_1195, %add3A_1196, %rem3A_1187 : i32
            %eq3A_1198 = vector.broadcast %select_n3A_1197 : i32 to vector<16xi32>
            %eq3A_1199 = arith.cmpi eq, %iota3A, %eq3A_1198 : vector<16xi32>
            %broadcast_in_dim3A_1200 = vector.broadcast %squeeze3A_1156 : f32 to vector<16xf32>
            %select_n3A_1201 = arith.select %eq3A_1199, %broadcast_in_dim3A_1200, %get3A_1182 : vector<16xi1>, vector<16xf32>
            %swap3A_1202 = arith.index_cast %mul3A_1179 : i32 to index
            %swap3A_1203 = tpu.vector_load %arg14[%swap3A_1202] {strides = array<i32>} : memref<512xf32, #tpu.memory_space<vmem>>, vector<16xf32>,
            %swap3A_1204 = vector.shape_cast %swap3A_1203 : vector<16xf32> to vector<16xf32>
            %swap3A_1205 = vector.shape_cast %select_n3A_1201 : vector<16xf32> to vector<16xf32>
            tpu.vector_store %arg14[%swap3A_1202], %swap3A_1205 {strides = array<i32>} : memref<512xf32, #tpu.memory_space<vmem>>, vector<16xf32>,
            %add3A_1206 = arith.constant 1 : i32
            %add3A_1207 = arith.addi %cond3A_986, %add3A_1206 : i32
            scf.yield %add3A_1207 : i32
          } else {
            scf.yield %cond3A_986 : i32
          }
          %iota3A_1035 = tpu.iota {dimensions = array<i32: 0>} : vector<16xi32>
          %xor3A_1036 = arith.constant 8 : i32
          %xor3A_1037 = vector.broadcast %xor3A_1036 : i32 to vector<16xi32>
          %xor3A_1038 = arith.xori %iota3A_1035, %xor3A_1037 : vector<16xi32>
          %broadcast_in_dim3A_1039 = vector.shape_cast %xor3A_1038 : vector<16xi32> to vector<16x1xi32>
          %gather3A_1040 = vector.shape_cast %broadcast_in_dim3A_1039 : vector<16x1xi32> to vector<16xi32>
          %gather3A_1041 = tpu.dynamic_gather %get3A_551[%gather3A_1040] in [0] : vector<16xf32>, vector<16xi32> -> vector<16xf32>
          %max3A_1042 = arith.maximumf %get3A_551, %gather3A_1041 : vector<16xf32>
          %xor3A_1043 = arith.constant 4 : i32
          %xor3A_1044 = vector.broadcast %xor3A_1043 : i32 to vector<16xi32>
          %xor3A_1045 = arith.xori %iota3A_1035, %xor3A_1044 : vector<16xi32>
          %broadcast_in_dim3A_1046 = vector.shape_cast %xor3A_1045 : vector<16xi32> to vector<16x1xi32>
          %gather3A_1047 = vector.shape_cast %broadcast_in_dim3A_1046 : vector<16x1xi32> to vector<16xi32>
          %gather3A_1048 = tpu.dynamic_gather %max3A_1042[%gather3A_1047] in [0] : vector<16xf32>, vector<16xi32> -> vector<16xf32>
          %max3A_1049 = arith.maximumf %max3A_1042, %gather3A_1048 : vector<16xf32>
          %xor3A_1050 = arith.constant 2 : i32
          %xor3A_1051 = vector.broadcast %xor3A_1050 : i32 to vector<16xi32>
          %xor3A_1052 = arith.xori %iota3A_1035, %xor3A_1051 : vector<16xi32>
          %broadcast_in_dim3A_1053 = vector.shape_cast %xor3A_1052 : vector<16xi32> to vector<16x1xi32>
          %gather3A_1054 = vector.shape_cast %broadcast_in_dim3A_1053 : vector<16x1xi32> to vector<16xi32>
          %gather3A_1055 = tpu.dynamic_gather %max3A_1049[%gather3A_1054] in [0] : vector<16xf32>, vector<16xi32> -> vector<16xf32>
          %max3A_1056 = arith.maximumf %max3A_1049, %gather3A_1055 : vector<16xf32>
          %xor3A_1057 = arith.constant 1 : i32
          %xor3A_1058 = vector.broadcast %xor3A_1057 : i32 to vector<16xi32>
          %xor3A_1059 = arith.xori %iota3A_1035, %xor3A_1058 : vector<16xi32>
          %broadcast_in_dim3A_1060 = vector.shape_cast %xor3A_1059 : vector<16xi32> to vector<16x1xi32>
          %gather3A_1061 = vector.shape_cast %broadcast_in_dim3A_1060 : vector<16x1xi32> to vector<16xi32>
          %gather3A_1062 = tpu.dynamic_gather %max3A_1056[%gather3A_1061] in [0] : vector<16xf32>, vector<16xi32> -> vector<16xf32>
          %max3A_1063 = arith.maximumf %max3A_1056, %gather3A_1062 : vector<16xf32>
          %swap3A_1064 = arith.constant 0 : index
          %swap3A_1065 = tpu.vector_load %arg26[%swap3A_1064] {strides = array<i32>} : memref<16xf32, #tpu.memory_space<vmem>>, vector<16xf32>,
          %swap3A_1066 = vector.shape_cast %swap3A_1065 : vector<16xf32> to vector<16xf32>
          %swap3A_1067 = vector.shape_cast %max3A_1063 : vector<16xf32> to vector<16xf32>
          tpu.vector_store %arg26[%swap3A_1064], %swap3A_1067 {strides = array<i32>} : memref<16xf32, #tpu.memory_space<vmem>>, vector<16xf32>,
          %get3A_1068 = arith.constant 0 : index
          %get3A_1069 = tpu.vector_load %arg26[%get3A_1068] {strides = array<i32>} : memref<16xf32, #tpu.memory_space<vmem>>, vector<16xf32>,
          %get3A_1070 = vector.shape_cast %get3A_1069 : vector<16xf32> to vector<16xf32>
          %slice3A_1071 = vector.extract_strided_slice %get3A_1070 {offsets = [0], sizes = [1], strides = [1]} : vector<16xf32> to vector<1xf32>
          %squeeze3A_1072 = vector.extract %slice3A_1071[0] : f32 from vector<1xf32>
          %ge3A_1073 = arith.cmpf oge, %squeeze3A_1072, %select_n3A_384 : f32
          %lt3A_1074 = arith.constant 384 : i32
          %lt3A_1075 = arith.cmpi slt, %cond3A_1034, %lt3A_1074 : i32
          %and3A_1076 = arith.andi %ge3A_1073, %lt3A_1075 : i1
          %add3A_1077 = arith.constant 9 : i32
          %add3A_1078 = arith.addi %mul3A_481, %add3A_1077 : i32
          %convert_element_type3A_1079 = arith.extui %and3A_1076 : i1 to i32
          %cond3A_1080 = arith.constant 0 : i32
          %cond3A_1081 = arith.cmpi ne, %convert_element_type3A_1079, %cond3A_1080 : i32
          %cond3A_1082 = scf.if %cond3A_1081 -> (i32) {
            %mul3A_1083 = arith.constant 16 : i32
            %mul3A_1084 = arith.muli %add3A_1078, %mul3A_1083 : i32
            %get3A_1085 = arith.index_cast %mul3A_1084 : i32 to index
            %get3A_1086 = tpu.vector_load %arg10[%get3A_1085] {strides = array<i32>} : memref<100000xf32, #tpu.memory_space<vmem>>, vector<16xf32>,
            %get3A_1087 = vector.shape_cast %get3A_1086 : vector<16xf32> to vector<16xf32>
            %ge3A_1088 = vector.broadcast %select_n3A_384 : f32 to vector<16xf32>
            %ge3A_1089 = arith.cmpf oge, %get3A_1087, %ge3A_1088 : vector<16xf32>
            %sub3A_1090 = vector.broadcast %squeeze3A_58 : f32 to vector<16xf32>
            %sub3A_1091 = arith.subf %get3A_1087, %sub3A_1090 : vector<16xf32>
            %sub3A_1092 = vector.broadcast %squeeze3A_183 : f32 to vector<16xf32>
            %sub3A_1093 = arith.subf %sub3A_1091, %sub3A_1092 : vector<16xf32>
            %jit3A_1094 = arith.constant -3.000000e+38 : f32
            %broadcast_in_dim3A_1095 = vector.broadcast %jit3A_1094 : f32 to vector<16xf32>
            %select_n3A_1096 = arith.select %ge3A_1089, %sub3A_1093, %broadcast_in_dim3A_1095 : vector<16xi1>, vector<16xf32>
            %mul3A_1097 = arith.constant 16 : i32
            %mul3A_1098 = arith.muli %cond3A_1034, %mul3A_1097 : i32
            %swap3A_1099 = arith.index_cast %mul3A_1098 : i32 to index
            %swap3A_1100 = tpu.vector_load %arg11[%swap3A_1099] {strides = array<i32>} : memref<6144xf32, #tpu.memory_space<vmem>>, vector<16xf32>,
            %swap3A_1101 = vector.shape_cast %swap3A_1100 : vector<16xf32> to vector<16xf32>
            %swap3A_1102 = vector.shape_cast %select_n3A_1096 : vector<16xf32> to vector<16xf32>
            tpu.vector_store %arg11[%swap3A_1099], %swap3A_1102 {strides = array<i32>} : memref<6144xf32, #tpu.memory_space<vmem>>, vector<16xf32>,
            %mul3A_1103 = arith.constant 16 : i32
            %mul3A_1104 = arith.muli %cond3A_1034, %mul3A_1103 : i32
            %swap3A_1105 = arith.index_cast %mul3A_1104 : i32 to index
            %swap3A_1106 = tpu.vector_load %arg12[%swap3A_1105] {strides = array<i32>} : memref<6144xf32, #tpu.memory_space<vmem>>, vector<16xf32>,
            %swap3A_1107 = vector.shape_cast %swap3A_1106 : vector<16xf32> to vector<16xf32>
            %swap3A_1108 = vector.shape_cast %get3A_1087 : vector<16xf32> to vector<16xf32>
            tpu.vector_store %arg12[%swap3A_1105], %swap3A_1108 {strides = array<i32>} : memref<6144xf32, #tpu.memory_space<vmem>>, vector<16xf32>,
            %mul3A_1109 = arith.constant 16 : i32
            %mul3A_1110 = arith.muli %add3A_1078, %mul3A_1109 : i32
            %add3A_1111 = vector.broadcast %mul3A_1110 : i32 to vector<16xi32>
            %add3A_1112 = arith.addi %add3A_1111, %iota3A : vector<16xi32>
            %mul3A_1113 = arith.constant 16 : i32
            %mul3A_1114 = arith.muli %cond3A_1034, %mul3A_1113 : i32
            %swap3A_1115 = arith.index_cast %mul3A_1114 : i32 to index
            %swap3A_1116 = tpu.vector_load %arg13[%swap3A_1115] {strides = array<i32>} : memref<6144xi32, #tpu.memory_space<vmem>>, vector<16xi32>,
            %swap3A_1117 = vector.shape_cast %swap3A_1116 : vector<16xi32> to vector<16xi32>
            %swap3A_1118 = vector.shape_cast %add3A_1112 : vector<16xi32> to vector<16xi32>
            tpu.vector_store %arg13[%swap3A_1115], %swap3A_1118 {strides = array<i32>} : memref<6144xi32, #tpu.memory_space<vmem>>, vector<16xi32>,
            %iota3A_1119 = tpu.iota {dimensions = array<i32: 0>} : vector<16xi32>
            %xor3A_1120 = arith.constant 8 : i32
            %xor3A_1121 = vector.broadcast %xor3A_1120 : i32 to vector<16xi32>
            %xor3A_1122 = arith.xori %iota3A_1119, %xor3A_1121 : vector<16xi32>
            %broadcast_in_dim3A_1123 = vector.shape_cast %xor3A_1122 : vector<16xi32> to vector<16x1xi32>
            %gather3A_1124 = vector.shape_cast %broadcast_in_dim3A_1123 : vector<16x1xi32> to vector<16xi32>
            %gather3A_1125 = tpu.dynamic_gather %select_n3A_1096[%gather3A_1124] in [0] : vector<16xf32>, vector<16xi32> -> vector<16xf32>
            %max3A_1126 = arith.maximumf %select_n3A_1096, %gather3A_1125 : vector<16xf32>
            %xor3A_1127 = arith.constant 4 : i32
            %xor3A_1128 = vector.broadcast %xor3A_1127 : i32 to vector<16xi32>
            %xor3A_1129 = arith.xori %iota3A_1119, %xor3A_1128 : vector<16xi32>
            %broadcast_in_dim3A_1130 = vector.shape_cast %xor3A_1129 : vector<16xi32> to vector<16x1xi32>
            %gather3A_1131 = vector.shape_cast %broadcast_in_dim3A_1130 : vector<16x1xi32> to vector<16xi32>
            %gather3A_1132 = tpu.dynamic_gather %max3A_1126[%gather3A_1131] in [0] : vector<16xf32>, vector<16xi32> -> vector<16xf32>
            %max3A_1133 = arith.maximumf %max3A_1126, %gather3A_1132 : vector<16xf32>
            %xor3A_1134 = arith.constant 2 : i32
            %xor3A_1135 = vector.broadcast %xor3A_1134 : i32 to vector<16xi32>
            %xor3A_1136 = arith.xori %iota3A_1119, %xor3A_1135 : vector<16xi32>
            %broadcast_in_dim3A_1137 = vector.shape_cast %xor3A_1136 : vector<16xi32> to vector<16x1xi32>
            %gather3A_1138 = vector.shape_cast %broadcast_in_dim3A_1137 : vector<16x1xi32> to vector<16xi32>
            %gather3A_1139 = tpu.dynamic_gather %max3A_1133[%gather3A_1138] in [0] : vector<16xf32>, vector<16xi32> -> vector<16xf32>
            %max3A_1140 = arith.maximumf %max3A_1133, %gather3A_1139 : vector<16xf32>
            %xor3A_1141 = arith.constant 1 : i32
            %xor3A_1142 = vector.broadcast %xor3A_1141 : i32 to vector<16xi32>
            %xor3A_1143 = arith.xori %iota3A_1119, %xor3A_1142 : vector<16xi32>
            %broadcast_in_dim3A_1144 = vector.shape_cast %xor3A_1143 : vector<16xi32> to vector<16x1xi32>
            %gather3A_1145 = vector.shape_cast %broadcast_in_dim3A_1144 : vector<16x1xi32> to vector<16xi32>
            %gather3A_1146 = tpu.dynamic_gather %max3A_1140[%gather3A_1145] in [0] : vector<16xf32>, vector<16xi32> -> vector<16xf32>
            %max3A_1147 = arith.maximumf %max3A_1140, %gather3A_1146 : vector<16xf32>
            %swap3A_1148 = arith.constant 0 : index
            %swap3A_1149 = tpu.vector_load %arg26[%swap3A_1148] {strides = array<i32>} : memref<16xf32, #tpu.memory_space<vmem>>, vector<16xf32>,
            %swap3A_1150 = vector.shape_cast %swap3A_1149 : vector<16xf32> to vector<16xf32>
            %swap3A_1151 = vector.shape_cast %max3A_1147 : vector<16xf32> to vector<16xf32>
            tpu.vector_store %arg26[%swap3A_1148], %swap3A_1151 {strides = array<i32>} : memref<16xf32, #tpu.memory_space<vmem>>, vector<16xf32>,
            %get3A_1152 = arith.constant 0 : index
            %get3A_1153 = tpu.vector_load %arg26[%get3A_1152] {strides = array<i32>} : memref<16xf32, #tpu.memory_space<vmem>>, vector<16xf32>,
            %get3A_1154 = vector.shape_cast %get3A_1153 : vector<16xf32> to vector<16xf32>
            %slice3A_1155 = vector.extract_strided_slice %get3A_1154 {offsets = [0], sizes = [1], strides = [1]} : vector<16xf32> to vector<1xf32>
            %squeeze3A_1156 = vector.extract %slice3A_1155[0] : f32 from vector<1xf32>
            %jit3A_1157 = arith.constant 16 : i32
            %div3A_1158 = arith.divsi %cond3A_1034, %jit3A_1157 : i32
            %sign3A = arith.constant 0 : i32
            %sign3A_1159 = arith.cmpi sgt, %cond3A_1034, %sign3A : i32
            %sign3A_1160 = arith.extui %sign3A_1159 : i1 to i32
            %sign3A_1161 = arith.constant 0 : i32
            %sign3A_1162 = arith.cmpi slt, %cond3A_1034, %sign3A_1161 : i32
            %sign3A_1163 = arith.extui %sign3A_1162 : i1 to i32
            %sign3A_1164 = arith.subi %sign3A_1160, %sign3A_1163 : i32
            %sign3A_1165 = arith.constant 0 : i32
            %sign3A_1166 = arith.cmpi sgt, %jit3A_1157, %sign3A_1165 : i32
            %sign3A_1167 = arith.extui %sign3A_1166 : i1 to i32
            %sign3A_1168 = arith.constant 0 : i32
            %sign3A_1169 = arith.cmpi slt, %jit3A_1157, %sign3A_1168 : i32
            %sign3A_1170 = arith.extui %sign3A_1169 : i1 to i32
            %sign3A_1171 = arith.subi %sign3A_1167, %sign3A_1170 : i32
            %ne3A = arith.cmpi ne, %sign3A_1164, %sign3A_1171 : i32
            %rem3A = arith.remsi %cond3A_1034, %jit3A_1157 : i32
            %ne3A_1172 = arith.constant 0 : i32
            %ne3A_1173 = arith.cmpi ne, %rem3A, %ne3A_1172 : i32
            %and3A_1174 = arith.andi %ne3A, %ne3A_1173 : i1
            %sub3A_1175 = arith.constant 1 : i32
            %sub3A_1176 = arith.subi %div3A_1158, %sub3A_1175 : i32
            %select_n3A_1177 = arith.select %and3A_1174, %sub3A_1176, %div3A_1158 : i32
            %mul3A_1178 = arith.constant 16 : i32
            %mul3A_1179 = arith.muli %select_n3A_1177, %mul3A_1178 : i32
            %get3A_1180 = arith.index_cast %mul3A_1179 : i32 to index
            %get3A_1181 = tpu.vector_load %arg14[%get3A_1180] {strides = array<i32>} : memref<512xf32, #tpu.memory_space<vmem>>, vector<16xf32>,
            %get3A_1182 = vector.shape_cast %get3A_1181 : vector<16xf32> to vector<16xf32>
            %jit3A_1183 = arith.constant 16 : i32
            %eq3A = arith.constant 0 : i32
            %eq3A_1184 = arith.cmpi eq, %jit3A_1183, %eq3A : i32
            %jit3A_1185 = arith.constant 1 : i32
            %select_n3A_1186 = arith.select %eq3A_1184, %jit3A_1185, %jit3A_1183 : i32
            %rem3A_1187 = arith.remsi %cond3A_1034, %select_n3A_1186 : i32
            %ne3A_1188 = arith.constant 0 : i32
            %ne3A_1189 = arith.cmpi ne, %rem3A_1187, %ne3A_1188 : i32
            %lt3A_1190 = arith.constant 0 : i32
            %lt3A_1191 = arith.cmpi slt, %rem3A_1187, %lt3A_1190 : i32
            %lt3A_1192 = arith.constant 0 : i32
            %lt3A_1193 = arith.cmpi slt, %select_n3A_1186, %lt3A_1192 : i32
            %ne3A_1194 = arith.xori %lt3A_1191, %lt3A_1193 : i1
            %and3A_1195 = arith.andi %ne3A_1194, %ne3A_1189 : i1
            %add3A_1196 = arith.addi %rem3A_1187, %select_n3A_1186 : i32
            %select_n3A_1197 = arith.select %and3A_1195, %add3A_1196, %rem3A_1187 : i32
            %eq3A_1198 = vector.broadcast %select_n3A_1197 : i32 to vector<16xi32>
            %eq3A_1199 = arith.cmpi eq, %iota3A, %eq3A_1198 : vector<16xi32>
            %broadcast_in_dim3A_1200 = vector.broadcast %squeeze3A_1156 : f32 to vector<16xf32>
            %select_n3A_1201 = arith.select %eq3A_1199, %broadcast_in_dim3A_1200, %get3A_1182 : vector<16xi1>, vector<16xf32>
            %swap3A_1202 = arith.index_cast %mul3A_1179 : i32 to index
            %swap3A_1203 = tpu.vector_load %arg14[%swap3A_1202] {strides = array<i32>} : memref<512xf32, #tpu.memory_space<vmem>>, vector<16xf32>,
            %swap3A_1204 = vector.shape_cast %swap3A_1203 : vector<16xf32> to vector<16xf32>
            %swap3A_1205 = vector.shape_cast %select_n3A_1201 : vector<16xf32> to vector<16xf32>
            tpu.vector_store %arg14[%swap3A_1202], %swap3A_1205 {strides = array<i32>} : memref<512xf32, #tpu.memory_space<vmem>>, vector<16xf32>,
            %add3A_1206 = arith.constant 1 : i32
            %add3A_1207 = arith.addi %cond3A_1034, %add3A_1206 : i32
            scf.yield %add3A_1207 : i32
          } else {
            scf.yield %cond3A_1034 : i32
          }
          scf.yield %cond3A_1082 : i32
        } else {
          scf.yield %scan3A_479 : i32
        }
        scf.yield %cond3A_602 : i32
      }
      %scan3A_398 = arith.constant 625 : i32
      %scan3A_399 = arith.constant 0 : i32
      %scan3A_400 = arith.constant 0 : i32
      %scan3A_401 = arith.constant 4 : i32
      %scan3A_402 = arith.addi %scan3A_400, %scan3A_401 : i32
      %scan3A_403 = arith.constant 1 : i32
      %scan3A_404 = scf.for %scan3A_478 = %scan3A_400 to %scan3A_402 step %scan3A_403 iter_args(%scan3A_479 = %scan3A_399) -> (i32)  : i32 {
        %mul3A_480 = arith.constant 16 : i32
        %mul3A_481 = arith.muli %scan3A_478, %mul3A_480 : i32
        %swap3A_482 = arith.index_cast %mul3A_481 : i32 to index
        %swap3A_483 = tpu.vector_load %arg15[%swap3A_482] {strides = array<i32>} : memref<64xf32, #tpu.memory_space<vmem>>, vector<16xf32>,
        %swap3A_484 = vector.shape_cast %swap3A_483 : vector<16xf32> to vector<16xf32>
        %swap3A_485 = vector.shape_cast %broadcast_in_dim3A_1 : vector<16xf32> to vector<16xf32>
        tpu.vector_store %arg15[%swap3A_482], %swap3A_485 {strides = array<i32>} : memref<64xf32, #tpu.memory_space<vmem>>, vector<16xf32>,
        %mul3A_486 = arith.constant 16 : i32
        %mul3A_487 = arith.muli %scan3A_478, %mul3A_486 : i32
        %swap3A_488 = arith.index_cast %mul3A_487 : i32 to index
        %swap3A_489 = tpu.vector_load %arg16[%swap3A_488] {strides = array<i32>} : memref<64xf32, #tpu.memory_space<vmem>>, vector<16xf32>,
        %swap3A_490 = vector.shape_cast %swap3A_489 : vector<16xf32> to vector<16xf32>
        %swap3A_491 = vector.shape_cast %broadcast_in_dim3A_1 : vector<16xf32> to vector<16xf32>
        tpu.vector_store %arg16[%swap3A_488], %swap3A_491 {strides = array<i32>} : memref<64xf32, #tpu.memory_space<vmem>>, vector<16xf32>,
        %broadcast_in_dim3A_492 = arith.constant 0 : i32
        %broadcast_in_dim3A_493 = vector.broadcast %broadcast_in_dim3A_492 : i32 to vector<16xi32>
        %mul3A_494 = arith.constant 16 : i32
        %mul3A_495 = arith.muli %scan3A_478, %mul3A_494 : i32
        %swap3A_496 = arith.index_cast %mul3A_495 : i32 to index
        %swap3A_497 = tpu.vector_load %arg17[%swap3A_496] {strides = array<i32>} : memref<64xi32, #tpu.memory_space<vmem>>, vector<16xi32>,
        %swap3A_498 = vector.shape_cast %swap3A_497 : vector<16xi32> to vector<16xi32>
        %swap3A_499 = vector.shape_cast %broadcast_in_dim3A_493 : vector<16xi32> to vector<16xi32>
        tpu.vector_store %arg17[%swap3A_496], %swap3A_499 {strides = array<i32>} : memref<64xi32, #tpu.memory_space<vmem>>, vector<16xi32>,
        %mul3A_500 = arith.constant 100000 : i32
        %mul3A_501 = arith.muli %add3A_13, %mul3A_500 : i32
        %broadcast_in_dim3A_502 = vector.broadcast %mul3A_501 : i32 to vector<16xi32>
        %mul3A_503 = arith.constant 16 : i32
        %mul3A_504 = arith.muli %scan3A_478, %mul3A_503 : i32
        %swap3A_505 = arith.index_cast %mul3A_504 : i32 to index
        %swap3A_506 = tpu.vector_load %arg18[%swap3A_505] {strides = array<i32>} : memref<64xi32, #tpu.memory_space<vmem>>, vector<16xi32>,
        %swap3A_507 = vector.shape_cast %swap3A_506 : vector<16xi32> to vector<16xi32>
        %swap3A_508 = vector.shape_cast %broadcast_in_dim3A_502 : vector<16xi32> to vector<16xi32>
        tpu.vector_store %arg18[%swap3A_505], %swap3A_508 {strides = array<i32>} : memref<64xi32, #tpu.memory_space<vmem>>, vector<16xi32>,
        %scan3A_509 = arith.constant 0 : i32
        scf.yield %scan3A_509 : i32
      }
      %scan3A_405 = arith.constant 4 : i32
      %scan3A_406 = arith.constant -3.000000e+38 : f32
      %scan3A_407 = arith.constant 0 : i32
      %scan3A_408 = arith.constant 50 : i32
      %scan3A_409 = arith.addi %scan3A_407, %scan3A_408 : i32
      %scan3A_410 = arith.constant 1 : i32
      %scan3A_411 = scf.for %scan3A_478 = %scan3A_407 to %scan3A_409 step %scan3A_410 iter_args(%scan3A_479 = %scan3A_406) -> (f32)  : i32 {
        %scan3A_480 = arith.constant 0 : i32
        %scan3A_481 = arith.constant 32 : i32
        %scan3A_482 = arith.addi %scan3A_480, %scan3A_481 : i32
        %scan3A_483 = arith.constant 1 : i32
        %scan3A_484 = scf.for %scan3A_909 = %scan3A_480 to %scan3A_482 step %scan3A_483 iter_args(%scan3A_910 = %broadcast_in_dim3A_1) -> (vector<16xf32>)  : i32 {
          %mul3A_911 = arith.constant 16 : i32
          %mul3A_912 = arith.muli %scan3A_909, %mul3A_911 : i32
          %get3A_913 = arith.index_cast %mul3A_912 : i32 to index
          %get3A_914 = tpu.vector_load %arg14[%get3A_913] {strides = array<i32>} : memref<512xf32, #tpu.memory_space<vmem>>, vector<16xf32>,
          %get3A_915 = vector.shape_cast %get3A_914 : vector<16xf32> to vector<16xf32>
          %max3A_916 = arith.maximumf %scan3A_910, %get3A_915 : vector<16xf32>
          scf.yield %max3A_916 : vector<16xf32>
        }
        %scan3A_485 = arith.constant 32 : i32
        %iota3A_486 = tpu.iota {dimensions = array<i32: 0>} : vector<16xi32>
        %xor3A_487 = arith.constant 8 : i32
        %xor3A_488 = vector.broadcast %xor3A_487 : i32 to vector<16xi32>
        %xor3A_489 = arith.xori %iota3A_486, %xor3A_488 : vector<16xi32>
        %broadcast_in_dim3A_490 = vector.shape_cast %xor3A_489 : vector<16xi32> to vector<16x1xi32>
        %gather3A_491 = vector.shape_cast %broadcast_in_dim3A_490 : vector<16x1xi32> to vector<16xi32>
        %gather3A_492 = tpu.dynamic_gather %scan3A_484[%gather3A_491] in [0] : vector<16xf32>, vector<16xi32> -> vector<16xf32>
        %max3A_493 = arith.maximumf %scan3A_484, %gather3A_492 : vector<16xf32>
        %xor3A_494 = arith.constant 4 : i32
        %xor3A_495 = vector.broadcast %xor3A_494 : i32 to vector<16xi32>
        %xor3A_496 = arith.xori %iota3A_486, %xor3A_495 : vector<16xi32>
        %broadcast_in_dim3A_497 = vector.shape_cast %xor3A_496 : vector<16xi32> to vector<16x1xi32>
        %gather3A_498 = vector.shape_cast %broadcast_in_dim3A_497 : vector<16x1xi32> to vector<16xi32>
        %gather3A_499 = tpu.dynamic_gather %max3A_493[%gather3A_498] in [0] : vector<16xf32>, vector<16xi32> -> vector<16xf32>
        %max3A_500 = arith.maximumf %max3A_493, %gather3A_499 : vector<16xf32>
        %xor3A_501 = arith.constant 2 : i32
        %xor3A_502 = vector.broadcast %xor3A_501 : i32 to vector<16xi32>
        %xor3A_503 = arith.xori %iota3A_486, %xor3A_502 : vector<16xi32>
        %broadcast_in_dim3A_504 = vector.shape_cast %xor3A_503 : vector<16xi32> to vector<16x1xi32>
        %gather3A_505 = vector.shape_cast %broadcast_in_dim3A_504 : vector<16x1xi32> to vector<16xi32>
        %gather3A_506 = tpu.dynamic_gather %max3A_500[%gather3A_505] in [0] : vector<16xf32>, vector<16xi32> -> vector<16xf32>
        %max3A_507 = arith.maximumf %max3A_500, %gather3A_506 : vector<16xf32>
        %xor3A_508 = arith.constant 1 : i32
        %xor3A_509 = vector.broadcast %xor3A_508 : i32 to vector<16xi32>
        %xor3A_510 = arith.xori %iota3A_486, %xor3A_509 : vector<16xi32>
        %broadcast_in_dim3A_511 = vector.shape_cast %xor3A_510 : vector<16xi32> to vector<16x1xi32>
        %gather3A_512 = vector.shape_cast %broadcast_in_dim3A_511 : vector<16x1xi32> to vector<16xi32>
        %gather3A_513 = tpu.dynamic_gather %max3A_507[%gather3A_512] in [0] : vector<16xf32>, vector<16xi32> -> vector<16xf32>
        %max3A_514 = arith.maximumf %max3A_507, %gather3A_513 : vector<16xf32>
        %swap3A_515 = arith.constant 0 : index
        %swap3A_516 = tpu.vector_load %arg26[%swap3A_515] {strides = array<i32>} : memref<16xf32, #tpu.memory_space<vmem>>, vector<16xf32>,
        %swap3A_517 = vector.shape_cast %swap3A_516 : vector<16xf32> to vector<16xf32>
        %swap3A_518 = vector.shape_cast %max3A_514 : vector<16xf32> to vector<16xf32>
        tpu.vector_store %arg26[%swap3A_515], %swap3A_518 {strides = array<i32>} : memref<16xf32, #tpu.memory_space<vmem>>, vector<16xf32>,
        %get3A_519 = arith.constant 0 : index
        %get3A_520 = tpu.vector_load %arg26[%get3A_519] {strides = array<i32>} : memref<16xf32, #tpu.memory_space<vmem>>, vector<16xf32>,
        %get3A_521 = vector.shape_cast %get3A_520 : vector<16xf32> to vector<16xf32>
        %slice3A_522 = vector.extract_strided_slice %get3A_521 {offsets = [0], sizes = [1], strides = [1]} : vector<16xf32> to vector<1xf32>
        %squeeze3A_523 = vector.extract %slice3A_522[0] : f32 from vector<1xf32>
        %broadcast_in_dim3A_524 = vector.broadcast %scan3A_4 : i32 to vector<16xi32>
        %scan3A_525 = arith.constant 0 : i32
        %scan3A_526 = arith.constant 32 : i32
        %scan3A_527 = arith.addi %scan3A_525, %scan3A_526 : i32
        %scan3A_528 = arith.constant 1 : i32
        %scan3A_529 = scf.for %scan3A_909 = %scan3A_525 to %scan3A_527 step %scan3A_528 iter_args(%scan3A_910 = %broadcast_in_dim3A_524) -> (vector<16xi32>)  : i32 {
          %mul3A_911 = arith.constant 16 : i32
          %mul3A_912 = arith.muli %scan3A_909, %mul3A_911 : i32
          %get3A_913 = arith.index_cast %mul3A_912 : i32 to index
          %get3A_914 = tpu.vector_load %arg14[%get3A_913] {strides = array<i32>} : memref<512xf32, #tpu.memory_space<vmem>>, vector<16xf32>,
          %get3A_915 = vector.shape_cast %get3A_914 : vector<16xf32> to vector<16xf32>
          %eq3A_916 = vector.broadcast %squeeze3A_523 : f32 to vector<16xf32>
          %eq3A_917 = arith.cmpf oeq, %get3A_915, %eq3A_916 : vector<16xf32>
          %mul3A_918 = arith.constant 16 : i32
          %mul3A_919 = arith.muli %scan3A_909, %mul3A_918 : i32
          %add3A_920 = vector.broadcast %mul3A_919 : i32 to vector<16xi32>
          %add3A_921 = arith.addi %add3A_920, %iota3A : vector<16xi32>
          %broadcast_in_dim3A_922 = vector.broadcast %scan3A_4 : i32 to vector<16xi32>
          %select_n3A_923 = arith.select %eq3A_917, %add3A_921, %broadcast_in_dim3A_922 : vector<16xi1>, vector<16xi32>
          %min3A_924 = arith.minsi %scan3A_910, %select_n3A_923 : vector<16xi32>
          scf.yield %min3A_924 : vector<16xi32>
        }
        %scan3A_530 = arith.constant 32 : i32
        %convert_element_type3A_531 = arith.sitofp %scan3A_529 : vector<16xi32> to vector<16xf32>
        %iota3A_532 = tpu.iota {dimensions = array<i32: 0>} : vector<16xi32>
        %xor3A_533 = arith.constant 8 : i32
        %xor3A_534 = vector.broadcast %xor3A_533 : i32 to vector<16xi32>
        %xor3A_535 = arith.xori %iota3A_532, %xor3A_534 : vector<16xi32>
        %broadcast_in_dim3A_536 = vector.shape_cast %xor3A_535 : vector<16xi32> to vector<16x1xi32>
        %gather3A_537 = vector.shape_cast %broadcast_in_dim3A_536 : vector<16x1xi32> to vector<16xi32>
        %gather3A_538 = tpu.dynamic_gather %convert_element_type3A_531[%gather3A_537] in [0] : vector<16xf32>, vector<16xi32> -> vector<16xf32>
        %min3A = arith.minimumf %convert_element_type3A_531, %gather3A_538 : vector<16xf32>
        %xor3A_539 = arith.constant 4 : i32
        %xor3A_540 = vector.broadcast %xor3A_539 : i32 to vector<16xi32>
        %xor3A_541 = arith.xori %iota3A_532, %xor3A_540 : vector<16xi32>
        %broadcast_in_dim3A_542 = vector.shape_cast %xor3A_541 : vector<16xi32> to vector<16x1xi32>
        %gather3A_543 = vector.shape_cast %broadcast_in_dim3A_542 : vector<16x1xi32> to vector<16xi32>
        %gather3A_544 = tpu.dynamic_gather %min3A[%gather3A_543] in [0] : vector<16xf32>, vector<16xi32> -> vector<16xf32>
        %min3A_545 = arith.minimumf %min3A, %gather3A_544 : vector<16xf32>
        %xor3A_546 = arith.constant 2 : i32
        %xor3A_547 = vector.broadcast %xor3A_546 : i32 to vector<16xi32>
        %xor3A_548 = arith.xori %iota3A_532, %xor3A_547 : vector<16xi32>
        %broadcast_in_dim3A_549 = vector.shape_cast %xor3A_548 : vector<16xi32> to vector<16x1xi32>
        %gather3A_550 = vector.shape_cast %broadcast_in_dim3A_549 : vector<16x1xi32> to vector<16xi32>
        %gather3A_551 = tpu.dynamic_gather %min3A_545[%gather3A_550] in [0] : vector<16xf32>, vector<16xi32> -> vector<16xf32>
        %min3A_552 = arith.minimumf %min3A_545, %gather3A_551 : vector<16xf32>
        %xor3A_553 = arith.constant 1 : i32
        %xor3A_554 = vector.broadcast %xor3A_553 : i32 to vector<16xi32>
        %xor3A_555 = arith.xori %iota3A_532, %xor3A_554 : vector<16xi32>
        %broadcast_in_dim3A_556 = vector.shape_cast %xor3A_555 : vector<16xi32> to vector<16x1xi32>
        %gather3A_557 = vector.shape_cast %broadcast_in_dim3A_556 : vector<16x1xi32> to vector<16xi32>
        %gather3A_558 = tpu.dynamic_gather %min3A_552[%gather3A_557] in [0] : vector<16xf32>, vector<16xi32> -> vector<16xf32>
        %min3A_559 = arith.minimumf %min3A_552, %gather3A_558 : vector<16xf32>
        %swap3A_560 = arith.constant 0 : index
        %swap3A_561 = tpu.vector_load %arg26[%swap3A_560] {strides = array<i32>} : memref<16xf32, #tpu.memory_space<vmem>>, vector<16xf32>,
        %swap3A_562 = vector.shape_cast %swap3A_561 : vector<16xf32> to vector<16xf32>
        %swap3A_563 = vector.shape_cast %min3A_559 : vector<16xf32> to vector<16xf32>
        tpu.vector_store %arg26[%swap3A_560], %swap3A_563 {strides = array<i32>} : memref<16xf32, #tpu.memory_space<vmem>>, vector<16xf32>,
        %get3A_564 = arith.constant 0 : index
        %get3A_565 = tpu.vector_load %arg26[%get3A_564] {strides = array<i32>} : memref<16xf32, #tpu.memory_space<vmem>>, vector<16xf32>,
        %get3A_566 = vector.shape_cast %get3A_565 : vector<16xf32> to vector<16xf32>
        %slice3A_567 = vector.extract_strided_slice %get3A_566 {offsets = [0], sizes = [1], strides = [1]} : vector<16xf32> to vector<1xf32>
        %squeeze3A_568 = vector.extract %slice3A_567[0] : f32 from vector<1xf32>
        %convert_element_type3A_569 = arith.fptosi %squeeze3A_568 : f32 to i32
        %mul3A_570 = arith.constant 16 : i32
        %mul3A_571 = arith.muli %convert_element_type3A_569, %mul3A_570 : i32
        %get3A_572 = arith.index_cast %mul3A_571 : i32 to index
        %get3A_573 = tpu.vector_load %arg11[%get3A_572] {strides = array<i32>} : memref<6144xf32, #tpu.memory_space<vmem>>, vector<16xf32>,
        %get3A_574 = vector.shape_cast %get3A_573 : vector<16xf32> to vector<16xf32>
        %eq3A = vector.broadcast %squeeze3A_523 : f32 to vector<16xf32>
        %eq3A_575 = arith.cmpf oeq, %get3A_574, %eq3A : vector<16xf32>
        %jit3A_576 = arith.constant 16 : i32
        %broadcast_in_dim3A_577 = vector.broadcast %jit3A_576 : i32 to vector<16xi32>
        %select_n3A_578 = arith.select %eq3A_575, %iota3A, %broadcast_in_dim3A_577 : vector<16xi1>, vector<16xi32>
        %convert_element_type3A_579 = arith.sitofp %select_n3A_578 : vector<16xi32> to vector<16xf32>
        %iota3A_580 = tpu.iota {dimensions = array<i32: 0>} : vector<16xi32>
        %xor3A_581 = arith.constant 8 : i32
        %xor3A_582 = vector.broadcast %xor3A_581 : i32 to vector<16xi32>
        %xor3A_583 = arith.xori %iota3A_580, %xor3A_582 : vector<16xi32>
        %broadcast_in_dim3A_584 = vector.shape_cast %xor3A_583 : vector<16xi32> to vector<16x1xi32>
        %gather3A_585 = vector.shape_cast %broadcast_in_dim3A_584 : vector<16x1xi32> to vector<16xi32>
        %gather3A_586 = tpu.dynamic_gather %convert_element_type3A_579[%gather3A_585] in [0] : vector<16xf32>, vector<16xi32> -> vector<16xf32>
        %min3A_587 = arith.minimumf %convert_element_type3A_579, %gather3A_586 : vector<16xf32>
        %xor3A_588 = arith.constant 4 : i32
        %xor3A_589 = vector.broadcast %xor3A_588 : i32 to vector<16xi32>
        %xor3A_590 = arith.xori %iota3A_580, %xor3A_589 : vector<16xi32>
        %broadcast_in_dim3A_591 = vector.shape_cast %xor3A_590 : vector<16xi32> to vector<16x1xi32>
        %gather3A_592 = vector.shape_cast %broadcast_in_dim3A_591 : vector<16x1xi32> to vector<16xi32>
        %gather3A_593 = tpu.dynamic_gather %min3A_587[%gather3A_592] in [0] : vector<16xf32>, vector<16xi32> -> vector<16xf32>
        %min3A_594 = arith.minimumf %min3A_587, %gather3A_593 : vector<16xf32>
        %xor3A_595 = arith.constant 2 : i32
        %xor3A_596 = vector.broadcast %xor3A_595 : i32 to vector<16xi32>
        %xor3A_597 = arith.xori %iota3A_580, %xor3A_596 : vector<16xi32>
        %broadcast_in_dim3A_598 = vector.shape_cast %xor3A_597 : vector<16xi32> to vector<16x1xi32>
        %gather3A_599 = vector.shape_cast %broadcast_in_dim3A_598 : vector<16x1xi32> to vector<16xi32>
        %gather3A_600 = tpu.dynamic_gather %min3A_594[%gather3A_599] in [0] : vector<16xf32>, vector<16xi32> -> vector<16xf32>
        %min3A_601 = arith.minimumf %min3A_594, %gather3A_600 : vector<16xf32>
        %xor3A_602 = arith.constant 1 : i32
        %xor3A_603 = vector.broadcast %xor3A_602 : i32 to vector<16xi32>
        %xor3A_604 = arith.xori %iota3A_580, %xor3A_603 : vector<16xi32>
        %broadcast_in_dim3A_605 = vector.shape_cast %xor3A_604 : vector<16xi32> to vector<16x1xi32>
        %gather3A_606 = vector.shape_cast %broadcast_in_dim3A_605 : vector<16x1xi32> to vector<16xi32>
        %gather3A_607 = tpu.dynamic_gather %min3A_601[%gather3A_606] in [0] : vector<16xf32>, vector<16xi32> -> vector<16xf32>
        %min3A_608 = arith.minimumf %min3A_601, %gather3A_607 : vector<16xf32>
        %swap3A_609 = arith.constant 0 : index
        %swap3A_610 = tpu.vector_load %arg26[%swap3A_609] {strides = array<i32>} : memref<16xf32, #tpu.memory_space<vmem>>, vector<16xf32>,
        %swap3A_611 = vector.shape_cast %swap3A_610 : vector<16xf32> to vector<16xf32>
        %swap3A_612 = vector.shape_cast %min3A_608 : vector<16xf32> to vector<16xf32>
        tpu.vector_store %arg26[%swap3A_609], %swap3A_612 {strides = array<i32>} : memref<16xf32, #tpu.memory_space<vmem>>, vector<16xf32>,
        %get3A_613 = arith.constant 0 : index
        %get3A_614 = tpu.vector_load %arg26[%get3A_613] {strides = array<i32>} : memref<16xf32, #tpu.memory_space<vmem>>, vector<16xf32>,
        %get3A_615 = vector.shape_cast %get3A_614 : vector<16xf32> to vector<16xf32>
        %slice3A_616 = vector.extract_strided_slice %get3A_615 {offsets = [0], sizes = [1], strides = [1]} : vector<16xf32> to vector<1xf32>
        %squeeze3A_617 = vector.extract %slice3A_616[0] : f32 from vector<1xf32>
        %convert_element_type3A_618 = arith.fptosi %squeeze3A_617 : f32 to i32
        %mul3A_619 = arith.constant 16 : i32
        %mul3A_620 = arith.muli %convert_element_type3A_569, %mul3A_619 : i32
        %get3A_621 = arith.index_cast %mul3A_620 : i32 to index
        %get3A_622 = tpu.vector_load %arg12[%get3A_621] {strides = array<i32>} : memref<6144xf32, #tpu.memory_space<vmem>>, vector<16xf32>,
        %get3A_623 = vector.shape_cast %get3A_622 : vector<16xf32> to vector<16xf32>
        %mul3A_624 = arith.constant 16 : i32
        %mul3A_625 = arith.muli %convert_element_type3A_569, %mul3A_624 : i32
        %get3A_626 = arith.index_cast %mul3A_625 : i32 to index
        %get3A_627 = tpu.vector_load %arg13[%get3A_626] {strides = array<i32>} : memref<6144xi32, #tpu.memory_space<vmem>>, vector<16xi32>,
        %get3A_628 = vector.shape_cast %get3A_627 : vector<16xi32> to vector<16xi32>
        %eq3A_629 = vector.broadcast %convert_element_type3A_618 : i32 to vector<16xi32>
        %eq3A_630 = arith.cmpi eq, %iota3A, %eq3A_629 : vector<16xi32>
        %jit3A_631 = arith.constant 0 : i32
        %broadcast_in_dim3A_632 = vector.broadcast %jit3A_631 : i32 to vector<16xi32>
        %select_n3A_633 = arith.select %eq3A_630, %get3A_628, %broadcast_in_dim3A_632 : vector<16xi1>, vector<16xi32>
        %convert_element_type3A_634 = arith.sitofp %select_n3A_633 : vector<16xi32> to vector<16xf32>
        %iota3A_635 = tpu.iota {dimensions = array<i32: 0>} : vector<16xi32>
        %xor3A_636 = arith.constant 8 : i32
        %xor3A_637 = vector.broadcast %xor3A_636 : i32 to vector<16xi32>
        %xor3A_638 = arith.xori %iota3A_635, %xor3A_637 : vector<16xi32>
        %broadcast_in_dim3A_639 = vector.shape_cast %xor3A_638 : vector<16xi32> to vector<16x1xi32>
        %gather3A_640 = vector.shape_cast %broadcast_in_dim3A_639 : vector<16x1xi32> to vector<16xi32>
        %gather3A_641 = tpu.dynamic_gather %convert_element_type3A_634[%gather3A_640] in [0] : vector<16xf32>, vector<16xi32> -> vector<16xf32>
        %max3A_642 = arith.maximumf %convert_element_type3A_634, %gather3A_641 : vector<16xf32>
        %xor3A_643 = arith.constant 4 : i32
        %xor3A_644 = vector.broadcast %xor3A_643 : i32 to vector<16xi32>
        %xor3A_645 = arith.xori %iota3A_635, %xor3A_644 : vector<16xi32>
        %broadcast_in_dim3A_646 = vector.shape_cast %xor3A_645 : vector<16xi32> to vector<16x1xi32>
        %gather3A_647 = vector.shape_cast %broadcast_in_dim3A_646 : vector<16x1xi32> to vector<16xi32>
        %gather3A_648 = tpu.dynamic_gather %max3A_642[%gather3A_647] in [0] : vector<16xf32>, vector<16xi32> -> vector<16xf32>
        %max3A_649 = arith.maximumf %max3A_642, %gather3A_648 : vector<16xf32>
        %xor3A_650 = arith.constant 2 : i32
        %xor3A_651 = vector.broadcast %xor3A_650 : i32 to vector<16xi32>
        %xor3A_652 = arith.xori %iota3A_635, %xor3A_651 : vector<16xi32>
        %broadcast_in_dim3A_653 = vector.shape_cast %xor3A_652 : vector<16xi32> to vector<16x1xi32>
        %gather3A_654 = vector.shape_cast %broadcast_in_dim3A_653 : vector<16x1xi32> to vector<16xi32>
        %gather3A_655 = tpu.dynamic_gather %max3A_649[%gather3A_654] in [0] : vector<16xf32>, vector<16xi32> -> vector<16xf32>
        %max3A_656 = arith.maximumf %max3A_649, %gather3A_655 : vector<16xf32>
        %xor3A_657 = arith.constant 1 : i32
        %xor3A_658 = vector.broadcast %xor3A_657 : i32 to vector<16xi32>
        %xor3A_659 = arith.xori %iota3A_635, %xor3A_658 : vector<16xi32>
        %broadcast_in_dim3A_660 = vector.shape_cast %xor3A_659 : vector<16xi32> to vector<16x1xi32>
        %gather3A_661 = vector.shape_cast %broadcast_in_dim3A_660 : vector<16x1xi32> to vector<16xi32>
        %gather3A_662 = tpu.dynamic_gather %max3A_656[%gather3A_661] in [0] : vector<16xf32>, vector<16xi32> -> vector<16xf32>
        %max3A_663 = arith.maximumf %max3A_656, %gather3A_662 : vector<16xf32>
        %swap3A_664 = arith.constant 0 : index
        %swap3A_665 = tpu.vector_load %arg26[%swap3A_664] {strides = array<i32>} : memref<16xf32, #tpu.memory_space<vmem>>, vector<16xf32>,
        %swap3A_666 = vector.shape_cast %swap3A_665 : vector<16xf32> to vector<16xf32>
        %swap3A_667 = vector.shape_cast %max3A_663 : vector<16xf32> to vector<16xf32>
        tpu.vector_store %arg26[%swap3A_664], %swap3A_667 {strides = array<i32>} : memref<16xf32, #tpu.memory_space<vmem>>, vector<16xf32>,
        %get3A_668 = arith.constant 0 : index
        %get3A_669 = tpu.vector_load %arg26[%get3A_668] {strides = array<i32>} : memref<16xf32, #tpu.memory_space<vmem>>, vector<16xf32>,
        %get3A_670 = vector.shape_cast %get3A_669 : vector<16xf32> to vector<16xf32>
        %slice3A_671 = vector.extract_strided_slice %get3A_670 {offsets = [0], sizes = [1], strides = [1]} : vector<16xf32> to vector<1xf32>
        %squeeze3A_672 = vector.extract %slice3A_671[0] : f32 from vector<1xf32>
        %convert_element_type3A_673 = arith.fptosi %squeeze3A_672 : f32 to i32
        %eq3A_674 = vector.broadcast %convert_element_type3A_618 : i32 to vector<16xi32>
        %eq3A_675 = arith.cmpi eq, %iota3A, %eq3A_674 : vector<16xi32>
        %jit3A_676 = arith.constant -3.000000e+38 : f32
        %broadcast_in_dim3A_677 = vector.broadcast %jit3A_676 : f32 to vector<16xf32>
        %select_n3A_678 = arith.select %eq3A_675, %get3A_623, %broadcast_in_dim3A_677 : vector<16xi1>, vector<16xf32>
        %iota3A_679 = tpu.iota {dimensions = array<i32: 0>} : vector<16xi32>
        %xor3A_680 = arith.constant 8 : i32
        %xor3A_681 = vector.broadcast %xor3A_680 : i32 to vector<16xi32>
        %xor3A_682 = arith.xori %iota3A_679, %xor3A_681 : vector<16xi32>
        %broadcast_in_dim3A_683 = vector.shape_cast %xor3A_682 : vector<16xi32> to vector<16x1xi32>
        %gather3A_684 = vector.shape_cast %broadcast_in_dim3A_683 : vector<16x1xi32> to vector<16xi32>
        %gather3A_685 = tpu.dynamic_gather %select_n3A_678[%gather3A_684] in [0] : vector<16xf32>, vector<16xi32> -> vector<16xf32>
        %max3A_686 = arith.maximumf %select_n3A_678, %gather3A_685 : vector<16xf32>
        %xor3A_687 = arith.constant 4 : i32
        %xor3A_688 = vector.broadcast %xor3A_687 : i32 to vector<16xi32>
        %xor3A_689 = arith.xori %iota3A_679, %xor3A_688 : vector<16xi32>
        %broadcast_in_dim3A_690 = vector.shape_cast %xor3A_689 : vector<16xi32> to vector<16x1xi32>
        %gather3A_691 = vector.shape_cast %broadcast_in_dim3A_690 : vector<16x1xi32> to vector<16xi32>
        %gather3A_692 = tpu.dynamic_gather %max3A_686[%gather3A_691] in [0] : vector<16xf32>, vector<16xi32> -> vector<16xf32>
        %max3A_693 = arith.maximumf %max3A_686, %gather3A_692 : vector<16xf32>
        %xor3A_694 = arith.constant 2 : i32
        %xor3A_695 = vector.broadcast %xor3A_694 : i32 to vector<16xi32>
        %xor3A_696 = arith.xori %iota3A_679, %xor3A_695 : vector<16xi32>
        %broadcast_in_dim3A_697 = vector.shape_cast %xor3A_696 : vector<16xi32> to vector<16x1xi32>
        %gather3A_698 = vector.shape_cast %broadcast_in_dim3A_697 : vector<16x1xi32> to vector<16xi32>
        %gather3A_699 = tpu.dynamic_gather %max3A_693[%gather3A_698] in [0] : vector<16xf32>, vector<16xi32> -> vector<16xf32>
        %max3A_700 = arith.maximumf %max3A_693, %gather3A_699 : vector<16xf32>
        %xor3A_701 = arith.constant 1 : i32
        %xor3A_702 = vector.broadcast %xor3A_701 : i32 to vector<16xi32>
        %xor3A_703 = arith.xori %iota3A_679, %xor3A_702 : vector<16xi32>
        %broadcast_in_dim3A_704 = vector.shape_cast %xor3A_703 : vector<16xi32> to vector<16x1xi32>
        %gather3A_705 = vector.shape_cast %broadcast_in_dim3A_704 : vector<16x1xi32> to vector<16xi32>
        %gather3A_706 = tpu.dynamic_gather %max3A_700[%gather3A_705] in [0] : vector<16xf32>, vector<16xi32> -> vector<16xf32>
        %max3A_707 = arith.maximumf %max3A_700, %gather3A_706 : vector<16xf32>
        %swap3A_708 = arith.constant 0 : index
        %swap3A_709 = tpu.vector_load %arg26[%swap3A_708] {strides = array<i32>} : memref<16xf32, #tpu.memory_space<vmem>>, vector<16xf32>,
        %swap3A_710 = vector.shape_cast %swap3A_709 : vector<16xf32> to vector<16xf32>
        %swap3A_711 = vector.shape_cast %max3A_707 : vector<16xf32> to vector<16xf32>
        tpu.vector_store %arg26[%swap3A_708], %swap3A_711 {strides = array<i32>} : memref<16xf32, #tpu.memory_space<vmem>>, vector<16xf32>,
        %get3A_712 = arith.constant 0 : index
        %get3A_713 = tpu.vector_load %arg26[%get3A_712] {strides = array<i32>} : memref<16xf32, #tpu.memory_space<vmem>>, vector<16xf32>,
        %get3A_714 = vector.shape_cast %get3A_713 : vector<16xf32> to vector<16xf32>
        %slice3A_715 = vector.extract_strided_slice %get3A_714 {offsets = [0], sizes = [1], strides = [1]} : vector<16xf32> to vector<1xf32>
        %squeeze3A_716 = vector.extract %slice3A_715[0] : f32 from vector<1xf32>
        %eq3A_717 = vector.broadcast %convert_element_type3A_618 : i32 to vector<16xi32>
        %eq3A_718 = arith.cmpi eq, %iota3A, %eq3A_717 : vector<16xi32>
        %jit3A_719 = arith.constant -3.000000e+38 : f32
        %broadcast_in_dim3A_720 = vector.broadcast %jit3A_719 : f32 to vector<16xf32>
        %select_n3A_721 = arith.select %eq3A_718, %broadcast_in_dim3A_720, %get3A_574 : vector<16xi1>, vector<16xf32>
        %mul3A_722 = arith.constant 16 : i32
        %mul3A_723 = arith.muli %convert_element_type3A_569, %mul3A_722 : i32
        %swap3A_724 = arith.index_cast %mul3A_723 : i32 to index
        %swap3A_725 = tpu.vector_load %arg11[%swap3A_724] {strides = array<i32>} : memref<6144xf32, #tpu.memory_space<vmem>>, vector<16xf32>,
        %swap3A_726 = vector.shape_cast %swap3A_725 : vector<16xf32> to vector<16xf32>
        %swap3A_727 = vector.shape_cast %select_n3A_721 : vector<16xf32> to vector<16xf32>
        tpu.vector_store %arg11[%swap3A_724], %swap3A_727 {strides = array<i32>} : memref<6144xf32, #tpu.memory_space<vmem>>, vector<16xf32>,
        %iota3A_728 = tpu.iota {dimensions = array<i32: 0>} : vector<16xi32>
        %xor3A_729 = arith.constant 8 : i32
        %xor3A_730 = vector.broadcast %xor3A_729 : i32 to vector<16xi32>
        %xor3A_731 = arith.xori %iota3A_728, %xor3A_730 : vector<16xi32>
        %broadcast_in_dim3A_732 = vector.shape_cast %xor3A_731 : vector<16xi32> to vector<16x1xi32>
        %gather3A_733 = vector.shape_cast %broadcast_in_dim3A_732 : vector<16x1xi32> to vector<16xi32>
        %gather3A_734 = tpu.dynamic_gather %select_n3A_721[%gather3A_733] in [0] : vector<16xf32>, vector<16xi32> -> vector<16xf32>
        %max3A_735 = arith.maximumf %select_n3A_721, %gather3A_734 : vector<16xf32>
        %xor3A_736 = arith.constant 4 : i32
        %xor3A_737 = vector.broadcast %xor3A_736 : i32 to vector<16xi32>
        %xor3A_738 = arith.xori %iota3A_728, %xor3A_737 : vector<16xi32>
        %broadcast_in_dim3A_739 = vector.shape_cast %xor3A_738 : vector<16xi32> to vector<16x1xi32>
        %gather3A_740 = vector.shape_cast %broadcast_in_dim3A_739 : vector<16x1xi32> to vector<16xi32>
        %gather3A_741 = tpu.dynamic_gather %max3A_735[%gather3A_740] in [0] : vector<16xf32>, vector<16xi32> -> vector<16xf32>
        %max3A_742 = arith.maximumf %max3A_735, %gather3A_741 : vector<16xf32>
        %xor3A_743 = arith.constant 2 : i32
        %xor3A_744 = vector.broadcast %xor3A_743 : i32 to vector<16xi32>
        %xor3A_745 = arith.xori %iota3A_728, %xor3A_744 : vector<16xi32>
        %broadcast_in_dim3A_746 = vector.shape_cast %xor3A_745 : vector<16xi32> to vector<16x1xi32>
        %gather3A_747 = vector.shape_cast %broadcast_in_dim3A_746 : vector<16x1xi32> to vector<16xi32>
        %gather3A_748 = tpu.dynamic_gather %max3A_742[%gather3A_747] in [0] : vector<16xf32>, vector<16xi32> -> vector<16xf32>
        %max3A_749 = arith.maximumf %max3A_742, %gather3A_748 : vector<16xf32>
        %xor3A_750 = arith.constant 1 : i32
        %xor3A_751 = vector.broadcast %xor3A_750 : i32 to vector<16xi32>
        %xor3A_752 = arith.xori %iota3A_728, %xor3A_751 : vector<16xi32>
        %broadcast_in_dim3A_753 = vector.shape_cast %xor3A_752 : vector<16xi32> to vector<16x1xi32>
        %gather3A_754 = vector.shape_cast %broadcast_in_dim3A_753 : vector<16x1xi32> to vector<16xi32>
        %gather3A_755 = tpu.dynamic_gather %max3A_749[%gather3A_754] in [0] : vector<16xf32>, vector<16xi32> -> vector<16xf32>
        %max3A_756 = arith.maximumf %max3A_749, %gather3A_755 : vector<16xf32>
        %swap3A_757 = arith.constant 0 : index
        %swap3A_758 = tpu.vector_load %arg26[%swap3A_757] {strides = array<i32>} : memref<16xf32, #tpu.memory_space<vmem>>, vector<16xf32>,
        %swap3A_759 = vector.shape_cast %swap3A_758 : vector<16xf32> to vector<16xf32>
        %swap3A_760 = vector.shape_cast %max3A_756 : vector<16xf32> to vector<16xf32>
        tpu.vector_store %arg26[%swap3A_757], %swap3A_760 {strides = array<i32>} : memref<16xf32, #tpu.memory_space<vmem>>, vector<16xf32>,
        %get3A_761 = arith.constant 0 : index
        %get3A_762 = tpu.vector_load %arg26[%get3A_761] {strides = array<i32>} : memref<16xf32, #tpu.memory_space<vmem>>, vector<16xf32>,
        %get3A_763 = vector.shape_cast %get3A_762 : vector<16xf32> to vector<16xf32>
        %slice3A_764 = vector.extract_strided_slice %get3A_763 {offsets = [0], sizes = [1], strides = [1]} : vector<16xf32> to vector<1xf32>
        %squeeze3A_765 = vector.extract %slice3A_764[0] : f32 from vector<1xf32>
        %jit3A_766 = arith.constant 16 : i32
        %div3A_767 = arith.divsi %convert_element_type3A_569, %jit3A_766 : i32
        %sign3A = arith.constant 0 : i32
        %sign3A_768 = arith.cmpi sgt, %convert_element_type3A_569, %sign3A : i32
        %sign3A_769 = arith.extui %sign3A_768 : i1 to i32
        %sign3A_770 = arith.constant 0 : i32
        %sign3A_771 = arith.cmpi slt, %convert_element_type3A_569, %sign3A_770 : i32
        %sign3A_772 = arith.extui %sign3A_771 : i1 to i32
        %sign3A_773 = arith.subi %sign3A_769, %sign3A_772 : i32
        %sign3A_774 = arith.constant 0 : i32
        %sign3A_775 = arith.cmpi sgt, %jit3A_766, %sign3A_774 : i32
        %sign3A_776 = arith.extui %sign3A_775 : i1 to i32
        %sign3A_777 = arith.constant 0 : i32
        %sign3A_778 = arith.cmpi slt, %jit3A_766, %sign3A_777 : i32
        %sign3A_779 = arith.extui %sign3A_778 : i1 to i32
        %sign3A_780 = arith.subi %sign3A_776, %sign3A_779 : i32
        %ne3A = arith.cmpi ne, %sign3A_773, %sign3A_780 : i32
        %rem3A = arith.remsi %convert_element_type3A_569, %jit3A_766 : i32
        %ne3A_781 = arith.constant 0 : i32
        %ne3A_782 = arith.cmpi ne, %rem3A, %ne3A_781 : i32
        %and3A_783 = arith.andi %ne3A, %ne3A_782 : i1
        %sub3A_784 = arith.constant 1 : i32
        %sub3A_785 = arith.subi %div3A_767, %sub3A_784 : i32
        %select_n3A_786 = arith.select %and3A_783, %sub3A_785, %div3A_767 : i32
        %mul3A_787 = arith.constant 16 : i32
        %mul3A_788 = arith.muli %select_n3A_786, %mul3A_787 : i32
        %get3A_789 = arith.index_cast %mul3A_788 : i32 to index
        %get3A_790 = tpu.vector_load %arg14[%get3A_789] {strides = array<i32>} : memref<512xf32, #tpu.memory_space<vmem>>, vector<16xf32>,
        %get3A_791 = vector.shape_cast %get3A_790 : vector<16xf32> to vector<16xf32>
        %jit3A_792 = arith.constant 16 : i32
        %eq3A_793 = arith.constant 0 : i32
        %eq3A_794 = arith.cmpi eq, %jit3A_792, %eq3A_793 : i32
        %jit3A_795 = arith.constant 1 : i32
        %select_n3A_796 = arith.select %eq3A_794, %jit3A_795, %jit3A_792 : i32
        %rem3A_797 = arith.remsi %convert_element_type3A_569, %select_n3A_796 : i32
        %ne3A_798 = arith.constant 0 : i32
        %ne3A_799 = arith.cmpi ne, %rem3A_797, %ne3A_798 : i32
        %lt3A_800 = arith.constant 0 : i32
        %lt3A_801 = arith.cmpi slt, %rem3A_797, %lt3A_800 : i32
        %lt3A_802 = arith.constant 0 : i32
        %lt3A_803 = arith.cmpi slt, %select_n3A_796, %lt3A_802 : i32
        %ne3A_804 = arith.xori %lt3A_801, %lt3A_803 : i1
        %and3A_805 = arith.andi %ne3A_804, %ne3A_799 : i1
        %add3A_806 = arith.addi %rem3A_797, %select_n3A_796 : i32
        %select_n3A_807 = arith.select %and3A_805, %add3A_806, %rem3A_797 : i32
        %eq3A_808 = vector.broadcast %select_n3A_807 : i32 to vector<16xi32>
        %eq3A_809 = arith.cmpi eq, %iota3A, %eq3A_808 : vector<16xi32>
        %broadcast_in_dim3A_810 = vector.broadcast %squeeze3A_765 : f32 to vector<16xf32>
        %select_n3A_811 = arith.select %eq3A_809, %broadcast_in_dim3A_810, %get3A_791 : vector<16xi1>, vector<16xf32>
        %swap3A_812 = arith.index_cast %mul3A_788 : i32 to index
        %swap3A_813 = tpu.vector_load %arg14[%swap3A_812] {strides = array<i32>} : memref<512xf32, #tpu.memory_space<vmem>>, vector<16xf32>,
        %swap3A_814 = vector.shape_cast %swap3A_813 : vector<16xf32> to vector<16xf32>
        %swap3A_815 = vector.shape_cast %select_n3A_811 : vector<16xf32> to vector<16xf32>
        tpu.vector_store %arg14[%swap3A_812], %swap3A_815 {strides = array<i32>} : memref<512xf32, #tpu.memory_space<vmem>>, vector<16xf32>,
        %jit3A_816 = arith.constant 16 : i32
        %div3A_817 = arith.divsi %scan3A_478, %jit3A_816 : i32
        %sign3A_818 = arith.constant 0 : i32
        %sign3A_819 = arith.cmpi sgt, %scan3A_478, %sign3A_818 : i32
        %sign3A_820 = arith.extui %sign3A_819 : i1 to i32
        %sign3A_821 = arith.constant 0 : i32
        %sign3A_822 = arith.cmpi slt, %scan3A_478, %sign3A_821 : i32
        %sign3A_823 = arith.extui %sign3A_822 : i1 to i32
        %sign3A_824 = arith.subi %sign3A_820, %sign3A_823 : i32
        %sign3A_825 = arith.constant 0 : i32
        %sign3A_826 = arith.cmpi sgt, %jit3A_816, %sign3A_825 : i32
        %sign3A_827 = arith.extui %sign3A_826 : i1 to i32
        %sign3A_828 = arith.constant 0 : i32
        %sign3A_829 = arith.cmpi slt, %jit3A_816, %sign3A_828 : i32
        %sign3A_830 = arith.extui %sign3A_829 : i1 to i32
        %sign3A_831 = arith.subi %sign3A_827, %sign3A_830 : i32
        %ne3A_832 = arith.cmpi ne, %sign3A_824, %sign3A_831 : i32
        %rem3A_833 = arith.remsi %scan3A_478, %jit3A_816 : i32
        %ne3A_834 = arith.constant 0 : i32
        %ne3A_835 = arith.cmpi ne, %rem3A_833, %ne3A_834 : i32
        %and3A_836 = arith.andi %ne3A_832, %ne3A_835 : i1
        %sub3A_837 = arith.constant 1 : i32
        %sub3A_838 = arith.subi %div3A_817, %sub3A_837 : i32
        %select_n3A_839 = arith.select %and3A_836, %sub3A_838, %div3A_817 : i32
        %mul3A_840 = arith.constant 16 : i32
        %mul3A_841 = arith.muli %select_n3A_839, %mul3A_840 : i32
        %jit3A_842 = arith.constant 16 : i32
        %eq3A_843 = arith.constant 0 : i32
        %eq3A_844 = arith.cmpi eq, %jit3A_842, %eq3A_843 : i32
        %jit3A_845 = arith.constant 1 : i32
        %select_n3A_846 = arith.select %eq3A_844, %jit3A_845, %jit3A_842 : i32
        %rem3A_847 = arith.remsi %scan3A_478, %select_n3A_846 : i32
        %ne3A_848 = arith.constant 0 : i32
        %ne3A_849 = arith.cmpi ne, %rem3A_847, %ne3A_848 : i32
        %lt3A_850 = arith.constant 0 : i32
        %lt3A_851 = arith.cmpi slt, %rem3A_847, %lt3A_850 : i32
        %lt3A_852 = arith.constant 0 : i32
        %lt3A_853 = arith.cmpi slt, %select_n3A_846, %lt3A_852 : i32
        %ne3A_854 = arith.xori %lt3A_851, %lt3A_853 : i1
        %and3A_855 = arith.andi %ne3A_854, %ne3A_849 : i1
        %add3A_856 = arith.addi %rem3A_847, %select_n3A_846 : i32
        %select_n3A_857 = arith.select %and3A_855, %add3A_856, %rem3A_847 : i32
        %eq3A_858 = vector.broadcast %select_n3A_857 : i32 to vector<16xi32>
        %eq3A_859 = arith.cmpi eq, %iota3A, %eq3A_858 : vector<16xi32>
        %get3A_860 = arith.index_cast %mul3A_841 : i32 to index
        %get3A_861 = tpu.vector_load %arg15[%get3A_860] {strides = array<i32>} : memref<64xf32, #tpu.memory_space<vmem>>, vector<16xf32>,
        %get3A_862 = vector.shape_cast %get3A_861 : vector<16xf32> to vector<16xf32>
        %broadcast_in_dim3A_863 = vector.broadcast %squeeze3A_716 : f32 to vector<16xf32>
        %select_n3A_864 = arith.select %eq3A_859, %broadcast_in_dim3A_863, %get3A_862 : vector<16xi1>, vector<16xf32>
        %swap3A_865 = arith.index_cast %mul3A_841 : i32 to index
        %swap3A_866 = tpu.vector_load %arg15[%swap3A_865] {strides = array<i32>} : memref<64xf32, #tpu.memory_space<vmem>>, vector<16xf32>,
        %swap3A_867 = vector.shape_cast %swap3A_866 : vector<16xf32> to vector<16xf32>
        %swap3A_868 = vector.shape_cast %select_n3A_864 : vector<16xf32> to vector<16xf32>
        tpu.vector_store %arg15[%swap3A_865], %swap3A_868 {strides = array<i32>} : memref<64xf32, #tpu.memory_space<vmem>>, vector<16xf32>,
        %eq3A_869 = vector.broadcast %select_n3A_857 : i32 to vector<16xi32>
        %eq3A_870 = arith.cmpi eq, %iota3A, %eq3A_869 : vector<16xi32>
        %get3A_871 = arith.index_cast %mul3A_841 : i32 to index
        %get3A_872 = tpu.vector_load %arg16[%get3A_871] {strides = array<i32>} : memref<64xf32, #tpu.memory_space<vmem>>, vector<16xf32>,
        %get3A_873 = vector.shape_cast %get3A_872 : vector<16xf32> to vector<16xf32>
        %broadcast_in_dim3A_874 = vector.broadcast %squeeze3A_523 : f32 to vector<16xf32>
        %select_n3A_875 = arith.select %eq3A_870, %broadcast_in_dim3A_874, %get3A_873 : vector<16xi1>, vector<16xf32>
        %swap3A_876 = arith.index_cast %mul3A_841 : i32 to index
        %swap3A_877 = tpu.vector_load %arg16[%swap3A_876] {strides = array<i32>} : memref<64xf32, #tpu.memory_space<vmem>>, vector<16xf32>,
        %swap3A_878 = vector.shape_cast %swap3A_877 : vector<16xf32> to vector<16xf32>
        %swap3A_879 = vector.shape_cast %select_n3A_875 : vector<16xf32> to vector<16xf32>
        tpu.vector_store %arg16[%swap3A_876], %swap3A_879 {strides = array<i32>} : memref<64xf32, #tpu.memory_space<vmem>>, vector<16xf32>,
        %eq3A_880 = vector.broadcast %select_n3A_857 : i32 to vector<16xi32>
        %eq3A_881 = arith.cmpi eq, %iota3A, %eq3A_880 : vector<16xi32>
        %get3A_882 = arith.index_cast %mul3A_841 : i32 to index
        %get3A_883 = tpu.vector_load %arg17[%get3A_882] {strides = array<i32>} : memref<64xi32, #tpu.memory_space<vmem>>, vector<16xi32>,
        %get3A_884 = vector.shape_cast %get3A_883 : vector<16xi32> to vector<16xi32>
        %broadcast_in_dim3A_885 = vector.broadcast %convert_element_type3A_673 : i32 to vector<16xi32>
        %select_n3A_886 = arith.select %eq3A_881, %broadcast_in_dim3A_885, %get3A_884 : vector<16xi1>, vector<16xi32>
        %swap3A_887 = arith.index_cast %mul3A_841 : i32 to index
        %swap3A_888 = tpu.vector_load %arg17[%swap3A_887] {strides = array<i32>} : memref<64xi32, #tpu.memory_space<vmem>>, vector<16xi32>,
        %swap3A_889 = vector.shape_cast %swap3A_888 : vector<16xi32> to vector<16xi32>
        %swap3A_890 = vector.shape_cast %select_n3A_886 : vector<16xi32> to vector<16xi32>
        tpu.vector_store %arg17[%swap3A_887], %swap3A_890 {strides = array<i32>} : memref<64xi32, #tpu.memory_space<vmem>>, vector<16xi32>,
        %eq3A_891 = vector.broadcast %select_n3A_857 : i32 to vector<16xi32>
        %eq3A_892 = arith.cmpi eq, %iota3A, %eq3A_891 : vector<16xi32>
        %mul3A_893 = arith.constant 100000 : i32
        %mul3A_894 = arith.muli %add3A_13, %mul3A_893 : i32
        %add3A_895 = arith.addi %mul3A_894, %convert_element_type3A_673 : i32
        %get3A_896 = arith.index_cast %mul3A_841 : i32 to index
        %get3A_897 = tpu.vector_load %arg18[%get3A_896] {strides = array<i32>} : memref<64xi32, #tpu.memory_space<vmem>>, vector<16xi32>,
        %get3A_898 = vector.shape_cast %get3A_897 : vector<16xi32> to vector<16xi32>
        %broadcast_in_dim3A_899 = vector.broadcast %add3A_895 : i32 to vector<16xi32>
        %select_n3A_900 = arith.select %eq3A_892, %broadcast_in_dim3A_899, %get3A_898 : vector<16xi1>, vector<16xi32>
        %swap3A_901 = arith.index_cast %mul3A_841 : i32 to index
        %swap3A_902 = tpu.vector_load %arg18[%swap3A_901] {strides = array<i32>} : memref<64xi32, #tpu.memory_space<vmem>>, vector<16xi32>,
        %swap3A_903 = vector.shape_cast %swap3A_902 : vector<16xi32> to vector<16xi32>
        %swap3A_904 = vector.shape_cast %select_n3A_900 : vector<16xi32> to vector<16xi32>
        tpu.vector_store %arg18[%swap3A_901], %swap3A_904 {strides = array<i32>} : memref<64xi32, #tpu.memory_space<vmem>>, vector<16xi32>,
        %sub3A_905 = arith.constant 1 : i32
        %sub3A_906 = arith.subi %squeeze3A, %sub3A_905 : i32
        %eq3A_907 = arith.cmpi eq, %scan3A_478, %sub3A_906 : i32
        %select_n3A_908 = arith.select %eq3A_907, %squeeze3A_716, %scan3A_479 : f32
        scf.yield %select_n3A_908 : f32
      }
      %scan3A_412 = arith.constant 50 : i32
      %dma_start3A = arith.constant 0 : i32
      %dma_start3A_413 = tpu.memref_slice %arg4[%dma_start3A] : memref<12800000xf32, #tpu.memory_space<hbm>> -> memref<12800000xf32, #tpu.memory_space<hbm>>
      tpu.enqueue_indirect_dma source(%dma_start3A_413 : memref<12800000xf32, #tpu.memory_space<hbm>>) target(%arg19 : memref<64xf32, #tpu.memory_space<vmem>>) offsets(%arg18 : memref<64xi32, #tpu.memory_space<vmem>>) semaphore(%arg27 : memref<!tpu.dma_semaphore, #tpu.memory_space<semaphore_mem>>)
      %dma_wait3A = arith.constant 0 : i32
      %dma_wait3A_414 = tpu.memref_slice %arg4[%dma_wait3A] : memref<12800000xf32, #tpu.memory_space<hbm>> -> memref<12800000xf32, #tpu.memory_space<hbm>>
      tpu.wait_indirect_dma semaphore(%arg27 : memref<!tpu.dma_semaphore, #tpu.memory_space<semaphore_mem>>) src(%dma_wait3A_414 : memref<12800000xf32, #tpu.memory_space<hbm>>) dst(%arg19 : memref<64xf32, #tpu.memory_space<vmem>>)
      %get3A_415 = arith.constant 0 : index
      %get3A_416 = tpu.vector_load %arg20[%get3A_415] {strides = array<i32>} : memref<16xf32, #tpu.memory_space<vmem>>, vector<16xf32>,
      %get3A_417 = vector.shape_cast %get3A_416 : vector<16xf32> to vector<16xf32>
      %lt3A = arith.constant 9.99999974E-6 : f32
      %lt3A_418 = vector.broadcast %lt3A : f32 to vector<16xf32>
      %lt3A_419 = arith.cmpf olt, %get3A_417, %lt3A_418 : vector<16xf32>
      %jit3A = arith.constant 1.000000e+00 : f32
      %broadcast_in_dim3A_420 = vector.broadcast %jit3A : f32 to vector<16xf32>
      %select_n3A_421 = arith.select %lt3A_419, %broadcast_in_dim3A_420, %get3A_417 : vector<16xi1>, vector<16xf32>
      %scan3A_422 = arith.constant -3.000000e+38 : f32
      %scan3A_423 = arith.constant -3.000000e+38 : f32
      %scan3A_424 = arith.constant 0 : i32
      %scan3A_425 = arith.constant 4 : i32
      %scan3A_426 = arith.addi %scan3A_424, %scan3A_425 : i32
      %scan3A_427 = arith.constant 1 : i32
      %scan3A_428:3 = scf.for %scan3A_478 = %scan3A_424 to %scan3A_426 step %scan3A_427 iter_args(%scan3A_479 = %scan3A_422, %scan3A_480 = %scan3A_4, %scan3A_481 = %scan3A_423) -> (f32, i32, f32)  : i32 {
        %mul3A_482 = arith.constant 16 : i32
        %mul3A_483 = arith.muli %scan3A_478, %mul3A_482 : i32
        %get3A_484 = arith.index_cast %mul3A_483 : i32 to index
        %get3A_485 = tpu.vector_load %arg15[%get3A_484] {strides = array<i32>} : memref<64xf32, #tpu.memory_space<vmem>>, vector<16xf32>,
        %get3A_486 = vector.shape_cast %get3A_485 : vector<16xf32> to vector<16xf32>
        %mul3A_487 = arith.constant 16 : i32
        %mul3A_488 = arith.muli %scan3A_478, %mul3A_487 : i32
        %get3A_489 = arith.index_cast %mul3A_488 : i32 to index
        %get3A_490 = tpu.vector_load %arg17[%get3A_489] {strides = array<i32>} : memref<64xi32, #tpu.memory_space<vmem>>, vector<16xi32>,
        %get3A_491 = vector.shape_cast %get3A_490 : vector<16xi32> to vector<16xi32>
        %mul3A_492 = arith.constant 16 : i32
        %mul3A_493 = arith.muli %scan3A_478, %mul3A_492 : i32
        %get3A_494 = arith.index_cast %mul3A_493 : i32 to index
        %get3A_495 = tpu.vector_load %arg19[%get3A_494] {strides = array<i32>} : memref<64xf32, #tpu.memory_space<vmem>>, vector<16xf32>,
        %get3A_496 = vector.shape_cast %get3A_495 : vector<16xf32> to vector<16xf32>
        %add3A_497 = arith.constant 1.000000e-10 : f32
        %add3A_498 = vector.broadcast %add3A_497 : f32 to vector<16xf32>
        %add3A_499 = arith.addf %get3A_496, %add3A_498 : vector<16xf32>
        %bitcast_convert_type3A_500 = tpu.bitcast %add3A_499 : vector<16xf32> -> vector<16xi32>
        %shift_right_arithmetic3A_501 = arith.constant 23 : i32
        %shift_right_arithmetic3A_502 = vector.broadcast %shift_right_arithmetic3A_501 : i32 to vector<16xi32>
        %shift_right_arithmetic3A_503 = arith.shrsi %bitcast_convert_type3A_500, %shift_right_arithmetic3A_502 : vector<16xi32>
        %and3A_504 = arith.constant 255 : i32
        %and3A_505 = vector.broadcast %and3A_504 : i32 to vector<16xi32>
        %and3A_506 = arith.andi %shift_right_arithmetic3A_503, %and3A_505 : vector<16xi32>
        %sub3A_507 = arith.constant 127 : i32
        %sub3A_508 = vector.broadcast %sub3A_507 : i32 to vector<16xi32>
        %sub3A_509 = arith.subi %and3A_506, %sub3A_508 : vector<16xi32>
        %and3A_510 = arith.constant 8388607 : i32
        %and3A_511 = vector.broadcast %and3A_510 : i32 to vector<16xi32>
        %and3A_512 = arith.andi %bitcast_convert_type3A_500, %and3A_511 : vector<16xi32>
        %or3A_513 = arith.constant 1065353216 : i32
        %or3A_514 = vector.broadcast %or3A_513 : i32 to vector<16xi32>
        %or3A_515 = arith.ori %and3A_512, %or3A_514 : vector<16xi32>
        %bitcast_convert_type3A_516 = tpu.bitcast %or3A_515 : vector<16xi32> -> vector<16xf32>
        %gt3A_517 = arith.constant 1.41421354 : f32
        %gt3A_518 = vector.broadcast %gt3A_517 : f32 to vector<16xf32>
        %gt3A_519 = arith.cmpf ogt, %bitcast_convert_type3A_516, %gt3A_518 : vector<16xf32>
        %mul3A_520 = arith.constant 5.000000e-01 : f32
        %mul3A_521 = vector.broadcast %mul3A_520 : f32 to vector<16xf32>
        %mul3A_522 = arith.mulf %bitcast_convert_type3A_516, %mul3A_521 : vector<16xf32>
        %select_n3A_523 = arith.select %gt3A_519, %mul3A_522, %bitcast_convert_type3A_516 : vector<16xi1>, vector<16xf32>
        %add3A_524 = arith.constant 1 : i32
        %add3A_525 = vector.broadcast %add3A_524 : i32 to vector<16xi32>
        %add3A_526 = arith.addi %sub3A_509, %add3A_525 : vector<16xi32>
        %select_n3A_527 = arith.select %gt3A_519, %add3A_526, %sub3A_509 : vector<16xi1>, vector<16xi32>
        %sub3A_528 = arith.constant 1.000000e+00 : f32
        %sub3A_529 = vector.broadcast %sub3A_528 : f32 to vector<16xf32>
        %sub3A_530 = arith.subf %select_n3A_523, %sub3A_529 : vector<16xf32>
        %add3A_531 = arith.constant 1.000000e+00 : f32
        %add3A_532 = vector.broadcast %add3A_531 : f32 to vector<16xf32>
        %add3A_533 = arith.addf %select_n3A_523, %add3A_532 : vector<16xf32>
        %div3A_534 = arith.divf %sub3A_530, %add3A_533 : vector<16xf32>
        %mul3A_535 = arith.mulf %div3A_534, %div3A_534 : vector<16xf32>
        %mul3A_536 = arith.constant 0.15384616 : f32
        %mul3A_537 = vector.broadcast %mul3A_536 : f32 to vector<16xf32>
        %mul3A_538 = arith.mulf %mul3A_535, %mul3A_537 : vector<16xf32>
        %add3A_539 = arith.constant 0.181818187 : f32
        %add3A_540 = vector.broadcast %add3A_539 : f32 to vector<16xf32>
        %add3A_541 = arith.addf %add3A_540, %mul3A_538 : vector<16xf32>
        %mul3A_542 = arith.mulf %mul3A_535, %add3A_541 : vector<16xf32>
        %add3A_543 = arith.constant 0.222222224 : f32
        %add3A_544 = vector.broadcast %add3A_543 : f32 to vector<16xf32>
        %add3A_545 = arith.addf %add3A_544, %mul3A_542 : vector<16xf32>
        %mul3A_546 = arith.mulf %mul3A_535, %add3A_545 : vector<16xf32>
        %add3A_547 = arith.constant 0.285714298 : f32
        %add3A_548 = vector.broadcast %add3A_547 : f32 to vector<16xf32>
        %add3A_549 = arith.addf %add3A_548, %mul3A_546 : vector<16xf32>
        %mul3A_550 = arith.mulf %mul3A_535, %add3A_549 : vector<16xf32>
        %add3A_551 = arith.constant 4.000000e-01 : f32
        %add3A_552 = vector.broadcast %add3A_551 : f32 to vector<16xf32>
        %add3A_553 = arith.addf %add3A_552, %mul3A_550 : vector<16xf32>
        %mul3A_554 = arith.mulf %mul3A_535, %add3A_553 : vector<16xf32>
        %add3A_555 = arith.constant 0.666666686 : f32
        %add3A_556 = vector.broadcast %add3A_555 : f32 to vector<16xf32>
        %add3A_557 = arith.addf %add3A_556, %mul3A_554 : vector<16xf32>
        %mul3A_558 = arith.mulf %mul3A_535, %add3A_557 : vector<16xf32>
        %add3A_559 = arith.constant 2.000000e+00 : f32
        %add3A_560 = vector.broadcast %add3A_559 : f32 to vector<16xf32>
        %add3A_561 = arith.addf %add3A_560, %mul3A_558 : vector<16xf32>
        %convert_element_type3A_562 = arith.sitofp %select_n3A_527 : vector<16xi32> to vector<16xf32>
        %mul3A_563 = arith.constant 0.693147182 : f32
        %mul3A_564 = vector.broadcast %mul3A_563 : f32 to vector<16xf32>
        %mul3A_565 = arith.mulf %convert_element_type3A_562, %mul3A_564 : vector<16xf32>
        %mul3A_566 = arith.mulf %div3A_534, %add3A_561 : vector<16xf32>
        %add3A_567 = arith.addf %mul3A_565, %mul3A_566 : vector<16xf32>
        %neg3A = arith.constant 0.000000e+00 : f32
        %neg3A_568 = vector.broadcast %neg3A : f32 to vector<16xf32>
        %neg3A_569 = arith.subf %neg3A_568, %add3A_567 : vector<16xf32>
        %add3A_570 = arith.constant 1.000000e-10 : f32
        %add3A_571 = vector.broadcast %add3A_570 : f32 to vector<16xf32>
        %add3A_572 = arith.addf %neg3A_569, %add3A_571 : vector<16xf32>
        %bitcast_convert_type3A_573 = tpu.bitcast %add3A_572 : vector<16xf32> -> vector<16xi32>
        %shift_right_arithmetic3A_574 = arith.constant 23 : i32
        %shift_right_arithmetic3A_575 = vector.broadcast %shift_right_arithmetic3A_574 : i32 to vector<16xi32>
        %shift_right_arithmetic3A_576 = arith.shrsi %bitcast_convert_type3A_573, %shift_right_arithmetic3A_575 : vector<16xi32>
        %and3A_577 = arith.constant 255 : i32
        %and3A_578 = vector.broadcast %and3A_577 : i32 to vector<16xi32>
        %and3A_579 = arith.andi %shift_right_arithmetic3A_576, %and3A_578 : vector<16xi32>
        %sub3A_580 = arith.constant 127 : i32
        %sub3A_581 = vector.broadcast %sub3A_580 : i32 to vector<16xi32>
        %sub3A_582 = arith.subi %and3A_579, %sub3A_581 : vector<16xi32>
        %and3A_583 = arith.constant 8388607 : i32
        %and3A_584 = vector.broadcast %and3A_583 : i32 to vector<16xi32>
        %and3A_585 = arith.andi %bitcast_convert_type3A_573, %and3A_584 : vector<16xi32>
        %or3A_586 = arith.constant 1065353216 : i32
        %or3A_587 = vector.broadcast %or3A_586 : i32 to vector<16xi32>
        %or3A_588 = arith.ori %and3A_585, %or3A_587 : vector<16xi32>
        %bitcast_convert_type3A_589 = tpu.bitcast %or3A_588 : vector<16xi32> -> vector<16xf32>
        %gt3A_590 = arith.constant 1.41421354 : f32
        %gt3A_591 = vector.broadcast %gt3A_590 : f32 to vector<16xf32>
        %gt3A_592 = arith.cmpf ogt, %bitcast_convert_type3A_589, %gt3A_591 : vector<16xf32>
        %mul3A_593 = arith.constant 5.000000e-01 : f32
        %mul3A_594 = vector.broadcast %mul3A_593 : f32 to vector<16xf32>
        %mul3A_595 = arith.mulf %bitcast_convert_type3A_589, %mul3A_594 : vector<16xf32>
        %select_n3A_596 = arith.select %gt3A_592, %mul3A_595, %bitcast_convert_type3A_589 : vector<16xi1>, vector<16xf32>
        %add3A_597 = arith.constant 1 : i32
        %add3A_598 = vector.broadcast %add3A_597 : i32 to vector<16xi32>
        %add3A_599 = arith.addi %sub3A_582, %add3A_598 : vector<16xi32>
        %select_n3A_600 = arith.select %gt3A_592, %add3A_599, %sub3A_582 : vector<16xi1>, vector<16xi32>
        %sub3A_601 = arith.constant 1.000000e+00 : f32
        %sub3A_602 = vector.broadcast %sub3A_601 : f32 to vector<16xf32>
        %sub3A_603 = arith.subf %select_n3A_596, %sub3A_602 : vector<16xf32>
        %add3A_604 = arith.constant 1.000000e+00 : f32
        %add3A_605 = vector.broadcast %add3A_604 : f32 to vector<16xf32>
        %add3A_606 = arith.addf %select_n3A_596, %add3A_605 : vector<16xf32>
        %div3A_607 = arith.divf %sub3A_603, %add3A_606 : vector<16xf32>
        %mul3A_608 = arith.mulf %div3A_607, %div3A_607 : vector<16xf32>
        %mul3A_609 = arith.constant 0.15384616 : f32
        %mul3A_610 = vector.broadcast %mul3A_609 : f32 to vector<16xf32>
        %mul3A_611 = arith.mulf %mul3A_608, %mul3A_610 : vector<16xf32>
        %add3A_612 = arith.constant 0.181818187 : f32
        %add3A_613 = vector.broadcast %add3A_612 : f32 to vector<16xf32>
        %add3A_614 = arith.addf %add3A_613, %mul3A_611 : vector<16xf32>
        %mul3A_615 = arith.mulf %mul3A_608, %add3A_614 : vector<16xf32>
        %add3A_616 = arith.constant 0.222222224 : f32
        %add3A_617 = vector.broadcast %add3A_616 : f32 to vector<16xf32>
        %add3A_618 = arith.addf %add3A_617, %mul3A_615 : vector<16xf32>
        %mul3A_619 = arith.mulf %mul3A_608, %add3A_618 : vector<16xf32>
        %add3A_620 = arith.constant 0.285714298 : f32
        %add3A_621 = vector.broadcast %add3A_620 : f32 to vector<16xf32>
        %add3A_622 = arith.addf %add3A_621, %mul3A_619 : vector<16xf32>
        %mul3A_623 = arith.mulf %mul3A_608, %add3A_622 : vector<16xf32>
        %add3A_624 = arith.constant 4.000000e-01 : f32
        %add3A_625 = vector.broadcast %add3A_624 : f32 to vector<16xf32>
        %add3A_626 = arith.addf %add3A_625, %mul3A_623 : vector<16xf32>
        %mul3A_627 = arith.mulf %mul3A_608, %add3A_626 : vector<16xf32>
        %add3A_628 = arith.constant 0.666666686 : f32
        %add3A_629 = vector.broadcast %add3A_628 : f32 to vector<16xf32>
        %add3A_630 = arith.addf %add3A_629, %mul3A_627 : vector<16xf32>
        %mul3A_631 = arith.mulf %mul3A_608, %add3A_630 : vector<16xf32>
        %add3A_632 = arith.constant 2.000000e+00 : f32
        %add3A_633 = vector.broadcast %add3A_632 : f32 to vector<16xf32>
        %add3A_634 = arith.addf %add3A_633, %mul3A_631 : vector<16xf32>
        %convert_element_type3A_635 = arith.sitofp %select_n3A_600 : vector<16xi32> to vector<16xf32>
        %mul3A_636 = arith.constant 0.693147182 : f32
        %mul3A_637 = vector.broadcast %mul3A_636 : f32 to vector<16xf32>
        %mul3A_638 = arith.mulf %convert_element_type3A_635, %mul3A_637 : vector<16xf32>
        %mul3A_639 = arith.mulf %div3A_607, %add3A_634 : vector<16xf32>
        %add3A_640 = arith.addf %mul3A_638, %mul3A_639 : vector<16xf32>
        %neg3A_641 = arith.constant 0.000000e+00 : f32
        %neg3A_642 = vector.broadcast %neg3A_641 : f32 to vector<16xf32>
        %neg3A_643 = arith.subf %neg3A_642, %add3A_640 : vector<16xf32>
        %div3A_644 = arith.divf %get3A_486, %select_n3A_421 : vector<16xf32>
        %add3A_645 = arith.addf %div3A_644, %neg3A_643 : vector<16xf32>
        %ge3A_646 = vector.broadcast %scan3A_411 : f32 to vector<16xf32>
        %ge3A_647 = arith.cmpf oge, %get3A_486, %ge3A_646 : vector<16xf32>
        %jit3A_648 = arith.constant -3.000000e+38 : f32
        %broadcast_in_dim3A_649 = vector.broadcast %jit3A_648 : f32 to vector<16xf32>
        %select_n3A_650 = arith.select %ge3A_647, %add3A_645, %broadcast_in_dim3A_649 : vector<16xi1>, vector<16xf32>
        %iota3A_651 = tpu.iota {dimensions = array<i32: 0>} : vector<16xi32>
        %xor3A_652 = arith.constant 8 : i32
        %xor3A_653 = vector.broadcast %xor3A_652 : i32 to vector<16xi32>
        %xor3A_654 = arith.xori %iota3A_651, %xor3A_653 : vector<16xi32>
        %broadcast_in_dim3A_655 = vector.shape_cast %xor3A_654 : vector<16xi32> to vector<16x1xi32>
        %gather3A_656 = vector.shape_cast %broadcast_in_dim3A_655 : vector<16x1xi32> to vector<16xi32>
        %gather3A_657 = tpu.dynamic_gather %select_n3A_650[%gather3A_656] in [0] : vector<16xf32>, vector<16xi32> -> vector<16xf32>
        %max3A_658 = arith.maximumf %select_n3A_650, %gather3A_657 : vector<16xf32>
        %xor3A_659 = arith.constant 4 : i32
        %xor3A_660 = vector.broadcast %xor3A_659 : i32 to vector<16xi32>
        %xor3A_661 = arith.xori %iota3A_651, %xor3A_660 : vector<16xi32>
        %broadcast_in_dim3A_662 = vector.shape_cast %xor3A_661 : vector<16xi32> to vector<16x1xi32>
        %gather3A_663 = vector.shape_cast %broadcast_in_dim3A_662 : vector<16x1xi32> to vector<16xi32>
        %gather3A_664 = tpu.dynamic_gather %max3A_658[%gather3A_663] in [0] : vector<16xf32>, vector<16xi32> -> vector<16xf32>
        %max3A_665 = arith.maximumf %max3A_658, %gather3A_664 : vector<16xf32>
        %xor3A_666 = arith.constant 2 : i32
        %xor3A_667 = vector.broadcast %xor3A_666 : i32 to vector<16xi32>
        %xor3A_668 = arith.xori %iota3A_651, %xor3A_667 : vector<16xi32>
        %broadcast_in_dim3A_669 = vector.shape_cast %xor3A_668 : vector<16xi32> to vector<16x1xi32>
        %gather3A_670 = vector.shape_cast %broadcast_in_dim3A_669 : vector<16x1xi32> to vector<16xi32>
        %gather3A_671 = tpu.dynamic_gather %max3A_665[%gather3A_670] in [0] : vector<16xf32>, vector<16xi32> -> vector<16xf32>
        %max3A_672 = arith.maximumf %max3A_665, %gather3A_671 : vector<16xf32>
        %xor3A_673 = arith.constant 1 : i32
        %xor3A_674 = vector.broadcast %xor3A_673 : i32 to vector<16xi32>
        %xor3A_675 = arith.xori %iota3A_651, %xor3A_674 : vector<16xi32>
        %broadcast_in_dim3A_676 = vector.shape_cast %xor3A_675 : vector<16xi32> to vector<16x1xi32>
        %gather3A_677 = vector.shape_cast %broadcast_in_dim3A_676 : vector<16x1xi32> to vector<16xi32>
        %gather3A_678 = tpu.dynamic_gather %max3A_672[%gather3A_677] in [0] : vector<16xf32>, vector<16xi32> -> vector<16xf32>
        %max3A_679 = arith.maximumf %max3A_672, %gather3A_678 : vector<16xf32>
        %swap3A_680 = arith.constant 0 : index
        %swap3A_681 = tpu.vector_load %arg26[%swap3A_680] {strides = array<i32>} : memref<16xf32, #tpu.memory_space<vmem>>, vector<16xf32>,
        %swap3A_682 = vector.shape_cast %swap3A_681 : vector<16xf32> to vector<16xf32>
        %swap3A_683 = vector.shape_cast %max3A_679 : vector<16xf32> to vector<16xf32>
        tpu.vector_store %arg26[%swap3A_680], %swap3A_683 {strides = array<i32>} : memref<16xf32, #tpu.memory_space<vmem>>, vector<16xf32>,
        %get3A_684 = arith.constant 0 : index
        %get3A_685 = tpu.vector_load %arg26[%get3A_684] {strides = array<i32>} : memref<16xf32, #tpu.memory_space<vmem>>, vector<16xf32>,
        %get3A_686 = vector.shape_cast %get3A_685 : vector<16xf32> to vector<16xf32>
        %slice3A_687 = vector.extract_strided_slice %get3A_686 {offsets = [0], sizes = [1], strides = [1]} : vector<16xf32> to vector<1xf32>
        %squeeze3A_688 = vector.extract %slice3A_687[0] : f32 from vector<1xf32>
        %gt3A_689 = arith.cmpf ogt, %squeeze3A_688, %scan3A_479 : f32
        %eq3A = vector.broadcast %squeeze3A_688 : f32 to vector<16xf32>
        %eq3A_690 = arith.cmpf oeq, %select_n3A_650, %eq3A : vector<16xf32>
        %broadcast_in_dim3A_691 = vector.broadcast %scan3A_4 : i32 to vector<16xi32>
        %select_n3A_692 = arith.select %eq3A_690, %get3A_491, %broadcast_in_dim3A_691 : vector<16xi1>, vector<16xi32>
        %convert_element_type3A_693 = arith.sitofp %select_n3A_692 : vector<16xi32> to vector<16xf32>
        %iota3A_694 = tpu.iota {dimensions = array<i32: 0>} : vector<16xi32>
        %xor3A_695 = arith.constant 8 : i32
        %xor3A_696 = vector.broadcast %xor3A_695 : i32 to vector<16xi32>
        %xor3A_697 = arith.xori %iota3A_694, %xor3A_696 : vector<16xi32>
        %broadcast_in_dim3A_698 = vector.shape_cast %xor3A_697 : vector<16xi32> to vector<16x1xi32>
        %gather3A_699 = vector.shape_cast %broadcast_in_dim3A_698 : vector<16x1xi32> to vector<16xi32>
        %gather3A_700 = tpu.dynamic_gather %convert_element_type3A_693[%gather3A_699] in [0] : vector<16xf32>, vector<16xi32> -> vector<16xf32>
        %min3A = arith.minimumf %convert_element_type3A_693, %gather3A_700 : vector<16xf32>
        %xor3A_701 = arith.constant 4 : i32
        %xor3A_702 = vector.broadcast %xor3A_701 : i32 to vector<16xi32>
        %xor3A_703 = arith.xori %iota3A_694, %xor3A_702 : vector<16xi32>
        %broadcast_in_dim3A_704 = vector.shape_cast %xor3A_703 : vector<16xi32> to vector<16x1xi32>
        %gather3A_705 = vector.shape_cast %broadcast_in_dim3A_704 : vector<16x1xi32> to vector<16xi32>
        %gather3A_706 = tpu.dynamic_gather %min3A[%gather3A_705] in [0] : vector<16xf32>, vector<16xi32> -> vector<16xf32>
        %min3A_707 = arith.minimumf %min3A, %gather3A_706 : vector<16xf32>
        %xor3A_708 = arith.constant 2 : i32
        %xor3A_709 = vector.broadcast %xor3A_708 : i32 to vector<16xi32>
        %xor3A_710 = arith.xori %iota3A_694, %xor3A_709 : vector<16xi32>
        %broadcast_in_dim3A_711 = vector.shape_cast %xor3A_710 : vector<16xi32> to vector<16x1xi32>
        %gather3A_712 = vector.shape_cast %broadcast_in_dim3A_711 : vector<16x1xi32> to vector<16xi32>
        %gather3A_713 = tpu.dynamic_gather %min3A_707[%gather3A_712] in [0] : vector<16xf32>, vector<16xi32> -> vector<16xf32>
        %min3A_714 = arith.minimumf %min3A_707, %gather3A_713 : vector<16xf32>
        %xor3A_715 = arith.constant 1 : i32
        %xor3A_716 = vector.broadcast %xor3A_715 : i32 to vector<16xi32>
        %xor3A_717 = arith.xori %iota3A_694, %xor3A_716 : vector<16xi32>
        %broadcast_in_dim3A_718 = vector.shape_cast %xor3A_717 : vector<16xi32> to vector<16x1xi32>
        %gather3A_719 = vector.shape_cast %broadcast_in_dim3A_718 : vector<16x1xi32> to vector<16xi32>
        %gather3A_720 = tpu.dynamic_gather %min3A_714[%gather3A_719] in [0] : vector<16xf32>, vector<16xi32> -> vector<16xf32>
        %min3A_721 = arith.minimumf %min3A_714, %gather3A_720 : vector<16xf32>
        %swap3A_722 = arith.constant 0 : index
        %swap3A_723 = tpu.vector_load %arg26[%swap3A_722] {strides = array<i32>} : memref<16xf32, #tpu.memory_space<vmem>>, vector<16xf32>,
        %swap3A_724 = vector.shape_cast %swap3A_723 : vector<16xf32> to vector<16xf32>
        %swap3A_725 = vector.shape_cast %min3A_721 : vector<16xf32> to vector<16xf32>
        tpu.vector_store %arg26[%swap3A_722], %swap3A_725 {strides = array<i32>} : memref<16xf32, #tpu.memory_space<vmem>>, vector<16xf32>,
        %get3A_726 = arith.constant 0 : index
        %get3A_727 = tpu.vector_load %arg26[%get3A_726] {strides = array<i32>} : memref<16xf32, #tpu.memory_space<vmem>>, vector<16xf32>,
        %get3A_728 = vector.shape_cast %get3A_727 : vector<16xf32> to vector<16xf32>
        %slice3A_729 = vector.extract_strided_slice %get3A_728 {offsets = [0], sizes = [1], strides = [1]} : vector<16xf32> to vector<1xf32>
        %squeeze3A_730 = vector.extract %slice3A_729[0] : f32 from vector<1xf32>
        %convert_element_type3A_731 = arith.fptosi %squeeze3A_730 : f32 to i32
        %eq3A_732 = vector.broadcast %squeeze3A_688 : f32 to vector<16xf32>
        %eq3A_733 = arith.cmpf oeq, %select_n3A_650, %eq3A_732 : vector<16xf32>
        %eq3A_734 = vector.broadcast %convert_element_type3A_731 : i32 to vector<16xi32>
        %eq3A_735 = arith.cmpi eq, %get3A_491, %eq3A_734 : vector<16xi32>
        %and3A_736 = arith.andi %eq3A_733, %eq3A_735 : vector<16xi1>
        %jit3A_737 = arith.constant -3.000000e+38 : f32
        %broadcast_in_dim3A_738 = vector.broadcast %jit3A_737 : f32 to vector<16xf32>
        %select_n3A_739 = arith.select %and3A_736, %get3A_486, %broadcast_in_dim3A_738 : vector<16xi1>, vector<16xf32>
        %iota3A_740 = tpu.iota {dimensions = array<i32: 0>} : vector<16xi32>
        %xor3A_741 = arith.constant 8 : i32
        %xor3A_742 = vector.broadcast %xor3A_741 : i32 to vector<16xi32>
        %xor3A_743 = arith.xori %iota3A_740, %xor3A_742 : vector<16xi32>
        %broadcast_in_dim3A_744 = vector.shape_cast %xor3A_743 : vector<16xi32> to vector<16x1xi32>
        %gather3A_745 = vector.shape_cast %broadcast_in_dim3A_744 : vector<16x1xi32> to vector<16xi32>
        %gather3A_746 = tpu.dynamic_gather %select_n3A_739[%gather3A_745] in [0] : vector<16xf32>, vector<16xi32> -> vector<16xf32>
        %max3A_747 = arith.maximumf %select_n3A_739, %gather3A_746 : vector<16xf32>
        %xor3A_748 = arith.constant 4 : i32
        %xor3A_749 = vector.broadcast %xor3A_748 : i32 to vector<16xi32>
        %xor3A_750 = arith.xori %iota3A_740, %xor3A_749 : vector<16xi32>
        %broadcast_in_dim3A_751 = vector.shape_cast %xor3A_750 : vector<16xi32> to vector<16x1xi32>
        %gather3A_752 = vector.shape_cast %broadcast_in_dim3A_751 : vector<16x1xi32> to vector<16xi32>
        %gather3A_753 = tpu.dynamic_gather %max3A_747[%gather3A_752] in [0] : vector<16xf32>, vector<16xi32> -> vector<16xf32>
        %max3A_754 = arith.maximumf %max3A_747, %gather3A_753 : vector<16xf32>
        %xor3A_755 = arith.constant 2 : i32
        %xor3A_756 = vector.broadcast %xor3A_755 : i32 to vector<16xi32>
        %xor3A_757 = arith.xori %iota3A_740, %xor3A_756 : vector<16xi32>
        %broadcast_in_dim3A_758 = vector.shape_cast %xor3A_757 : vector<16xi32> to vector<16x1xi32>
        %gather3A_759 = vector.shape_cast %broadcast_in_dim3A_758 : vector<16x1xi32> to vector<16xi32>
        %gather3A_760 = tpu.dynamic_gather %max3A_754[%gather3A_759] in [0] : vector<16xf32>, vector<16xi32> -> vector<16xf32>
        %max3A_761 = arith.maximumf %max3A_754, %gather3A_760 : vector<16xf32>
        %xor3A_762 = arith.constant 1 : i32
        %xor3A_763 = vector.broadcast %xor3A_762 : i32 to vector<16xi32>
        %xor3A_764 = arith.xori %iota3A_740, %xor3A_763 : vector<16xi32>
        %broadcast_in_dim3A_765 = vector.shape_cast %xor3A_764 : vector<16xi32> to vector<16x1xi32>
        %gather3A_766 = vector.shape_cast %broadcast_in_dim3A_765 : vector<16x1xi32> to vector<16xi32>
        %gather3A_767 = tpu.dynamic_gather %max3A_761[%gather3A_766] in [0] : vector<16xf32>, vector<16xi32> -> vector<16xf32>
        %max3A_768 = arith.maximumf %max3A_761, %gather3A_767 : vector<16xf32>
        %swap3A_769 = arith.constant 0 : index
        %swap3A_770 = tpu.vector_load %arg26[%swap3A_769] {strides = array<i32>} : memref<16xf32, #tpu.memory_space<vmem>>, vector<16xf32>,
        %swap3A_771 = vector.shape_cast %swap3A_770 : vector<16xf32> to vector<16xf32>
        %swap3A_772 = vector.shape_cast %max3A_768 : vector<16xf32> to vector<16xf32>
        tpu.vector_store %arg26[%swap3A_769], %swap3A_772 {strides = array<i32>} : memref<16xf32, #tpu.memory_space<vmem>>, vector<16xf32>,
        %get3A_773 = arith.constant 0 : index
        %get3A_774 = tpu.vector_load %arg26[%get3A_773] {strides = array<i32>} : memref<16xf32, #tpu.memory_space<vmem>>, vector<16xf32>,
        %get3A_775 = vector.shape_cast %get3A_774 : vector<16xf32> to vector<16xf32>
        %slice3A_776 = vector.extract_strided_slice %get3A_775 {offsets = [0], sizes = [1], strides = [1]} : vector<16xf32> to vector<1xf32>
        %squeeze3A_777 = vector.extract %slice3A_776[0] : f32 from vector<1xf32>
        %eq3A_778 = arith.cmpf oeq, %squeeze3A_688, %scan3A_479 : f32
        %min3A_779 = arith.minsi %scan3A_480, %convert_element_type3A_731 : i32
        %select_n3A_780 = arith.select %eq3A_778, %min3A_779, %scan3A_480 : i32
        %lt3A_781 = arith.cmpi slt, %convert_element_type3A_731, %scan3A_480 : i32
        %and3A_782 = arith.andi %eq3A_778, %lt3A_781 : i1
        %select_n3A_783 = arith.select %and3A_782, %squeeze3A_777, %scan3A_481 : f32
        %select_n3A_784 = arith.select %gt3A_689, %squeeze3A_688, %scan3A_479 : f32
        %select_n3A_785 = arith.select %gt3A_689, %convert_element_type3A_731, %select_n3A_780 : i32
        %select_n3A_786 = arith.select %gt3A_689, %squeeze3A_777, %select_n3A_783 : f32
        scf.yield %select_n3A_784, %select_n3A_785, %select_n3A_786 : f32, i32, f32
      }
      %scan3A_429 = arith.constant 4 : i32
      %get3A_430 = arith.constant 0 : index
      %get3A_431 = tpu.vector_load %arg16[%get3A_430] {strides = array<i32>} : memref<64xf32, #tpu.memory_space<vmem>>, vector<16xf32>,
      %get3A_432 = vector.shape_cast %get3A_431 : vector<16xf32> to vector<16xf32>
      %swap3A_433 = arith.constant 0 : index
      %swap3A_434 = tpu.vector_load %arg22[%swap3A_433] {strides = array<i32>} : memref<32xf32, #tpu.memory_space<vmem>>, vector<16xf32>,
      %swap3A_435 = vector.shape_cast %swap3A_434 : vector<16xf32> to vector<16xf32>
      %swap3A_436 = vector.shape_cast %get3A_432 : vector<16xf32> to vector<16xf32>
      tpu.vector_store %arg22[%swap3A_433], %swap3A_436 {strides = array<i32>} : memref<32xf32, #tpu.memory_space<vmem>>, vector<16xf32>,
      %get3A_437 = arith.constant 16 : index
      %get3A_438 = tpu.vector_load %arg16[%get3A_437] {strides = array<i32>} : memref<64xf32, #tpu.memory_space<vmem>>, vector<16xf32>,
      %get3A_439 = vector.shape_cast %get3A_438 : vector<16xf32> to vector<16xf32>
      %swap3A_440 = arith.constant 16 : index
      %swap3A_441 = tpu.vector_load %arg22[%swap3A_440] {strides = array<i32>} : memref<32xf32, #tpu.memory_space<vmem>>, vector<16xf32>,
      %swap3A_442 = vector.shape_cast %swap3A_441 : vector<16xf32> to vector<16xf32>
      %swap3A_443 = vector.shape_cast %get3A_439 : vector<16xf32> to vector<16xf32>
      tpu.vector_store %arg22[%swap3A_440], %swap3A_443 {strides = array<i32>} : memref<32xf32, #tpu.memory_space<vmem>>, vector<16xf32>,
      %get3A_444 = arith.constant 0 : index
      %get3A_445 = tpu.vector_load %arg17[%get3A_444] {strides = array<i32>} : memref<64xi32, #tpu.memory_space<vmem>>, vector<16xi32>,
      %get3A_446 = vector.shape_cast %get3A_445 : vector<16xi32> to vector<16xi32>
      %swap3A_447 = arith.constant 0 : index
      %swap3A_448 = tpu.vector_load %arg23[%swap3A_447] {strides = array<i32>} : memref<32xi32, #tpu.memory_space<vmem>>, vector<16xi32>,
      %swap3A_449 = vector.shape_cast %swap3A_448 : vector<16xi32> to vector<16xi32>
      %swap3A_450 = vector.shape_cast %get3A_446 : vector<16xi32> to vector<16xi32>
      tpu.vector_store %arg23[%swap3A_447], %swap3A_450 {strides = array<i32>} : memref<32xi32, #tpu.memory_space<vmem>>, vector<16xi32>,
      %get3A_451 = arith.constant 16 : index
      %get3A_452 = tpu.vector_load %arg17[%get3A_451] {strides = array<i32>} : memref<64xi32, #tpu.memory_space<vmem>>, vector<16xi32>,
      %get3A_453 = vector.shape_cast %get3A_452 : vector<16xi32> to vector<16xi32>
      %swap3A_454 = arith.constant 16 : index
      %swap3A_455 = tpu.vector_load %arg23[%swap3A_454] {strides = array<i32>} : memref<32xi32, #tpu.memory_space<vmem>>, vector<16xi32>,
      %swap3A_456 = vector.shape_cast %swap3A_455 : vector<16xi32> to vector<16xi32>
      %swap3A_457 = vector.shape_cast %get3A_453 : vector<16xi32> to vector<16xi32>
      tpu.vector_store %arg23[%swap3A_454], %swap3A_457 {strides = array<i32>} : memref<32xi32, #tpu.memory_space<vmem>>, vector<16xi32>,
      %sub3A_458 = arith.subf %scan3A_428#2, %squeeze3A_58 : f32
      %sub3A_459 = arith.subf %sub3A_458, %squeeze3A_183 : f32
      %broadcast_in_dim3A_460 = vector.broadcast %sub3A_459 : f32 to vector<16xf32>
      %swap3A_461 = arith.constant 0 : index
      %swap3A_462 = tpu.vector_load %arg24[%swap3A_461] {strides = array<i32>} : memref<16xf32, #tpu.memory_space<vmem>>, vector<16xf32>,
      %swap3A_463 = vector.shape_cast %swap3A_462 : vector<16xf32> to vector<16xf32>
      %swap3A_464 = vector.shape_cast %broadcast_in_dim3A_460 : vector<16xf32> to vector<16xf32>
      tpu.vector_store %arg24[%swap3A_461], %swap3A_464 {strides = array<i32>} : memref<16xf32, #tpu.memory_space<vmem>>, vector<16xf32>,
      %broadcast_in_dim3A_465 = vector.broadcast %scan3A_428#1 : i32 to vector<16xi32>
      %swap3A_466 = arith.constant 0 : index
      %swap3A_467 = tpu.vector_load %arg25[%swap3A_466] {strides = array<i32>} : memref<16xi32, #tpu.memory_space<vmem>>, vector<16xi32>,
      %swap3A_468 = vector.shape_cast %swap3A_467 : vector<16xi32> to vector<16xi32>
      %swap3A_469 = vector.shape_cast %broadcast_in_dim3A_465 : vector<16xi32> to vector<16xi32>
      tpu.vector_store %arg25[%swap3A_466], %swap3A_469 {strides = array<i32>} : memref<16xi32, #tpu.memory_space<vmem>>, vector<16xi32>,
      %mul3A_470 = arith.constant 32 : i32
      %mul3A_471 = arith.muli %add3A_13, %mul3A_470 : i32
      "tpu.region"() ({
        %run_scoped3A = tpu.sem_alloc : memref<!tpu.dma_semaphore, #tpu.memory_space<semaphore_mem>>
        %dma_start3A_478 = tpu.memref_slice %arg6[%mul3A_471] : memref<4096xf32, #tpu.memory_space<hbm>> -> memref<32xf32, #tpu.memory_space<hbm>>
        %dma_start3A_479 = tpu.memref_slice %arg6[%mul3A_471] : memref<4096xf32, #tpu.memory_space<hbm>> -> memref<32xf32, #tpu.memory_space<hbm>>
        tpu.enqueue_dma source(%arg22 : memref<32xf32, #tpu.memory_space<vmem>>) target(%dma_start3A_479 : memref<32xf32, #tpu.memory_space<hbm>>) target_semaphore(%run_scoped3A : memref<!tpu.dma_semaphore, #tpu.memory_space<semaphore_mem>>)
        %dma_wait3A_480 = tpu.memref_slice %arg6[%mul3A_471] : memref<4096xf32, #tpu.memory_space<hbm>> -> memref<32xf32, #tpu.memory_space<hbm>>
        %dma_wait3A_481 = tpu.memref_slice %arg6[%mul3A_471] : memref<4096xf32, #tpu.memory_space<hbm>> -> memref<32xf32, #tpu.memory_space<hbm>>
        tpu.wait_dma2 semaphore(%run_scoped3A : memref<!tpu.dma_semaphore, #tpu.memory_space<semaphore_mem>>) src(%arg22 : memref<32xf32, #tpu.memory_space<vmem>>) dst(%dma_wait3A_481 : memref<32xf32, #tpu.memory_space<hbm>>)
        tpu.yield
      }) : () -> ()
      %mul3A_472 = arith.constant 32 : i32
      %mul3A_473 = arith.muli %add3A_13, %mul3A_472 : i32
      "tpu.region"() ({
        %run_scoped3A = tpu.sem_alloc : memref<!tpu.dma_semaphore, #tpu.memory_space<semaphore_mem>>
        %dma_start3A_478 = tpu.memref_slice %arg7[%mul3A_473] : memref<4096xi32, #tpu.memory_space<hbm>> -> memref<32xi32, #tpu.memory_space<hbm>>
        %dma_start3A_479 = tpu.memref_slice %arg7[%mul3A_473] : memref<4096xi32, #tpu.memory_space<hbm>> -> memref<32xi32, #tpu.memory_space<hbm>>
        tpu.enqueue_dma source(%arg23 : memref<32xi32, #tpu.memory_space<vmem>>) target(%dma_start3A_479 : memref<32xi32, #tpu.memory_space<hbm>>) target_semaphore(%run_scoped3A : memref<!tpu.dma_semaphore, #tpu.memory_space<semaphore_mem>>)
        %dma_wait3A_480 = tpu.memref_slice %arg7[%mul3A_473] : memref<4096xi32, #tpu.memory_space<hbm>> -> memref<32xi32, #tpu.memory_space<hbm>>
        %dma_wait3A_481 = tpu.memref_slice %arg7[%mul3A_473] : memref<4096xi32, #tpu.memory_space<hbm>> -> memref<32xi32, #tpu.memory_space<hbm>>
        tpu.wait_dma2 semaphore(%run_scoped3A : memref<!tpu.dma_semaphore, #tpu.memory_space<semaphore_mem>>) src(%arg23 : memref<32xi32, #tpu.memory_space<vmem>>) dst(%dma_wait3A_481 : memref<32xi32, #tpu.memory_space<hbm>>)
        tpu.yield
      }) : () -> ()
      %mul3A_474 = arith.constant 16 : i32
      %mul3A_475 = arith.muli %add3A_13, %mul3A_474 : i32
      "tpu.region"() ({
        %run_scoped3A = tpu.sem_alloc : memref<!tpu.dma_semaphore, #tpu.memory_space<semaphore_mem>>
        %dma_start3A_478 = tpu.memref_slice %arg9[%mul3A_475] : memref<2048xf32, #tpu.memory_space<hbm>> -> memref<16xf32, #tpu.memory_space<hbm>>
        %dma_start3A_479 = tpu.memref_slice %arg9[%mul3A_475] : memref<2048xf32, #tpu.memory_space<hbm>> -> memref<16xf32, #tpu.memory_space<hbm>>
        tpu.enqueue_dma source(%arg24 : memref<16xf32, #tpu.memory_space<vmem>>) target(%dma_start3A_479 : memref<16xf32, #tpu.memory_space<hbm>>) target_semaphore(%run_scoped3A : memref<!tpu.dma_semaphore, #tpu.memory_space<semaphore_mem>>)
        %dma_wait3A_480 = tpu.memref_slice %arg9[%mul3A_475] : memref<2048xf32, #tpu.memory_space<hbm>> -> memref<16xf32, #tpu.memory_space<hbm>>
        %dma_wait3A_481 = tpu.memref_slice %arg9[%mul3A_475] : memref<2048xf32, #tpu.memory_space<hbm>> -> memref<16xf32, #tpu.memory_space<hbm>>
        tpu.wait_dma2 semaphore(%run_scoped3A : memref<!tpu.dma_semaphore, #tpu.memory_space<semaphore_mem>>) src(%arg24 : memref<16xf32, #tpu.memory_space<vmem>>) dst(%dma_wait3A_481 : memref<16xf32, #tpu.memory_space<hbm>>)
        tpu.yield
      }) : () -> ()
      %mul3A_476 = arith.constant 16 : i32
      %mul3A_477 = arith.muli %add3A_13, %mul3A_476 : i32
      "tpu.region"() ({
        %run_scoped3A = tpu.sem_alloc : memref<!tpu.dma_semaphore, #tpu.memory_space<semaphore_mem>>
        %dma_start3A_478 = tpu.memref_slice %arg8[%mul3A_477] : memref<2048xi32, #tpu.memory_space<hbm>> -> memref<16xi32, #tpu.memory_space<hbm>>
        %dma_start3A_479 = tpu.memref_slice %arg8[%mul3A_477] : memref<2048xi32, #tpu.memory_space<hbm>> -> memref<16xi32, #tpu.memory_space<hbm>>
        tpu.enqueue_dma source(%arg25 : memref<16xi32, #tpu.memory_space<vmem>>) target(%dma_start3A_479 : memref<16xi32, #tpu.memory_space<hbm>>) target_semaphore(%run_scoped3A : memref<!tpu.dma_semaphore, #tpu.memory_space<semaphore_mem>>)
        %dma_wait3A_480 = tpu.memref_slice %arg8[%mul3A_477] : memref<2048xi32, #tpu.memory_space<hbm>> -> memref<16xi32, #tpu.memory_space<hbm>>
        %dma_wait3A_481 = tpu.memref_slice %arg8[%mul3A_477] : memref<2048xi32, #tpu.memory_space<hbm>> -> memref<16xi32, #tpu.memory_space<hbm>>
        tpu.wait_dma2 semaphore(%run_scoped3A : memref<!tpu.dma_semaphore, #tpu.memory_space<semaphore_mem>>) src(%arg25 : memref<16xi32, #tpu.memory_space<vmem>>) dst(%dma_wait3A_481 : memref<16xi32, #tpu.memory_space<hbm>>)
        tpu.yield
      }) : () -> ()
    }
    %scan3A_9 = arith.constant 4 : i32
    return
  }
}

</mosaic_0001>

<sc_bundles>
// kernel: kernel.3.cloned.1.call-start
scs
__scs_entry_jumppad:
0x0: {  	(pc) =	sbr.rel $0x88, $3  }
0x1: {  	(tag) =	ssettag $0x0;
	lr =	simm.s32 $0x1  }
0x2: {  	[smem:$0x3F9D] =	sst lr;
	_ =	strace $0xD0000000  }
0x3: {  	_ = 	snop  }
0x4: {  	_ = 	snop  }
0x5: {  	_ = 	snop  }
0x6: {  	_ = 	snop  }
0x7: {  	_ = 	snop  }
__scs_overlays_trampoline_lowered:
0x8: {  	[smem:$0x3FAC] =	sst s0  }
0x9: {  	[smem:$0x3FAD] =	sst s1  }
0xa: {  	[smem:$0x3FAE] =	sst s2  }
0xb: {  	[smem:$0x3FAF] =	sst s3  }
0xc: {  	[smem:$0x3FB0] =	sst s4  }
0xd: {  	[smem:$0x3FB1] =	sst s5  }
0xe: {  	[smem:$0x3FB2] =	sst s6  }
0xf: {  	[smem:$0x3FB3] =	sst s7  }
0x10: {  	[smem:$0x3FB4] =	sst s8  }
0x11: {  	[smem:$0x3FB5] =	sst s9;
	s0 =	simm.s32 @!p0 $0x0  }
0x12: {  	s1 =	sld [smem:$0x3F9B];
	s0 =	simm.s32 @p0 $0x1  }
0x13: {  	[smem:$0x3FB6] =	sst s0;
	s0 =	simm.s32 @!p1 $0x0  }
0x14: {  	s2 =	sld [smem:$0x3F9A];
	s0 =	simm.s32 @p1 $0x1  }
0x15: {  	[smem:$0x3FB7] =	sst s0;
	s0 =	simm.s32 @!p2 $0x0  }
0x16: {  	s3 =	sld [smem:$0x3FDB];
	s0 =	simm.s32 @p2 $0x1  }
0x17: {  	s4 =	simm.s32 $0x1BF5;
	[smem:$0x3FB9] =	sst s0  }
0x18: {  	s0 =	sld [smem:$0x3F9C];
	_ =	swait.ge [sflag:s4], $0x0  }
0x19: {  	s7 =	sld [smem:$0x3F9D]  }
0x1a: {  	s8 =	sadd.s32 $0xFFFFE003, lr  }
0x1b: {  	s9 =	sadd.s32 $0xFFFFFEF7, lr;
	s5 =	simm.s32 $0xFFFFFFFF;
	p2 =	slt.u32 s8, $0xFFFFF086  }
0x1c: {  	p1 =	slt.u32 s9, $0xF7A;
	s5 =	simm.s32 @!p2 $0x0  }
0x1d: {  	s5 =	simm.s32 @p1 $0x1;
	p0 =	seq.s32 s7, s2  }
0x1e: {  	s7 =	smul.u32 @!p0 $0xF7A, s2;
	p2 =	seq.s32 @!p0 s5, $0x0  }
0x1f: {  	s9 =	smul.u32 $0xF7A, s1;
	s8 =	simm.s32 @!p0 $0x1BF5;
	p2 =	por !p2, p0  }
0x20: {  	[sflag:s8] =	ssyncset.s32 @!p0 $0xFFFFF086;
	s6 =	sadd.s32 @!p0 s3, s7;
	s7 =	simm.s32 @!p0 $0x108  }
0x21: {  	s3 =	sadd.s32 s3, s9;
	s6 =	sadd.s32 @!p0 $0x88, s6;
	s7 =	simm.s32 @p2 $0x1082  }
0x22: {  	[simem:s7], [sflag:s8] =	dma.local @!p0 [hbm:s6], $0xF7A  }
0x23: {  	s9 =	sor.u32 $0xD0000000, s2;
	s6 =	simm.s32 $0x108;
	_ =	swait.ge @!p0 [sflag:s8], $0x0  }
0x24: {  	s3 =	sadd.s32 $0x88, s3;
	s6 =	simm.s32 @!p1 $0x1082;
	[sflag:s4] =	ssyncset.s32 $0xFFFFF086  }
0x25: {  	[simem:s6], [sflag:s4] =	dma.local [hbm:s3], $0xF7A  }
0x26: {  	[smem:$0x3F9D] =	sst s1;
	(tag) =	ssettag s2;
	_ =	strace s9  }
0x27: {  	s1 =	sld [smem:$0x3FAD]  }
0x28: {  	s2 =	sld [smem:$0x3FAE]  }
0x29: {  	s4 =	sld [smem:$0x3FB0]  }
0x2a: {  	p0 =	seq.s32 s5, $0x0;
	s5 =	sld [smem:$0x3FB1]  }
0x2b: {  	s6 =	sld [smem:$0x3FB2]  }
0x2c: {  	s7 =	sld [smem:$0x3FB3]  }
0x2d: {  	s3 =	simm.s32 $0x108;
	s8 =	sld [smem:$0x3FB4]  }
0x2e: {  	s3 =	simm.s32 @!p0 $0x1082;
	s9 =	sld [smem:$0x3FB5]  }
0x2f: {  	lr =	sadd.s32 s0, s3;
	s0 =	sld [smem:$0x3FAC]  }
0x30: {  	s3 =	sld [smem:$0x3FAF]  }
0x31: {  	[smem:$0x3FB8] =	sst s10  }
0x32: {  	s10 =	sld [smem:$0x3FB6];
	_ =	sdelay $0x3  }
0x33: {  	p0 =	seq.s32 s10, $0x1;
	s10 =	sld [smem:$0x3FB8];
	_ =	sdelay $0x3  }
0x34: {  	[smem:$0x3FB8] =	sst s10  }
0x35: {  	s10 =	sld [smem:$0x3FB7];
	_ =	sdelay $0x3  }
0x36: {  	p1 =	seq.s32 s10, $0x1;
	s10 =	sld [smem:$0x3FB8];
	_ =	sdelay $0x3  }
0x37: {  	[smem:$0x3FB8] =	sst s10  }
0x38: {  	s10 =	sld [smem:$0x3FB9]  }
0x39: {  	_ = 	snop;
	(pc) =	sbr.ind lr, $3  }
0x3a: {  	_ = 	snop  }
0x3b: {  	_ = 	snop  }
0x3c: {  	p2 =	seq.s32 s10, $0x1;
	s10 =	sld [smem:$0x3FB8]  }
0x3d: {  	_ =	shalt  }
0x3e: {  	_ =	shalt  }
0x3f: {  	_ =	shalt  }
0x40: {  	_ =	shalt  }
0x41: {  	_ =	shalt  }
0x42: {  	_ =	shalt  }
0x43: {  	_ =	shalt  }
0x44: {  	_ =	shalt  }
0x45: {  	_ =	shalt  }
0x46: {  	_ =	shalt  }
0x47: {  	_ =	shalt  }
0x48: {  	_ =	shalt  }
0x49: {  	_ =	shalt  }
0x4a: {  	_ =	shalt  }
0x4b: {  	_ =	shalt  }
0x4c: {  	_ =	shalt  }
0x4d: {  	_ =	shalt  }
0x4e: {  	_ =	shalt  }
0x4f: {  	_ =	shalt  }
0x50: {  	_ =	shalt  }
0x51: {  	_ =	shalt  }
0x52: {  	_ =	shalt  }
0x53: {  	_ =	shalt  }
0x54: {  	_ =	shalt  }
0x55: {  	_ =	shalt  }
0x56: {  	_ =	shalt  }
0x57: {  	_ =	shalt  }
0x58: {  	_ =	shalt  }
0x59: {  	_ =	shalt  }
0x5a: {  	_ =	shalt  }
0x5b: {  	_ =	shalt  }
0x5c: {  	_ =	shalt  }
0x5d: {  	_ =	shalt  }
0x5e: {  	_ =	shalt  }
0x5f: {  	_ =	shalt  }
0x60: {  	_ =	shalt  }
0x61: {  	_ =	shalt  }
0x62: {  	_ =	shalt  }
0x63: {  	_ =	shalt  }
0x64: {  	_ =	shalt  }
0x65: {  	_ =	shalt  }
0x66: {  	_ =	shalt  }
0x67: {  	_ =	shalt  }
0x68: {  	_ =	shalt  }
0x69: {  	_ =	shalt  }
0x6a: {  	_ =	shalt  }
0x6b: {  	_ =	shalt  }
0x6c: {  	_ =	shalt  }
0x6d: {  	_ =	shalt  }
0x6e: {  	_ =	shalt  }
0x6f: {  	_ =	shalt  }
0x70: {  	_ =	shalt  }
0x71: {  	_ =	shalt  }
0x72: {  	_ =	shalt  }
0x73: {  	_ =	shalt  }
0x74: {  	_ =	shalt  }
0x75: {  	_ =	shalt  }
0x76: {  	_ =	shalt  }
0x77: {  	_ =	shalt  }
0x78: {  	_ =	shalt  }
0x79: {  	_ =	shalt  }
0x7a: {  	_ =	shalt  }
0x7b: {  	_ =	shalt  }
0x7c: {  	_ =	shalt  }
0x7d: {  	_ =	shalt  }
0x7e: {  	_ =	shalt  }
0x7f: {  	_ =	shalt  }
0x80: {  	_ =	shalt  }
0x81: {  	_ =	shalt  }
0x82: {  	_ =	shalt  }
0x83: {  	_ =	shalt  }
0x84: {  	_ =	shalt  }
0x85: {  	_ =	shalt  }
0x86: {  	_ =	shalt  }
0x87: {  	_ =	shalt  }
.Lfunc_end0:
.L_simem_size_0:
called_computation_lowered:
.L_overlay_start_0:
0x88: {  	s2 =	sld [smem:$0x3FD9]  }
0x89: {  	s3 =	sld [smem:$0x3FFE];
	_ =	sdelay $0x1  }
0x8a: {  	s1 =	srdreg.scid  }
0x8b: {  	s0 =	sand.u32 $0x1, s1  }
0x8c: {  	s14 =	sshll.u32 s0, $0xA;
	s2 =	sadd.s32 s3, s2  }
0x8d: {  	s2 =	sadd.s32 s2, s14  }
0x8e: {  	[smem:$0x3FC4] =	sst s2  }
0x8f: {  	_ = 	snop  }
0x90: {  	s2 =	sld [smem:$0x3FD0];
	_ =	sdelay $0x2  }
0x91: {  	s15 =	simm.s32 $0xA;
	s4 =	simm.s32 $0x10  }
0x92: {  	[smem:s4], [sflag:s15] =	dma.local [hbm:s2], $0x1  }
0x93: {  	_ =	swait.eq [sflag:s15], $0x1  }
0x94: {  	[sflag:s15] =	ssyncset.done $0x0  }
0x95: {  	s16 =	sld [smem:$0x12];
	[sflag:s15] =	ssyncadd.s32 $0xFFFFFFFF  }
0x96: {  	s17 =	sld [smem:$0x13];
	(tm) =	ssettm $0x1  }
0x97: {  	s18 =	sld [smem:$0x3FFB];
	_ =	sdelay $0x3  }
0x98: {  	_ =	strace s18  }
0x99: {  	s4 =	sld [smem:$0x3FFC];
	_ =	sdelay $0x3  }
0x9a: {  	_ =	strace s4  }
0x9b: {  	s4 =	sld [smem:$0x3FFD];
	_ =	sdelay $0x3  }
0x9c: {  	_ =	strace s4  }
0x9d: {  	_ =	strace $0x8FFFFFFF  }
0x9e: {  	s19 =	sld [smem:$0x3FDB];
	_ =	sdelay $0x1  }
0x9f: {  	s5 =	simm.s32 $_scs_section_size  }
0xa0: {  	s6 =	simm.s32 $_size__tile_overlayer_lowered;
	s7 =	simm.s32 $_tile_overlayer_lowered  }
0xa1: {  	s22 =	simm.s32 $0x1BFF;
	s21 =	sshll.u32 s7, $0x1;
	s4 =	sadd.s32 s5, s19  }
0xa2: {  	s8 =	simm.s32 $0x0;
	s20 =	sshll.u32 s6, $0x1;
	s6 =	sadd.s32 s21, s4  }
0xa3: {  	[timem:s8], [sflag:s22] =	dma.local [hbm:s6], s20  }
0xa4: {  	_ =	swait.ge [sflag:s22], s20  }
0xa5: {  	s5 =	ssub.s32 $0x0, s20;
	[sflag:s22] =	ssyncset.done $0x0  }
0xa6: {  	[sflag:s22] =	ssyncadd.s32 s5;
	_ =	sdelay $0x1  }
0xa7: {  	s23 =	simm.s32 $0x1B8B  }
0xa8: {  	_ =	swait.ge [sflag:s23], $0x1  }
0xa9: {  	[sflag:s23] =	ssyncset.done $0x0  }
0xaa: {  	s25 =	simm.s32 $0x1B8E;
	s24 =	sld [smem:$0x3FFE];
	[sflag:s23] =	ssyncadd.s32 $0xFFFFFFFF  }
0xab: {  	s26 =	simm.s32 $execute0_lowered;
	[smem:$0x3FD2] =	sst s25  }
0xac: {  	s6 =	sshll.u32 s26, $0x1;
	_ =	strace $0x80000046;
	[dreg:$0x1] =	wrdreg $0xFFFFFFFF  }
0xad: {  	s28 =	simm.s32 $_size_execute0_lowered;
	s4 =	sadd.s32 s4, s6;
	[dreg:$0x0] =	wrdreg $0x0  }
0xae: {  	s6 =	sshll.u32 s28, $0x1;
	[dreg:$0x2] =	wrdreg s4  }
0xaf: {  	[dreg:$0x3] =	wrdreg s6  }
0xb0: {  	[dreg:$0x4] =	wrdreg $0xC0  }
0xb1: {  	_ =	task [dreg:s8], $0x5FFFF  }
0xb2: {  	[dreg:$0x1] =	wrdreg $0xFFFFFFFF  }
0xb3: {  	[dreg:$0x0] =	wrdreg $0x60  }
0xb4: {  	[dreg:$0x2] =	wrdreg s24  }
0xb5: {  	[dreg:$0x3] =	wrdreg s16  }
0xb6: {  	[dreg:$0x4] =	wrdreg s17  }
0xb7: {  	[dreg:$0x5] =	wrdreg $0x9  }
0xb8: {  	_ =	task.clear_ibuf [dreg:s8], $0x6FFFF;
	_ =	strace $0x90000046  }
0xb9: {  	s29 =	simm.s32 $0x9;
	_ =	strace $0x80000048  }
0xba: {  	_ =	swait.ge [sflag:s29], $0x1  }
0xbb: {  	[sflag:s29] =	ssyncadd.s32 $0xFFFFFFFF  }
0xbc: {  	_ =	strace $0x90000048  }
0xbd: {  	_ =	sfence  }
0xbe: {  	s30 =	sld [smem:$0x0];
	_ =	sdelay $0x2  }
0xbf: {  	s31 =	sshll.u32 s1, $0xD;
	s1 =	sshrl.u32 s1, $0x2  }
0xc0: {  	s3 =	sand.u32 $0x4000, s31;
	s1 =	sadd.s32 s1, s30  }
0xc1: {  	s0 =	sor.u32 s3, s0;
	s1 =	sshll.u32 s1, $0x11  }
0xc2: {  	s0 =	sor.u32 s1, s0  }
0xc3: {  	s0 =	sadd.s32 $0x8F2B, s0  }
0xc4: {  	[sflag:s0] =	ssyncadd.remote.s32 $0x1  }
0xc5: {  	_ =	sfence.sel $0xFFFF  }
0xc6: {  	[dreg:$0x0] =	wrdreg $0xFFFFFFFF;
	(pc) =	sbr.abs _section_cstart, $3  }
0xc7: {  	[dreg:$0x1] =	wrdreg $0xFFFFFFFF  }
0xc8: {  	_ =	task.clear_ibuf [dreg:s8], $0x2FFFF;
	_ =	strace $0x9FFFFFFF  }
0xc9: {  	(tm) =	ssettm $0x7FFFFFFF  }
tec
execute0_lowered:
.L_overlay_start_1:
0x0: {  	(tag) =	ssettag $0x1  }
0x1: {  	v0 =	vimm.s32 $0x76543210;
	v1 =	vimm.s32 $0xFEDCBA98  }
0x2: {  	v2 =	vimm.s32 $0xBA98FEDC;
	v3 =	vimm.s32 $0x32107654;
	v1 =	vunpack.c.l.s4.s8 v1  }
0x3: {  	v4 =	vimm.s32 $0xDCFE98BA;
	v5 =	vimm.s32 $0x54761032;
	v0 =	vunpack.c.l.s4.s8 v0  }
0x4: {  	v2 =	vunpack.c.l.s4.s8 v2;
	v3 =	vunpack.c.l.s4.s8 v3;
	v1 =	vunpack.c.0.s8.s32 v1  }
0x5: {  	vm0 =	vcmask $0x300;
	v4 =	vunpack.c.l.s4.s8 v4;
	v0 =	vunpack.c.0.s8.s32 v0  }
0x6: {  	v2 =	vunpack.c.0.s8.s32 v2;
	v3 =	vunpack.c.0.s8.s32 v3;
	v1 =	vand.u32 $0xF, v1  }
0x7: {  	vm14 =	vcmask $0x704;
	vm15 =	vcmask $0xB08;
	v0 =	vcombine.low v1, v0  }
0x8: {  	v1 =	vcombine.low v3, v2;
	v2 =	vunpack.c.0.s8.s32 v4;
	v4 =	vimm.f32 $1.500000000e+01  }
0x9: {  	v6 =	vimm.s32 $0x67452301;
	v5 =	vunpack.c.l.s4.s8 v5;
	v4 =	vsel vm0, $0x0, v4  }
0xa: {  	vm4 =	vcmask $0xF0C;
	vm5 =	vcmask $0x1310;
	v4 =	vsel vm14, $0x3F800000, v4  }
0xb: {  	v3 =	vunpack.c.0.s8.s32 v5;
	v5 =	vimm.s32 $0xEFCDAB89;
	v4 =	vsel vm15, $0x40000000, v4  }
0xc: {  	v6 =	vunpack.c.l.s4.s8 v6;
	v5 =	vunpack.c.l.s4.s8 v5;
	v4 =	vsel vm4, $0x40400000, v4  }
0xd: {  	vm6 =	vcmask $0x1714;
	vm7 =	vcmask $0x1B18;
	v4 =	vsel vm5, $0x40800000, v4  }
0xe: {  	v6 =	vunpack.c.0.s8.s32 v6;
	v5 =	vunpack.c.0.s8.s32 v5;
	v4 =	vsel vm6, $0x40A00000, v4  }
0xf: {  	s0 =	rddreg [dreg:$0x0];
	s3 =	simm.s32 $0x0;
	s1 =	srdreg.scid;
	vm8 =	vcmask $0x1F1C;
	vm9 =	vcmask $0x2320;
	v4 =	vsel vm7, $0x40C00000, v4  }
0x10: {  	s10 =	stileid.u32;
	s14 =	simm.s32 $0x2;
	s16 =	simm.s32 $0x1;
	v2 =	vcombine.low v3, v2;
	v3 =	vcombine.low v6, v5;
	v5 =	vsel vm8, $0x40E00000, v4  }
0x11: {  	vm10 =	vcmask $0x2724;
	vm11 =	vcmask $0x2B28;
	s21 =	simm.s32 $0x1D500;
	s22 =	simm.s32 $0x1D580;
	s23 =	simm.s32 $0x1D600;
	v6 =	vsel vm9, $0x41000000, v5  }
0x12: {  	vm12 =	vcmask $0x2F2C;
	vm13 =	vcmask $0x3330;
	[smem:$0x7FF] =	sst s3;
	s4 =	sadd.s32 $0x187A00, s0;
	s1 =	sand.u32 $0x1, s1;
	v7 =	vsel vm10, $0x41100000, v6  }
0x13: {  	v11 =	vlaneseq.u32;
	s5 =	sadd.s32 $0x30E400, s0;
	s6 =	sadd.s32 $0xA00, s0;
	s2 =	ssub.s32 $0x2, s1;
	vm14 =	vcmask $0x3734;
	v8 =	vsel vm11, $0x41200000, v7  }
0x14: {  	s7 =	sadd.s32 $0xC00, s0;
	s9 =	sadd.s32 $0xE00, s0;
	s8 =	sshrl.u32 s2, $0x1;
	vm15 =	vcmask $0x3B38;
	v4 =	vimm.f32 $0.0e+00;
	v9 =	vsel vm12, $0x41300000, v8  }
0x15: {  	s30 =	sshll.u32 s10, $0x3;
	s10 =	sadd.s32 $0x1000, s0;
	s2 =	ssub.s32 s2, s8;
	v5 =	vand.u32 $0xF, v1;
	v6 =	vand.u32 $0xF, v2;
	v10 =	vsel vm13, $0x41400000, v9  }
0x16: {  	_ =	strace $0x80000047;
	s1 =	sshll.u32 s1, $0x2;
	s31 =	smax.u32 s2, $0x1;
	v7 =	vand.u32 $0xF, v3;
	v8 =	vimm.f32 $-3.000000010e+38;
	v12 =	vsel vm14, $0x41500000, v10  }
0x17: {  	s11 =	sor.u32 s1, s30;
	s1 =	simm.s32 $0x0;
	[dreg:$0x4] =	wrdreg s31;
	v9 =	vimm.s32 $0xFFFFFF81;
	v10 =	vimm.s32 $0x0;
	v12 =	vsel vm15, $0x41600000, v12  }
.LBB2_1:
0x18: {  	[dreg:$0x5] =	wrdreg s1  }
0x19: {  	s0 =	rddreg [dreg:$0x2];
	s30 =	simm.s32 $0x1D400  }
0x1a: {  	[tilespmem:s30], [sflag:$0x2] =	stream.linear.gather [hbm4b:s0+s3], $0x80, $0x38;
	[tilespmem:$0x1D700] =	vst v63  }
0x1b: {  	_ =	swait.ge [sflag:s14], $0x80  }
0x1c: {  	[sflag:s14] =	ssyncset.done $0x0  }
0x1d: {  	[sflag:s14] =	ssyncadd.s32 $0xFFFFFF80  }
0x1e: {  	v13 =	vld [tilespmem:$0x1D400];
	_ =	sdelay $0x4  }
0x1f: {  	(v2sf) =	vpush v13, $0x0;
	_ =	sdelay $0xe  }
0x20: {  	s31 =	spop (v2sf)  }
0x21: {  	s26 =	simm.s32 $0x0;
	s25 =	sadd.s32 $0xFFFFFFFF, s31  }
.LBB2_2:
0x22: {  	s29 =	sadd.s32 s11, s26  }
0x23: {  	s1 =	smul.u32 $0x186A0, s29;
	_ =	sdelay $0x1  }
0x24: {  	s0 =	sshrl.u32 s1, $0x3  }
0x25: {  	s2 =	simm.s32 $0x0;
	s0 =	sadd.s32 s4, s0  }
0x26: {  	[tilespmem:s2], [sflag:$0x2] =	stream.linear.gather [hbm4b:s0+s2], $0x186A0, $0x38;
	[tilespmem:$0x1D700] =	vst v63  }
0x27: {  	_ =	swait.ge [sflag:s14], $0x186A0  }
0x28: {  	[sflag:s14] =	ssyncset.done $0x0  }
0x29: {  	[sflag:s14] =	ssyncadd.s32 $0xFFFE7960  }
0x2a: {  	s28 =	sshll.u32 s29, $0x1;
	s30 =	rddreg [dreg:$0x1]  }
0x2b: {  	s8 =	simm.s32 $0x1D380;
	s0 =	sadd.s32 s30, s28  }
0x2c: {  	[tilespmem:s8], [sflag:$0x2] =	stream.linear.gather [hbm4b:s0+s2], $0x10, $0x38;
	[tilespmem:$0x1D700] =	vst v63  }
0x2d: {  	_ =	swait.ge [sflag:s14], $0x10  }
0x2e: {  	[sflag:s14] =	ssyncset.done $0x0  }
0x2f: {  	s31 =	simm.s32 $0x0;
	[sflag:s14] =	ssyncadd.s32 $0xFFFFFFF0  }
0x30: {  	v14 =	vld [tilespmem:s31+$0x10]  }
0x31: {  	v13 =	vimm.f32 $-3.000000010e+38;
	v15 =	vimm.f32 $-3.000000010e+38;
	s0 =	simm.s32 $0x80;
	v16 =	vld [tilespmem:s31+$0x0]  }
.LBB2_3:
0x32: {  	p0 =	sne.s32 s0, $0x61A00  }
.Ltmp0:
0x33: {  	_ = 	snop;
	(pc) =	sbr.rel @p0 .LBB2_3-.Ltmp0, $4  }
0x34: {  	_ = 	snop  }
0x35: {  	s2 =	sshra.s32 s0, $0x2;
	s0 =	sadd.s32 $0x80, s0;
	v13 =	vmax.f32 v13, v14  }
0x36: {  	v14 =	vld [tilespmem:s2+$0x10];
	v15 =	vmax.f32 v15, v16  }
0x37: {  	v16 =	vld [tilespmem:s2+$0x0]  }
0x38: {  	_ =	sdelay $0x3  }
0x39: {  	v13 =	vmax.f32 v13, v14;
	v14 =	vmax.f32 v15, v16  }
0x3a: {  	v13 =	vmax.f32 v14, v13  }
0x3b: {  	v14 =	vperm.xlane v13, v0;
	_ =	sdelay $0x1  }
0x3c: {  	v13 =	vmax.f32 v13, v14  }
0x3d: {  	v14 =	vperm.xlane v13, v1;
	_ =	sdelay $0x1  }
0x3e: {  	v13 =	vmax.f32 v13, v14  }
0x3f: {  	v14 =	vperm.xlane v13, v2;
	_ =	sdelay $0x1  }
0x40: {  	v13 =	vmax.f32 v13, v14  }
0x41: {  	v14 =	vperm.xlane v13, v3;
	_ =	sdelay $0x1  }
0x42: {  	v13 =	vmax.f32 v13, v14  }
0x43: {  	(v2sf) =	vpush v13, $0x0;
	_ =	sdelay $0x9  }
0x44: {  	s8 =	simm.s32 $0x0;
	[tilespmem:$0x1D680] =	vst v13  }
0x45: {  	v18 =	vld [tilespmem:s8+$0x0]  }
0x46: {  	v17 =	vld [tilespmem:s8+$0x10];
	_ =	sdelay $0x1  }
0x47: {  	v13 =	vbroadcast v13, $0x0  }
0x48: {  	s30 =	spop (v2sf)  }
0x49: {  	v19 =	vsub.f32 v18, v13;
	s0 =	sadd.f32 $-7.500000000e-01, s30  }
0x4a: {  	v23 =	vsub.f32 v17, v13;
	s2 =	sadd.f32 $-1.250000000e+00, s30  }
0x4b: {  	v19 =	vmul.f32 $1.442695020e+00, v19;
	s12 =	sadd.f32 $-1.750000000e+00, s30  }
0x4c: {  	s15 =	simm.s32 $0x20;
	v23 =	vmul.f32 $1.442695020e+00, v23;
	s13 =	sadd.f32 $-2.250000000e+00, s30  }
0x4d: {  	v16 =	vimm.f32 $0.0e+00;
	v28 =	vld [tilespmem:s15+$0x10];
	(erf) = vpow2.f32 v19;
	s8 =	sadd.f32 $-2.750000000e+00, s30  }
0x4e: {  	(erf) = vpow2.f32 v23;
	v15 =	vmov s0;
	v20 =	vmov s2  }
0x4f: {  	v14 =	vmov s12;
	v21 =	vmov s13;
	v22 =	vmov s8  }
0x50: {  	vm0 =	vge.f32 v18, v21;
	vm1 =	vge.f32 v17, v15;
	vm2 =	vge.f32 v18, v22  }
0x51: {  	vm3 =	vge.f32 v17, v14;
	vm4 =	vge.f32 v18, v20;
	vm5 =	vge.f32 v17, v21  }
0x52: {  	vm6 =	vge.f32 v17, v22;
	vm15 =	vge.f32 v28, v22;
	v24 =	vsel vm1, $0x3F800000, v4  }
0x53: {  	vm1 =	vge.f32 v17, v20;
	v19 =	vsel vm3, $0x3F800000, v4;
	v23 =	vsel vm4, $0x3F800000, v4  }
0x54: {  	v17 =	vld [tilespmem:s15+$0x0];
	v26 =	vsel vm6, $0x3F800000, v4;
	v29 =	vsel vm5, $0x3F800000, v4;
	vm3 =	vge.f32 v28, v15  }
0x55: {  	vm4 =	vge.f32 v28, v14;
	vm5 =	vge.f32 v28, v21;
	v25 =	vsel vm1, $0x3F800000, v4  }
0x56: {  	v23 =	vadd.f32 v25, v23;
	v25 =	vsel vm2, $0x3F800000, v4;
	vm2 =	vge.f32 v18, v15  }
0x57: {  	vm1 =	vge.f32 v18, v14;
	v25 =	vadd.f32 v26, v25;
	v26 =	vsel vm2, $0x3F800000, v4  }
0x58: {  	v18 =	vadd.f32 v23, v16;
	v23 =	vsel vm1, $0x3F800000, v4;
	v26 =	vadd.f32 v24, v26  }
0x59: {  	v32 =	vsel vm15, $0x3F800000, v4;
	v19 =	vadd.f32 v19, v23;
	v27 =	vsub.f32 v17, v13  }
0x5a: {  	v24 =	vsel vm0, $0x3F800000, v4;
	v23 =	vadd.f32 v25, v16;
	v25 =	vsub.f32 v28, v13  }
0x5b: {  	vm0 =	vge.f32 v17, v21;
	vm1 =	vge.f32 v17, v22;
	v30 =	vmul.f32 $1.442695020e+00, v27  }
0x5c: {  	vm2 =	vge.f32 v17, v20;
	v29 =	vadd.f32 v29, v24;
	v25 =	vmul.f32 $1.442695020e+00, v25  }
0x5d: {  	v24 =	vsel vm5, $0x3F800000, v4;
	v19 =	vadd.f32 v19, v16;
	(erf) = vpow2.f32 v30  }
0x5e: {  	v31 =	vpop (erf);
	v27 =	vsel vm3, $0x3F800000, v4;
	vm3 =	vge.f32 v28, v20;
	(erf) = vpow2.f32 v25  }
0x5f: {  	v33 =	vpop (erf);
	s15 =	simm.s32 $0x100;
	v28 =	vsel vm4, $0x3F800000, v4;
	v30 =	vimm.f32 $0.0e+00;
	v25 =	vimm.f32 $0.0e+00  }
.LBB2_5:
0x60: {  	s24 =	sshra.s32 s15, $0x2;
	p0 =	sne.s32 s15, $0x61A00;
	s15 =	sadd.s32 $0x80, s15;
	v34 =	vsel vm2, $0x3F800000, v4;
	vm2 =	vge.f32 v17, v14;
	v16 =	vadd.f32 v26, v16  }
0x61: {  	vm4 =	vge.f32 v17, v15;
	v26 =	vsel vm3, $0x3F800000, v4;
	v31 =	vadd.f32 v33, v31;
	v17 =	vld [tilespmem:s24+$0x0]  }
0x62: {  	v33 =	vsel vm1, $0x3F800000, v4;
	v25 =	vadd.f32 v29, v25;
	v26 =	vadd.f32 v26, v34;
	v35 =	vld [tilespmem:s24+$0x10]  }
0x63: {  	v29 =	vadd.f32 v32, v33;
	v30 =	vadd.f32 v31, v30  }
0x64: {  	v33 =	vsel vm4, $0x3F800000, v4;
	v32 =	vsel vm2, $0x3F800000, v4;
	v18 =	vadd.f32 v26, v18  }
0x65: {  	v26 =	vadd.f32 v27, v33;
	v27 =	vadd.f32 v28, v32;
	v28 =	vsel vm0, $0x3F800000, v4  }
0x66: {  	v23 =	vadd.f32 v29, v23;
	v32 =	vsub.f32 v17, v13;
	vm0 =	vge.f32 v17, v21;
	v31 =	vpop (erf)  }
0x67: {  	vm1 =	vge.f32 v17, v22;
	v29 =	vsub.f32 v35, v13;
	vm3 =	vge.f32 v35, v15;
	v33 =	vpop (erf)  }
.Ltmp1:
0x68: {  	v19 =	vadd.f32 v27, v19;
	vm4 =	vge.f32 v35, v14;
	v32 =	vmul.f32 $1.442695020e+00, v32;
	(pc) =	sbr.rel @p0 .LBB2_5-.Ltmp1, $4  }
0x69: {  	vm2 =	vge.f32 v17, v20;
	vm5 =	vge.f32 v35, v21;
	v34 =	vmul.f32 $1.442695020e+00, v29  }
0x6a: {  	v27 =	vsel vm3, $0x3F800000, v4;
	v29 =	vadd.f32 v24, v28;
	(erf) = vpow2.f32 v32  }
0x6b: {  	vm6 =	vge.f32 v35, v22;
	vm3 =	vge.f32 v35, v20;
	(erf) = vpow2.f32 v34  }
0x6c: {  	v28 =	vsel vm4, $0x3F800000, v4;
	v24 =	vsel vm5, $0x3F800000, v4;
	v32 =	vsel vm6, $0x3F800000, v4  }
0x6d: {  	_ =	sdelay $0x5  }
0x6e: {  	v20 =	vadd.f32 v33, v31;
	v21 =	vpop (erf)  }
0x6f: {  	v22 =	vpop (erf)  }
0x70: {  	v20 =	vadd.f32 v20, v30;
	v21 =	vadd.f32 v22, v21;
	_ =	sdelay $0x1  }
0x71: {  	v20 =	vadd.f32 v21, v20;
	_ =	sdelay $0x1  }
0x72: {  	v21 =	vperm.xlane v20, v0;
	_ =	sdelay $0x1  }
0x73: {  	v20 =	vadd.f32 v21, v20;
	_ =	sdelay $0x1  }
0x74: {  	v21 =	vperm.xlane v20, v5;
	_ =	sdelay $0x1  }
0x75: {  	v20 =	vadd.f32 v21, v20;
	_ =	sdelay $0x1  }
0x76: {  	v21 =	vperm.xlane v20, v6;
	_ =	sdelay $0x1  }
0x77: {  	v20 =	vadd.f32 v21, v20;
	_ =	sdelay $0x1  }
0x78: {  	v21 =	vperm.xlane v20, v7;
	_ =	sdelay $0x1  }
0x79: {  	v20 =	vadd.f32 v21, v20;
	_ =	sdelay $0x1  }
0x7a: {  	v21 =	vand.u32 $0x7FFFFF, v20  }
0x7b: {  	v21 =	vor.u32 $0x3F800000, v21  }
0x7c: {  	v21 =	vbroadcast v21, $0x0;
	_ =	sdelay $0x1  }
0x7d: {  	v42 =	vmul.f32 $5.000000000e-01, v21  }
0x7e: {  	vm4 =	vgt.f32 v21, $1.414213540e+00  }
0x7f: {  	v21 =	vsel vm4, v42, v21  }
0x80: {  	v22 =	vadd.f32 $1.000000000e+00, v21;
	_ =	sdelay $0x1  }
0x81: {  	(erf) = vrcp.f32 v22;
	_ =	sdelay $0x6  }
0x82: {  	v43 =	vsel vm1, $0x3F800000, v4  }
0x83: {  	v44 =	vsel vm2, $0x3F800000, v4;
	v21 =	vadd.f32 $-1.000000000e+00, v21;
	v22 =	vadd.f32 v32, v43  }
0x84: {  	v16 =	vadd.f32 v26, v16;
	v46 =	vsel vm3, $0x3F800000, v4;
	vm14 =	vge.f32 v17, v15;
	v45 =	vpop (erf)  }
0x85: {  	v15 =	vadd.f32 v46, v44;
	v22 =	vadd.f32 v22, v23;
	v21 =	vmul.f32 v45, v21  }
0x86: {  	v49 =	vsel vm14, $0x3F800000, v4;
	(v2sf) =	vpush v20, $0x0;
	v47 =	vsel vm4, $0xFFFFFF82, v9  }
0x87: {  	(v2sf) =	vpush v47, $0x0;
	v48 =	vperm.xlane v22, v0;
	v31 =	vmul.f32 v21, v21  }
0x88: {  	vm15 =	vge.f32 v17, v14;
	v17 =	vadd.f32 v27, v49;
	(v2sf) =	vpush v21, $0x0  }
0x89: {  	v20 =	vadd.f32 v48, v22;
	(v2sf) =	vpush v31, $0x0  }
0x8a: {  	v52 =	vsel vm0, $0x3F800000, v4;
	v50 =	vsel vm15, $0x3F800000, v4;
	v15 =	vadd.f32 v15, v18  }
0x8b: {  	v18 =	vadd.f32 v28, v50;
	v16 =	vadd.f32 v17, v16;
	v51 =	vperm.xlane v20, v5  }
0x8c: {  	v14 =	vadd.f32 v29, v25;
	v17 =	vadd.f32 v24, v52  }
0x8d: {  	v18 =	vadd.f32 v18, v19;
	v53 =	vperm.xlane v16, v0;
	v20 =	vadd.f32 v51, v20  }
0x8e: {  	v14 =	vadd.f32 v17, v14;
	v17 =	vperm.xlane v15, v0  }
0x8f: {  	v54 =	vperm.xlane v18, v0;
	v16 =	vadd.f32 v53, v16;
	v21 =	vperm.xlane v20, v6  }
0x90: {  	v15 =	vadd.f32 v17, v15;
	v17 =	vperm.xlane v14, v0  }
0x91: {  	v18 =	vadd.f32 v54, v18;
	v55 =	vperm.xlane v16, v5;
	v20 =	vadd.f32 v21, v20  }
0x92: {  	v56 =	vperm.xlane v15, v5;
	v14 =	vadd.f32 v17, v14  }
0x93: {  	v57 =	vperm.xlane v18, v5;
	v16 =	vadd.f32 v55, v16;
	v17 =	vperm.xlane v20, v7  }
0x94: {  	v15 =	vadd.f32 v56, v15;
	v58 =	vperm.xlane v14, v5  }
0x95: {  	v18 =	vadd.f32 v57, v18;
	v59 =	vperm.xlane v16, v6;
	s31 =	spop (v2sf);
	v17 =	vadd.f32 v17, v20  }
0x96: {  	[tilespmem:$0x1CF00] =	vst v8;
	v60 =	vperm.xlane v15, v6;
	v14 =	vadd.f32 v58, v14;
	s24 =	spop (v2sf)  }
0x97: {  	v16 =	vadd.f32 v59, v16;
	[tilespmem:$0x1D680] =	vst v17;
	v17 =	vperm.xlane v18, v6;
	s15 =	spop (v2sf)  }
0x98: {  	[tilespmem:$0x1CF10] =	vst v8;
	v15 =	vadd.f32 v60, v15;
	v19 =	vperm.xlane v14, v6;
	s17 =	spop (v2sf)  }
0x99: {  	[tilespmem:$0x1CF20] =	vst v8;
	v20 =	vperm.xlane v16, v7;
	v17 =	vadd.f32 v17, v18;
	s18 =	smul.f32 $1.538461600e-01, s17  }
0x9a: {  	[tilespmem:$0x1CF30] =	vst v8;
	v61 =	vperm.xlane v15, v7;
	v14 =	vadd.f32 v19, v14  }
0x9b: {  	[tilespmem:$0x1CF40] =	vst v8;
	v16 =	vadd.f32 v20, v16;
	v62 =	vperm.xlane v17, v7;
	s18 =	sadd.f32 $1.818181870e-01, s18  }
0x9c: {  	[tilespmem:$0x1CF50] =	vst v8;
	v63 =	vperm.xlane v14, v7;
	v15 =	vadd.f32 v61, v15  }
0x9d: {  	[tilespmem:$0x1CF60] =	vst v8;
	(v2sf) =	vpush v16, $0x0;
	v16 =	vadd.f32 v62, v17;
	s18 =	smul.f32 s18, s17  }
0x9e: {  	[tilespmem:$0x1CF70] =	vst v8;
	v14 =	vadd.f32 v63, v14;
	(v2sf) =	vpush v15, $0x0  }
0x9f: {  	[tilespmem:$0x1CF80] =	vst v8;
	(v2sf) =	vpush v16, $0x0;
	s18 =	sadd.f32 $2.222222240e-01, s18  }
0xa0: {  	[tilespmem:$0x1CF90] =	vst v8;
	(v2sf) =	vpush v14, $0x0  }
0xa1: {  	[tilespmem:$0x1CFA0] =	vst v8;
	s18 =	smul.f32 s18, s17  }
0xa2: {  	[tilespmem:$0x1CFB0] =	vst v8  }
0xa3: {  	[tilespmem:$0x1CFC0] =	vst v8;
	s18 =	sadd.f32 $2.857142980e-01, s18  }
0xa4: {  	[tilespmem:$0x1CFD0] =	vst v8  }
0xa5: {  	[tilespmem:$0x1CFE0] =	vst v8;
	s18 =	smul.f32 s18, s17  }
0xa6: {  	[tilespmem:$0x1CFF0] =	vst v8  }
0xa7: {  	[tilespmem:$0x1D000] =	vst v8;
	s18 =	sadd.f32 $4.000000060e-01, s18  }
0xa8: {  	[tilespmem:$0x1D010] =	vst v8  }
0xa9: {  	[tilespmem:$0x1D020] =	vst v8;
	s18 =	smul.f32 s18, s17  }
0xaa: {  	[tilespmem:$0x1D030] =	vst v8  }
0xab: {  	[tilespmem:$0x1D040] =	vst v8;
	s31 =	sshrl.u32 s31, $0x17;
	s18 =	sadd.f32 $6.666666860e-01, s18  }
0xac: {  	[tilespmem:$0x1D050] =	vst v8;
	s31 =	sand.u32 $0xFF, s31;
	s19 =	spop (v2sf)  }
0xad: {  	[tilespmem:$0x1D060] =	vst v8;
	s24 =	sadd.s32 s31, s24;
	s17 =	smul.f32 s18, s17;
	s18 =	spop (v2sf)  }
0xae: {  	[tilespmem:$0x1D070] =	vst v8;
	s24 =	scvt.s32.f32 s24;
	s20 =	spop (v2sf)  }
0xaf: {  	[tilespmem:$0x1D080] =	vst v8;
	s17 =	sadd.f32 $2.000000000e+00, s17;
	s31 =	spop (v2sf)  }
0xb0: {  	[tilespmem:$0x1D090] =	vst v8;
	s24 =	smul.f32 $6.931471820e-01, s24;
	p0 =	sge.f32 s31, $5.000000000e+01  }
0xb1: {  	[tilespmem:$0x1D0A0] =	vst v8;
	p1 =	sge.f32 s20, $5.000000000e+01;
	s15 =	smul.f32 s17, s15  }
.Ltmp2:
0xb2: {  	[tilespmem:$0x1D0B0] =	vst v8;
	s8 =	smov.u32 @p0 s13;
	p0 =	sge.f32 s18, $5.000000000e+01;
	(pc) =	sbr.rel .LBB2_7-.Ltmp2, $4  }
0xb3: {  	[tilespmem:$0x1D0C0] =	vst v8;
	s8 =	smov.u32 @p1 s12;
	p1 =	sge.f32 s19, $5.000000000e+01  }
0xb4: {  	[tilespmem:$0x1D0D0] =	vst v8;
	s31 =	sadd.f32 s15, s24;
	s8 =	smov.u32 @p0 s2  }
0xb5: {  	[tilespmem:$0x1D0E0] =	vst v8;
	s8 =	smov.u32 @p1 s0  }
0xb6: {  	[tilespmem:$0x1D0F0] =	vst v8;
	s13 =	simm.s32 $0x90;
	s12 =	simm.s32 $0x50;
	s2 =	simm.s32 $0x0;
	v15 =	vmov s31;
	v14 =	vmov s8  }
.LBB2_37:
0xb7: {  	v16 =	vld [tilespmem:s12+$0x40];
	_ =	sdelay $0x4  }
0xb8: {  	v17 =	vsub.f32 v16, v13;
	_ =	sdelay $0x1  }
0xb9: {  	v17 =	vsub.f32 v17, v15  }
0xba: {  	vm0 =	vge.f32 v16, v14  }
0xbb: {  	v17 =	vnsel vm0, $0xFF61B1E6, v17  }
0xbc: {  	v18 =	vperm.xlane v17, v0;
	_ =	sdelay $0x1  }
0xbd: {  	s0 =	sshra.s32 s2, $0x1F;
	v18 =	vmax.f32 v17, v18  }
0xbe: {  	s0 =	sshrl.u32 s0, $0x1C;
	v19 =	vperm.xlane v18, v1  }
0xbf: {  	s0 =	sadd.s32 s0, s2  }
0xc0: {  	s15 =	sand.u32 $0xFFFFFFF0, s0;
	v18 =	vmax.f32 v18, v19  }
0xc1: {  	p0 =	slt.s32 s2, $0x1;
	p1 =	sne.s32 s2, s15;
	v19 =	vperm.xlane v18, v2  }
0xc2: {  	p0 =	por !p0, !p1  }
0xc3: {  	s20 =	sshll.u32 s2, $0x4;
	s17 =	simm.s32 $0x1;
	p0 =	por !p0, !p0;
	v18 =	vmax.f32 v18, v19  }
0xc4: {  	s0 =	sshrl.u32 s0, $0x4;
	s17 =	simm.s32 @!p0 $0x0;
	[tilespmem:s20+$0x18700] =	vst v17;
	v17 =	vperm.xlane v18, v3  }
0xc5: {  	[tilespmem:s20+$0x19F00] =	vst v16;
	v16 =	vor.u32 s13, v11;
	s0 =	ssub.s32 s0, s17  }
0xc6: {  	[tilespmem:s20+$0x1B700] =	vst v16;
	s0 =	sshll.u32 s0, $0x6;
	v16 =	vmax.f32 v18, v17  }
0xc7: {  	s0 =	sshra.s32 s0, $0x2;
	[tilespmem:$0x1D680] =	vst v16  }
0xc8: {  	v17 =	vld [tilespmem:s0+$0x1CF00];
	_ =	sdelay $0x1  }
0xc9: {  	s24 =	sand.u32 $0xF, s2  }
0xca: {  	v63 =	vmov s24;
	v16 =	vbroadcast v16, $0x0  }
0xcb: {  	vm15 =	veq.s32 v63, v11  }
0xcc: {  	v16 =	vsel vm15, v16, v17  }
0xcd: {  	s2 =	sadd.s32 $0x1, s2;
	[tilespmem:s0+$0x1CF00] =	vst v16  }
.LBB2_38:
0xce: {  	s13 =	sadd.s32 $0xA0, s13  }
0xcf: {  	p0 =	seq.s32 s13, $0x18730  }
.Ltmp3:
0xd0: {  	_ = 	snop;
	(pc) =	sbr.rel @p0 .LBB2_39-.Ltmp3, $2  }
0xd1: {  	_ =	sdelay $0x2  }
0xd2: {  	s12 =	sadd.s32 $0xA0, s12  }
.LBB2_7:
0xd3: {  	v25 =	vld [tilespmem:s12+$0xFFFFFFB0]  }
0xd4: {  	v24 =	vld [tilespmem:s12+$0xFFFFFFC0]  }
0xd5: {  	v23 =	vld [tilespmem:s12+$0xFFFFFFD0]  }
0xd6: {  	v22 =	vld [tilespmem:s12+$0xFFFFFFE0]  }
0xd7: {  	v21 =	vld [tilespmem:s12+$0xFFFFFFF0]  }
0xd8: {  	s15 =	sadd.s32 $0xFFFFFF70, s13;
	v20 =	vld [tilespmem:s12+$0x0];
	s24 =	sadd.s32 $0xFFFFFFF0, s13  }
0xd9: {  	v19 =	vld [tilespmem:s12+$0x10];
	s0 =	sand.u32 $0x7FF80, s24;
	s17 =	sand.u32 $0x60, s15;
	v16 =	vmax.f32 v25, v24  }
0xda: {  	v18 =	vld [tilespmem:s12+$0x20];
	s0 =	sor.u32 s17, s0;
	v16 =	vmax.f32 v16, v23  }
0xdb: {  	v17 =	vld [tilespmem:s0+$0x0];
	v26 =	vmax.f32 v16, v22  }
0xdc: {  	v16 =	vld [tilespmem:s12+$0x40];
	v26 =	vmax.f32 v26, v21  }
0xdd: {  	v26 =	vmax.f32 v26, v20  }
0xde: {  	v26 =	vmax.f32 v26, v19  }
0xdf: {  	v26 =	vmax.f32 v26, v18  }
0xe0: {  	v26 =	vmax.f32 v26, v17  }
0xe1: {  	v26 =	vmax.f32 v26, v16  }
0xe2: {  	v27 =	vperm.xlane v26, v0;
	_ =	sdelay $0x1  }
0xe3: {  	v26 =	vmax.f32 v26, v27  }
0xe4: {  	v27 =	vperm.xlane v26, v1;
	_ =	sdelay $0x1  }
0xe5: {  	v26 =	vmax.f32 v26, v27  }
0xe6: {  	v27 =	vperm.xlane v26, v2;
	_ =	sdelay $0x1  }
0xe7: {  	v26 =	vmax.f32 v26, v27  }
0xe8: {  	v27 =	vperm.xlane v26, v3;
	_ =	sdelay $0x1  }
0xe9: {  	v26 =	vmax.f32 v26, v27  }
0xea: {  	(v2sf) =	vpush v26, $0x0;
	_ =	sdelay $0xe  }
0xeb: {  	s20 =	spop (v2sf)  }
0xec: {  	p0 =	sge.f32 s20, s8  }
.Ltmp4:
0xed: {  	_ = 	snop;
	(pc) =	sbr.rel @!p0 .LBB2_38-.Ltmp4, $2  }
0xee: {  	_ =	sdelay $0x2  }
0xef: {  	[tilespmem:$0x1D680] =	vst v26  }
0xf0: {  	v26 =	vperm.xlane v25, v0;
	_ =	sdelay $0x1  }
0xf1: {  	v25 =	vmax.f32 v25, v26  }
0xf2: {  	v26 =	vperm.xlane v25, v1;
	_ =	sdelay $0x1  }
0xf3: {  	v25 =	vmax.f32 v25, v26  }
0xf4: {  	v26 =	vperm.xlane v25, v2;
	_ =	sdelay $0x1  }
0xf5: {  	v25 =	vmax.f32 v25, v26  }
0xf6: {  	v26 =	vperm.xlane v25, v3;
	_ =	sdelay $0x1  }
0xf7: {  	v25 =	vmax.f32 v25, v26  }
0xf8: {  	(v2sf) =	vpush v25, $0x0;
	_ =	sdelay $0xe  }
0xf9: {  	p0 =	sgt.s32 s2, $0x17F;
	s17 =	spop (v2sf)  }
0xfa: {  	p1 =	sge.f32 @!p0 s17, s8;
	_ =	sdelay $0x1  }
0xfb: {  	p1 =	por p0, !p1  }
.Ltmp5:
0xfc: {  	_ = 	snop;
	(pc) =	sbr.rel @p1 .LBB2_9-.Ltmp5, $2  }
0xfd: {  	_ =	sdelay $0x2  }
0xfe: {  	[tilespmem:$0x1D680] =	vst v25  }
0xff: {  	v25 =	vld [tilespmem:s12+$0xFFFFFFB0];
	_ =	sdelay $0x4  }
0x100: {  	v26 =	vsub.f32 v25, v13;
	_ =	sdelay $0x1  }
0x101: {  	v26 =	vsub.f32 v26, v15  }
0x102: {  	vm0 =	vge.f32 v25, v14  }
0x103: {  	v26 =	vnsel vm0, $0xFF61B1E6, v26  }
0x104: {  	v27 =	vperm.xlane v26, v0;
	_ =	sdelay $0x1  }
0x105: {  	s17 =	sshra.s32 s2, $0x1F;
	v27 =	vmax.f32 v26, v27  }
0x106: {  	s17 =	sshrl.u32 s17, $0x1C;
	v28 =	vperm.xlane v27, v1  }
0x107: {  	s17 =	sadd.s32 s17, s2  }
0x108: {  	s18 =	sand.u32 $0xFFFFFFF0, s17;
	v27 =	vmax.f32 v27, v28  }
0x109: {  	p0 =	slt.s32 s2, $0x1;
	p1 =	sne.s32 s2, s18;
	v28 =	vperm.xlane v27, v2  }
0x10a: {  	p0 =	por !p0, !p1  }
0x10b: {  	s20 =	sshll.u32 s2, $0x4;
	s19 =	simm.s32 $0x1;
	p0 =	por !p0, !p0;
	v27 =	vmax.f32 v27, v28  }
0x10c: {  	v63 =	vor.u32 s15, v11;
	s17 =	sshrl.u32 s17, $0x4;
	s19 =	simm.s32 @!p0 $0x0;
	[tilespmem:s20+$0x18700] =	vst v26;
	v26 =	vperm.xlane v27, v3  }
0x10d: {  	[tilespmem:s20+$0x1B700] =	vst v63;
	s19 =	ssub.s32 s17, s19  }
0x10e: {  	[tilespmem:s20+$0x19F00] =	vst v25;
	s15 =	sshll.u32 s19, $0x6;
	v25 =	vmax.f32 v27, v26  }
0x10f: {  	s15 =	sshra.s32 s15, $0x2;
	[tilespmem:$0x1D680] =	vst v25  }
0x110: {  	v26 =	vld [tilespmem:s15+$0x1CF00];
	_ =	sdelay $0x1  }
.Ltmp6:
0x111: {  	s20 =	sand.u32 $0xF, s2;
	(pc) =	sbr.rel .LBB2_11-.Ltmp6, $4  }
0x112: {  	v27 =	vmov s20;
	v25 =	vbroadcast v25, $0x0  }
0x113: {  	vm15 =	veq.s32 v27, v11  }
0x114: {  	v25 =	vsel vm15, v25, v26  }
0x115: {  	s2 =	sadd.s32 $0x1, s2;
	[tilespmem:s15+$0x1CF00] =	vst v25  }
.LBB2_9:
0x116: {  	s2 =	smov.u32 @p0 s2  }
.LBB2_11:
0x117: {  	v25 =	vperm.xlane v24, v0;
	_ =	sdelay $0x1  }
0x118: {  	v24 =	vmax.f32 v24, v25  }
0x119: {  	v25 =	vperm.xlane v24, v1;
	_ =	sdelay $0x1  }
0x11a: {  	v24 =	vmax.f32 v24, v25  }
0x11b: {  	v25 =	vperm.xlane v24, v2;
	_ =	sdelay $0x1  }
0x11c: {  	v24 =	vmax.f32 v24, v25  }
0x11d: {  	v25 =	vperm.xlane v24, v3;
	_ =	sdelay $0x1  }
0x11e: {  	v24 =	vmax.f32 v24, v25  }
0x11f: {  	(v2sf) =	vpush v24, $0x0;
	_ =	sdelay $0xe  }
0x120: {  	p0 =	sgt.s32 s2, $0x17F;
	s15 =	spop (v2sf)  }
0x121: {  	p1 =	sge.f32 @!p0 s15, s8;
	_ =	sdelay $0x1  }
0x122: {  	p1 =	por p0, !p1  }
.Ltmp7:
0x123: {  	_ = 	snop;
	(pc) =	sbr.rel @p1 .LBB2_12-.Ltmp7, $2  }
0x124: {  	_ =	sdelay $0x2  }
0x125: {  	[tilespmem:$0x1D680] =	vst v24  }
0x126: {  	v24 =	vld [tilespmem:s12+$0xFFFFFFC0];
	_ =	sdelay $0x4  }
0x127: {  	v25 =	vsub.f32 v24, v13;
	_ =	sdelay $0x1  }
0x128: {  	v25 =	vsub.f32 v25, v15  }
0x129: {  	vm0 =	vge.f32 v24, v14  }
0x12a: {  	v25 =	vnsel vm0, $0xFF61B1E6, v25  }
0x12b: {  	v26 =	vperm.xlane v25, v0;
	_ =	sdelay $0x1  }
0x12c: {  	s15 =	sshra.s32 s2, $0x1F;
	v26 =	vmax.f32 v25, v26  }
0x12d: {  	s15 =	sshrl.u32 s15, $0x1C;
	v27 =	vperm.xlane v26, v1  }
0x12e: {  	s15 =	sadd.s32 s15, s2  }
0x12f: {  	s17 =	sand.u32 $0xFFFFFFF0, s15;
	v26 =	vmax.f32 v26, v27  }
0x130: {  	p0 =	slt.s32 s2, $0x1;
	p1 =	sne.s32 s2, s17;
	v27 =	vperm.xlane v26, v2  }
0x131: {  	s19 =	sadd.s32 $0xFFFFFF80, s13;
	p0 =	por !p0, !p1  }
0x132: {  	s20 =	sshll.u32 s2, $0x4;
	s18 =	simm.s32 $0x1;
	v60 =	vor.u32 s19, v11;
	p0 =	por !p0, !p0;
	v26 =	vmax.f32 v26, v27  }
0x133: {  	[tilespmem:s20+$0x1B700] =	vst v60;
	s15 =	sshrl.u32 s15, $0x4;
	s18 =	simm.s32 @!p0 $0x0;
	v59 =	vperm.xlane v26, v3  }
0x134: {  	[tilespmem:s20+$0x19F00] =	vst v24;
	s15 =	ssub.s32 s15, s18  }
0x135: {  	s15 =	sshll.u32 s15, $0x6;
	[tilespmem:s20+$0x18700] =	vst v25;
	v61 =	vmax.f32 v26, v59  }
0x136: {  	s15 =	sshra.s32 s15, $0x2;
	[tilespmem:$0x1D680] =	vst v61  }
0x137: {  	v62 =	vld [tilespmem:s15+$0x1CF00];
	_ =	sdelay $0x1  }
.Ltmp8:
0x138: {  	s20 =	sand.u32 $0xF, s2;
	(pc) =	sbr.rel .LBB2_14-.Ltmp8, $4  }
0x139: {  	v63 =	vmov s20;
	v24 =	vbroadcast v61, $0x0  }
0x13a: {  	vm15 =	veq.s32 v63, v11  }
0x13b: {  	v24 =	vsel vm15, v24, v62  }
0x13c: {  	s2 =	sadd.s32 $0x1, s2;
	[tilespmem:s15+$0x1CF00] =	vst v24  }
.LBB2_12:
0x13d: {  	s2 =	smov.u32 @p0 s2  }
.LBB2_14:
0x13e: {  	v24 =	vperm.xlane v23, v0;
	_ =	sdelay $0x1  }
0x13f: {  	v23 =	vmax.f32 v23, v24  }
0x140: {  	v24 =	vperm.xlane v23, v1;
	_ =	sdelay $0x1  }
0x141: {  	v23 =	vmax.f32 v23, v24  }
0x142: {  	v24 =	vperm.xlane v23, v2;
	_ =	sdelay $0x1  }
0x143: {  	v23 =	vmax.f32 v23, v24  }
0x144: {  	v24 =	vperm.xlane v23, v3;
	_ =	sdelay $0x1  }
0x145: {  	v23 =	vmax.f32 v23, v24  }
0x146: {  	(v2sf) =	vpush v23, $0x0;
	_ =	sdelay $0xe  }
0x147: {  	p0 =	sgt.s32 s2, $0x17F;
	s15 =	spop (v2sf)  }
0x148: {  	p1 =	sge.f32 @!p0 s15, s8;
	_ =	sdelay $0x1  }
0x149: {  	p1 =	por p0, !p1  }
.Ltmp9:
0x14a: {  	_ = 	snop;
	(pc) =	sbr.rel @p1 .LBB2_15-.Ltmp9, $2  }
0x14b: {  	_ =	sdelay $0x2  }
0x14c: {  	[tilespmem:$0x1D680] =	vst v23  }
0x14d: {  	v23 =	vld [tilespmem:s12+$0xFFFFFFD0];
	_ =	sdelay $0x4  }
0x14e: {  	v24 =	vsub.f32 v23, v13;
	_ =	sdelay $0x1  }
0x14f: {  	v24 =	vsub.f32 v24, v15  }
0x150: {  	vm0 =	vge.f32 v23, v14  }
0x151: {  	v24 =	vnsel vm0, $0xFF61B1E6, v24  }
0x152: {  	v25 =	vperm.xlane v24, v0;
	_ =	sdelay $0x1  }
0x153: {  	s15 =	sshra.s32 s2, $0x1F;
	v25 =	vmax.f32 v24, v25  }
0x154: {  	s15 =	sshrl.u32 s15, $0x1C;
	v26 =	vperm.xlane v25, v1  }
0x155: {  	s15 =	sadd.s32 s15, s2  }
0x156: {  	s17 =	sand.u32 $0xFFFFFFF0, s15;
	v25 =	vmax.f32 v25, v26  }
0x157: {  	p0 =	slt.s32 s2, $0x1;
	p1 =	sne.s32 s2, s17;
	v26 =	vperm.xlane v25, v2  }
0x158: {  	s19 =	sadd.s32 $0xFFFFFF90, s13;
	p0 =	por !p0, !p1  }
0x159: {  	s20 =	sshll.u32 s2, $0x4;
	s18 =	simm.s32 $0x1;
	v61 =	vor.u32 s19, v11;
	p0 =	por !p0, !p0;
	v25 =	vmax.f32 v25, v26  }
0x15a: {  	[tilespmem:s20+$0x1B700] =	vst v61;
	s15 =	sshrl.u32 s15, $0x4;
	s18 =	simm.s32 @!p0 $0x0;
	v60 =	vperm.xlane v25, v3  }
0x15b: {  	[tilespmem:s20+$0x19F00] =	vst v23;
	s15 =	ssub.s32 s15, s18  }
0x15c: {  	s15 =	sshll.u32 s15, $0x6;
	[tilespmem:s20+$0x18700] =	vst v24;
	v23 =	vmax.f32 v25, v60  }
0x15d: {  	s15 =	sshra.s32 s15, $0x2;
	[tilespmem:$0x1D680] =	vst v23  }
0x15e: {  	v62 =	vld [tilespmem:s15+$0x1CF00];
	_ =	sdelay $0x1  }
.Ltmp10:
0x15f: {  	s20 =	sand.u32 $0xF, s2;
	(pc) =	sbr.rel .LBB2_17-.Ltmp10, $4  }
0x160: {  	v63 =	vmov s20;
	v23 =	vbroadcast v23, $0x0  }
0x161: {  	vm15 =	veq.s32 v63, v11  }
0x162: {  	v23 =	vsel vm15, v23, v62  }
0x163: {  	s2 =	sadd.s32 $0x1, s2;
	[tilespmem:s15+$0x1CF00] =	vst v23  }
.LBB2_15:
0x164: {  	s2 =	smov.u32 @p0 s2  }
.LBB2_17:
0x165: {  	v23 =	vperm.xlane v22, v0;
	_ =	sdelay $0x1  }
0x166: {  	v22 =	vmax.f32 v22, v23  }
0x167: {  	v23 =	vperm.xlane v22, v1;
	_ =	sdelay $0x1  }
0x168: {  	v22 =	vmax.f32 v22, v23  }
0x169: {  	v23 =	vperm.xlane v22, v2;
	_ =	sdelay $0x1  }
0x16a: {  	v22 =	vmax.f32 v22, v23  }
0x16b: {  	v23 =	vperm.xlane v22, v3;
	_ =	sdelay $0x1  }
0x16c: {  	v22 =	vmax.f32 v22, v23  }
0x16d: {  	(v2sf) =	vpush v22, $0x0;
	_ =	sdelay $0xe  }
0x16e: {  	p0 =	sgt.s32 s2, $0x17F;
	s15 =	spop (v2sf)  }
0x16f: {  	p1 =	sge.f32 @!p0 s15, s8;
	_ =	sdelay $0x1  }
0x170: {  	p1 =	por p0, !p1  }
.Ltmp11:
0x171: {  	_ = 	snop;
	(pc) =	sbr.rel @p1 .LBB2_18-.Ltmp11, $2  }
0x172: {  	_ =	sdelay $0x2  }
0x173: {  	[tilespmem:$0x1D680] =	vst v22  }
0x174: {  	v22 =	vld [tilespmem:s12+$0xFFFFFFE0];
	_ =	sdelay $0x4  }
0x175: {  	v23 =	vsub.f32 v22, v13;
	_ =	sdelay $0x1  }
0x176: {  	v23 =	vsub.f32 v23, v15  }
0x177: {  	vm0 =	vge.f32 v22, v14  }
0x178: {  	v23 =	vnsel vm0, $0xFF61B1E6, v23  }
0x179: {  	v24 =	vperm.xlane v23, v0;
	_ =	sdelay $0x1  }
0x17a: {  	s15 =	sshra.s32 s2, $0x1F;
	v24 =	vmax.f32 v23, v24  }
0x17b: {  	s15 =	sshrl.u32 s15, $0x1C;
	v25 =	vperm.xlane v24, v1  }
0x17c: {  	s15 =	sadd.s32 s15, s2  }
0x17d: {  	s17 =	sand.u32 $0xFFFFFFF0, s15;
	v24 =	vmax.f32 v24, v25  }
0x17e: {  	p0 =	slt.s32 s2, $0x1;
	p1 =	sne.s32 s2, s17;
	v25 =	vperm.xlane v24, v2  }
0x17f: {  	s20 =	sshll.u32 s2, $0x4;
	p0 =	por !p0, !p1  }
0x180: {  	s18 =	simm.s32 $0x1;
	s19 =	sadd.s32 $0xFFFFFFA0, s13;
	p0 =	por !p0, !p0;
	v24 =	vmax.f32 v24, v25  }
0x181: {  	v62 =	vor.u32 s19, v11;
	s15 =	sshrl.u32 s15, $0x4;
	s18 =	simm.s32 @!p0 $0x0;
	[tilespmem:s20+$0x18700] =	vst v23;
	v23 =	vperm.xlane v24, v3  }
0x182: {  	[tilespmem:s20+$0x1B700] =	vst v62;
	s15 =	ssub.s32 s15, s18  }
0x183: {  	[tilespmem:s20+$0x19F00] =	vst v22;
	s15 =	sshll.u32 s15, $0x6;
	v22 =	vmax.f32 v24, v23  }
0x184: {  	s15 =	sshra.s32 s15, $0x2;
	[tilespmem:$0x1D680] =	vst v22  }
0x185: {  	v23 =	vld [tilespmem:s15+$0x1CF00];
	_ =	sdelay $0x1  }
.Ltmp12:
0x186: {  	s20 =	sand.u32 $0xF, s2;
	(pc) =	sbr.rel .LBB2_20-.Ltmp12, $4  }
0x187: {  	v63 =	vmov s20;
	v22 =	vbroadcast v22, $0x0  }
0x188: {  	vm15 =	veq.s32 v63, v11  }
0x189: {  	v22 =	vsel vm15, v22, v23  }
0x18a: {  	s2 =	sadd.s32 $0x1, s2;
	[tilespmem:s15+$0x1CF00] =	vst v22  }
.LBB2_18:
0x18b: {  	s2 =	smov.u32 @p0 s2  }
.LBB2_20:
0x18c: {  	v22 =	vperm.xlane v21, v0;
	_ =	sdelay $0x1  }
0x18d: {  	v21 =	vmax.f32 v21, v22  }
0x18e: {  	v22 =	vperm.xlane v21, v1;
	_ =	sdelay $0x1  }
0x18f: {  	v21 =	vmax.f32 v21, v22  }
0x190: {  	v22 =	vperm.xlane v21, v2;
	_ =	sdelay $0x1  }
0x191: {  	v21 =	vmax.f32 v21, v22  }
0x192: {  	v22 =	vperm.xlane v21, v3;
	_ =	sdelay $0x1  }
0x193: {  	v21 =	vmax.f32 v21, v22  }
0x194: {  	(v2sf) =	vpush v21, $0x0;
	_ =	sdelay $0xe  }
0x195: {  	p0 =	sgt.s32 s2, $0x17F;
	s15 =	spop (v2sf)  }
0x196: {  	p1 =	sge.f32 @!p0 s15, s8;
	_ =	sdelay $0x1  }
0x197: {  	p1 =	por p0, !p1  }
.Ltmp13:
0x198: {  	_ = 	snop;
	(pc) =	sbr.rel @p1 .LBB2_21-.Ltmp13, $2  }
0x199: {  	_ =	sdelay $0x2  }
0x19a: {  	[tilespmem:$0x1D680] =	vst v21  }
0x19b: {  	v21 =	vld [tilespmem:s12+$0xFFFFFFF0];
	_ =	sdelay $0x4  }
0x19c: {  	v22 =	vsub.f32 v21, v13;
	_ =	sdelay $0x1  }
0x19d: {  	v22 =	vsub.f32 v22, v15  }
0x19e: {  	vm0 =	vge.f32 v21, v14  }
0x19f: {  	v22 =	vnsel vm0, $0xFF61B1E6, v22  }
0x1a0: {  	v23 =	vperm.xlane v22, v0;
	_ =	sdelay $0x1  }
0x1a1: {  	s15 =	sshra.s32 s2, $0x1F;
	v23 =	vmax.f32 v22, v23  }
0x1a2: {  	s15 =	sshrl.u32 s15, $0x1C;
	v24 =	vperm.xlane v23, v1  }
0x1a3: {  	s15 =	sadd.s32 s15, s2  }
0x1a4: {  	s17 =	sand.u32 $0xFFFFFFF0, s15;
	v23 =	vmax.f32 v23, v24  }
0x1a5: {  	p0 =	slt.s32 s2, $0x1;
	p1 =	sne.s32 s2, s17;
	v24 =	vperm.xlane v23, v2  }
0x1a6: {  	s20 =	sshll.u32 s2, $0x4;
	p0 =	por !p0, !p1  }
0x1a7: {  	s18 =	simm.s32 $0x1;
	s19 =	sadd.s32 $0xFFFFFFB0, s13;
	p0 =	por !p0, !p0;
	v23 =	vmax.f32 v23, v24  }
0x1a8: {  	v63 =	vor.u32 s19, v11;
	s15 =	sshrl.u32 s15, $0x4;
	s18 =	simm.s32 @!p0 $0x0;
	[tilespmem:s20+$0x18700] =	vst v22;
	v22 =	vperm.xlane v23, v3  }
0x1a9: {  	[tilespmem:s20+$0x1B700] =	vst v63;
	s15 =	ssub.s32 s15, s18  }
0x1aa: {  	[tilespmem:s20+$0x19F00] =	vst v21;
	s15 =	sshll.u32 s15, $0x6;
	v21 =	vmax.f32 v23, v22  }
0x1ab: {  	s15 =	sshra.s32 s15, $0x2;
	[tilespmem:$0x1D680] =	vst v21  }
0x1ac: {  	v22 =	vld [tilespmem:s15+$0x1CF00];
	_ =	sdelay $0x1  }
.Ltmp14:
0x1ad: {  	s20 =	sand.u32 $0xF, s2;
	(pc) =	sbr.rel .LBB2_23-.Ltmp14, $4  }
0x1ae: {  	v23 =	vmov s20;
	v21 =	vbroadcast v21, $0x0  }
0x1af: {  	vm15 =	veq.s32 v23, v11  }
0x1b0: {  	v21 =	vsel vm15, v21, v22  }
0x1b1: {  	s2 =	sadd.s32 $0x1, s2;
	[tilespmem:s15+$0x1CF00] =	vst v21  }
.LBB2_21:
0x1b2: {  	s2 =	smov.u32 @p0 s2  }
.LBB2_23:
0x1b3: {  	v21 =	vperm.xlane v20, v0;
	_ =	sdelay $0x1  }
0x1b4: {  	v20 =	vmax.f32 v20, v21  }
0x1b5: {  	v21 =	vperm.xlane v20, v1;
	_ =	sdelay $0x1  }
0x1b6: {  	v20 =	vmax.f32 v20, v21  }
0x1b7: {  	v21 =	vperm.xlane v20, v2;
	_ =	sdelay $0x1  }
0x1b8: {  	v20 =	vmax.f32 v20, v21  }
0x1b9: {  	v21 =	vperm.xlane v20, v3;
	_ =	sdelay $0x1  }
0x1ba: {  	v20 =	vmax.f32 v20, v21  }
0x1bb: {  	(v2sf) =	vpush v20, $0x0;
	_ =	sdelay $0xe  }
0x1bc: {  	p0 =	sgt.s32 s2, $0x17F;
	s15 =	spop (v2sf)  }
0x1bd: {  	p1 =	sge.f32 @!p0 s15, s8;
	_ =	sdelay $0x1  }
0x1be: {  	p1 =	por p0, !p1  }
.Ltmp15:
0x1bf: {  	_ = 	snop;
	(pc) =	sbr.rel @p1 .LBB2_24-.Ltmp15, $2  }
0x1c0: {  	_ =	sdelay $0x2  }
0x1c1: {  	[tilespmem:$0x1D680] =	vst v20  }
0x1c2: {  	v20 =	vld [tilespmem:s12+$0x0];
	_ =	sdelay $0x4  }
0x1c3: {  	v21 =	vsub.f32 v20, v13;
	_ =	sdelay $0x1  }
0x1c4: {  	v21 =	vsub.f32 v21, v15  }
0x1c5: {  	vm0 =	vge.f32 v20, v14  }
0x1c6: {  	v21 =	vnsel vm0, $0xFF61B1E6, v21  }
0x1c7: {  	v22 =	vperm.xlane v21, v0;
	_ =	sdelay $0x1  }
0x1c8: {  	s15 =	sshra.s32 s2, $0x1F;
	v22 =	vmax.f32 v21, v22  }
0x1c9: {  	s15 =	sshrl.u32 s15, $0x1C;
	v23 =	vperm.xlane v22, v1  }
0x1ca: {  	s15 =	sadd.s32 s15, s2  }
0x1cb: {  	s17 =	sand.u32 $0xFFFFFFF0, s15;
	v22 =	vmax.f32 v22, v23  }
0x1cc: {  	p0 =	slt.s32 s2, $0x1;
	p1 =	sne.s32 s2, s17;
	v23 =	vperm.xlane v22, v2  }
0x1cd: {  	s19 =	sadd.s32 $0xFFFFFFC0, s13;
	p0 =	por !p0, !p1  }
0x1ce: {  	s20 =	sshll.u32 s2, $0x4;
	s18 =	simm.s32 $0x1;
	v61 =	vor.u32 s19, v11;
	p0 =	por !p0, !p0;
	v22 =	vmax.f32 v22, v23  }
0x1cf: {  	[tilespmem:s20+$0x1B700] =	vst v61;
	s15 =	sshrl.u32 s15, $0x4;
	s18 =	simm.s32 @!p0 $0x0;
	v60 =	vperm.xlane v22, v3  }
0x1d0: {  	[tilespmem:s20+$0x19F00] =	vst v20;
	s15 =	ssub.s32 s15, s18  }
0x1d1: {  	s15 =	sshll.u32 s15, $0x6;
	[tilespmem:s20+$0x18700] =	vst v21;
	v20 =	vmax.f32 v22, v60  }
0x1d2: {  	s15 =	sshra.s32 s15, $0x2;
	[tilespmem:$0x1D680] =	vst v20  }
0x1d3: {  	v62 =	vld [tilespmem:s15+$0x1CF00];
	_ =	sdelay $0x1  }
.Ltmp16:
0x1d4: {  	s20 =	sand.u32 $0xF, s2;
	(pc) =	sbr.rel .LBB2_26-.Ltmp16, $4  }
0x1d5: {  	v63 =	vmov s20;
	v20 =	vbroadcast v20, $0x0  }
0x1d6: {  	vm15 =	veq.s32 v63, v11  }
0x1d7: {  	v20 =	vsel vm15, v20, v62  }
0x1d8: {  	s2 =	sadd.s32 $0x1, s2;
	[tilespmem:s15+$0x1CF00] =	vst v20  }
.LBB2_24:
0x1d9: {  	s2 =	smov.u32 @p0 s2  }
.LBB2_26:
0x1da: {  	v20 =	vperm.xlane v19, v0;
	_ =	sdelay $0x1  }
0x1db: {  	v19 =	vmax.f32 v19, v20  }
0x1dc: {  	v20 =	vperm.xlane v19, v1;
	_ =	sdelay $0x1  }
0x1dd: {  	v19 =	vmax.f32 v19, v20  }
0x1de: {  	v20 =	vperm.xlane v19, v2;
	_ =	sdelay $0x1  }
0x1df: {  	v19 =	vmax.f32 v19, v20  }
0x1e0: {  	v20 =	vperm.xlane v19, v3;
	_ =	sdelay $0x1  }
0x1e1: {  	v19 =	vmax.f32 v19, v20  }
0x1e2: {  	(v2sf) =	vpush v19, $0x0;
	_ =	sdelay $0xe  }
0x1e3: {  	p0 =	sgt.s32 s2, $0x17F;
	s15 =	spop (v2sf)  }
0x1e4: {  	p1 =	sge.f32 @!p0 s15, s8;
	_ =	sdelay $0x1  }
0x1e5: {  	p1 =	por p0, !p1  }
.Ltmp17:
0x1e6: {  	_ = 	snop;
	(pc) =	sbr.rel @p1 .LBB2_27-.Ltmp17, $2  }
0x1e7: {  	_ =	sdelay $0x2  }
0x1e8: {  	[tilespmem:$0x1D680] =	vst v19  }
0x1e9: {  	v19 =	vld [tilespmem:s12+$0x10];
	_ =	sdelay $0x4  }
0x1ea: {  	v20 =	vsub.f32 v19, v13;
	_ =	sdelay $0x1  }
0x1eb: {  	v20 =	vsub.f32 v20, v15  }
0x1ec: {  	vm0 =	vge.f32 v19, v14  }
0x1ed: {  	v20 =	vnsel vm0, $0xFF61B1E6, v20  }
0x1ee: {  	v21 =	vperm.xlane v20, v0;
	_ =	sdelay $0x1  }
0x1ef: {  	s15 =	sshra.s32 s2, $0x1F;
	v21 =	vmax.f32 v20, v21  }
0x1f0: {  	s15 =	sshrl.u32 s15, $0x1C;
	v22 =	vperm.xlane v21, v1  }
0x1f1: {  	s15 =	sadd.s32 s15, s2  }
0x1f2: {  	s17 =	sand.u32 $0xFFFFFFF0, s15;
	v21 =	vmax.f32 v21, v22  }
0x1f3: {  	p0 =	slt.s32 s2, $0x1;
	p1 =	sne.s32 s2, s17;
	v22 =	vperm.xlane v21, v2  }
0x1f4: {  	s20 =	sshll.u32 s2, $0x4;
	p0 =	por !p0, !p1  }
0x1f5: {  	s18 =	simm.s32 $0x1;
	s19 =	sadd.s32 $0xFFFFFFD0, s13;
	p0 =	por !p0, !p0;
	v21 =	vmax.f32 v21, v22  }
0x1f6: {  	v62 =	vor.u32 s19, v11;
	s15 =	sshrl.u32 s15, $0x4;
	s18 =	simm.s32 @!p0 $0x0;
	[tilespmem:s20+$0x18700] =	vst v20;
	v20 =	vperm.xlane v21, v3  }
0x1f7: {  	[tilespmem:s20+$0x1B700] =	vst v62;
	s15 =	ssub.s32 s15, s18  }
0x1f8: {  	[tilespmem:s20+$0x19F00] =	vst v19;
	s15 =	sshll.u32 s15, $0x6;
	v19 =	vmax.f32 v21, v20  }
0x1f9: {  	s15 =	sshra.s32 s15, $0x2;
	[tilespmem:$0x1D680] =	vst v19  }
0x1fa: {  	v20 =	vld [tilespmem:s15+$0x1CF00];
	_ =	sdelay $0x1  }
.Ltmp18:
0x1fb: {  	s20 =	sand.u32 $0xF, s2;
	(pc) =	sbr.rel .LBB2_29-.Ltmp18, $4  }
0x1fc: {  	v63 =	vmov s20;
	v19 =	vbroadcast v19, $0x0  }
0x1fd: {  	vm15 =	veq.s32 v63, v11  }
0x1fe: {  	v19 =	vsel vm15, v19, v20  }
0x1ff: {  	s2 =	sadd.s32 $0x1, s2;
	[tilespmem:s15+$0x1CF00] =	vst v19  }
.LBB2_27:
0x200: {  	s2 =	smov.u32 @p0 s2  }
.LBB2_29:
0x201: {  	v19 =	vperm.xlane v18, v0;
	_ =	sdelay $0x1  }
0x202: {  	v18 =	vmax.f32 v18, v19  }
0x203: {  	v19 =	vperm.xlane v18, v1;
	_ =	sdelay $0x1  }
0x204: {  	v18 =	vmax.f32 v18, v19  }
0x205: {  	v19 =	vperm.xlane v18, v2;
	_ =	sdelay $0x1  }
0x206: {  	v18 =	vmax.f32 v18, v19  }
0x207: {  	v19 =	vperm.xlane v18, v3;
	_ =	sdelay $0x1  }
0x208: {  	v18 =	vmax.f32 v18, v19  }
0x209: {  	(v2sf) =	vpush v18, $0x0;
	_ =	sdelay $0xe  }
0x20a: {  	p0 =	sgt.s32 s2, $0x17F;
	s15 =	spop (v2sf)  }
0x20b: {  	p1 =	sge.f32 @!p0 s15, s8;
	_ =	sdelay $0x1  }
0x20c: {  	p1 =	por p0, !p1  }
.Ltmp19:
0x20d: {  	_ = 	snop;
	(pc) =	sbr.rel @p1 .LBB2_30-.Ltmp19, $2  }
0x20e: {  	_ =	sdelay $0x2  }
0x20f: {  	[tilespmem:$0x1D680] =	vst v18  }
0x210: {  	v18 =	vld [tilespmem:s12+$0x20];
	_ =	sdelay $0x4  }
0x211: {  	v19 =	vsub.f32 v18, v13;
	_ =	sdelay $0x1  }
0x212: {  	v19 =	vsub.f32 v19, v15  }
0x213: {  	vm0 =	vge.f32 v18, v14  }
0x214: {  	v19 =	vnsel vm0, $0xFF61B1E6, v19  }
0x215: {  	v20 =	vperm.xlane v19, v0;
	_ =	sdelay $0x1  }
0x216: {  	s15 =	sshra.s32 s2, $0x1F;
	v20 =	vmax.f32 v19, v20  }
0x217: {  	s15 =	sshrl.u32 s15, $0x1C;
	v21 =	vperm.xlane v20, v1  }
0x218: {  	s15 =	sadd.s32 s15, s2  }
0x219: {  	s17 =	sand.u32 $0xFFFFFFF0, s15;
	v20 =	vmax.f32 v20, v21  }
0x21a: {  	p0 =	slt.s32 s2, $0x1;
	p1 =	sne.s32 s2, s17;
	v21 =	vperm.xlane v20, v2  }
0x21b: {  	s20 =	sshll.u32 s2, $0x4;
	p0 =	por !p0, !p1  }
0x21c: {  	s18 =	simm.s32 $0x1;
	s19 =	sadd.s32 $0xFFFFFFE0, s13;
	p0 =	por !p0, !p0;
	v20 =	vmax.f32 v20, v21  }
0x21d: {  	v62 =	vor.u32 s19, v11;
	s15 =	sshrl.u32 s15, $0x4;
	s18 =	simm.s32 @!p0 $0x0;
	[tilespmem:s20+$0x18700] =	vst v19;
	v19 =	vperm.xlane v20, v3  }
0x21e: {  	[tilespmem:s20+$0x1B700] =	vst v62;
	s15 =	ssub.s32 s15, s18  }
0x21f: {  	[tilespmem:s20+$0x19F00] =	vst v18;
	s15 =	sshll.u32 s15, $0x6;
	v18 =	vmax.f32 v20, v19  }
0x220: {  	s15 =	sshra.s32 s15, $0x2;
	[tilespmem:$0x1D680] =	vst v18  }
0x221: {  	v19 =	vld [tilespmem:s15+$0x1CF00];
	_ =	sdelay $0x1  }
.Ltmp20:
0x222: {  	s20 =	sand.u32 $0xF, s2;
	(pc) =	sbr.rel .LBB2_32-.Ltmp20, $4  }
0x223: {  	v63 =	vmov s20;
	v18 =	vbroadcast v18, $0x0  }
0x224: {  	vm15 =	veq.s32 v63, v11  }
0x225: {  	v18 =	vsel vm15, v18, v19  }
0x226: {  	s2 =	sadd.s32 $0x1, s2;
	[tilespmem:s15+$0x1CF00] =	vst v18  }
.LBB2_30:
0x227: {  	s2 =	smov.u32 @p0 s2  }
.LBB2_32:
0x228: {  	v18 =	vperm.xlane v17, v0;
	_ =	sdelay $0x1  }
0x229: {  	v17 =	vmax.f32 v17, v18  }
0x22a: {  	v18 =	vperm.xlane v17, v1;
	_ =	sdelay $0x1  }
0x22b: {  	v17 =	vmax.f32 v17, v18  }
0x22c: {  	v18 =	vperm.xlane v17, v2;
	_ =	sdelay $0x1  }
0x22d: {  	v17 =	vmax.f32 v17, v18  }
0x22e: {  	v18 =	vperm.xlane v17, v3;
	_ =	sdelay $0x1  }
0x22f: {  	v17 =	vmax.f32 v17, v18  }
0x230: {  	(v2sf) =	vpush v17, $0x0;
	_ =	sdelay $0xe  }
0x231: {  	p0 =	sgt.s32 s2, $0x17F;
	s15 =	spop (v2sf)  }
0x232: {  	p1 =	sge.f32 @!p0 s15, s8;
	_ =	sdelay $0x1  }
0x233: {  	p1 =	por p0, !p1  }
.Ltmp21:
0x234: {  	_ = 	snop;
	(pc) =	sbr.rel @p1 .LBB2_33-.Ltmp21, $2  }
0x235: {  	_ =	sdelay $0x2  }
0x236: {  	[tilespmem:$0x1D680] =	vst v17  }
0x237: {  	v17 =	vld [tilespmem:s0+$0x0];
	_ =	sdelay $0x4  }
0x238: {  	v18 =	vsub.f32 v17, v13;
	_ =	sdelay $0x1  }
0x239: {  	v18 =	vsub.f32 v18, v15  }
0x23a: {  	vm0 =	vge.f32 v17, v14  }
0x23b: {  	v18 =	vnsel vm0, $0xFF61B1E6, v18  }
0x23c: {  	v19 =	vperm.xlane v18, v0;
	_ =	sdelay $0x1  }
0x23d: {  	s19 =	sshra.s32 s2, $0x1F;
	v19 =	vmax.f32 v18, v19  }
0x23e: {  	s0 =	sshrl.u32 s19, $0x1C;
	v20 =	vperm.xlane v19, v1  }
0x23f: {  	s0 =	sadd.s32 s0, s2  }
0x240: {  	s15 =	sand.u32 $0xFFFFFFF0, s0;
	v19 =	vmax.f32 v19, v20  }
0x241: {  	p0 =	slt.s32 s2, $0x1;
	p1 =	sne.s32 s2, s15;
	v20 =	vperm.xlane v19, v2  }
0x242: {  	p0 =	por !p0, !p1  }
0x243: {  	s20 =	sshll.u32 s2, $0x4;
	s17 =	simm.s32 $0x1;
	p0 =	por !p0, !p0;
	v19 =	vmax.f32 v19, v20  }
0x244: {  	v63 =	vor.u32 s24, v11;
	s0 =	sshrl.u32 s0, $0x4;
	s17 =	simm.s32 @!p0 $0x0;
	[tilespmem:s20+$0x18700] =	vst v18;
	v18 =	vperm.xlane v19, v3  }
0x245: {  	[tilespmem:s20+$0x1B700] =	vst v63;
	s0 =	ssub.s32 s0, s17  }
0x246: {  	[tilespmem:s20+$0x19F00] =	vst v17;
	s0 =	sshll.u32 s0, $0x6;
	v17 =	vmax.f32 v19, v18  }
0x247: {  	s0 =	sshra.s32 s0, $0x2;
	[tilespmem:$0x1D680] =	vst v17  }
0x248: {  	v18 =	vld [tilespmem:s0+$0x1CF00];
	_ =	sdelay $0x1  }
.Ltmp22:
0x249: {  	s24 =	sand.u32 $0xF, s2;
	(pc) =	sbr.rel .LBB2_35-.Ltmp22, $4  }
0x24a: {  	v19 =	vmov s24;
	v17 =	vbroadcast v17, $0x0  }
0x24b: {  	vm15 =	veq.s32 v19, v11  }
0x24c: {  	v17 =	vsel vm15, v17, v18  }
0x24d: {  	s2 =	sadd.s32 $0x1, s2;
	[tilespmem:s0+$0x1CF00] =	vst v17  }
.LBB2_33:
0x24e: {  	s2 =	smov.u32 @p0 s2  }
.LBB2_35:
0x24f: {  	v17 =	vperm.xlane v16, v0;
	_ =	sdelay $0x1  }
0x250: {  	v16 =	vmax.f32 v16, v17  }
0x251: {  	v17 =	vperm.xlane v16, v1;
	_ =	sdelay $0x1  }
0x252: {  	v16 =	vmax.f32 v16, v17  }
0x253: {  	v17 =	vperm.xlane v16, v2;
	_ =	sdelay $0x1  }
0x254: {  	v16 =	vmax.f32 v16, v17  }
0x255: {  	v17 =	vperm.xlane v16, v3;
	_ =	sdelay $0x1  }
0x256: {  	v16 =	vmax.f32 v16, v17  }
0x257: {  	(v2sf) =	vpush v16, $0x0;
	_ =	sdelay $0xe  }
0x258: {  	p0 =	sgt.s32 s2, $0x17F;
	s0 =	spop (v2sf)  }
0x259: {  	p1 =	sge.f32 @!p0 s0, s8;
	_ =	sdelay $0x1  }
0x25a: {  	p1 =	por p0, !p1  }
.Ltmp23:
0x25b: {  	_ = 	snop;
	(pc) =	sbr.rel @!p1 .LBB2_37-.Ltmp23, $2  }
0x25c: {  	_ =	sdelay $0x2  }
0x25d: {  	[tilespmem:$0x1D680] =	vst v16  }
.Ltmp24:
0x25e: {  	(pc) =	sbr.rel .LBB2_38-.Ltmp24, $2  }
0x25f: {  	_ =	sdelay $0x2  }
0x260: {  	s2 =	smov.u32 @p0 s2  }
.LBB2_39:
0x261: {  	[tilespmem:$0x1D100] =	vst v8  }
0x262: {  	[tilespmem:$0x1D180] =	vst v8  }
0x263: {  	[tilespmem:$0x1D200] =	vst v10  }
0x264: {  	[tilespmem:$0x1D110] =	vst v8  }
0x265: {  	[tilespmem:$0x1D190] =	vst v8  }
0x266: {  	[tilespmem:$0x1D210] =	vst v10  }
0x267: {  	[tilespmem:$0x1D120] =	vst v8  }
0x268: {  	[tilespmem:$0x1D1A0] =	vst v8  }
0x269: {  	[tilespmem:$0x1D220] =	vst v10  }
0x26a: {  	[tilespmem:$0x1D130] =	vst v8  }
0x26b: {  	[tilespmem:$0x1D1B0] =	vst v8  }
0x26c: {  	v13 =	vmov s1;
	[tilespmem:$0x1D230] =	vst v10  }
0x26d: {  	[tilespmem:$0x1D280] =	vst v13  }
0x26e: {  	[tilespmem:$0x1D290] =	vst v13  }
0x26f: {  	[tilespmem:$0x1D2A0] =	vst v13  }
0x270: {  	s2 =	simm.s32 $0x0;
	s0 =	simm.f32 $-3.000000010e+38;
	s8 =	simm.s32 $0x0;
	[tilespmem:$0x1D2B0] =	vst v13  }
.LBB2_40:
0x271: {  	v13 =	vld [tilespmem:$0x1CF00]  }
0x272: {  	v14 =	vld [tilespmem:$0x1CF10]  }
0x273: {  	v15 =	vld [tilespmem:$0x1CF20]  }
0x274: {  	v16 =	vld [tilespmem:$0x1CF30]  }
0x275: {  	v17 =	vld [tilespmem:$0x1CF40]  }
0x276: {  	v18 =	vld [tilespmem:$0x1CF50];
	v13 =	vmax.f32 v13, $-3.000000010e+38  }
0x277: {  	v13 =	vmax.f32 v13, v14;
	v14 =	vld [tilespmem:$0x1CF60]  }
0x278: {  	v13 =	vmax.f32 v13, v15;
	v15 =	vld [tilespmem:$0x1CF70]  }
0x279: {  	v13 =	vmax.f32 v13, v16;
	v16 =	vld [tilespmem:$0x1CF80]  }
0x27a: {  	v13 =	vmax.f32 v13, v17;
	v17 =	vld [tilespmem:$0x1CF90]  }
0x27b: {  	v59 =	vld [tilespmem:$0x1CFA0];
	v13 =	vmax.f32 v13, v18  }
0x27c: {  	v13 =	vmax.f32 v13, v14;
	v14 =	vld [tilespmem:$0x1CFB0]  }
0x27d: {  	v13 =	vmax.f32 v13, v15;
	v15 =	vld [tilespmem:$0x1CFC0]  }
0x27e: {  	v13 =	vmax.f32 v13, v16;
	v16 =	vld [tilespmem:$0x1CFD0]  }
0x27f: {  	v13 =	vmax.f32 v13, v17;
	v17 =	vld [tilespmem:$0x1CFE0]  }
0x280: {  	v60 =	vld [tilespmem:$0x1CFF0];
	v13 =	vmax.f32 v13, v59  }
0x281: {  	v13 =	vmax.f32 v13, v14;
	v14 =	vld [tilespmem:$0x1D000]  }
0x282: {  	v13 =	vmax.f32 v13, v15;
	v15 =	vld [tilespmem:$0x1D010]  }
0x283: {  	v13 =	vmax.f32 v13, v16;
	v16 =	vld [tilespmem:$0x1D020]  }
0x284: {  	v13 =	vmax.f32 v13, v17;
	v17 =	vld [tilespmem:$0x1D030]  }
0x285: {  	v61 =	vld [tilespmem:$0x1D040];
	v13 =	vmax.f32 v13, v60  }
0x286: {  	v13 =	vmax.f32 v13, v14;
	v14 =	vld [tilespmem:$0x1D050]  }
0x287: {  	v13 =	vmax.f32 v13, v15;
	v15 =	vld [tilespmem:$0x1D060]  }
0x288: {  	v13 =	vmax.f32 v13, v16;
	v16 =	vld [tilespmem:$0x1D070]  }
0x289: {  	v13 =	vmax.f32 v13, v17;
	v17 =	vld [tilespmem:$0x1D080]  }
0x28a: {  	v62 =	vld [tilespmem:$0x1D090];
	v13 =	vmax.f32 v13, v61  }
0x28b: {  	v13 =	vmax.f32 v13, v14;
	v14 =	vld [tilespmem:$0x1D0A0]  }
0x28c: {  	v13 =	vmax.f32 v13, v15;
	v15 =	vld [tilespmem:$0x1D0B0]  }
0x28d: {  	v13 =	vmax.f32 v13, v16;
	v16 =	vld [tilespmem:$0x1D0C0]  }
0x28e: {  	v13 =	vmax.f32 v13, v17;
	v17 =	vld [tilespmem:$0x1D0D0]  }
0x28f: {  	v63 =	vld [tilespmem:$0x1D0E0];
	v13 =	vmax.f32 v13, v62  }
0x290: {  	v13 =	vmax.f32 v13, v14;
	v14 =	vld [tilespmem:$0x1D0F0]  }
0x291: {  	v13 =	vmax.f32 v13, v15  }
0x292: {  	v13 =	vmax.f32 v13, v16  }
0x293: {  	v13 =	vmax.f32 v13, v17  }
0x294: {  	v13 =	vmax.f32 v13, v63  }
0x295: {  	v13 =	vmax.f32 v13, v14  }
0x296: {  	v14 =	vperm.xlane v13, v0;
	_ =	sdelay $0x1  }
0x297: {  	v13 =	vmax.f32 v13, v14  }
0x298: {  	v14 =	vperm.xlane v13, v1;
	_ =	sdelay $0x1  }
0x299: {  	v13 =	vmax.f32 v13, v14  }
0x29a: {  	v14 =	vperm.xlane v13, v2;
	_ =	sdelay $0x1  }
0x29b: {  	v13 =	vmax.f32 v13, v14  }
0x29c: {  	v14 =	vperm.xlane v13, v3;
	_ =	sdelay $0x1  }
0x29d: {  	v13 =	vmax.f32 v13, v14  }
0x29e: {  	s12 =	simm.s32 $0x1CF00;
	[tilespmem:$0x1D680] =	vst v13  }
0x29f: {  	v15 =	vld [tilespmem:s12+$0x0];
	_ =	sdelay $0x2  }
0x2a0: {  	v13 =	vbroadcast v13, $0x0;
	_ =	sdelay $0x1  }
0x2a1: {  	s13 =	simm.s32 $0x1CF10;
	v14 =	vimm.s32 $0x7F7FFFFF;
	s12 =	simm.s32 $0x10;
	vm0 =	veq.f32 v15, v13;
	v15 =	vor.u32 s2, v11  }
.LBB2_41:
0x2a2: {  	v16 =	vld [tilespmem:s13+$0x0];
	p0 =	sne.s32 s12, $0x1F0;
	v15 =	vnsel vm0, $0x7F7FFFFF, v15;
	s15 =	smov.u32 s12;
	s12 =	sadd.s32 $0x10, s12  }
.Ltmp25:
0x2a3: {  	vm0 =	vlt.s32 v14, v15;
	(pc) =	sbr.rel @p0 .LBB2_41-.Ltmp25, $2  }
0x2a4: {  	v14 =	vsel vm0, v14, v15;
	_ =	sdelay $0x2  }
0x2a5: {  	s13 =	sadd.s32 $0x10, s13;
	v15 =	vor.u32 s15, v11;
	vm0 =	veq.f32 v16, v13  }
0x2a6: {  	v15 =	vnsel vm0, $0x7F7FFFFF, v15  }
0x2a7: {  	vm0 =	vlt.s32 v14, v15  }
0x2a8: {  	v14 =	vsel vm0, v14, v15  }
0x2a9: {  	v14 =	vcvt.s32.f32 v14;
	_ =	sdelay $0x1  }
0x2aa: {  	v15 =	vperm.xlane v14, v0;
	_ =	sdelay $0x1  }
0x2ab: {  	v14 =	vmin.f32 v14, v15  }
0x2ac: {  	v15 =	vperm.xlane v14, v5;
	_ =	sdelay $0x1  }
0x2ad: {  	v14 =	vmin.f32 v14, v15  }
0x2ae: {  	v15 =	vperm.xlane v14, v6;
	_ =	sdelay $0x1  }
0x2af: {  	v14 =	vmin.f32 v14, v15  }
0x2b0: {  	v15 =	vperm.xlane v14, v7;
	_ =	sdelay $0x1  }
0x2b1: {  	v14 =	vmin.f32 v14, v15  }
0x2b2: {  	(v2sf) =	vpush v14, $0x0;
	_ =	sdelay $0xe  }
0x2b3: {  	s12 =	spop (v2sf)  }
0x2b4: {  	s12 =	scvt.f32.s32 s12;
	_ =	sdelay $0x1  }
0x2b5: {  	[tilespmem:$0x1D680] =	vst v14;
	s13 =	sshll.u32 s12, $0x4  }
0x2b6: {  	v14 =	vld [tilespmem:s13+$0x18700];
	_ =	sdelay $0x4  }
0x2b7: {  	vm12 =	veq.f32 v14, v13  }
0x2b8: {  	v15 =	vnsel vm12, $0x41800000, v12  }
0x2b9: {  	v16 =	vperm.xlane v15, v0;
	_ =	sdelay $0x1  }
0x2ba: {  	v15 =	vmin.f32 v15, v16  }
0x2bb: {  	v16 =	vperm.xlane v15, v5;
	_ =	sdelay $0x1  }
0x2bc: {  	v15 =	vmin.f32 v15, v16  }
0x2bd: {  	v16 =	vperm.xlane v15, v6;
	_ =	sdelay $0x1  }
0x2be: {  	v15 =	vmin.f32 v15, v16  }
0x2bf: {  	v16 =	vperm.xlane v15, v7;
	_ =	sdelay $0x1  }
0x2c0: {  	v15 =	vmin.f32 v15, v16  }
0x2c1: {  	(v2sf) =	vpush v15, $0x0;
	_ =	sdelay $0xd  }
0x2c2: {  	[tilespmem:$0x1D680] =	vst v15  }
0x2c3: {  	v15 =	vld [tilespmem:s13+$0x1B700];
	s15 =	spop (v2sf)  }
0x2c4: {  	s15 =	scvt.f32.s32 s15;
	_ =	sdelay $0x1  }
0x2c5: {  	v51 =	vmov s15  }
0x2c6: {  	vm13 =	veq.s32 v51, v11  }
0x2c7: {  	v15 =	vnsel vm13, $0x0, v15  }
0x2c8: {  	v52 =	vld [tilespmem:s13+$0x19F00];
	v15 =	vcvt.s32.f32 v15;
	_ =	sdelay $0x1  }
0x2c9: {  	v17 =	vperm.xlane v15, v0;
	_ =	sdelay $0x1  }
0x2ca: {  	v14 =	vsel vm13, $0xFF61B1E6, v14;
	v15 =	vmax.f32 v15, v17  }
0x2cb: {  	v16 =	vnsel vm13, $0xFF61B1E6, v52;
	v18 =	vperm.xlane v14, v0;
	v17 =	vperm.xlane v15, v5  }
0x2cc: {  	v19 =	vperm.xlane v16, v0  }
0x2cd: {  	s17 =	sshra.s32 s12, $0x1F;
	v53 =	vmax.f32 v14, v18;
	v15 =	vmax.f32 v15, v17  }
0x2ce: {  	s15 =	sshrl.u32 s17, $0x1C;
	v16 =	vmax.f32 v16, v19;
	v55 =	vperm.xlane v53, v5;
	v54 =	vperm.xlane v15, v6  }
0x2cf: {  	s15 =	sadd.s32 s15, s12;
	v20 =	vperm.xlane v16, v5  }
0x2d0: {  	s17 =	sand.u32 $0xFFFFFFF0, s15;
	v17 =	vmax.f32 v53, v55;
	v15 =	vmax.f32 v15, v54  }
0x2d1: {  	p0 =	slt.s32 s12, $0x1;
	p1 =	sne.s32 s12, s17;
	v16 =	vmax.f32 v16, v20;
	v19 =	vperm.xlane v17, v6;
	v18 =	vperm.xlane v15, v7  }
0x2d2: {  	p0 =	por !p0, !p1;
	v20 =	vperm.xlane v16, v6  }
0x2d3: {  	s17 =	simm.s32 $0x1;
	p0 =	por !p0, !p0;
	v17 =	vmax.f32 v17, v19;
	v15 =	vmax.f32 v15, v18  }
0x2d4: {  	s15 =	sshrl.u32 s15, $0x4;
	s17 =	simm.s32 @!p0 $0x0;
	v56 =	vperm.xlane v17, v7;
	(v2sf) =	vpush v15, $0x0;
	v15 =	vmax.f32 v16, v20  }
0x2d5: {  	s15 =	ssub.s32 s15, s17;
	v57 =	vperm.xlane v15, v7  }
0x2d6: {  	[tilespmem:s13+$0x18700] =	vst v14;
	s18 =	sshll.u32 s15, $0x6;
	v14 =	vmax.f32 v17, v56  }
0x2d7: {  	s13 =	sshra.s32 s18, $0x2;
	[tilespmem:$0x1D680] =	vst v14;
	v15 =	vmax.f32 v15, v57  }
0x2d8: {  	v58 =	vld [tilespmem:s13+$0x1CF00];
	(v2sf) =	vpush v15, $0x0;
	_ =	sdelay $0x1  }
0x2d9: {  	s12 =	sand.u32 $0xF, s12  }
0x2da: {  	v59 =	vmov s12;
	v14 =	vbroadcast v14, $0x0  }
0x2db: {  	vm14 =	veq.s32 v59, v11  }
0x2dc: {  	v14 =	vsel vm14, v14, v58  }
0x2dd: {  	s19 =	sand.u32 $0x30, s8;
	[tilespmem:s13+$0x1CF00] =	vst v14  }
0x2de: {  	v14 =	vld [tilespmem:s19+$0x1D100]  }
0x2df: {  	v60 =	vld [tilespmem:s19+$0x1D180]  }
0x2e0: {  	s20 =	sand.u32 $0xF, s8;
	v61 =	vld [tilespmem:s19+$0x1D200]  }
0x2e1: {  	v62 =	vmov s20;
	p0 =	seq.s32 s8, s25;
	s8 =	sadd.s32 $0x1, s8;
	v15 =	vbroadcast v15, $0x0;
	v63 =	vld [tilespmem:s19+$0x1D280]  }
0x2e2: {  	vm15 =	veq.s32 v62, v11;
	p1 =	sne.s32 s8, $0x32;
	s24 =	spop (v2sf)  }
.Ltmp26:
0x2e3: {  	v14 =	vsel vm15, v15, v14;
	s13 =	scvt.f32.s32 s24;
	(pc) =	sbr.rel @p1 .LBB2_40-.Ltmp26, $4  }
0x2e4: {  	v13 =	vsel vm15, v13, v60;
	[tilespmem:s19+$0x1D100] =	vst v14  }
0x2e5: {  	[tilespmem:s19+$0x1D180] =	vst v13;
	v13 =	vsel vm15, s13, v61;
	s13 =	sadd.s32 s13, s1  }
0x2e6: {  	s15 =	spop (v2sf);
	[tilespmem:s19+$0x1D200] =	vst v13;
	v13 =	vsel vm15, s13, v63  }
0x2e7: {  	[tilespmem:s19+$0x1D280] =	vst v13;
	s0 =	smov.u32 @p0 s15  }
0x2e8: {  	s1 =	simm.s32 $0x40;
	s2 =	simm.s32 $0x1D280;
	s8 =	simm.s32 $0x1D300  }
0x2e9: {  	[tilespmem:s8], [sflag:$0x1] =	stream.indirect.gather [hbm4b:s5+s1], $0x1, s2, s1, $0xb8;
	[tilespmem:$0x1D700] =	vst v63  }
0x2ea: {  	_ =	swait.ge [sflag:s16], $0x40  }
0x2eb: {  	[sflag:s16] =	ssyncset.done $0x0  }
0x2ec: {  	s20 =	simm.s32 $0x0;
	[sflag:s16] =	ssyncadd.s32 $0xFFFFFFC0  }
0x2ed: {  	v13 =	vld [tilespmem:s20+$0x1D300];
	_ =	sdelay $0x4  }
0x2ee: {  	v14 =	vadd.f32 $1.000000010e-10, v13  }
0x2ef: {  	v13 =	vld [tilespmem:$0x1D380]  }
0x2f0: {  	v15 =	vand.u32 $0x7FFFFF, v14  }
0x2f1: {  	v15 =	vor.u32 $0x3F800000, v15  }
0x2f2: {  	v16 =	vmul.f32 $5.000000000e-01, v15  }
0x2f3: {  	vm0 =	vgt.f32 v15, $1.414213540e+00  }
0x2f4: {  	vm1 =	vlt.f32 v13, $9.999999740e-06;
	v15 =	vsel vm0, v16, v15  }
0x2f5: {  	v13 =	vsel vm1, $0x3F800000, v13;
	v16 =	vadd.f32 $1.000000000e+00, v15  }
0x2f6: {  	(erf) = vrcp.f32 v13  }
0x2f7: {  	(erf) = vrcp.f32 v16;
	_ =	sdelay $0x7  }
0x2f8: {  	v15 =	vadd.f32 $-1.000000000e+00, v15;
	v13 =	vpop (erf)  }
0x2f9: {  	v16 =	vpop (erf)  }
0x2fa: {  	v15 =	vmul.f32 v16, v15;
	_ =	sdelay $0x1  }
0x2fb: {  	v16 =	vmul.f32 v15, v15;
	_ =	sdelay $0x1  }
0x2fc: {  	v17 =	vmul.f32 $1.538461600e-01, v16;
	_ =	sdelay $0x1  }
0x2fd: {  	v17 =	vadd.f32 $1.818181870e-01, v17;
	_ =	sdelay $0x1  }
0x2fe: {  	v17 =	vmul.f32 v17, v16;
	_ =	sdelay $0x1  }
0x2ff: {  	v17 =	vadd.f32 $2.222222240e-01, v17;
	_ =	sdelay $0x1  }
0x300: {  	v17 =	vmul.f32 v17, v16;
	_ =	sdelay $0x1  }
0x301: {  	v17 =	vadd.f32 $2.857142980e-01, v17;
	_ =	sdelay $0x1  }
0x302: {  	v17 =	vmul.f32 v17, v16;
	_ =	sdelay $0x1  }
0x303: {  	v17 =	vadd.f32 $4.000000060e-01, v17;
	_ =	sdelay $0x1  }
0x304: {  	v17 =	vmul.f32 v17, v16;
	_ =	sdelay $0x1  }
0x305: {  	v17 =	vadd.f32 $6.666666860e-01, v17  }
0x306: {  	v14 =	vshrl.u32 v14, $0x17  }
0x307: {  	v14 =	vand.u32 $0xFF, v14;
	v18 =	vsel vm0, $0xFFFFFF82, v9;
	v16 =	vmul.f32 v17, v16  }
0x308: {  	v14 =	vadd.s32 v14, v18  }
0x309: {  	v14 =	vcvt.s32.f32 v14;
	v16 =	vadd.f32 $2.000000000e+00, v16;
	_ =	sdelay $0x1  }
0x30a: {  	v14 =	vmul.f32 $6.931471820e-01, v14;
	v15 =	vmul.f32 v16, v15;
	_ =	sdelay $0x1  }
0x30b: {  	v14 =	vadd.f32 v15, v14;
	_ =	sdelay $0x1  }
0x30c: {  	v14 =	vsub.f32 $1.000000010e-10, v14;
	_ =	sdelay $0x1  }
0x30d: {  	v15 =	vand.u32 $0x7FFFFF, v14  }
0x30e: {  	v15 =	vor.u32 $0x3F800000, v15  }
0x30f: {  	v16 =	vmul.f32 $5.000000000e-01, v15  }
0x310: {  	vm12 =	vgt.f32 v15, $1.414213540e+00  }
0x311: {  	v15 =	vsel vm12, v16, v15  }
0x312: {  	v16 =	vadd.f32 $1.000000000e+00, v15;
	_ =	sdelay $0x1  }
0x313: {  	(erf) = vrcp.f32 v16;
	_ =	sdelay $0x7  }
0x314: {  	v15 =	vadd.f32 $-1.000000000e+00, v15  }
0x315: {  	v16 =	vpop (erf)  }
0x316: {  	v15 =	vmul.f32 v16, v15;
	_ =	sdelay $0x1  }
0x317: {  	v16 =	vmul.f32 v15, v15;
	_ =	sdelay $0x1  }
0x318: {  	v17 =	vmul.f32 $1.538461600e-01, v16;
	_ =	sdelay $0x1  }
0x319: {  	v17 =	vadd.f32 $1.818181870e-01, v17;
	_ =	sdelay $0x1  }
0x31a: {  	v17 =	vmul.f32 v17, v16;
	_ =	sdelay $0x1  }
0x31b: {  	v17 =	vadd.f32 $2.222222240e-01, v17;
	_ =	sdelay $0x1  }
0x31c: {  	v17 =	vmul.f32 v17, v16;
	_ =	sdelay $0x1  }
0x31d: {  	v17 =	vadd.f32 $2.857142980e-01, v17;
	_ =	sdelay $0x1  }
0x31e: {  	v17 =	vmul.f32 v17, v16;
	_ =	sdelay $0x1  }
0x31f: {  	v17 =	vadd.f32 $4.000000060e-01, v17;
	_ =	sdelay $0x1  }
0x320: {  	v17 =	vmul.f32 v17, v16;
	_ =	sdelay $0x1  }
0x321: {  	v17 =	vadd.f32 $6.666666860e-01, v17  }
0x322: {  	v14 =	vshrl.u32 v14, $0x17  }
0x323: {  	v14 =	vand.u32 $0xFF, v14;
	v18 =	vsel vm12, $0xFFFFFF82, v9;
	v16 =	vmul.f32 v17, v16  }
0x324: {  	v14 =	vadd.s32 v14, v18  }
0x325: {  	v14 =	vcvt.s32.f32 v14;
	v16 =	vadd.f32 $2.000000000e+00, v16  }
0x326: {  	v17 =	vld [tilespmem:s20+$0x1D100]  }
0x327: {  	v14 =	vmul.f32 $6.931471820e-01, v14;
	v15 =	vmul.f32 v16, v15;
	_ =	sdelay $0x1  }
0x328: {  	v14 =	vadd.f32 v15, v14;
	_ =	sdelay $0x1  }
0x329: {  	v16 =	vmul.f32 v17, v13;
	v15 =	vsub.f32 $0.0e+00, v14;
	_ =	sdelay $0x1  }
0x32a: {  	v14 =	vmov s0;
	v15 =	vadd.f32 v15, v16  }
0x32b: {  	vm13 =	vge.f32 v17, v14  }
0x32c: {  	v15 =	vnsel vm13, $0xFF61B1E6, v15  }
0x32d: {  	v16 =	vperm.xlane v15, v0;
	_ =	sdelay $0x1  }
0x32e: {  	v16 =	vmax.f32 v15, v16  }
0x32f: {  	v18 =	vperm.xlane v16, v5;
	_ =	sdelay $0x1  }
0x330: {  	v16 =	vmax.f32 v16, v18  }
0x331: {  	v18 =	vperm.xlane v16, v6;
	_ =	sdelay $0x1  }
0x332: {  	v19 =	vld [tilespmem:s20+$0x1D200];
	v16 =	vmax.f32 v16, v18  }
0x333: {  	v18 =	vperm.xlane v16, v7;
	_ =	sdelay $0x1  }
0x334: {  	v16 =	vmax.f32 v16, v18  }
0x335: {  	v18 =	vbroadcast v16, $0x0  }
0x336: {  	v20 =	vcvt.s32.f32 v19  }
0x337: {  	vm0 =	veq.f32 v15, v18  }
0x338: {  	v15 =	vnsel vm0, $0x4EFF0000, v20  }
0x339: {  	v18 =	vperm.xlane v15, v0;
	_ =	sdelay $0x1  }
0x33a: {  	v15 =	vmin.f32 v15, v18  }
0x33b: {  	v18 =	vperm.xlane v15, v5;
	_ =	sdelay $0x1  }
0x33c: {  	v15 =	vmin.f32 v15, v18  }
0x33d: {  	v18 =	vperm.xlane v15, v6;
	_ =	sdelay $0x1  }
0x33e: {  	v15 =	vmin.f32 v15, v18  }
0x33f: {  	v18 =	vperm.xlane v15, v7;
	_ =	sdelay $0x1  }
0x340: {  	v15 =	vmin.f32 v15, v18  }
0x341: {  	(v2sf) =	vpush v15, $0x0;
	_ =	sdelay $0xe  }
0x342: {  	s24 =	spop (v2sf)  }
0x343: {  	s8 =	scvt.f32.s32 s24;
	_ =	sdelay $0x1  }
0x344: {  	vm14 =	veq.s32 v19, s8  }
0x345: {  	vm0 =	vmand vm0, vm14  }
0x346: {  	v15 =	vnsel vm0, $0xFF61B1E6, v17  }
0x347: {  	v17 =	vperm.xlane v15, v0;
	_ =	sdelay $0x1  }
0x348: {  	v15 =	vmax.f32 v15, v17  }
0x349: {  	v17 =	vperm.xlane v15, v5;
	_ =	sdelay $0x1  }
0x34a: {  	v15 =	vmax.f32 v15, v17  }
0x34b: {  	v17 =	vperm.xlane v15, v6;
	_ =	sdelay $0x1  }
0x34c: {  	(v2sf) =	vpush v16, $0x0;
	v15 =	vmax.f32 v15, v17  }
0x34d: {  	v16 =	vperm.xlane v15, v7;
	_ =	sdelay $0x1  }
0x34e: {  	v15 =	vmax.f32 v15, v16  }
0x34f: {  	(v2sf) =	vpush v15, $0x0  }
0x350: {  	s12 =	simm.s32 $0x10;
	[tilespmem:$0x1D680] =	vst v15  }
0x351: {  	v15 =	vld [tilespmem:s12+$0x1D300];
	_ =	sdelay $0x4  }
0x352: {  	v15 =	vadd.f32 $1.000000010e-10, v15;
	_ =	sdelay $0x1  }
0x353: {  	v16 =	vand.u32 $0x7FFFFF, v15  }
0x354: {  	v16 =	vor.u32 $0x3F800000, v16  }
0x355: {  	s1 =	simm.f32 $-3.000000010e+38;
	s0 =	simm.s32 $0x7F7FFFFF;
	s13 =	spop (v2sf);
	v17 =	vmul.f32 $5.000000000e-01, v16  }
0x356: {  	p2 =	sgt.s32 s8, $0x7F7FFFFF;
	s2 =	smov.u32 s8;
	p0 =	seq.f32 s13, s1;
	vm15 =	vgt.f32 v16, $1.414213540e+00  }
0x357: {  	p3 =	slt.s32 s8, $0x7F7FFFFF;
	s2 =	smov.u32 @p2 s0;
	p1 =	sgt.f32 s13, s1;
	v15 =	vshrl.u32 v15, $0x17;
	v16 =	vsel vm15, v17, v16  }
0x358: {  	p6 =	por !p0, !p3;
	s0 =	smov.u32 @p0 s2;
	s2 =	simm.f32 $-3.000000010e+38;
	v15 =	vand.u32 $0xFF, v15;
	v17 =	vsel vm15, $0xFFFFFF82, v9;
	v18 =	vadd.f32 $1.000000000e+00, v16  }
0x359: {  	s2 =	smov.u32 @p1 s13;
	p0 =	por !p6, !p6;
	v15 =	vadd.s32 v15, v17;
	s13 =	spop (v2sf)  }
0x35a: {  	s0 =	smov.u32 @p1 s8;
	s8 =	simm.s32 $0x80;
	v15 =	vcvt.s32.f32 v15;
	(erf) = vrcp.f32 v18;
	s1 =	smov.u32 @p0 s13  }
.LBB2_44:
0x35b: {  	p0 =	sne.s32 s8, $0xC0  }
0x35c: {  	s1 =	smov.u32 @p1 s13;
	s13 =	smov.u32 s8;
	s8 =	sadd.s32 $0x40, s8  }
0x35d: {  	_ =	sdelay $0x4  }
0x35e: {  	v16 =	vadd.f32 $-1.000000000e+00, v16  }
0x35f: {  	v17 =	vpop (erf)  }
0x360: {  	v16 =	vmul.f32 v17, v16;
	_ =	sdelay $0x1  }
0x361: {  	v17 =	vmul.f32 v16, v16;
	_ =	sdelay $0x1  }
0x362: {  	v18 =	vmul.f32 $1.538461600e-01, v17;
	_ =	sdelay $0x1  }
0x363: {  	v18 =	vadd.f32 $1.818181870e-01, v18;
	_ =	sdelay $0x1  }
0x364: {  	v18 =	vmul.f32 v18, v17;
	_ =	sdelay $0x1  }
0x365: {  	v18 =	vadd.f32 $2.222222240e-01, v18;
	_ =	sdelay $0x1  }
0x366: {  	v18 =	vmul.f32 v18, v17;
	_ =	sdelay $0x1  }
0x367: {  	v18 =	vadd.f32 $2.857142980e-01, v18;
	_ =	sdelay $0x1  }
0x368: {  	v18 =	vmul.f32 v18, v17;
	_ =	sdelay $0x1  }
0x369: {  	v18 =	vadd.f32 $4.000000060e-01, v18;
	_ =	sdelay $0x1  }
0x36a: {  	v18 =	vmul.f32 v18, v17;
	_ =	sdelay $0x1  }
0x36b: {  	v18 =	vadd.f32 $6.666666860e-01, v18;
	_ =	sdelay $0x1  }
0x36c: {  	v17 =	vmul.f32 v18, v17;
	_ =	sdelay $0x1  }
0x36d: {  	v17 =	vadd.f32 $2.000000000e+00, v17;
	_ =	sdelay $0x1  }
0x36e: {  	v15 =	vmul.f32 $6.931471820e-01, v15;
	v16 =	vmul.f32 v17, v16;
	_ =	sdelay $0x1  }
0x36f: {  	v15 =	vadd.f32 v16, v15;
	_ =	sdelay $0x1  }
0x370: {  	v15 =	vsub.f32 $1.000000010e-10, v15;
	_ =	sdelay $0x1  }
0x371: {  	v16 =	vshrl.u32 v15, $0x17;
	v15 =	vand.u32 $0x7FFFFF, v15  }
0x372: {  	v15 =	vor.u32 $0x3F800000, v15  }
0x373: {  	v17 =	vmul.f32 $5.000000000e-01, v15  }
0x374: {  	vm0 =	vgt.f32 v15, $1.414213540e+00  }
0x375: {  	v16 =	vand.u32 $0xFF, v16;
	v15 =	vsel vm0, v17, v15;
	v17 =	vsel vm0, $0xFFFFFF82, v9  }
0x376: {  	v16 =	vadd.s32 v16, v17;
	v17 =	vadd.f32 $1.000000000e+00, v15  }
0x377: {  	v16 =	vcvt.s32.f32 v16  }
0x378: {  	(erf) = vrcp.f32 v17;
	_ =	sdelay $0x7  }
0x379: {  	v15 =	vadd.f32 $-1.000000000e+00, v15  }
0x37a: {  	v17 =	vpop (erf)  }
0x37b: {  	v15 =	vmul.f32 v17, v15;
	_ =	sdelay $0x1  }
0x37c: {  	v17 =	vmul.f32 v15, v15;
	_ =	sdelay $0x1  }
0x37d: {  	v18 =	vmul.f32 $1.538461600e-01, v17;
	_ =	sdelay $0x1  }
0x37e: {  	v18 =	vadd.f32 $1.818181870e-01, v18;
	_ =	sdelay $0x1  }
0x37f: {  	v18 =	vmul.f32 v18, v17;
	_ =	sdelay $0x1  }
0x380: {  	v18 =	vadd.f32 $2.222222240e-01, v18;
	_ =	sdelay $0x1  }
0x381: {  	v18 =	vmul.f32 v18, v17;
	_ =	sdelay $0x1  }
0x382: {  	v18 =	vadd.f32 $2.857142980e-01, v18;
	_ =	sdelay $0x1  }
0x383: {  	v18 =	vmul.f32 v18, v17;
	_ =	sdelay $0x1  }
0x384: {  	v18 =	vadd.f32 $4.000000060e-01, v18;
	_ =	sdelay $0x1  }
0x385: {  	v18 =	vmul.f32 v18, v17;
	_ =	sdelay $0x1  }
0x386: {  	v18 =	vadd.f32 $6.666666860e-01, v18;
	_ =	sdelay $0x1  }
0x387: {  	v17 =	vmul.f32 v18, v17;
	_ =	sdelay $0x1  }
0x388: {  	v17 =	vadd.f32 $2.000000000e+00, v17  }
0x389: {  	v18 =	vld [tilespmem:s12+$0x1D100]  }
0x38a: {  	v16 =	vmul.f32 $6.931471820e-01, v16;
	v15 =	vmul.f32 v17, v15;
	_ =	sdelay $0x1  }
0x38b: {  	v15 =	vadd.f32 v15, v16;
	_ =	sdelay $0x1  }
0x38c: {  	v15 =	vsub.f32 $0.0e+00, v15;
	v16 =	vmul.f32 v18, v13;
	_ =	sdelay $0x1  }
0x38d: {  	v15 =	vadd.f32 v15, v16  }
0x38e: {  	vm0 =	vge.f32 v18, v14  }
0x38f: {  	v15 =	vnsel vm0, $0xFF61B1E6, v15  }
0x390: {  	v16 =	vperm.xlane v15, v0;
	_ =	sdelay $0x1  }
0x391: {  	v16 =	vmax.f32 v15, v16  }
0x392: {  	v17 =	vperm.xlane v16, v5;
	_ =	sdelay $0x1  }
0x393: {  	v16 =	vmax.f32 v16, v17  }
0x394: {  	v17 =	vperm.xlane v16, v6;
	_ =	sdelay $0x1  }
0x395: {  	v19 =	vld [tilespmem:s12+$0x1D200];
	v16 =	vmax.f32 v16, v17  }
0x396: {  	v17 =	vperm.xlane v16, v7;
	_ =	sdelay $0x1  }
0x397: {  	v16 =	vmax.f32 v16, v17  }
0x398: {  	v17 =	vbroadcast v16, $0x0  }
0x399: {  	v20 =	vcvt.s32.f32 v19  }
0x39a: {  	vm0 =	veq.f32 v15, v17  }
0x39b: {  	v15 =	vnsel vm0, $0x4EFF0000, v20  }
0x39c: {  	v17 =	vperm.xlane v15, v0;
	_ =	sdelay $0x1  }
0x39d: {  	v15 =	vmin.f32 v15, v17  }
0x39e: {  	v17 =	vperm.xlane v15, v5;
	_ =	sdelay $0x1  }
0x39f: {  	v15 =	vmin.f32 v15, v17  }
0x3a0: {  	v17 =	vperm.xlane v15, v6;
	_ =	sdelay $0x1  }
0x3a1: {  	v15 =	vmin.f32 v15, v17  }
0x3a2: {  	v17 =	vperm.xlane v15, v7;
	_ =	sdelay $0x1  }
0x3a3: {  	v15 =	vmin.f32 v15, v17  }
0x3a4: {  	(v2sf) =	vpush v15, $0x0  }
0x3a5: {  	(v2sf) =	vpush v16, $0x0;
	_ =	sdelay $0xd  }
0x3a6: {  	s12 =	spop (v2sf)  }
0x3a7: {  	s12 =	scvt.f32.s32 s12;
	s15 =	spop (v2sf)  }
0x3a8: {  	p3 =	seq.f32 s15, s2  }
0x3a9: {  	vm1 =	veq.s32 v19, s12;
	p2 =	slt.s32 s0, s12;
	p4 =	sgt.s32 s0, s12;
	s17 =	smov.u32 s12  }
0x3aa: {  	p1 =	sgt.f32 s15, s2;
	vm0 =	vmand vm0, vm1;
	s17 =	smov.u32 @p2 s0;
	p2 =	por !p3, !p4  }
0x3ab: {  	v15 =	vnsel vm0, $0xFF61B1E6, v18;
	s0 =	smov.u32 @p3 s17  }
0x3ac: {  	s2 =	smov.u32 @p1 s15;
	v16 =	vperm.xlane v15, v0;
	s0 =	smov.u32 @p1 s12;
	_ =	sdelay $0x1  }
0x3ad: {  	v15 =	vmax.f32 v15, v16  }
0x3ae: {  	v16 =	vperm.xlane v15, v5;
	_ =	sdelay $0x1  }
0x3af: {  	v15 =	vmax.f32 v15, v16  }
0x3b0: {  	v16 =	vperm.xlane v15, v6;
	_ =	sdelay $0x1  }
0x3b1: {  	v15 =	vmax.f32 v15, v16  }
0x3b2: {  	v16 =	vperm.xlane v15, v7;
	_ =	sdelay $0x1  }
0x3b3: {  	v15 =	vmax.f32 v15, v16  }
0x3b4: {  	s12 =	sshra.s32 s13, $0x2;
	[tilespmem:$0x1D680] =	vst v15;
	(v2sf) =	vpush v15, $0x0  }
0x3b5: {  	v15 =	vld [tilespmem:s12+$0x1D300];
	_ =	sdelay $0x4  }
0x3b6: {  	v15 =	vadd.f32 $1.000000010e-10, v15;
	_ =	sdelay $0x1  }
0x3b7: {  	v16 =	vand.u32 $0x7FFFFF, v15  }
0x3b8: {  	v16 =	vor.u32 $0x3F800000, v16  }
0x3b9: {  	v17 =	vmul.f32 $5.000000000e-01, v16  }
0x3ba: {  	v15 =	vshrl.u32 v15, $0x17;
	vm0 =	vgt.f32 v16, $1.414213540e+00  }
.Ltmp27:
0x3bb: {  	v15 =	vand.u32 $0xFF, v15;
	v16 =	vsel vm0, v17, v16;
	v17 =	vsel vm0, $0xFFFFFF82, v9;
	(pc) =	sbr.rel @p0 .LBB2_44-.Ltmp27, $4  }
0x3bc: {  	v15 =	vadd.s32 v15, v17;
	v17 =	vadd.f32 $1.000000000e+00, v16  }
0x3bd: {  	v15 =	vcvt.s32.f32 v15  }
0x3be: {  	p2 =	por !p2, !p2;
	(erf) = vrcp.f32 v17;
	s13 =	spop (v2sf)  }
0x3bf: {  	s1 =	smov.u32 @p2 s13  }
0x3c0: {  	_ =	sdelay $0x5  }
0x3c1: {  	v16 =	vadd.f32 $-1.000000000e+00, v16  }
0x3c2: {  	v17 =	vpop (erf)  }
0x3c3: {  	v16 =	vmul.f32 v17, v16;
	_ =	sdelay $0x1  }
0x3c4: {  	v17 =	vmul.f32 v16, v16;
	_ =	sdelay $0x1  }
0x3c5: {  	v18 =	vmul.f32 $1.538461600e-01, v17;
	_ =	sdelay $0x1  }
0x3c6: {  	v18 =	vadd.f32 $1.818181870e-01, v18;
	_ =	sdelay $0x1  }
0x3c7: {  	v18 =	vmul.f32 v18, v17;
	_ =	sdelay $0x1  }
0x3c8: {  	v18 =	vadd.f32 $2.222222240e-01, v18;
	_ =	sdelay $0x1  }
0x3c9: {  	v18 =	vmul.f32 v18, v17;
	_ =	sdelay $0x1  }
0x3ca: {  	v18 =	vadd.f32 $2.857142980e-01, v18;
	_ =	sdelay $0x1  }
0x3cb: {  	v18 =	vmul.f32 v18, v17;
	_ =	sdelay $0x1  }
0x3cc: {  	v18 =	vadd.f32 $4.000000060e-01, v18;
	_ =	sdelay $0x1  }
0x3cd: {  	v18 =	vmul.f32 v18, v17;
	_ =	sdelay $0x1  }
0x3ce: {  	v18 =	vadd.f32 $6.666666860e-01, v18;
	_ =	sdelay $0x1  }
0x3cf: {  	v17 =	vmul.f32 v18, v17;
	_ =	sdelay $0x1  }
0x3d0: {  	v17 =	vadd.f32 $2.000000000e+00, v17;
	_ =	sdelay $0x1  }
0x3d1: {  	v15 =	vmul.f32 $6.931471820e-01, v15;
	v16 =	vmul.f32 v17, v16;
	_ =	sdelay $0x1  }
0x3d2: {  	v15 =	vadd.f32 v16, v15;
	_ =	sdelay $0x1  }
0x3d3: {  	v15 =	vsub.f32 $1.000000010e-10, v15;
	_ =	sdelay $0x1  }
0x3d4: {  	v55 =	vand.u32 $0x7FFFFF, v15  }
0x3d5: {  	v16 =	vor.u32 $0x3F800000, v55  }
0x3d6: {  	v56 =	vmul.f32 $5.000000000e-01, v16  }
0x3d7: {  	vm0 =	vgt.f32 v16, $1.414213540e+00  }
0x3d8: {  	v16 =	vsel vm0, v56, v16  }
0x3d9: {  	v17 =	vadd.f32 $1.000000000e+00, v16;
	_ =	sdelay $0x1  }
0x3da: {  	(erf) = vrcp.f32 v17;
	_ =	sdelay $0x7  }
0x3db: {  	v16 =	vadd.f32 $-1.000000000e+00, v16  }
0x3dc: {  	v17 =	vpop (erf)  }
0x3dd: {  	v16 =	vmul.f32 v17, v16;
	_ =	sdelay $0x1  }
0x3de: {  	v17 =	vmul.f32 v16, v16;
	_ =	sdelay $0x1  }
0x3df: {  	v57 =	vmul.f32 $1.538461600e-01, v17;
	_ =	sdelay $0x1  }
0x3e0: {  	v18 =	vadd.f32 $1.818181870e-01, v57;
	_ =	sdelay $0x1  }
0x3e1: {  	v18 =	vmul.f32 v18, v17;
	_ =	sdelay $0x1  }
0x3e2: {  	v18 =	vadd.f32 $2.222222240e-01, v18;
	_ =	sdelay $0x1  }
0x3e3: {  	v18 =	vmul.f32 v18, v17;
	_ =	sdelay $0x1  }
0x3e4: {  	v18 =	vadd.f32 $2.857142980e-01, v18;
	_ =	sdelay $0x1  }
0x3e5: {  	v18 =	vmul.f32 v18, v17;
	_ =	sdelay $0x1  }
0x3e6: {  	v18 =	vadd.f32 $4.000000060e-01, v18;
	_ =	sdelay $0x1  }
0x3e7: {  	v18 =	vmul.f32 v18, v17;
	_ =	sdelay $0x1  }
0x3e8: {  	v18 =	vadd.f32 $6.666666860e-01, v18  }
0x3e9: {  	v15 =	vshrl.u32 v15, $0x17  }
0x3ea: {  	v15 =	vand.u32 $0xFF, v15;
	v58 =	vsel vm0, $0xFFFFFF82, v9;
	v17 =	vmul.f32 v18, v17  }
0x3eb: {  	v15 =	vadd.s32 v15, v58  }
0x3ec: {  	v15 =	vcvt.s32.f32 v15;
	v17 =	vadd.f32 $2.000000000e+00, v17  }
0x3ed: {  	v59 =	vld [tilespmem:s12+$0x1D100]  }
0x3ee: {  	v15 =	vmul.f32 $6.931471820e-01, v15;
	v16 =	vmul.f32 v17, v16;
	_ =	sdelay $0x1  }
0x3ef: {  	v15 =	vadd.f32 v16, v15;
	_ =	sdelay $0x1  }
0x3f0: {  	v13 =	vmul.f32 v59, v13;
	v15 =	vsub.f32 $0.0e+00, v15;
	_ =	sdelay $0x1  }
0x3f1: {  	v13 =	vadd.f32 v15, v13  }
0x3f2: {  	vm15 =	vge.f32 v59, v14  }
0x3f3: {  	v13 =	vnsel vm15, $0xFF61B1E6, v13  }
0x3f4: {  	v14 =	vperm.xlane v13, v0;
	_ =	sdelay $0x1  }
0x3f5: {  	v14 =	vmax.f32 v13, v14  }
0x3f6: {  	v15 =	vperm.xlane v14, v5;
	_ =	sdelay $0x1  }
0x3f7: {  	v14 =	vmax.f32 v14, v15  }
0x3f8: {  	v15 =	vperm.xlane v14, v6;
	_ =	sdelay $0x1  }
0x3f9: {  	v60 =	vld [tilespmem:s12+$0x1D200];
	v14 =	vmax.f32 v14, v15  }
0x3fa: {  	v15 =	vperm.xlane v14, v7;
	_ =	sdelay $0x1  }
0x3fb: {  	v14 =	vmax.f32 v14, v15  }
0x3fc: {  	v15 =	vbroadcast v14, $0x0  }
0x3fd: {  	v61 =	vcvt.s32.f32 v60  }
0x3fe: {  	vm0 =	veq.f32 v13, v15  }
0x3ff: {  	v13 =	vnsel vm0, $0x4EFF0000, v61  }
0x400: {  	v15 =	vperm.xlane v13, v0;
	_ =	sdelay $0x1  }
0x401: {  	v13 =	vmin.f32 v13, v15  }
0x402: {  	v15 =	vperm.xlane v13, v5;
	_ =	sdelay $0x1  }
0x403: {  	v13 =	vmin.f32 v13, v15  }
0x404: {  	v15 =	vperm.xlane v13, v6;
	_ =	sdelay $0x1  }
0x405: {  	v13 =	vmin.f32 v13, v15  }
0x406: {  	v15 =	vperm.xlane v13, v7;
	_ =	sdelay $0x1  }
0x407: {  	v13 =	vmin.f32 v13, v15  }
0x408: {  	(v2sf) =	vpush v13, $0x0;
	_ =	sdelay $0xe  }
0x409: {  	s8 =	spop (v2sf)  }
0x40a: {  	s8 =	scvt.f32.s32 s8;
	_ =	sdelay $0x1  }
0x40b: {  	vm1 =	veq.s32 v60, s8  }
0x40c: {  	vm0 =	vmand vm0, vm1  }
0x40d: {  	v13 =	vnsel vm0, $0xFF61B1E6, v59  }
0x40e: {  	v15 =	vperm.xlane v13, v0;
	_ =	sdelay $0x1  }
0x40f: {  	v13 =	vmax.f32 v13, v15  }
0x410: {  	v15 =	vperm.xlane v13, v5;
	_ =	sdelay $0x1  }
0x411: {  	v13 =	vmax.f32 v13, v15  }
0x412: {  	v15 =	vperm.xlane v13, v6;
	_ =	sdelay $0x1  }
0x413: {  	(v2sf) =	vpush v14, $0x0;
	v13 =	vmax.f32 v13, v15  }
0x414: {  	v14 =	vperm.xlane v13, v7;
	_ =	sdelay $0x1  }
0x415: {  	v13 =	vmax.f32 v13, v14  }
0x416: {  	(v2sf) =	vpush v13, $0x0;
	_ =	sdelay $0xa  }
0x417: {  	s19 =	spop (v2sf)  }
0x418: {  	p0 =	seq.f32 s19, s2  }
0x419: {  	v62 =	vld [tilespmem:$0x1D200];
	p2 =	sgt.s32 s0, s8  }
0x41a: {  	s1 =	smov.u32 @p1 s13;
	v63 =	vld [tilespmem:$0x1D210];
	p2 =	por !p0, !p2  }
0x41b: {  	p1 =	sgt.f32 s19, s2;
	p2 =	por !p2, !p2;
	s2 =	spop (v2sf)  }
0x41c: {  	v15 =	vld [tilespmem:$0x1D190];
	s1 =	smov.u32 @p2 s2  }
0x41d: {  	v14 =	vld [tilespmem:$0x1D180];
	s1 =	smov.u32 @p1 s2  }
0x41e: {  	[tilespmem:$0x1D500] =	vst v62;
	s1 =	ssub.f32 s1, s30  }
0x41f: {  	[tilespmem:$0x1D510] =	vst v63;
	p2 =	slt.s32 s0, s8;
	s2 =	smov.u32 s8  }
0x420: {  	[tilespmem:$0x1D680] =	vst v13;
	s2 =	smov.u32 @p2 s0;
	s1 =	ssub.f32 s1, s31  }
0x421: {  	[tilespmem:$0x1D490] =	vst v15;
	s0 =	smov.u32 @p0 s2  }
0x422: {  	[tilespmem:$0x1D480] =	vst v14;
	s0 =	smov.u32 @p1 s8;
	v13 =	vmov s1  }
0x423: {  	s20 =	sshll.u32 s29, $0x2;
	[tilespmem:$0x1D580] =	vst v13;
	v13 =	vmov s0  }
0x424: {  	s29 =	simm.s32 $0x1D480;
	s24 =	sadd.s32 s6, s20;
	[tilespmem:$0x1D600] =	vst v13  }
0x425: {  	[hbm4b:s24+s3] =	stream.linear.scatter [tilespmem:s29], [sflag:$0x2], $0x20, $0x38;
	[tilespmem:$0x1D700] =	vst v63  }
0x426: {  	_ =	swait.ge [sflag:s14], $0x20  }
0x427: {  	[sflag:s14] =	ssyncset.done $0x0  }
0x428: {  	s0 =	sadd.s32 s7, s20;
	[sflag:s14] =	ssyncadd.s32 $0xFFFFFFE0  }
0x429: {  	[hbm4b:s0+s3] =	stream.linear.scatter [tilespmem:s21], [sflag:$0x2], $0x20, $0x38;
	[tilespmem:$0x1D700] =	vst v63  }
0x42a: {  	_ =	swait.ge [sflag:s14], $0x20  }
0x42b: {  	[sflag:s14] =	ssyncset.done $0x0  }
0x42c: {  	s30 =	sadd.s32 s10, s28;
	[sflag:s14] =	ssyncadd.s32 $0xFFFFFFE0  }
0x42d: {  	[hbm4b:s30+s3] =	stream.linear.scatter [tilespmem:s22], [sflag:$0x2], $0x10, $0x38;
	[tilespmem:$0x1D700] =	vst v63  }
0x42e: {  	s26 =	sadd.s32 $0x1, s26;
	_ =	swait.ge [sflag:s14], $0x10  }
0x42f: {  	p0 =	sne.s32 s26, $0x4;
	[sflag:s14] =	ssyncset.done $0x0  }
.Ltmp28:
0x430: {  	s31 =	sadd.s32 s9, s28;
	[sflag:s14] =	ssyncadd.s32 $0xFFFFFFF0;
	(pc) =	sbr.rel @p0 .LBB2_2-.Ltmp28, $4  }
0x431: {  	[hbm4b:s31+s3] =	stream.linear.scatter [tilespmem:s23], [sflag:$0x2], $0x10, $0x38;
	[tilespmem:$0x1D700] =	vst v63  }
0x432: {  	_ =	swait.ge [sflag:s14], $0x10  }
0x433: {  	[sflag:s14] =	ssyncset.done $0x0  }
0x434: {  	[sflag:s14] =	ssyncadd.s32 $0xFFFFFFF0  }
0x435: {  	s1 =	rddreg [dreg:$0x5]  }
0x436: {  	s0 =	rddreg [dreg:$0x4];
	s1 =	sadd.s32 $0x1, s1  }
0x437: {  	p0 =	sne.s32 s1, s0  }
.Ltmp29:
0x438: {  	_ = 	snop;
	(pc) =	sbr.rel @p0 .LBB2_1-.Ltmp29, $1  }
0x439: {  	_ =	sdelay $0x3  }
0x43a: {  	_ =	sfence.sel $0x180000  }
0x43b: {  	[bflag:$0x0] =	sbarrier.arrive $0xFFFF  }
0x43c: {  	_ =	strace $0x90000047  }
0x43d: {  	s0 =	stileid.u32;
	[bflag:$0x2] =	sbarrier.arrive $0xFFFF  }
0x43e: {  	p0 =	sne.s32 s0, $0x0;
	s0 =	rddreg [dreg:$0x3]  }
0x43f: {  	s0 =	sadd.s32 @!p0 $0x100000, s0  }
0x440: {  	[sflag:s0] =	ssyncadd.tile.s32 @!p0 $0x1;
	_ =	shalt  }
.Lfunc_end2:
_tile_overlayer_lowered:
.L_overlay_start_2:
0x441: {  	(tag) =	ssettag $0x2  }
0x442: {  	s0 =	rddreg [dreg:$0x0];
	s2 =	stileid.u32  }
0x443: {  	s1 =	rddreg [dreg:$0x1];
	p0 =	sne.s32 s2, $0x0  }
0x444: {  	s3 =	rddreg [dreg:$0x2];
	[bflag:$0x3] =	sbarrier.arrive $0xFFFF;
	s2 =	simm.s32 @!p0 $0x1C02  }
0x445: {  	[timem:s3], [sflag:s2] =	dma.local @!p0 [hbm:s0], s1  }
0x446: {  	s0 =	simm.s32 @!p0 $0x2  }
0x447: {  	_ =	swait.ge @!p0 [sflag:s0], s1  }
0x448: {  	s1 =	ssub.s32 @!p0 $0x0, s1;
	[sflag:s0] =	ssyncset.done @!p0 $0x0  }
0x449: {  	[sflag:s0] =	ssyncadd.s32 @!p0 s1  }
0x44a: {  	[bflag:$0x3] =	sbarrier.arrive $0xFFFF  }
0x44b: {  	_ =	shalt  }

</sc_bundles>
